<compile_context>
chip_gen: v7x
topology: tpu7x:2x2x1
jax: 0.10.2.dev20260603
libtpu: 0.0.44.dev20260713+nightly
codegen_flags: <defaults>
</compile_context>

<pallas_src>
import functools

import jax
import jax.numpy as jnp
import numpy as np
from jax import lax
from jax.experimental import pallas as pl
from jax.experimental.pallas import tpu as pltpu
from jax.experimental.pallas import tpu_sc as plsc

H = W = 512
N = H * W
BL = 128
NB = N // BL
NW = 32


def _host_constants():
    ar = np.arange(H, dtype=np.float32)
    ys = (ar + np.float32(0.5)) / np.float32(H) * np.float32(2) - np.float32(1)
    gx = np.broadcast_to(ys[None, :], (H, W))
    gy = np.broadcast_to(ys[:, None], (H, W))
    pixels_grid = np.stack([gx, gy], axis=-1)
    pixels = np.ascontiguousarray(pixels_grid.reshape(-1, 2))
    mask = np.zeros((H, W), np.float32)
    mask[:, :W // 2] = np.float32(1.0)
    mask = mask.reshape(-1)
    pts_r = np.ascontiguousarray(
        pixels_grid[::16, ::16].reshape(-1, 2)[:1024])
    cpu = jax.devices("cpu")[0]
    with jax.default_device(cpu):
        uu = np.asarray(jax.random.uniform(
            jax.random.fold_in(jax.random.key(1), 0), (2048,),
            dtype=jnp.float32))
        ug = np.asarray(jax.random.uniform(
            jax.random.fold_in(jax.random.key(1), 1), (2048,),
            dtype=jnp.float32))
    return mask, pixels, pts_r, uu, ug


_MASK_C, _PIXELS_C, _PTSR_C, _UU_C, _UG_C = _host_constants()


def _scan_body(x_ref, plin_ref, bstart_ref, plast_ref, xt_ref, p_ref, l2_ref):
    for t in range(16):
        xt_ref[:, t, :] = jnp.swapaxes(x_ref[pl.ds(t * BL, BL), :], 0, 1)
    x = xt_ref[...]
    l_idx = lax.broadcasted_iota(jnp.int32, (BL, 16, BL), 2)
    maskb = (l_idx % 4) < 2
    valid = jnp.where((jnp.abs(x) < jnp.float32(0.1)) & maskb,
                      jnp.float32(1.0), jnp.float32(0.0))
    s_total = jnp.sum(valid)
    probs = valid / jnp.maximum(s_total, jnp.float32(1e-12))

    s = jnp.zeros((16, BL), jnp.float32)
    for j in range(BL):
        s = s + probs[j]
        p_ref[j] = s

    s2d = p_ref[127]
    s2 = jnp.zeros((16, 1), jnp.float32)
    for l in range(BL):
        s2 = s2 + s2d[:, l:l + 1]
        l2_ref[:, l:l + 1] = s2

    rs3 = l2_ref[:, 127:128]
    row_i = lax.broadcasted_iota(jnp.int32, (16, 1), 0)
    carry = jnp.float32(0.0)
    off3 = jnp.zeros((16, 1), jnp.float32)
    for k in range(16):
        carry = carry + jnp.sum(jnp.where(row_i == k, rs3, jnp.float32(0.0)))
        off3 = jnp.where(row_i == k, carry, off3)

    off2 = jnp.concatenate([jnp.zeros((1, 1), jnp.float32), off3[:15, :]], axis=0)
    off_incl = l2_ref[...] + off2
    prev_last = off_incl[:, 127:128]
    prev_shift = jnp.concatenate(
        [jnp.zeros((1, 1), jnp.float32), prev_last[:15, :]], axis=0)
    off1 = jnp.concatenate([prev_shift, off_incl[:, :127]], axis=1)
    pfin = p_ref[...] + off1[None, :, :]

    for t in range(16):
        plin_ref[pl.ds(t * BL, BL), :] = jnp.swapaxes(pfin[:, t, :], 0, 1)
    bstart_ref[...] = pfin[0]
    plast_ref[...] = jnp.broadcast_to(pfin[127:128, 15, 127:128], (1, 16))


def _blocked_cumsum(sdf2d):
    return pl.pallas_call(
        _scan_body,
        out_shape=[
            jax.ShapeDtypeStruct((NB, BL), jnp.float32),
            jax.ShapeDtypeStruct((16, BL), jnp.float32),
            jax.ShapeDtypeStruct((1, 16), jnp.float32),
        ],
        scratch_shapes=[pltpu.VMEM((BL, 16, BL), jnp.float32),
                        pltpu.VMEM((BL, 16, BL), jnp.float32),
                        pltpu.VMEM((16, BL), jnp.float32)],
    )(sdf2d)


_SC_MESH = plsc.VectorSubcoreMesh(core_axis_name="c", subcore_axis_name="s")
_SC_PARAMS = pltpu.CompilerParams(
    needs_layout_passes=False, use_tc_tiling_on_sc=False)


@functools.lru_cache(maxsize=1)
def _sc_global_kernel():
  return functools.partial(
    pl.kernel,
    mesh=_SC_MESH,
    compiler_params=_SC_PARAMS,
    out_type=[
        jax.ShapeDtypeStruct((2048, 2), jnp.float32),
        jax.ShapeDtypeStruct((2048, 1), jnp.float32),
        jax.ShapeDtypeStruct((1024, 1), jnp.float32),
    ],
    scratch_types=[
        pltpu.VMEM((64,), jnp.float32),
        pltpu.VMEM((64,), jnp.int32),
        pltpu.VMEM((64, 16), jnp.float32),
        pltpu.VMEM((32,), jnp.int32),
        pltpu.VMEM((32, 16), jnp.float32),
        pltpu.VMEM((64, 2), jnp.float32),
        pltpu.VMEM((64, 1), jnp.float32),
        pltpu.VMEM((32, 1), jnp.float32),
    ] + [pltpu.SemaphoreType.DMA] * 6,
  )(_sc_global_body)


def _sc_coords(idx):
    one = jnp.float32(1.0)
    half = jnp.float32(0.5)
    inv256 = jnp.float32(1.0 / 256.0)
    colf = lax.convert_element_type(idx & 511, jnp.float32)
    rowf = lax.convert_element_type(lax.shift_right_logical(idx, 9),
                                    jnp.float32)
    gx = (colf + half) * inv256 - one
    gy = (rowf + half) * inv256 - one
    return gx, gy


def _sc_global_body(ug, sdf16, ptsg, sdfg, sdfr,
                    ug_v, sdfidx_g, sdfrows_g, sdfidx_r, sdfrows_r,
                    ptsg_b, sdfg_b, sdfr_b,
                    s_ug, s_sg, s_sr, s_o2, s_o3, s_o4):
    wid = lax.axis_index("s") * 2 + lax.axis_index("c")
    base64 = wid * 64
    c_ug = pltpu.async_copy(ug.at[pl.ds(base64, 64)], ug_v, s_ug)

    lane = lax.iota(jnp.int32, 16)
    zero16 = jnp.zeros((16,), jnp.int32)
    one = jnp.float32(1.0)

    for g2 in range(2):
        t = lane + g2 * 16
        sdfidx_r[pl.ds(g2 * 16, 16)] = wid * 512 + t
    c_sr = pltpu.async_copy(sdf16.at[sdfidx_r], sdfrows_r, s_sr)

    c_ug.wait()
    idx_g = []
    for g in range(4):
        u = ug_v[pl.ds(g * 16, 16)]
        r = one - u
        rs = r * jnp.float32(131072.0)
        fi = lax.convert_element_type(rs, jnp.int32)
        k = fi + jnp.where(lax.convert_element_type(fi, jnp.float32) < rs, 1, 0)
        km = k - 1
        idx = lax.shift_right_logical(km, 8) * 512 + (km & 255)
        idx_g.append(idx)
        qpos = lane + g * 16
        gx, gy = _sc_coords(idx)
        plsc.store_scatter(ptsg_b, [qpos, zero16], gx)
        plsc.store_scatter(ptsg_b, [qpos, zero16 + 1], gy)
        sdfidx_g[pl.ds(g * 16, 16)] = lax.shift_right_logical(idx, 4)
    c_sg = pltpu.async_copy(sdf16.at[sdfidx_g], sdfrows_g, s_sg)
    c_o2 = pltpu.async_copy(ptsg_b, ptsg.at[pl.ds(base64, 64)], s_o2)

    c_sr.wait()
    for g2 in range(2):
        t = lane + g2 * 16
        valr = plsc.load_gather(sdfrows_r, [t, zero16])
        plsc.store_scatter(sdfr_b, [t, zero16], valr)
    c_o4 = pltpu.async_copy(sdfr_b, sdfr.at[pl.ds(wid * 32, 32)], s_o4)

    c_sg.wait()
    for g in range(4):
        qpos = lane + g * 16
        valg = plsc.load_gather(sdfrows_g, [qpos, idx_g[g] & 15])
        plsc.store_scatter(sdfg_b, [qpos, zero16], valg)
    c_o3 = pltpu.async_copy(sdfg_b, sdfg.at[pl.ds(base64, 64)], s_o3)

    c_o2.wait()
    c_o4.wait()
    c_o3.wait()


@functools.lru_cache(maxsize=1)
def _sc_untrunc_kernel():
  return functools.partial(
    pl.kernel,
    mesh=_SC_MESH,
    compiler_params=_SC_PARAMS,
    out_type=[
        jax.ShapeDtypeStruct((2048, 2), jnp.float32),
        jax.ShapeDtypeStruct((2048, 1), jnp.float32),
    ],
    scratch_types=[
        pltpu.VMEM((16, 128), jnp.float32),
        pltpu.VMEM((16,), jnp.float32),
        pltpu.VMEM((64,), jnp.float32),
        pltpu.VMEM((64,), jnp.int32),
        pltpu.VMEM((64, BL), jnp.float32),
        pltpu.VMEM((64,), jnp.int32),
        pltpu.VMEM((64, 16), jnp.float32),
        pltpu.VMEM((64, 2), jnp.float32),
        pltpu.VMEM((64, 1), jnp.float32),
    ] + [pltpu.SemaphoreType.DMA] * 7,
  )(_sc_untrunc_body)


def _sc_untrunc_body(p_lin, bstart, plast, uu, sdf16,
                     ptsu, sdfu,
                     bstart_v, plast_v, uu_v, rowidx_v, rows_v,
                     sdfidx_u, sdfrows_u, ptsu_b, sdfu_b,
                     s_bs, s_pl, s_uu, s_rows, s_su, s_o0, s_o1):
    wid = lax.axis_index("s") * 2 + lax.axis_index("c")
    base64 = wid * 64

    c_bs = pltpu.async_copy(bstart, bstart_v, s_bs)
    c_pl = pltpu.async_copy(plast, plast_v, s_pl)
    c_uu = pltpu.async_copy(uu.at[pl.ds(base64, 64)], uu_v, s_uu)

    lane = lax.iota(jnp.int32, 16)
    zero16 = jnp.zeros((16,), jnp.int32)
    one = jnp.float32(1.0)

    c_bs.wait()
    c_pl.wait()
    c_uu.wait()
    plastv = plast_v[...]
    states = []
    for g in range(4):
        u = uu_v[pl.ds(g * 16, 16)]
        r = plastv * (one - u)
        low = jnp.zeros((16,), jnp.int32)
        high = jnp.full((16,), N, jnp.int32)
        for _ in range(11):
            mid = low + lax.shift_right_logical(high - low, 1)
            w = lax.shift_right_logical(mid, 7)
            val = plsc.load_gather(
                bstart_v, [lax.shift_right_logical(w, 7), w & 127])
            go = r <= val
            low = jnp.where(go, low, mid)
            high = jnp.where(go, mid, high)
        rowidx_v[pl.ds(g * 16, 16)] = lax.shift_right_logical(low, 7)
        states.append((r, low, high))
    pltpu.async_copy(p_lin.at[rowidx_v], rows_v, s_rows).wait()

    idx_u = []
    for g in range(4):
        r, low, high = states[g]
        low0 = low
        qpos = lane + g * 16
        for _ in range(8):
            mid = low + lax.shift_right_logical(high - low, 1)
            val = plsc.load_gather(rows_v, [qpos, mid - low0])
            go = r <= val
            low = jnp.where(go, low, mid)
            high = jnp.where(go, mid, high)
        idx = high
        idx_u.append(idx)
        gx, gy = _sc_coords(idx)
        plsc.store_scatter(ptsu_b, [qpos, zero16], gx)
        plsc.store_scatter(ptsu_b, [qpos, zero16 + 1], gy)
        sdfidx_u[pl.ds(g * 16, 16)] = lax.shift_right_logical(idx, 4)
    c_su = pltpu.async_copy(sdf16.at[sdfidx_u], sdfrows_u, s_su)
    c_o0 = pltpu.async_copy(ptsu_b, ptsu.at[pl.ds(base64, 64)], s_o0)

    c_su.wait()
    for g in range(4):
        qpos = lane + g * 16
        val = plsc.load_gather(sdfrows_u, [qpos, idx_u[g] & 15])
        plsc.store_scatter(sdfu_b, [qpos, zero16], val)
    c_o1 = pltpu.async_copy(sdfu_b, sdfu.at[pl.ds(base64, 64)], s_o1)

    c_o0.wait()
    c_o1.wait()


def kernel(sdf_map):
    sdf_flat = sdf_map.reshape(-1)
    sdf16 = sdf_flat.reshape(N // 16, 16)

    u_u = jnp.asarray(_UU_C)
    u_g = jnp.asarray(_UG_C)

    pts_g, sdf_g, sdf_r = _sc_global_kernel()(u_g, sdf16)

    p_lin, bstart, plast2d = _blocked_cumsum(sdf_flat.reshape(NB, BL))
    plast = plast2d.reshape(16)

    pts_u, sdf_u = _sc_untrunc_kernel()(p_lin, bstart, plast, u_u, sdf16)

    mask_for_point = jnp.asarray(_MASK_C)
    pixels = jnp.asarray(_PIXELS_C)
    pts_r = jnp.asarray(_PTSR_C)

    pixels_sdf_gt = sdf_map.reshape(-1, 1)
    return (mask_for_point, pixels, pixels_sdf_gt,
            pts_u, sdf_u, pts_r, sdf_r, pts_g, sdf_g)

# --- scband reference (transcript-rebuilt; emitter-appended) ---
"""Pipeline reference for scband-point-sampler-87110526697713 (READ-ONLY COPY).

The authoritative reference and input builder live on the scoring server;
editing this copy changes nothing except your own understanding.
"""

import jax, jax.numpy as jnp
import numpy as np

H, W = 512, 512
PARAMS = {
    'normalize_coordinates': True,
    'mask': {'apply': True, 'mode': 'right_half', 'offset': [0]},
    'all_pixels': True,
    'untruncated': True,
    'untruncated/mode': 'uniform',
    'untruncated/num_point': 2048,
    'untruncated/truncate': 0.1,
    'regular': True,
    'regular/num_point': 1024,
    'global': True,
    'global/mode': 'uniform',
    'global/num_point': 2048,
}


def sample2d_all_pixels(height, width, normalize=True):
    ys = (jnp.arange(height, dtype=jnp.float32) + 0.5) / height
    xs = (jnp.arange(width, dtype=jnp.float32) + 0.5) / width
    if normalize:
        ys = ys * 2.0 - 1.0
        xs = xs * 2.0 - 1.0
    gy, gx = jnp.meshgrid(ys, xs, indexing='ij')
    pixels_grid = jnp.stack([gx, gy], axis=-1)  # [H, W, 2]
    pixels = pixels_grid.reshape(-1, 2)
    return pixels, pixels_grid


def sample2d_region(key, num_point, pixels, pixels_sdf, region, mode, truncate=None, mask=None):
    n = pixels.shape[0]
    if region == 'untruncated':
        valid = (jnp.abs(pixels_sdf[:, 0]) < truncate).astype(jnp.float32)
    elif region == 'global':
        valid = jnp.ones((n,), jnp.float32)
    else:
        raise ValueError('Unknown region: %s' % region)
    if mask is not None:
        valid = valid * mask
    valid = jax.lax.stop_gradient(valid)
    if mode != 'uniform':
        raise ValueError('Unknown mode: %s' % mode)
    probs = valid / jnp.maximum(jnp.sum(valid), 1e-12)
    idx = jax.random.choice(key, n, shape=(num_point,), replace=True, p=probs)
    pts = jnp.take(pixels, idx, axis=0)
    sdf = jnp.take(pixels_sdf, idx, axis=0) if pixels_sdf is not None else None
    return pts, sdf


def sample2d_regular(num_point, pixels_grid, sdf_map):
    h, w = pixels_grid.shape[0], pixels_grid.shape[1]
    stride = int(np.floor(np.sqrt(h * w / float(num_point))))
    pts = pixels_grid[::stride, ::stride].reshape(-1, 2)[:num_point]
    sdf = sdf_map[::stride, ::stride].reshape(-1, 1)[:num_point]
    return pts, sdf


def setup_inputs(seed: int = 0):
    key = jax.random.key(seed)
    sdf_map = jax.random.normal(key, (H, W, 1), dtype=jnp.float32) * 0.2
    return {'sdf_map': sdf_map}


def reference(sdf_map):
    params = PARAMS
    height, width = H, W
    # mask: right_half with offset
    x_right = int(width / 2 + params['mask']['offset'][0])
    mask_for_point = jnp.concatenate(
        (jnp.ones((height, x_right), jnp.float32),
         jnp.zeros((height, width - x_right), jnp.float32)), axis=-1)
    mask_for_point = mask_for_point.reshape(-1)
    pixels, pixels_grid = sample2d_all_pixels(height, width, normalize=params['normalize_coordinates'])
    pixels_sdf_gt = sdf_map.reshape(-1, 1)
    # untruncated region sampling
    k_u = jax.random.fold_in(jax.random.key(1), 0)
    pts_u, sdf_u = sample2d_region(k_u, params['untruncated/num_point'], pixels, pixels_sdf_gt,
                                   region='untruncated', mode=params['untruncated/mode'],
                                   truncate=params['untruncated/truncate'], mask=mask_for_point)
    # regular strided sampling
    pts_r, sdf_r = sample2d_regular(params['regular/num_point'], pixels_grid, sdf_map)
    # global sampling
    k_g = jax.random.fold_in(jax.random.key(1), 1)
    pts_g, sdf_g = sample2d_region(k_g, params['global/num_point'], pixels, pixels_sdf_gt,
                                   region='global', mode=params['global/mode'], mask=mask_for_point)
    return (mask_for_point, pixels, pixels_sdf_gt, pts_u, sdf_u, pts_r, sdf_r, pts_g, sdf_g)

if __name__ == "__main__":
    import jax
    _d = setup_inputs()
    print(jax.jit(kernel)(*tuple(_d.values())))

</pallas_src>

<mosaic_0001>
#map = affine_map<(d0, d1) -> (0, 0)>
#map1 = affine_map<(d0, d1) -> (0)>
module attributes {stable_mosaic.version = 14 : i64} {
  func.func @_sc_untrunc_body(%arg0: i32, %arg1: i32, %arg2: memref<2048x128xf32, #tpu.memory_space<hbm>>, %arg3: memref<16x128xf32, #tpu.memory_space<hbm>>, %arg4: memref<16xf32, #tpu.memory_space<hbm>>, %arg5: memref<2048xf32, #tpu.memory_space<hbm>>, %arg6: memref<16384x16xf32, #tpu.memory_space<hbm>>, %arg7: memref<2048x2xf32, #tpu.memory_space<hbm>>, %arg8: memref<2048x1xf32, #tpu.memory_space<hbm>>, %arg9: memref<16x128xf32, #tpu.memory_space<vmem>>, %arg10: memref<16xf32, #tpu.memory_space<vmem>>, %arg11: memref<64xf32, #tpu.memory_space<vmem>>, %arg12: memref<64xi32, #tpu.memory_space<vmem>>, %arg13: memref<64x128xf32, #tpu.memory_space<vmem>>, %arg14: memref<64xi32, #tpu.memory_space<vmem>>, %arg15: memref<64x16xf32, #tpu.memory_space<vmem>>, %arg16: memref<64x2xf32, #tpu.memory_space<vmem>>, %arg17: memref<64x1xf32, #tpu.memory_space<vmem>>, %arg18: memref<!tpu.dma_semaphore, #tpu.memory_space<semaphore_mem>>, %arg19: memref<!tpu.dma_semaphore, #tpu.memory_space<semaphore_mem>>, %arg20: memref<!tpu.dma_semaphore, #tpu.memory_space<semaphore_mem>>, %arg21: memref<!tpu.dma_semaphore, #tpu.memory_space<semaphore_mem>>, %arg22: memref<!tpu.dma_semaphore, #tpu.memory_space<semaphore_mem>>, %arg23: memref<!tpu.dma_semaphore, #tpu.memory_space<semaphore_mem>>, %arg24: memref<!tpu.dma_semaphore, #tpu.memory_space<semaphore_mem>>) attributes {dimension_semantics = [#tpu.dimension_semantics<core_parallel>, #tpu.dimension_semantics<subcore_parallel>], iteration_bounds = array<i64: 2, 16>, scalar_prefetch = 0 : i64, scratch_operands = 16 : i64, tpu.core_type = #tpu.core_type<sc_vector_subcore>, window_params = [{transform_indices = #map}, {transform_indices = #map}, {transform_indices = #map1}, {transform_indices = #map1}, {transform_indices = #map}, {transform_indices = #map}, {transform_indices = #map}]} {
    %mul3A = arith.constant 2 : i32
    %mul3A_0 = arith.muli %arg1, %mul3A : i32
    %add3A = arith.addi %mul3A_0, %arg0 : i32
    %mul3A_1 = arith.constant 64 : i32
    %mul3A_2 = arith.muli %add3A, %mul3A_1 : i32
    tpu.enqueue_dma source(%arg3 : memref<16x128xf32, #tpu.memory_space<hbm>>) target(%arg9 : memref<16x128xf32, #tpu.memory_space<vmem>>) target_semaphore(%arg18 : memref<!tpu.dma_semaphore, #tpu.memory_space<semaphore_mem>>)
    tpu.enqueue_dma source(%arg4 : memref<16xf32, #tpu.memory_space<hbm>>) target(%arg10 : memref<16xf32, #tpu.memory_space<vmem>>) target_semaphore(%arg19 : memref<!tpu.dma_semaphore, #tpu.memory_space<semaphore_mem>>)
    %dma_start3A = tpu.memref_slice %arg5[%mul3A_2] : memref<2048xf32, #tpu.memory_space<hbm>> -> memref<64xf32, #tpu.memory_space<hbm>>
    %dma_start3A_3 = tpu.memref_slice %arg5[%mul3A_2] : memref<2048xf32, #tpu.memory_space<hbm>> -> memref<64xf32, #tpu.memory_space<hbm>>
    tpu.enqueue_dma source(%dma_start3A_3 : memref<64xf32, #tpu.memory_space<hbm>>) target(%arg11 : memref<64xf32, #tpu.memory_space<vmem>>) target_semaphore(%arg20 : memref<!tpu.dma_semaphore, #tpu.memory_space<semaphore_mem>>)
    %iota3A = tpu.iota {dimensions = array<i32: 0>} : vector<16xi32>
    %broadcast_in_dim3A = arith.constant 0 : i32
    %broadcast_in_dim3A_4 = vector.broadcast %broadcast_in_dim3A : i32 to vector<16xi32>
    tpu.wait_dma2 semaphore(%arg18 : memref<!tpu.dma_semaphore, #tpu.memory_space<semaphore_mem>>) src(%arg3 : memref<16x128xf32, #tpu.memory_space<hbm>>) dst(%arg9 : memref<16x128xf32, #tpu.memory_space<vmem>>)
    tpu.wait_dma2 semaphore(%arg19 : memref<!tpu.dma_semaphore, #tpu.memory_space<semaphore_mem>>) src(%arg4 : memref<16xf32, #tpu.memory_space<hbm>>) dst(%arg10 : memref<16xf32, #tpu.memory_space<vmem>>)
    %dma_wait3A = tpu.memref_slice %arg5[%mul3A_2] : memref<2048xf32, #tpu.memory_space<hbm>> -> memref<64xf32, #tpu.memory_space<hbm>>
    %dma_wait3A_5 = tpu.memref_slice %arg5[%mul3A_2] : memref<2048xf32, #tpu.memory_space<hbm>> -> memref<64xf32, #tpu.memory_space<hbm>>
    tpu.wait_dma2 semaphore(%arg20 : memref<!tpu.dma_semaphore, #tpu.memory_space<semaphore_mem>>) src(%dma_wait3A_5 : memref<64xf32, #tpu.memory_space<hbm>>) dst(%arg11 : memref<64xf32, #tpu.memory_space<vmem>>)
    %get3A = arith.constant 0 : index
    %get3A_6 = tpu.vector_load %arg10[%get3A] {strides = array<i32>} : memref<16xf32, #tpu.memory_space<vmem>>, vector<16xf32>,
    %get3A_7 = arith.constant 0 : index
    %get3A_8 = tpu.vector_load %arg11[%get3A_7] {strides = array<i32>} : memref<64xf32, #tpu.memory_space<vmem>>, vector<16xf32>,
    %sub3A = arith.constant 1.000000e+00 : f32
    %sub3A_9 = vector.broadcast %sub3A : f32 to vector<16xf32>
    %sub3A_10 = arith.subf %sub3A_9, %get3A_8 : vector<16xf32>
    %mul3A_11 = arith.mulf %get3A_6, %sub3A_10 : vector<16xf32>
    %broadcast_in_dim3A_12 = arith.constant 0 : i32
    %broadcast_in_dim3A_13 = vector.broadcast %broadcast_in_dim3A_12 : i32 to vector<16xi32>
    %broadcast_in_dim3A_14 = arith.constant 262144 : i32
    %broadcast_in_dim3A_15 = vector.broadcast %broadcast_in_dim3A_14 : i32 to vector<16xi32>
    %sub3A_16 = arith.subi %broadcast_in_dim3A_15, %broadcast_in_dim3A_13 : vector<16xi32>
    %shift_right_logical3A = arith.constant 1 : i32
    %shift_right_logical3A_17 = vector.broadcast %shift_right_logical3A : i32 to vector<16xi32>
    %shift_right_logical3A_18 = arith.shrui %sub3A_16, %shift_right_logical3A_17 : vector<16xi32>
    %add3A_19 = arith.addi %broadcast_in_dim3A_13, %shift_right_logical3A_18 : vector<16xi32>
    %shift_right_logical3A_20 = arith.constant 7 : i32
    %shift_right_logical3A_21 = vector.broadcast %shift_right_logical3A_20 : i32 to vector<16xi32>
    %shift_right_logical3A_22 = arith.shrui %add3A_19, %shift_right_logical3A_21 : vector<16xi32>
    %shift_right_logical3A_23 = arith.constant 7 : i32
    %shift_right_logical3A_24 = vector.broadcast %shift_right_logical3A_23 : i32 to vector<16xi32>
    %shift_right_logical3A_25 = arith.shrui %shift_right_logical3A_22, %shift_right_logical3A_24 : vector<16xi32>
    %and3A = arith.constant 127 : i32
    %and3A_26 = vector.broadcast %and3A : i32 to vector<16xi32>
    %and3A_27 = arith.andi %shift_right_logical3A_22, %and3A_26 : vector<16xi32>
    %gather3A = tpu.vector_load_idx %arg9[%shift_right_logical3A_25, %and3A_27] : memref<16x128xf32, #tpu.memory_space<vmem>>[vector<16xi32>, vector<16xi32>], vector<16xf32>,
    %le3A = arith.cmpf ole, %mul3A_11, %gather3A : vector<16xf32>
    %select_n3A = arith.select %le3A, %broadcast_in_dim3A_13, %add3A_19 : vector<16xi1>, vector<16xi32>
    %select_n3A_28 = arith.select %le3A, %add3A_19, %broadcast_in_dim3A_15 : vector<16xi1>, vector<16xi32>
    %sub3A_29 = arith.subi %select_n3A_28, %select_n3A : vector<16xi32>
    %shift_right_logical3A_30 = arith.constant 1 : i32
    %shift_right_logical3A_31 = vector.broadcast %shift_right_logical3A_30 : i32 to vector<16xi32>
    %shift_right_logical3A_32 = arith.shrui %sub3A_29, %shift_right_logical3A_31 : vector<16xi32>
    %add3A_33 = arith.addi %select_n3A, %shift_right_logical3A_32 : vector<16xi32>
    %shift_right_logical3A_34 = arith.constant 7 : i32
    %shift_right_logical3A_35 = vector.broadcast %shift_right_logical3A_34 : i32 to vector<16xi32>
    %shift_right_logical3A_36 = arith.shrui %add3A_33, %shift_right_logical3A_35 : vector<16xi32>
    %shift_right_logical3A_37 = arith.constant 7 : i32
    %shift_right_logical3A_38 = vector.broadcast %shift_right_logical3A_37 : i32 to vector<16xi32>
    %shift_right_logical3A_39 = arith.shrui %shift_right_logical3A_36, %shift_right_logical3A_38 : vector<16xi32>
    %and3A_40 = arith.constant 127 : i32
    %and3A_41 = vector.broadcast %and3A_40 : i32 to vector<16xi32>
    %and3A_42 = arith.andi %shift_right_logical3A_36, %and3A_41 : vector<16xi32>
    %gather3A_43 = tpu.vector_load_idx %arg9[%shift_right_logical3A_39, %and3A_42] : memref<16x128xf32, #tpu.memory_space<vmem>>[vector<16xi32>, vector<16xi32>], vector<16xf32>,
    %le3A_44 = arith.cmpf ole, %mul3A_11, %gather3A_43 : vector<16xf32>
    %select_n3A_45 = arith.select %le3A_44, %select_n3A, %add3A_33 : vector<16xi1>, vector<16xi32>
    %select_n3A_46 = arith.select %le3A_44, %add3A_33, %select_n3A_28 : vector<16xi1>, vector<16xi32>
    %sub3A_47 = arith.subi %select_n3A_46, %select_n3A_45 : vector<16xi32>
    %shift_right_logical3A_48 = arith.constant 1 : i32
    %shift_right_logical3A_49 = vector.broadcast %shift_right_logical3A_48 : i32 to vector<16xi32>
    %shift_right_logical3A_50 = arith.shrui %sub3A_47, %shift_right_logical3A_49 : vector<16xi32>
    %add3A_51 = arith.addi %select_n3A_45, %shift_right_logical3A_50 : vector<16xi32>
    %shift_right_logical3A_52 = arith.constant 7 : i32
    %shift_right_logical3A_53 = vector.broadcast %shift_right_logical3A_52 : i32 to vector<16xi32>
    %shift_right_logical3A_54 = arith.shrui %add3A_51, %shift_right_logical3A_53 : vector<16xi32>
    %shift_right_logical3A_55 = arith.constant 7 : i32
    %shift_right_logical3A_56 = vector.broadcast %shift_right_logical3A_55 : i32 to vector<16xi32>
    %shift_right_logical3A_57 = arith.shrui %shift_right_logical3A_54, %shift_right_logical3A_56 : vector<16xi32>
    %and3A_58 = arith.constant 127 : i32
    %and3A_59 = vector.broadcast %and3A_58 : i32 to vector<16xi32>
    %and3A_60 = arith.andi %shift_right_logical3A_54, %and3A_59 : vector<16xi32>
    %gather3A_61 = tpu.vector_load_idx %arg9[%shift_right_logical3A_57, %and3A_60] : memref<16x128xf32, #tpu.memory_space<vmem>>[vector<16xi32>, vector<16xi32>], vector<16xf32>,
    %le3A_62 = arith.cmpf ole, %mul3A_11, %gather3A_61 : vector<16xf32>
    %select_n3A_63 = arith.select %le3A_62, %select_n3A_45, %add3A_51 : vector<16xi1>, vector<16xi32>
    %select_n3A_64 = arith.select %le3A_62, %add3A_51, %select_n3A_46 : vector<16xi1>, vector<16xi32>
    %sub3A_65 = arith.subi %select_n3A_64, %select_n3A_63 : vector<16xi32>
    %shift_right_logical3A_66 = arith.constant 1 : i32
    %shift_right_logical3A_67 = vector.broadcast %shift_right_logical3A_66 : i32 to vector<16xi32>
    %shift_right_logical3A_68 = arith.shrui %sub3A_65, %shift_right_logical3A_67 : vector<16xi32>
    %add3A_69 = arith.addi %select_n3A_63, %shift_right_logical3A_68 : vector<16xi32>
    %shift_right_logical3A_70 = arith.constant 7 : i32
    %shift_right_logical3A_71 = vector.broadcast %shift_right_logical3A_70 : i32 to vector<16xi32>
    %shift_right_logical3A_72 = arith.shrui %add3A_69, %shift_right_logical3A_71 : vector<16xi32>
    %shift_right_logical3A_73 = arith.constant 7 : i32
    %shift_right_logical3A_74 = vector.broadcast %shift_right_logical3A_73 : i32 to vector<16xi32>
    %shift_right_logical3A_75 = arith.shrui %shift_right_logical3A_72, %shift_right_logical3A_74 : vector<16xi32>
    %and3A_76 = arith.constant 127 : i32
    %and3A_77 = vector.broadcast %and3A_76 : i32 to vector<16xi32>
    %and3A_78 = arith.andi %shift_right_logical3A_72, %and3A_77 : vector<16xi32>
    %gather3A_79 = tpu.vector_load_idx %arg9[%shift_right_logical3A_75, %and3A_78] : memref<16x128xf32, #tpu.memory_space<vmem>>[vector<16xi32>, vector<16xi32>], vector<16xf32>,
    %le3A_80 = arith.cmpf ole, %mul3A_11, %gather3A_79 : vector<16xf32>
    %select_n3A_81 = arith.select %le3A_80, %select_n3A_63, %add3A_69 : vector<16xi1>, vector<16xi32>
    %select_n3A_82 = arith.select %le3A_80, %add3A_69, %select_n3A_64 : vector<16xi1>, vector<16xi32>
    %sub3A_83 = arith.subi %select_n3A_82, %select_n3A_81 : vector<16xi32>
    %shift_right_logical3A_84 = arith.constant 1 : i32
    %shift_right_logical3A_85 = vector.broadcast %shift_right_logical3A_84 : i32 to vector<16xi32>
    %shift_right_logical3A_86 = arith.shrui %sub3A_83, %shift_right_logical3A_85 : vector<16xi32>
    %add3A_87 = arith.addi %select_n3A_81, %shift_right_logical3A_86 : vector<16xi32>
    %shift_right_logical3A_88 = arith.constant 7 : i32
    %shift_right_logical3A_89 = vector.broadcast %shift_right_logical3A_88 : i32 to vector<16xi32>
    %shift_right_logical3A_90 = arith.shrui %add3A_87, %shift_right_logical3A_89 : vector<16xi32>
    %shift_right_logical3A_91 = arith.constant 7 : i32
    %shift_right_logical3A_92 = vector.broadcast %shift_right_logical3A_91 : i32 to vector<16xi32>
    %shift_right_logical3A_93 = arith.shrui %shift_right_logical3A_90, %shift_right_logical3A_92 : vector<16xi32>
    %and3A_94 = arith.constant 127 : i32
    %and3A_95 = vector.broadcast %and3A_94 : i32 to vector<16xi32>
    %and3A_96 = arith.andi %shift_right_logical3A_90, %and3A_95 : vector<16xi32>
    %gather3A_97 = tpu.vector_load_idx %arg9[%shift_right_logical3A_93, %and3A_96] : memref<16x128xf32, #tpu.memory_space<vmem>>[vector<16xi32>, vector<16xi32>], vector<16xf32>,
    %le3A_98 = arith.cmpf ole, %mul3A_11, %gather3A_97 : vector<16xf32>
    %select_n3A_99 = arith.select %le3A_98, %select_n3A_81, %add3A_87 : vector<16xi1>, vector<16xi32>
    %select_n3A_100 = arith.select %le3A_98, %add3A_87, %select_n3A_82 : vector<16xi1>, vector<16xi32>
    %sub3A_101 = arith.subi %select_n3A_100, %select_n3A_99 : vector<16xi32>
    %shift_right_logical3A_102 = arith.constant 1 : i32
    %shift_right_logical3A_103 = vector.broadcast %shift_right_logical3A_102 : i32 to vector<16xi32>
    %shift_right_logical3A_104 = arith.shrui %sub3A_101, %shift_right_logical3A_103 : vector<16xi32>
    %add3A_105 = arith.addi %select_n3A_99, %shift_right_logical3A_104 : vector<16xi32>
    %shift_right_logical3A_106 = arith.constant 7 : i32
    %shift_right_logical3A_107 = vector.broadcast %shift_right_logical3A_106 : i32 to vector<16xi32>
    %shift_right_logical3A_108 = arith.shrui %add3A_105, %shift_right_logical3A_107 : vector<16xi32>
    %shift_right_logical3A_109 = arith.constant 7 : i32
    %shift_right_logical3A_110 = vector.broadcast %shift_right_logical3A_109 : i32 to vector<16xi32>
    %shift_right_logical3A_111 = arith.shrui %shift_right_logical3A_108, %shift_right_logical3A_110 : vector<16xi32>
    %and3A_112 = arith.constant 127 : i32
    %and3A_113 = vector.broadcast %and3A_112 : i32 to vector<16xi32>
    %and3A_114 = arith.andi %shift_right_logical3A_108, %and3A_113 : vector<16xi32>
    %gather3A_115 = tpu.vector_load_idx %arg9[%shift_right_logical3A_111, %and3A_114] : memref<16x128xf32, #tpu.memory_space<vmem>>[vector<16xi32>, vector<16xi32>], vector<16xf32>,
    %le3A_116 = arith.cmpf ole, %mul3A_11, %gather3A_115 : vector<16xf32>
    %select_n3A_117 = arith.select %le3A_116, %select_n3A_99, %add3A_105 : vector<16xi1>, vector<16xi32>
    %select_n3A_118 = arith.select %le3A_116, %add3A_105, %select_n3A_100 : vector<16xi1>, vector<16xi32>
    %sub3A_119 = arith.subi %select_n3A_118, %select_n3A_117 : vector<16xi32>
    %shift_right_logical3A_120 = arith.constant 1 : i32
    %shift_right_logical3A_121 = vector.broadcast %shift_right_logical3A_120 : i32 to vector<16xi32>
    %shift_right_logical3A_122 = arith.shrui %sub3A_119, %shift_right_logical3A_121 : vector<16xi32>
    %add3A_123 = arith.addi %select_n3A_117, %shift_right_logical3A_122 : vector<16xi32>
    %shift_right_logical3A_124 = arith.constant 7 : i32
    %shift_right_logical3A_125 = vector.broadcast %shift_right_logical3A_124 : i32 to vector<16xi32>
    %shift_right_logical3A_126 = arith.shrui %add3A_123, %shift_right_logical3A_125 : vector<16xi32>
    %shift_right_logical3A_127 = arith.constant 7 : i32
    %shift_right_logical3A_128 = vector.broadcast %shift_right_logical3A_127 : i32 to vector<16xi32>
    %shift_right_logical3A_129 = arith.shrui %shift_right_logical3A_126, %shift_right_logical3A_128 : vector<16xi32>
    %and3A_130 = arith.constant 127 : i32
    %and3A_131 = vector.broadcast %and3A_130 : i32 to vector<16xi32>
    %and3A_132 = arith.andi %shift_right_logical3A_126, %and3A_131 : vector<16xi32>
    %gather3A_133 = tpu.vector_load_idx %arg9[%shift_right_logical3A_129, %and3A_132] : memref<16x128xf32, #tpu.memory_space<vmem>>[vector<16xi32>, vector<16xi32>], vector<16xf32>,
    %le3A_134 = arith.cmpf ole, %mul3A_11, %gather3A_133 : vector<16xf32>
    %select_n3A_135 = arith.select %le3A_134, %select_n3A_117, %add3A_123 : vector<16xi1>, vector<16xi32>
    %select_n3A_136 = arith.select %le3A_134, %add3A_123, %select_n3A_118 : vector<16xi1>, vector<16xi32>
    %sub3A_137 = arith.subi %select_n3A_136, %select_n3A_135 : vector<16xi32>
    %shift_right_logical3A_138 = arith.constant 1 : i32
    %shift_right_logical3A_139 = vector.broadcast %shift_right_logical3A_138 : i32 to vector<16xi32>
    %shift_right_logical3A_140 = arith.shrui %sub3A_137, %shift_right_logical3A_139 : vector<16xi32>
    %add3A_141 = arith.addi %select_n3A_135, %shift_right_logical3A_140 : vector<16xi32>
    %shift_right_logical3A_142 = arith.constant 7 : i32
    %shift_right_logical3A_143 = vector.broadcast %shift_right_logical3A_142 : i32 to vector<16xi32>
    %shift_right_logical3A_144 = arith.shrui %add3A_141, %shift_right_logical3A_143 : vector<16xi32>
    %shift_right_logical3A_145 = arith.constant 7 : i32
    %shift_right_logical3A_146 = vector.broadcast %shift_right_logical3A_145 : i32 to vector<16xi32>
    %shift_right_logical3A_147 = arith.shrui %shift_right_logical3A_144, %shift_right_logical3A_146 : vector<16xi32>
    %and3A_148 = arith.constant 127 : i32
    %and3A_149 = vector.broadcast %and3A_148 : i32 to vector<16xi32>
    %and3A_150 = arith.andi %shift_right_logical3A_144, %and3A_149 : vector<16xi32>
    %gather3A_151 = tpu.vector_load_idx %arg9[%shift_right_logical3A_147, %and3A_150] : memref<16x128xf32, #tpu.memory_space<vmem>>[vector<16xi32>, vector<16xi32>], vector<16xf32>,
    %le3A_152 = arith.cmpf ole, %mul3A_11, %gather3A_151 : vector<16xf32>
    %select_n3A_153 = arith.select %le3A_152, %select_n3A_135, %add3A_141 : vector<16xi1>, vector<16xi32>
    %select_n3A_154 = arith.select %le3A_152, %add3A_141, %select_n3A_136 : vector<16xi1>, vector<16xi32>
    %sub3A_155 = arith.subi %select_n3A_154, %select_n3A_153 : vector<16xi32>
    %shift_right_logical3A_156 = arith.constant 1 : i32
    %shift_right_logical3A_157 = vector.broadcast %shift_right_logical3A_156 : i32 to vector<16xi32>
    %shift_right_logical3A_158 = arith.shrui %sub3A_155, %shift_right_logical3A_157 : vector<16xi32>
    %add3A_159 = arith.addi %select_n3A_153, %shift_right_logical3A_158 : vector<16xi32>
    %shift_right_logical3A_160 = arith.constant 7 : i32
    %shift_right_logical3A_161 = vector.broadcast %shift_right_logical3A_160 : i32 to vector<16xi32>
    %shift_right_logical3A_162 = arith.shrui %add3A_159, %shift_right_logical3A_161 : vector<16xi32>
    %shift_right_logical3A_163 = arith.constant 7 : i32
    %shift_right_logical3A_164 = vector.broadcast %shift_right_logical3A_163 : i32 to vector<16xi32>
    %shift_right_logical3A_165 = arith.shrui %shift_right_logical3A_162, %shift_right_logical3A_164 : vector<16xi32>
    %and3A_166 = arith.constant 127 : i32
    %and3A_167 = vector.broadcast %and3A_166 : i32 to vector<16xi32>
    %and3A_168 = arith.andi %shift_right_logical3A_162, %and3A_167 : vector<16xi32>
    %gather3A_169 = tpu.vector_load_idx %arg9[%shift_right_logical3A_165, %and3A_168] : memref<16x128xf32, #tpu.memory_space<vmem>>[vector<16xi32>, vector<16xi32>], vector<16xf32>,
    %le3A_170 = arith.cmpf ole, %mul3A_11, %gather3A_169 : vector<16xf32>
    %select_n3A_171 = arith.select %le3A_170, %select_n3A_153, %add3A_159 : vector<16xi1>, vector<16xi32>
    %select_n3A_172 = arith.select %le3A_170, %add3A_159, %select_n3A_154 : vector<16xi1>, vector<16xi32>
    %sub3A_173 = arith.subi %select_n3A_172, %select_n3A_171 : vector<16xi32>
    %shift_right_logical3A_174 = arith.constant 1 : i32
    %shift_right_logical3A_175 = vector.broadcast %shift_right_logical3A_174 : i32 to vector<16xi32>
    %shift_right_logical3A_176 = arith.shrui %sub3A_173, %shift_right_logical3A_175 : vector<16xi32>
    %add3A_177 = arith.addi %select_n3A_171, %shift_right_logical3A_176 : vector<16xi32>
    %shift_right_logical3A_178 = arith.constant 7 : i32
    %shift_right_logical3A_179 = vector.broadcast %shift_right_logical3A_178 : i32 to vector<16xi32>
    %shift_right_logical3A_180 = arith.shrui %add3A_177, %shift_right_logical3A_179 : vector<16xi32>
    %shift_right_logical3A_181 = arith.constant 7 : i32
    %shift_right_logical3A_182 = vector.broadcast %shift_right_logical3A_181 : i32 to vector<16xi32>
    %shift_right_logical3A_183 = arith.shrui %shift_right_logical3A_180, %shift_right_logical3A_182 : vector<16xi32>
    %and3A_184 = arith.constant 127 : i32
    %and3A_185 = vector.broadcast %and3A_184 : i32 to vector<16xi32>
    %and3A_186 = arith.andi %shift_right_logical3A_180, %and3A_185 : vector<16xi32>
    %gather3A_187 = tpu.vector_load_idx %arg9[%shift_right_logical3A_183, %and3A_186] : memref<16x128xf32, #tpu.memory_space<vmem>>[vector<16xi32>, vector<16xi32>], vector<16xf32>,
    %le3A_188 = arith.cmpf ole, %mul3A_11, %gather3A_187 : vector<16xf32>
    %select_n3A_189 = arith.select %le3A_188, %select_n3A_171, %add3A_177 : vector<16xi1>, vector<16xi32>
    %select_n3A_190 = arith.select %le3A_188, %add3A_177, %select_n3A_172 : vector<16xi1>, vector<16xi32>
    %sub3A_191 = arith.subi %select_n3A_190, %select_n3A_189 : vector<16xi32>
    %shift_right_logical3A_192 = arith.constant 1 : i32
    %shift_right_logical3A_193 = vector.broadcast %shift_right_logical3A_192 : i32 to vector<16xi32>
    %shift_right_logical3A_194 = arith.shrui %sub3A_191, %shift_right_logical3A_193 : vector<16xi32>
    %add3A_195 = arith.addi %select_n3A_189, %shift_right_logical3A_194 : vector<16xi32>
    %shift_right_logical3A_196 = arith.constant 7 : i32
    %shift_right_logical3A_197 = vector.broadcast %shift_right_logical3A_196 : i32 to vector<16xi32>
    %shift_right_logical3A_198 = arith.shrui %add3A_195, %shift_right_logical3A_197 : vector<16xi32>
    %shift_right_logical3A_199 = arith.constant 7 : i32
    %shift_right_logical3A_200 = vector.broadcast %shift_right_logical3A_199 : i32 to vector<16xi32>
    %shift_right_logical3A_201 = arith.shrui %shift_right_logical3A_198, %shift_right_logical3A_200 : vector<16xi32>
    %and3A_202 = arith.constant 127 : i32
    %and3A_203 = vector.broadcast %and3A_202 : i32 to vector<16xi32>
    %and3A_204 = arith.andi %shift_right_logical3A_198, %and3A_203 : vector<16xi32>
    %gather3A_205 = tpu.vector_load_idx %arg9[%shift_right_logical3A_201, %and3A_204] : memref<16x128xf32, #tpu.memory_space<vmem>>[vector<16xi32>, vector<16xi32>], vector<16xf32>,
    %le3A_206 = arith.cmpf ole, %mul3A_11, %gather3A_205 : vector<16xf32>
    %select_n3A_207 = arith.select %le3A_206, %select_n3A_189, %add3A_195 : vector<16xi1>, vector<16xi32>
    %select_n3A_208 = arith.select %le3A_206, %add3A_195, %select_n3A_190 : vector<16xi1>, vector<16xi32>
    %shift_right_logical3A_209 = arith.constant 7 : i32
    %shift_right_logical3A_210 = vector.broadcast %shift_right_logical3A_209 : i32 to vector<16xi32>
    %shift_right_logical3A_211 = arith.shrui %select_n3A_207, %shift_right_logical3A_210 : vector<16xi32>
    %swap3A = arith.constant 0 : index
    %swap3A_212 = tpu.vector_load %arg12[%swap3A] {strides = array<i32>} : memref<64xi32, #tpu.memory_space<vmem>>, vector<16xi32>,
    tpu.vector_store %arg12[%swap3A], %shift_right_logical3A_211 {strides = array<i32>} : memref<64xi32, #tpu.memory_space<vmem>>, vector<16xi32>,
    %get3A_213 = arith.constant 16 : index
    %get3A_214 = tpu.vector_load %arg11[%get3A_213] {strides = array<i32>} : memref<64xf32, #tpu.memory_space<vmem>>, vector<16xf32>,
    %sub3A_215 = arith.constant 1.000000e+00 : f32
    %sub3A_216 = vector.broadcast %sub3A_215 : f32 to vector<16xf32>
    %sub3A_217 = arith.subf %sub3A_216, %get3A_214 : vector<16xf32>
    %mul3A_218 = arith.mulf %get3A_6, %sub3A_217 : vector<16xf32>
    %broadcast_in_dim3A_219 = arith.constant 0 : i32
    %broadcast_in_dim3A_220 = vector.broadcast %broadcast_in_dim3A_219 : i32 to vector<16xi32>
    %broadcast_in_dim3A_221 = arith.constant 262144 : i32
    %broadcast_in_dim3A_222 = vector.broadcast %broadcast_in_dim3A_221 : i32 to vector<16xi32>
    %sub3A_223 = arith.subi %broadcast_in_dim3A_222, %broadcast_in_dim3A_220 : vector<16xi32>
    %shift_right_logical3A_224 = arith.constant 1 : i32
    %shift_right_logical3A_225 = vector.broadcast %shift_right_logical3A_224 : i32 to vector<16xi32>
    %shift_right_logical3A_226 = arith.shrui %sub3A_223, %shift_right_logical3A_225 : vector<16xi32>
    %add3A_227 = arith.addi %broadcast_in_dim3A_220, %shift_right_logical3A_226 : vector<16xi32>
    %shift_right_logical3A_228 = arith.constant 7 : i32
    %shift_right_logical3A_229 = vector.broadcast %shift_right_logical3A_228 : i32 to vector<16xi32>
    %shift_right_logical3A_230 = arith.shrui %add3A_227, %shift_right_logical3A_229 : vector<16xi32>
    %shift_right_logical3A_231 = arith.constant 7 : i32
    %shift_right_logical3A_232 = vector.broadcast %shift_right_logical3A_231 : i32 to vector<16xi32>
    %shift_right_logical3A_233 = arith.shrui %shift_right_logical3A_230, %shift_right_logical3A_232 : vector<16xi32>
    %and3A_234 = arith.constant 127 : i32
    %and3A_235 = vector.broadcast %and3A_234 : i32 to vector<16xi32>
    %and3A_236 = arith.andi %shift_right_logical3A_230, %and3A_235 : vector<16xi32>
    %gather3A_237 = tpu.vector_load_idx %arg9[%shift_right_logical3A_233, %and3A_236] : memref<16x128xf32, #tpu.memory_space<vmem>>[vector<16xi32>, vector<16xi32>], vector<16xf32>,
    %le3A_238 = arith.cmpf ole, %mul3A_218, %gather3A_237 : vector<16xf32>
    %select_n3A_239 = arith.select %le3A_238, %broadcast_in_dim3A_220, %add3A_227 : vector<16xi1>, vector<16xi32>
    %select_n3A_240 = arith.select %le3A_238, %add3A_227, %broadcast_in_dim3A_222 : vector<16xi1>, vector<16xi32>
    %sub3A_241 = arith.subi %select_n3A_240, %select_n3A_239 : vector<16xi32>
    %shift_right_logical3A_242 = arith.constant 1 : i32
    %shift_right_logical3A_243 = vector.broadcast %shift_right_logical3A_242 : i32 to vector<16xi32>
    %shift_right_logical3A_244 = arith.shrui %sub3A_241, %shift_right_logical3A_243 : vector<16xi32>
    %add3A_245 = arith.addi %select_n3A_239, %shift_right_logical3A_244 : vector<16xi32>
    %shift_right_logical3A_246 = arith.constant 7 : i32
    %shift_right_logical3A_247 = vector.broadcast %shift_right_logical3A_246 : i32 to vector<16xi32>
    %shift_right_logical3A_248 = arith.shrui %add3A_245, %shift_right_logical3A_247 : vector<16xi32>
    %shift_right_logical3A_249 = arith.constant 7 : i32
    %shift_right_logical3A_250 = vector.broadcast %shift_right_logical3A_249 : i32 to vector<16xi32>
    %shift_right_logical3A_251 = arith.shrui %shift_right_logical3A_248, %shift_right_logical3A_250 : vector<16xi32>
    %and3A_252 = arith.constant 127 : i32
    %and3A_253 = vector.broadcast %and3A_252 : i32 to vector<16xi32>
    %and3A_254 = arith.andi %shift_right_logical3A_248, %and3A_253 : vector<16xi32>
    %gather3A_255 = tpu.vector_load_idx %arg9[%shift_right_logical3A_251, %and3A_254] : memref<16x128xf32, #tpu.memory_space<vmem>>[vector<16xi32>, vector<16xi32>], vector<16xf32>,
    %le3A_256 = arith.cmpf ole, %mul3A_218, %gather3A_255 : vector<16xf32>
    %select_n3A_257 = arith.select %le3A_256, %select_n3A_239, %add3A_245 : vector<16xi1>, vector<16xi32>
    %select_n3A_258 = arith.select %le3A_256, %add3A_245, %select_n3A_240 : vector<16xi1>, vector<16xi32>
    %sub3A_259 = arith.subi %select_n3A_258, %select_n3A_257 : vector<16xi32>
    %shift_right_logical3A_260 = arith.constant 1 : i32
    %shift_right_logical3A_261 = vector.broadcast %shift_right_logical3A_260 : i32 to vector<16xi32>
    %shift_right_logical3A_262 = arith.shrui %sub3A_259, %shift_right_logical3A_261 : vector<16xi32>
    %add3A_263 = arith.addi %select_n3A_257, %shift_right_logical3A_262 : vector<16xi32>
    %shift_right_logical3A_264 = arith.constant 7 : i32
    %shift_right_logical3A_265 = vector.broadcast %shift_right_logical3A_264 : i32 to vector<16xi32>
    %shift_right_logical3A_266 = arith.shrui %add3A_263, %shift_right_logical3A_265 : vector<16xi32>
    %shift_right_logical3A_267 = arith.constant 7 : i32
    %shift_right_logical3A_268 = vector.broadcast %shift_right_logical3A_267 : i32 to vector<16xi32>
    %shift_right_logical3A_269 = arith.shrui %shift_right_logical3A_266, %shift_right_logical3A_268 : vector<16xi32>
    %and3A_270 = arith.constant 127 : i32
    %and3A_271 = vector.broadcast %and3A_270 : i32 to vector<16xi32>
    %and3A_272 = arith.andi %shift_right_logical3A_266, %and3A_271 : vector<16xi32>
    %gather3A_273 = tpu.vector_load_idx %arg9[%shift_right_logical3A_269, %and3A_272] : memref<16x128xf32, #tpu.memory_space<vmem>>[vector<16xi32>, vector<16xi32>], vector<16xf32>,
    %le3A_274 = arith.cmpf ole, %mul3A_218, %gather3A_273 : vector<16xf32>
    %select_n3A_275 = arith.select %le3A_274, %select_n3A_257, %add3A_263 : vector<16xi1>, vector<16xi32>
    %select_n3A_276 = arith.select %le3A_274, %add3A_263, %select_n3A_258 : vector<16xi1>, vector<16xi32>
    %sub3A_277 = arith.subi %select_n3A_276, %select_n3A_275 : vector<16xi32>
    %shift_right_logical3A_278 = arith.constant 1 : i32
    %shift_right_logical3A_279 = vector.broadcast %shift_right_logical3A_278 : i32 to vector<16xi32>
    %shift_right_logical3A_280 = arith.shrui %sub3A_277, %shift_right_logical3A_279 : vector<16xi32>
    %add3A_281 = arith.addi %select_n3A_275, %shift_right_logical3A_280 : vector<16xi32>
    %shift_right_logical3A_282 = arith.constant 7 : i32
    %shift_right_logical3A_283 = vector.broadcast %shift_right_logical3A_282 : i32 to vector<16xi32>
    %shift_right_logical3A_284 = arith.shrui %add3A_281, %shift_right_logical3A_283 : vector<16xi32>
    %shift_right_logical3A_285 = arith.constant 7 : i32
    %shift_right_logical3A_286 = vector.broadcast %shift_right_logical3A_285 : i32 to vector<16xi32>
    %shift_right_logical3A_287 = arith.shrui %shift_right_logical3A_284, %shift_right_logical3A_286 : vector<16xi32>
    %and3A_288 = arith.constant 127 : i32
    %and3A_289 = vector.broadcast %and3A_288 : i32 to vector<16xi32>
    %and3A_290 = arith.andi %shift_right_logical3A_284, %and3A_289 : vector<16xi32>
    %gather3A_291 = tpu.vector_load_idx %arg9[%shift_right_logical3A_287, %and3A_290] : memref<16x128xf32, #tpu.memory_space<vmem>>[vector<16xi32>, vector<16xi32>], vector<16xf32>,
    %le3A_292 = arith.cmpf ole, %mul3A_218, %gather3A_291 : vector<16xf32>
    %select_n3A_293 = arith.select %le3A_292, %select_n3A_275, %add3A_281 : vector<16xi1>, vector<16xi32>
    %select_n3A_294 = arith.select %le3A_292, %add3A_281, %select_n3A_276 : vector<16xi1>, vector<16xi32>
    %sub3A_295 = arith.subi %select_n3A_294, %select_n3A_293 : vector<16xi32>
    %shift_right_logical3A_296 = arith.constant 1 : i32
    %shift_right_logical3A_297 = vector.broadcast %shift_right_logical3A_296 : i32 to vector<16xi32>
    %shift_right_logical3A_298 = arith.shrui %sub3A_295, %shift_right_logical3A_297 : vector<16xi32>
    %add3A_299 = arith.addi %select_n3A_293, %shift_right_logical3A_298 : vector<16xi32>
    %shift_right_logical3A_300 = arith.constant 7 : i32
    %shift_right_logical3A_301 = vector.broadcast %shift_right_logical3A_300 : i32 to vector<16xi32>
    %shift_right_logical3A_302 = arith.shrui %add3A_299, %shift_right_logical3A_301 : vector<16xi32>
    %shift_right_logical3A_303 = arith.constant 7 : i32
    %shift_right_logical3A_304 = vector.broadcast %shift_right_logical3A_303 : i32 to vector<16xi32>
    %shift_right_logical3A_305 = arith.shrui %shift_right_logical3A_302, %shift_right_logical3A_304 : vector<16xi32>
    %and3A_306 = arith.constant 127 : i32
    %and3A_307 = vector.broadcast %and3A_306 : i32 to vector<16xi32>
    %and3A_308 = arith.andi %shift_right_logical3A_302, %and3A_307 : vector<16xi32>
    %gather3A_309 = tpu.vector_load_idx %arg9[%shift_right_logical3A_305, %and3A_308] : memref<16x128xf32, #tpu.memory_space<vmem>>[vector<16xi32>, vector<16xi32>], vector<16xf32>,
    %le3A_310 = arith.cmpf ole, %mul3A_218, %gather3A_309 : vector<16xf32>
    %select_n3A_311 = arith.select %le3A_310, %select_n3A_293, %add3A_299 : vector<16xi1>, vector<16xi32>
    %select_n3A_312 = arith.select %le3A_310, %add3A_299, %select_n3A_294 : vector<16xi1>, vector<16xi32>
    %sub3A_313 = arith.subi %select_n3A_312, %select_n3A_311 : vector<16xi32>
    %shift_right_logical3A_314 = arith.constant 1 : i32
    %shift_right_logical3A_315 = vector.broadcast %shift_right_logical3A_314 : i32 to vector<16xi32>
    %shift_right_logical3A_316 = arith.shrui %sub3A_313, %shift_right_logical3A_315 : vector<16xi32>
    %add3A_317 = arith.addi %select_n3A_311, %shift_right_logical3A_316 : vector<16xi32>
    %shift_right_logical3A_318 = arith.constant 7 : i32
    %shift_right_logical3A_319 = vector.broadcast %shift_right_logical3A_318 : i32 to vector<16xi32>
    %shift_right_logical3A_320 = arith.shrui %add3A_317, %shift_right_logical3A_319 : vector<16xi32>
    %shift_right_logical3A_321 = arith.constant 7 : i32
    %shift_right_logical3A_322 = vector.broadcast %shift_right_logical3A_321 : i32 to vector<16xi32>
    %shift_right_logical3A_323 = arith.shrui %shift_right_logical3A_320, %shift_right_logical3A_322 : vector<16xi32>
    %and3A_324 = arith.constant 127 : i32
    %and3A_325 = vector.broadcast %and3A_324 : i32 to vector<16xi32>
    %and3A_326 = arith.andi %shift_right_logical3A_320, %and3A_325 : vector<16xi32>
    %gather3A_327 = tpu.vector_load_idx %arg9[%shift_right_logical3A_323, %and3A_326] : memref<16x128xf32, #tpu.memory_space<vmem>>[vector<16xi32>, vector<16xi32>], vector<16xf32>,
    %le3A_328 = arith.cmpf ole, %mul3A_218, %gather3A_327 : vector<16xf32>
    %select_n3A_329 = arith.select %le3A_328, %select_n3A_311, %add3A_317 : vector<16xi1>, vector<16xi32>
    %select_n3A_330 = arith.select %le3A_328, %add3A_317, %select_n3A_312 : vector<16xi1>, vector<16xi32>
    %sub3A_331 = arith.subi %select_n3A_330, %select_n3A_329 : vector<16xi32>
    %shift_right_logical3A_332 = arith.constant 1 : i32
    %shift_right_logical3A_333 = vector.broadcast %shift_right_logical3A_332 : i32 to vector<16xi32>
    %shift_right_logical3A_334 = arith.shrui %sub3A_331, %shift_right_logical3A_333 : vector<16xi32>
    %add3A_335 = arith.addi %select_n3A_329, %shift_right_logical3A_334 : vector<16xi32>
    %shift_right_logical3A_336 = arith.constant 7 : i32
    %shift_right_logical3A_337 = vector.broadcast %shift_right_logical3A_336 : i32 to vector<16xi32>
    %shift_right_logical3A_338 = arith.shrui %add3A_335, %shift_right_logical3A_337 : vector<16xi32>
    %shift_right_logical3A_339 = arith.constant 7 : i32
    %shift_right_logical3A_340 = vector.broadcast %shift_right_logical3A_339 : i32 to vector<16xi32>
    %shift_right_logical3A_341 = arith.shrui %shift_right_logical3A_338, %shift_right_logical3A_340 : vector<16xi32>
    %and3A_342 = arith.constant 127 : i32
    %and3A_343 = vector.broadcast %and3A_342 : i32 to vector<16xi32>
    %and3A_344 = arith.andi %shift_right_logical3A_338, %and3A_343 : vector<16xi32>
    %gather3A_345 = tpu.vector_load_idx %arg9[%shift_right_logical3A_341, %and3A_344] : memref<16x128xf32, #tpu.memory_space<vmem>>[vector<16xi32>, vector<16xi32>], vector<16xf32>,
    %le3A_346 = arith.cmpf ole, %mul3A_218, %gather3A_345 : vector<16xf32>
    %select_n3A_347 = arith.select %le3A_346, %select_n3A_329, %add3A_335 : vector<16xi1>, vector<16xi32>
    %select_n3A_348 = arith.select %le3A_346, %add3A_335, %select_n3A_330 : vector<16xi1>, vector<16xi32>
    %sub3A_349 = arith.subi %select_n3A_348, %select_n3A_347 : vector<16xi32>
    %shift_right_logical3A_350 = arith.constant 1 : i32
    %shift_right_logical3A_351 = vector.broadcast %shift_right_logical3A_350 : i32 to vector<16xi32>
    %shift_right_logical3A_352 = arith.shrui %sub3A_349, %shift_right_logical3A_351 : vector<16xi32>
    %add3A_353 = arith.addi %select_n3A_347, %shift_right_logical3A_352 : vector<16xi32>
    %shift_right_logical3A_354 = arith.constant 7 : i32
    %shift_right_logical3A_355 = vector.broadcast %shift_right_logical3A_354 : i32 to vector<16xi32>
    %shift_right_logical3A_356 = arith.shrui %add3A_353, %shift_right_logical3A_355 : vector<16xi32>
    %shift_right_logical3A_357 = arith.constant 7 : i32
    %shift_right_logical3A_358 = vector.broadcast %shift_right_logical3A_357 : i32 to vector<16xi32>
    %shift_right_logical3A_359 = arith.shrui %shift_right_logical3A_356, %shift_right_logical3A_358 : vector<16xi32>
    %and3A_360 = arith.constant 127 : i32
    %and3A_361 = vector.broadcast %and3A_360 : i32 to vector<16xi32>
    %and3A_362 = arith.andi %shift_right_logical3A_356, %and3A_361 : vector<16xi32>
    %gather3A_363 = tpu.vector_load_idx %arg9[%shift_right_logical3A_359, %and3A_362] : memref<16x128xf32, #tpu.memory_space<vmem>>[vector<16xi32>, vector<16xi32>], vector<16xf32>,
    %le3A_364 = arith.cmpf ole, %mul3A_218, %gather3A_363 : vector<16xf32>
    %select_n3A_365 = arith.select %le3A_364, %select_n3A_347, %add3A_353 : vector<16xi1>, vector<16xi32>
    %select_n3A_366 = arith.select %le3A_364, %add3A_353, %select_n3A_348 : vector<16xi1>, vector<16xi32>
    %sub3A_367 = arith.subi %select_n3A_366, %select_n3A_365 : vector<16xi32>
    %shift_right_logical3A_368 = arith.constant 1 : i32
    %shift_right_logical3A_369 = vector.broadcast %shift_right_logical3A_368 : i32 to vector<16xi32>
    %shift_right_logical3A_370 = arith.shrui %sub3A_367, %shift_right_logical3A_369 : vector<16xi32>
    %add3A_371 = arith.addi %select_n3A_365, %shift_right_logical3A_370 : vector<16xi32>
    %shift_right_logical3A_372 = arith.constant 7 : i32
    %shift_right_logical3A_373 = vector.broadcast %shift_right_logical3A_372 : i32 to vector<16xi32>
    %shift_right_logical3A_374 = arith.shrui %add3A_371, %shift_right_logical3A_373 : vector<16xi32>
    %shift_right_logical3A_375 = arith.constant 7 : i32
    %shift_right_logical3A_376 = vector.broadcast %shift_right_logical3A_375 : i32 to vector<16xi32>
    %shift_right_logical3A_377 = arith.shrui %shift_right_logical3A_374, %shift_right_logical3A_376 : vector<16xi32>
    %and3A_378 = arith.constant 127 : i32
    %and3A_379 = vector.broadcast %and3A_378 : i32 to vector<16xi32>
    %and3A_380 = arith.andi %shift_right_logical3A_374, %and3A_379 : vector<16xi32>
    %gather3A_381 = tpu.vector_load_idx %arg9[%shift_right_logical3A_377, %and3A_380] : memref<16x128xf32, #tpu.memory_space<vmem>>[vector<16xi32>, vector<16xi32>], vector<16xf32>,
    %le3A_382 = arith.cmpf ole, %mul3A_218, %gather3A_381 : vector<16xf32>
    %select_n3A_383 = arith.select %le3A_382, %select_n3A_365, %add3A_371 : vector<16xi1>, vector<16xi32>
    %select_n3A_384 = arith.select %le3A_382, %add3A_371, %select_n3A_366 : vector<16xi1>, vector<16xi32>
    %sub3A_385 = arith.subi %select_n3A_384, %select_n3A_383 : vector<16xi32>
    %shift_right_logical3A_386 = arith.constant 1 : i32
    %shift_right_logical3A_387 = vector.broadcast %shift_right_logical3A_386 : i32 to vector<16xi32>
    %shift_right_logical3A_388 = arith.shrui %sub3A_385, %shift_right_logical3A_387 : vector<16xi32>
    %add3A_389 = arith.addi %select_n3A_383, %shift_right_logical3A_388 : vector<16xi32>
    %shift_right_logical3A_390 = arith.constant 7 : i32
    %shift_right_logical3A_391 = vector.broadcast %shift_right_logical3A_390 : i32 to vector<16xi32>
    %shift_right_logical3A_392 = arith.shrui %add3A_389, %shift_right_logical3A_391 : vector<16xi32>
    %shift_right_logical3A_393 = arith.constant 7 : i32
    %shift_right_logical3A_394 = vector.broadcast %shift_right_logical3A_393 : i32 to vector<16xi32>
    %shift_right_logical3A_395 = arith.shrui %shift_right_logical3A_392, %shift_right_logical3A_394 : vector<16xi32>
    %and3A_396 = arith.constant 127 : i32
    %and3A_397 = vector.broadcast %and3A_396 : i32 to vector<16xi32>
    %and3A_398 = arith.andi %shift_right_logical3A_392, %and3A_397 : vector<16xi32>
    %gather3A_399 = tpu.vector_load_idx %arg9[%shift_right_logical3A_395, %and3A_398] : memref<16x128xf32, #tpu.memory_space<vmem>>[vector<16xi32>, vector<16xi32>], vector<16xf32>,
    %le3A_400 = arith.cmpf ole, %mul3A_218, %gather3A_399 : vector<16xf32>
    %select_n3A_401 = arith.select %le3A_400, %select_n3A_383, %add3A_389 : vector<16xi1>, vector<16xi32>
    %select_n3A_402 = arith.select %le3A_400, %add3A_389, %select_n3A_384 : vector<16xi1>, vector<16xi32>
    %sub3A_403 = arith.subi %select_n3A_402, %select_n3A_401 : vector<16xi32>
    %shift_right_logical3A_404 = arith.constant 1 : i32
    %shift_right_logical3A_405 = vector.broadcast %shift_right_logical3A_404 : i32 to vector<16xi32>
    %shift_right_logical3A_406 = arith.shrui %sub3A_403, %shift_right_logical3A_405 : vector<16xi32>
    %add3A_407 = arith.addi %select_n3A_401, %shift_right_logical3A_406 : vector<16xi32>
    %shift_right_logical3A_408 = arith.constant 7 : i32
    %shift_right_logical3A_409 = vector.broadcast %shift_right_logical3A_408 : i32 to vector<16xi32>
    %shift_right_logical3A_410 = arith.shrui %add3A_407, %shift_right_logical3A_409 : vector<16xi32>
    %shift_right_logical3A_411 = arith.constant 7 : i32
    %shift_right_logical3A_412 = vector.broadcast %shift_right_logical3A_411 : i32 to vector<16xi32>
    %shift_right_logical3A_413 = arith.shrui %shift_right_logical3A_410, %shift_right_logical3A_412 : vector<16xi32>
    %and3A_414 = arith.constant 127 : i32
    %and3A_415 = vector.broadcast %and3A_414 : i32 to vector<16xi32>
    %and3A_416 = arith.andi %shift_right_logical3A_410, %and3A_415 : vector<16xi32>
    %gather3A_417 = tpu.vector_load_idx %arg9[%shift_right_logical3A_413, %and3A_416] : memref<16x128xf32, #tpu.memory_space<vmem>>[vector<16xi32>, vector<16xi32>], vector<16xf32>,
    %le3A_418 = arith.cmpf ole, %mul3A_218, %gather3A_417 : vector<16xf32>
    %select_n3A_419 = arith.select %le3A_418, %select_n3A_401, %add3A_407 : vector<16xi1>, vector<16xi32>
    %select_n3A_420 = arith.select %le3A_418, %add3A_407, %select_n3A_402 : vector<16xi1>, vector<16xi32>
    %shift_right_logical3A_421 = arith.constant 7 : i32
    %shift_right_logical3A_422 = vector.broadcast %shift_right_logical3A_421 : i32 to vector<16xi32>
    %shift_right_logical3A_423 = arith.shrui %select_n3A_419, %shift_right_logical3A_422 : vector<16xi32>
    %swap3A_424 = arith.constant 16 : index
    %swap3A_425 = tpu.vector_load %arg12[%swap3A_424] {strides = array<i32>} : memref<64xi32, #tpu.memory_space<vmem>>, vector<16xi32>,
    tpu.vector_store %arg12[%swap3A_424], %shift_right_logical3A_423 {strides = array<i32>} : memref<64xi32, #tpu.memory_space<vmem>>, vector<16xi32>,
    %get3A_426 = arith.constant 32 : index
    %get3A_427 = tpu.vector_load %arg11[%get3A_426] {strides = array<i32>} : memref<64xf32, #tpu.memory_space<vmem>>, vector<16xf32>,
    %sub3A_428 = arith.constant 1.000000e+00 : f32
    %sub3A_429 = vector.broadcast %sub3A_428 : f32 to vector<16xf32>
    %sub3A_430 = arith.subf %sub3A_429, %get3A_427 : vector<16xf32>
    %mul3A_431 = arith.mulf %get3A_6, %sub3A_430 : vector<16xf32>
    %broadcast_in_dim3A_432 = arith.constant 0 : i32
    %broadcast_in_dim3A_433 = vector.broadcast %broadcast_in_dim3A_432 : i32 to vector<16xi32>
    %broadcast_in_dim3A_434 = arith.constant 262144 : i32
    %broadcast_in_dim3A_435 = vector.broadcast %broadcast_in_dim3A_434 : i32 to vector<16xi32>
    %sub3A_436 = arith.subi %broadcast_in_dim3A_435, %broadcast_in_dim3A_433 : vector<16xi32>
    %shift_right_logical3A_437 = arith.constant 1 : i32
    %shift_right_logical3A_438 = vector.broadcast %shift_right_logical3A_437 : i32 to vector<16xi32>
    %shift_right_logical3A_439 = arith.shrui %sub3A_436, %shift_right_logical3A_438 : vector<16xi32>
    %add3A_440 = arith.addi %broadcast_in_dim3A_433, %shift_right_logical3A_439 : vector<16xi32>
    %shift_right_logical3A_441 = arith.constant 7 : i32
    %shift_right_logical3A_442 = vector.broadcast %shift_right_logical3A_441 : i32 to vector<16xi32>
    %shift_right_logical3A_443 = arith.shrui %add3A_440, %shift_right_logical3A_442 : vector<16xi32>
    %shift_right_logical3A_444 = arith.constant 7 : i32
    %shift_right_logical3A_445 = vector.broadcast %shift_right_logical3A_444 : i32 to vector<16xi32>
    %shift_right_logical3A_446 = arith.shrui %shift_right_logical3A_443, %shift_right_logical3A_445 : vector<16xi32>
    %and3A_447 = arith.constant 127 : i32
    %and3A_448 = vector.broadcast %and3A_447 : i32 to vector<16xi32>
    %and3A_449 = arith.andi %shift_right_logical3A_443, %and3A_448 : vector<16xi32>
    %gather3A_450 = tpu.vector_load_idx %arg9[%shift_right_logical3A_446, %and3A_449] : memref<16x128xf32, #tpu.memory_space<vmem>>[vector<16xi32>, vector<16xi32>], vector<16xf32>,
    %le3A_451 = arith.cmpf ole, %mul3A_431, %gather3A_450 : vector<16xf32>
    %select_n3A_452 = arith.select %le3A_451, %broadcast_in_dim3A_433, %add3A_440 : vector<16xi1>, vector<16xi32>
    %select_n3A_453 = arith.select %le3A_451, %add3A_440, %broadcast_in_dim3A_435 : vector<16xi1>, vector<16xi32>
    %sub3A_454 = arith.subi %select_n3A_453, %select_n3A_452 : vector<16xi32>
    %shift_right_logical3A_455 = arith.constant 1 : i32
    %shift_right_logical3A_456 = vector.broadcast %shift_right_logical3A_455 : i32 to vector<16xi32>
    %shift_right_logical3A_457 = arith.shrui %sub3A_454, %shift_right_logical3A_456 : vector<16xi32>
    %add3A_458 = arith.addi %select_n3A_452, %shift_right_logical3A_457 : vector<16xi32>
    %shift_right_logical3A_459 = arith.constant 7 : i32
    %shift_right_logical3A_460 = vector.broadcast %shift_right_logical3A_459 : i32 to vector<16xi32>
    %shift_right_logical3A_461 = arith.shrui %add3A_458, %shift_right_logical3A_460 : vector<16xi32>
    %shift_right_logical3A_462 = arith.constant 7 : i32
    %shift_right_logical3A_463 = vector.broadcast %shift_right_logical3A_462 : i32 to vector<16xi32>
    %shift_right_logical3A_464 = arith.shrui %shift_right_logical3A_461, %shift_right_logical3A_463 : vector<16xi32>
    %and3A_465 = arith.constant 127 : i32
    %and3A_466 = vector.broadcast %and3A_465 : i32 to vector<16xi32>
    %and3A_467 = arith.andi %shift_right_logical3A_461, %and3A_466 : vector<16xi32>
    %gather3A_468 = tpu.vector_load_idx %arg9[%shift_right_logical3A_464, %and3A_467] : memref<16x128xf32, #tpu.memory_space<vmem>>[vector<16xi32>, vector<16xi32>], vector<16xf32>,
    %le3A_469 = arith.cmpf ole, %mul3A_431, %gather3A_468 : vector<16xf32>
    %select_n3A_470 = arith.select %le3A_469, %select_n3A_452, %add3A_458 : vector<16xi1>, vector<16xi32>
    %select_n3A_471 = arith.select %le3A_469, %add3A_458, %select_n3A_453 : vector<16xi1>, vector<16xi32>
    %sub3A_472 = arith.subi %select_n3A_471, %select_n3A_470 : vector<16xi32>
    %shift_right_logical3A_473 = arith.constant 1 : i32
    %shift_right_logical3A_474 = vector.broadcast %shift_right_logical3A_473 : i32 to vector<16xi32>
    %shift_right_logical3A_475 = arith.shrui %sub3A_472, %shift_right_logical3A_474 : vector<16xi32>
    %add3A_476 = arith.addi %select_n3A_470, %shift_right_logical3A_475 : vector<16xi32>
    %shift_right_logical3A_477 = arith.constant 7 : i32
    %shift_right_logical3A_478 = vector.broadcast %shift_right_logical3A_477 : i32 to vector<16xi32>
    %shift_right_logical3A_479 = arith.shrui %add3A_476, %shift_right_logical3A_478 : vector<16xi32>
    %shift_right_logical3A_480 = arith.constant 7 : i32
    %shift_right_logical3A_481 = vector.broadcast %shift_right_logical3A_480 : i32 to vector<16xi32>
    %shift_right_logical3A_482 = arith.shrui %shift_right_logical3A_479, %shift_right_logical3A_481 : vector<16xi32>
    %and3A_483 = arith.constant 127 : i32
    %and3A_484 = vector.broadcast %and3A_483 : i32 to vector<16xi32>
    %and3A_485 = arith.andi %shift_right_logical3A_479, %and3A_484 : vector<16xi32>
    %gather3A_486 = tpu.vector_load_idx %arg9[%shift_right_logical3A_482, %and3A_485] : memref<16x128xf32, #tpu.memory_space<vmem>>[vector<16xi32>, vector<16xi32>], vector<16xf32>,
    %le3A_487 = arith.cmpf ole, %mul3A_431, %gather3A_486 : vector<16xf32>
    %select_n3A_488 = arith.select %le3A_487, %select_n3A_470, %add3A_476 : vector<16xi1>, vector<16xi32>
    %select_n3A_489 = arith.select %le3A_487, %add3A_476, %select_n3A_471 : vector<16xi1>, vector<16xi32>
    %sub3A_490 = arith.subi %select_n3A_489, %select_n3A_488 : vector<16xi32>
    %shift_right_logical3A_491 = arith.constant 1 : i32
    %shift_right_logical3A_492 = vector.broadcast %shift_right_logical3A_491 : i32 to vector<16xi32>
    %shift_right_logical3A_493 = arith.shrui %sub3A_490, %shift_right_logical3A_492 : vector<16xi32>
    %add3A_494 = arith.addi %select_n3A_488, %shift_right_logical3A_493 : vector<16xi32>
    %shift_right_logical3A_495 = arith.constant 7 : i32
    %shift_right_logical3A_496 = vector.broadcast %shift_right_logical3A_495 : i32 to vector<16xi32>
    %shift_right_logical3A_497 = arith.shrui %add3A_494, %shift_right_logical3A_496 : vector<16xi32>
    %shift_right_logical3A_498 = arith.constant 7 : i32
    %shift_right_logical3A_499 = vector.broadcast %shift_right_logical3A_498 : i32 to vector<16xi32>
    %shift_right_logical3A_500 = arith.shrui %shift_right_logical3A_497, %shift_right_logical3A_499 : vector<16xi32>
    %and3A_501 = arith.constant 127 : i32
    %and3A_502 = vector.broadcast %and3A_501 : i32 to vector<16xi32>
    %and3A_503 = arith.andi %shift_right_logical3A_497, %and3A_502 : vector<16xi32>
    %gather3A_504 = tpu.vector_load_idx %arg9[%shift_right_logical3A_500, %and3A_503] : memref<16x128xf32, #tpu.memory_space<vmem>>[vector<16xi32>, vector<16xi32>], vector<16xf32>,
    %le3A_505 = arith.cmpf ole, %mul3A_431, %gather3A_504 : vector<16xf32>
    %select_n3A_506 = arith.select %le3A_505, %select_n3A_488, %add3A_494 : vector<16xi1>, vector<16xi32>
    %select_n3A_507 = arith.select %le3A_505, %add3A_494, %select_n3A_489 : vector<16xi1>, vector<16xi32>
    %sub3A_508 = arith.subi %select_n3A_507, %select_n3A_506 : vector<16xi32>
    %shift_right_logical3A_509 = arith.constant 1 : i32
    %shift_right_logical3A_510 = vector.broadcast %shift_right_logical3A_509 : i32 to vector<16xi32>
    %shift_right_logical3A_511 = arith.shrui %sub3A_508, %shift_right_logical3A_510 : vector<16xi32>
    %add3A_512 = arith.addi %select_n3A_506, %shift_right_logical3A_511 : vector<16xi32>
    %shift_right_logical3A_513 = arith.constant 7 : i32
    %shift_right_logical3A_514 = vector.broadcast %shift_right_logical3A_513 : i32 to vector<16xi32>
    %shift_right_logical3A_515 = arith.shrui %add3A_512, %shift_right_logical3A_514 : vector<16xi32>
    %shift_right_logical3A_516 = arith.constant 7 : i32
    %shift_right_logical3A_517 = vector.broadcast %shift_right_logical3A_516 : i32 to vector<16xi32>
    %shift_right_logical3A_518 = arith.shrui %shift_right_logical3A_515, %shift_right_logical3A_517 : vector<16xi32>
    %and3A_519 = arith.constant 127 : i32
    %and3A_520 = vector.broadcast %and3A_519 : i32 to vector<16xi32>
    %and3A_521 = arith.andi %shift_right_logical3A_515, %and3A_520 : vector<16xi32>
    %gather3A_522 = tpu.vector_load_idx %arg9[%shift_right_logical3A_518, %and3A_521] : memref<16x128xf32, #tpu.memory_space<vmem>>[vector<16xi32>, vector<16xi32>], vector<16xf32>,
    %le3A_523 = arith.cmpf ole, %mul3A_431, %gather3A_522 : vector<16xf32>
    %select_n3A_524 = arith.select %le3A_523, %select_n3A_506, %add3A_512 : vector<16xi1>, vector<16xi32>
    %select_n3A_525 = arith.select %le3A_523, %add3A_512, %select_n3A_507 : vector<16xi1>, vector<16xi32>
    %sub3A_526 = arith.subi %select_n3A_525, %select_n3A_524 : vector<16xi32>
    %shift_right_logical3A_527 = arith.constant 1 : i32
    %shift_right_logical3A_528 = vector.broadcast %shift_right_logical3A_527 : i32 to vector<16xi32>
    %shift_right_logical3A_529 = arith.shrui %sub3A_526, %shift_right_logical3A_528 : vector<16xi32>
    %add3A_530 = arith.addi %select_n3A_524, %shift_right_logical3A_529 : vector<16xi32>
    %shift_right_logical3A_531 = arith.constant 7 : i32
    %shift_right_logical3A_532 = vector.broadcast %shift_right_logical3A_531 : i32 to vector<16xi32>
    %shift_right_logical3A_533 = arith.shrui %add3A_530, %shift_right_logical3A_532 : vector<16xi32>
    %shift_right_logical3A_534 = arith.constant 7 : i32
    %shift_right_logical3A_535 = vector.broadcast %shift_right_logical3A_534 : i32 to vector<16xi32>
    %shift_right_logical3A_536 = arith.shrui %shift_right_logical3A_533, %shift_right_logical3A_535 : vector<16xi32>
    %and3A_537 = arith.constant 127 : i32
    %and3A_538 = vector.broadcast %and3A_537 : i32 to vector<16xi32>
    %and3A_539 = arith.andi %shift_right_logical3A_533, %and3A_538 : vector<16xi32>
    %gather3A_540 = tpu.vector_load_idx %arg9[%shift_right_logical3A_536, %and3A_539] : memref<16x128xf32, #tpu.memory_space<vmem>>[vector<16xi32>, vector<16xi32>], vector<16xf32>,
    %le3A_541 = arith.cmpf ole, %mul3A_431, %gather3A_540 : vector<16xf32>
    %select_n3A_542 = arith.select %le3A_541, %select_n3A_524, %add3A_530 : vector<16xi1>, vector<16xi32>
    %select_n3A_543 = arith.select %le3A_541, %add3A_530, %select_n3A_525 : vector<16xi1>, vector<16xi32>
    %sub3A_544 = arith.subi %select_n3A_543, %select_n3A_542 : vector<16xi32>
    %shift_right_logical3A_545 = arith.constant 1 : i32
    %shift_right_logical3A_546 = vector.broadcast %shift_right_logical3A_545 : i32 to vector<16xi32>
    %shift_right_logical3A_547 = arith.shrui %sub3A_544, %shift_right_logical3A_546 : vector<16xi32>
    %add3A_548 = arith.addi %select_n3A_542, %shift_right_logical3A_547 : vector<16xi32>
    %shift_right_logical3A_549 = arith.constant 7 : i32
    %shift_right_logical3A_550 = vector.broadcast %shift_right_logical3A_549 : i32 to vector<16xi32>
    %shift_right_logical3A_551 = arith.shrui %add3A_548, %shift_right_logical3A_550 : vector<16xi32>
    %shift_right_logical3A_552 = arith.constant 7 : i32
    %shift_right_logical3A_553 = vector.broadcast %shift_right_logical3A_552 : i32 to vector<16xi32>
    %shift_right_logical3A_554 = arith.shrui %shift_right_logical3A_551, %shift_right_logical3A_553 : vector<16xi32>
    %and3A_555 = arith.constant 127 : i32
    %and3A_556 = vector.broadcast %and3A_555 : i32 to vector<16xi32>
    %and3A_557 = arith.andi %shift_right_logical3A_551, %and3A_556 : vector<16xi32>
    %gather3A_558 = tpu.vector_load_idx %arg9[%shift_right_logical3A_554, %and3A_557] : memref<16x128xf32, #tpu.memory_space<vmem>>[vector<16xi32>, vector<16xi32>], vector<16xf32>,
    %le3A_559 = arith.cmpf ole, %mul3A_431, %gather3A_558 : vector<16xf32>
    %select_n3A_560 = arith.select %le3A_559, %select_n3A_542, %add3A_548 : vector<16xi1>, vector<16xi32>
    %select_n3A_561 = arith.select %le3A_559, %add3A_548, %select_n3A_543 : vector<16xi1>, vector<16xi32>
    %sub3A_562 = arith.subi %select_n3A_561, %select_n3A_560 : vector<16xi32>
    %shift_right_logical3A_563 = arith.constant 1 : i32
    %shift_right_logical3A_564 = vector.broadcast %shift_right_logical3A_563 : i32 to vector<16xi32>
    %shift_right_logical3A_565 = arith.shrui %sub3A_562, %shift_right_logical3A_564 : vector<16xi32>
    %add3A_566 = arith.addi %select_n3A_560, %shift_right_logical3A_565 : vector<16xi32>
    %shift_right_logical3A_567 = arith.constant 7 : i32
    %shift_right_logical3A_568 = vector.broadcast %shift_right_logical3A_567 : i32 to vector<16xi32>
    %shift_right_logical3A_569 = arith.shrui %add3A_566, %shift_right_logical3A_568 : vector<16xi32>
    %shift_right_logical3A_570 = arith.constant 7 : i32
    %shift_right_logical3A_571 = vector.broadcast %shift_right_logical3A_570 : i32 to vector<16xi32>
    %shift_right_logical3A_572 = arith.shrui %shift_right_logical3A_569, %shift_right_logical3A_571 : vector<16xi32>
    %and3A_573 = arith.constant 127 : i32
    %and3A_574 = vector.broadcast %and3A_573 : i32 to vector<16xi32>
    %and3A_575 = arith.andi %shift_right_logical3A_569, %and3A_574 : vector<16xi32>
    %gather3A_576 = tpu.vector_load_idx %arg9[%shift_right_logical3A_572, %and3A_575] : memref<16x128xf32, #tpu.memory_space<vmem>>[vector<16xi32>, vector<16xi32>], vector<16xf32>,
    %le3A_577 = arith.cmpf ole, %mul3A_431, %gather3A_576 : vector<16xf32>
    %select_n3A_578 = arith.select %le3A_577, %select_n3A_560, %add3A_566 : vector<16xi1>, vector<16xi32>
    %select_n3A_579 = arith.select %le3A_577, %add3A_566, %select_n3A_561 : vector<16xi1>, vector<16xi32>
    %sub3A_580 = arith.subi %select_n3A_579, %select_n3A_578 : vector<16xi32>
    %shift_right_logical3A_581 = arith.constant 1 : i32
    %shift_right_logical3A_582 = vector.broadcast %shift_right_logical3A_581 : i32 to vector<16xi32>
    %shift_right_logical3A_583 = arith.shrui %sub3A_580, %shift_right_logical3A_582 : vector<16xi32>
    %add3A_584 = arith.addi %select_n3A_578, %shift_right_logical3A_583 : vector<16xi32>
    %shift_right_logical3A_585 = arith.constant 7 : i32
    %shift_right_logical3A_586 = vector.broadcast %shift_right_logical3A_585 : i32 to vector<16xi32>
    %shift_right_logical3A_587 = arith.shrui %add3A_584, %shift_right_logical3A_586 : vector<16xi32>
    %shift_right_logical3A_588 = arith.constant 7 : i32
    %shift_right_logical3A_589 = vector.broadcast %shift_right_logical3A_588 : i32 to vector<16xi32>
    %shift_right_logical3A_590 = arith.shrui %shift_right_logical3A_587, %shift_right_logical3A_589 : vector<16xi32>
    %and3A_591 = arith.constant 127 : i32
    %and3A_592 = vector.broadcast %and3A_591 : i32 to vector<16xi32>
    %and3A_593 = arith.andi %shift_right_logical3A_587, %and3A_592 : vector<16xi32>
    %gather3A_594 = tpu.vector_load_idx %arg9[%shift_right_logical3A_590, %and3A_593] : memref<16x128xf32, #tpu.memory_space<vmem>>[vector<16xi32>, vector<16xi32>], vector<16xf32>,
    %le3A_595 = arith.cmpf ole, %mul3A_431, %gather3A_594 : vector<16xf32>
    %select_n3A_596 = arith.select %le3A_595, %select_n3A_578, %add3A_584 : vector<16xi1>, vector<16xi32>
    %select_n3A_597 = arith.select %le3A_595, %add3A_584, %select_n3A_579 : vector<16xi1>, vector<16xi32>
    %sub3A_598 = arith.subi %select_n3A_597, %select_n3A_596 : vector<16xi32>
    %shift_right_logical3A_599 = arith.constant 1 : i32
    %shift_right_logical3A_600 = vector.broadcast %shift_right_logical3A_599 : i32 to vector<16xi32>
    %shift_right_logical3A_601 = arith.shrui %sub3A_598, %shift_right_logical3A_600 : vector<16xi32>
    %add3A_602 = arith.addi %select_n3A_596, %shift_right_logical3A_601 : vector<16xi32>
    %shift_right_logical3A_603 = arith.constant 7 : i32
    %shift_right_logical3A_604 = vector.broadcast %shift_right_logical3A_603 : i32 to vector<16xi32>
    %shift_right_logical3A_605 = arith.shrui %add3A_602, %shift_right_logical3A_604 : vector<16xi32>
    %shift_right_logical3A_606 = arith.constant 7 : i32
    %shift_right_logical3A_607 = vector.broadcast %shift_right_logical3A_606 : i32 to vector<16xi32>
    %shift_right_logical3A_608 = arith.shrui %shift_right_logical3A_605, %shift_right_logical3A_607 : vector<16xi32>
    %and3A_609 = arith.constant 127 : i32
    %and3A_610 = vector.broadcast %and3A_609 : i32 to vector<16xi32>
    %and3A_611 = arith.andi %shift_right_logical3A_605, %and3A_610 : vector<16xi32>
    %gather3A_612 = tpu.vector_load_idx %arg9[%shift_right_logical3A_608, %and3A_611] : memref<16x128xf32, #tpu.memory_space<vmem>>[vector<16xi32>, vector<16xi32>], vector<16xf32>,
    %le3A_613 = arith.cmpf ole, %mul3A_431, %gather3A_612 : vector<16xf32>
    %select_n3A_614 = arith.select %le3A_613, %select_n3A_596, %add3A_602 : vector<16xi1>, vector<16xi32>
    %select_n3A_615 = arith.select %le3A_613, %add3A_602, %select_n3A_597 : vector<16xi1>, vector<16xi32>
    %sub3A_616 = arith.subi %select_n3A_615, %select_n3A_614 : vector<16xi32>
    %shift_right_logical3A_617 = arith.constant 1 : i32
    %shift_right_logical3A_618 = vector.broadcast %shift_right_logical3A_617 : i32 to vector<16xi32>
    %shift_right_logical3A_619 = arith.shrui %sub3A_616, %shift_right_logical3A_618 : vector<16xi32>
    %add3A_620 = arith.addi %select_n3A_614, %shift_right_logical3A_619 : vector<16xi32>
    %shift_right_logical3A_621 = arith.constant 7 : i32
    %shift_right_logical3A_622 = vector.broadcast %shift_right_logical3A_621 : i32 to vector<16xi32>
    %shift_right_logical3A_623 = arith.shrui %add3A_620, %shift_right_logical3A_622 : vector<16xi32>
    %shift_right_logical3A_624 = arith.constant 7 : i32
    %shift_right_logical3A_625 = vector.broadcast %shift_right_logical3A_624 : i32 to vector<16xi32>
    %shift_right_logical3A_626 = arith.shrui %shift_right_logical3A_623, %shift_right_logical3A_625 : vector<16xi32>
    %and3A_627 = arith.constant 127 : i32
    %and3A_628 = vector.broadcast %and3A_627 : i32 to vector<16xi32>
    %and3A_629 = arith.andi %shift_right_logical3A_623, %and3A_628 : vector<16xi32>
    %gather3A_630 = tpu.vector_load_idx %arg9[%shift_right_logical3A_626, %and3A_629] : memref<16x128xf32, #tpu.memory_space<vmem>>[vector<16xi32>, vector<16xi32>], vector<16xf32>,
    %le3A_631 = arith.cmpf ole, %mul3A_431, %gather3A_630 : vector<16xf32>
    %select_n3A_632 = arith.select %le3A_631, %select_n3A_614, %add3A_620 : vector<16xi1>, vector<16xi32>
    %select_n3A_633 = arith.select %le3A_631, %add3A_620, %select_n3A_615 : vector<16xi1>, vector<16xi32>
    %shift_right_logical3A_634 = arith.constant 7 : i32
    %shift_right_logical3A_635 = vector.broadcast %shift_right_logical3A_634 : i32 to vector<16xi32>
    %shift_right_logical3A_636 = arith.shrui %select_n3A_632, %shift_right_logical3A_635 : vector<16xi32>
    %swap3A_637 = arith.constant 32 : index
    %swap3A_638 = tpu.vector_load %arg12[%swap3A_637] {strides = array<i32>} : memref<64xi32, #tpu.memory_space<vmem>>, vector<16xi32>,
    tpu.vector_store %arg12[%swap3A_637], %shift_right_logical3A_636 {strides = array<i32>} : memref<64xi32, #tpu.memory_space<vmem>>, vector<16xi32>,
    %get3A_639 = arith.constant 48 : index
    %get3A_640 = tpu.vector_load %arg11[%get3A_639] {strides = array<i32>} : memref<64xf32, #tpu.memory_space<vmem>>, vector<16xf32>,
    %sub3A_641 = arith.constant 1.000000e+00 : f32
    %sub3A_642 = vector.broadcast %sub3A_641 : f32 to vector<16xf32>
    %sub3A_643 = arith.subf %sub3A_642, %get3A_640 : vector<16xf32>
    %mul3A_644 = arith.mulf %get3A_6, %sub3A_643 : vector<16xf32>
    %broadcast_in_dim3A_645 = arith.constant 0 : i32
    %broadcast_in_dim3A_646 = vector.broadcast %broadcast_in_dim3A_645 : i32 to vector<16xi32>
    %broadcast_in_dim3A_647 = arith.constant 262144 : i32
    %broadcast_in_dim3A_648 = vector.broadcast %broadcast_in_dim3A_647 : i32 to vector<16xi32>
    %sub3A_649 = arith.subi %broadcast_in_dim3A_648, %broadcast_in_dim3A_646 : vector<16xi32>
    %shift_right_logical3A_650 = arith.constant 1 : i32
    %shift_right_logical3A_651 = vector.broadcast %shift_right_logical3A_650 : i32 to vector<16xi32>
    %shift_right_logical3A_652 = arith.shrui %sub3A_649, %shift_right_logical3A_651 : vector<16xi32>
    %add3A_653 = arith.addi %broadcast_in_dim3A_646, %shift_right_logical3A_652 : vector<16xi32>
    %shift_right_logical3A_654 = arith.constant 7 : i32
    %shift_right_logical3A_655 = vector.broadcast %shift_right_logical3A_654 : i32 to vector<16xi32>
    %shift_right_logical3A_656 = arith.shrui %add3A_653, %shift_right_logical3A_655 : vector<16xi32>
    %shift_right_logical3A_657 = arith.constant 7 : i32
    %shift_right_logical3A_658 = vector.broadcast %shift_right_logical3A_657 : i32 to vector<16xi32>
    %shift_right_logical3A_659 = arith.shrui %shift_right_logical3A_656, %shift_right_logical3A_658 : vector<16xi32>
    %and3A_660 = arith.constant 127 : i32
    %and3A_661 = vector.broadcast %and3A_660 : i32 to vector<16xi32>
    %and3A_662 = arith.andi %shift_right_logical3A_656, %and3A_661 : vector<16xi32>
    %gather3A_663 = tpu.vector_load_idx %arg9[%shift_right_logical3A_659, %and3A_662] : memref<16x128xf32, #tpu.memory_space<vmem>>[vector<16xi32>, vector<16xi32>], vector<16xf32>,
    %le3A_664 = arith.cmpf ole, %mul3A_644, %gather3A_663 : vector<16xf32>
    %select_n3A_665 = arith.select %le3A_664, %broadcast_in_dim3A_646, %add3A_653 : vector<16xi1>, vector<16xi32>
    %select_n3A_666 = arith.select %le3A_664, %add3A_653, %broadcast_in_dim3A_648 : vector<16xi1>, vector<16xi32>
    %sub3A_667 = arith.subi %select_n3A_666, %select_n3A_665 : vector<16xi32>
    %shift_right_logical3A_668 = arith.constant 1 : i32
    %shift_right_logical3A_669 = vector.broadcast %shift_right_logical3A_668 : i32 to vector<16xi32>
    %shift_right_logical3A_670 = arith.shrui %sub3A_667, %shift_right_logical3A_669 : vector<16xi32>
    %add3A_671 = arith.addi %select_n3A_665, %shift_right_logical3A_670 : vector<16xi32>
    %shift_right_logical3A_672 = arith.constant 7 : i32
    %shift_right_logical3A_673 = vector.broadcast %shift_right_logical3A_672 : i32 to vector<16xi32>
    %shift_right_logical3A_674 = arith.shrui %add3A_671, %shift_right_logical3A_673 : vector<16xi32>
    %shift_right_logical3A_675 = arith.constant 7 : i32
    %shift_right_logical3A_676 = vector.broadcast %shift_right_logical3A_675 : i32 to vector<16xi32>
    %shift_right_logical3A_677 = arith.shrui %shift_right_logical3A_674, %shift_right_logical3A_676 : vector<16xi32>
    %and3A_678 = arith.constant 127 : i32
    %and3A_679 = vector.broadcast %and3A_678 : i32 to vector<16xi32>
    %and3A_680 = arith.andi %shift_right_logical3A_674, %and3A_679 : vector<16xi32>
    %gather3A_681 = tpu.vector_load_idx %arg9[%shift_right_logical3A_677, %and3A_680] : memref<16x128xf32, #tpu.memory_space<vmem>>[vector<16xi32>, vector<16xi32>], vector<16xf32>,
    %le3A_682 = arith.cmpf ole, %mul3A_644, %gather3A_681 : vector<16xf32>
    %select_n3A_683 = arith.select %le3A_682, %select_n3A_665, %add3A_671 : vector<16xi1>, vector<16xi32>
    %select_n3A_684 = arith.select %le3A_682, %add3A_671, %select_n3A_666 : vector<16xi1>, vector<16xi32>
    %sub3A_685 = arith.subi %select_n3A_684, %select_n3A_683 : vector<16xi32>
    %shift_right_logical3A_686 = arith.constant 1 : i32
    %shift_right_logical3A_687 = vector.broadcast %shift_right_logical3A_686 : i32 to vector<16xi32>
    %shift_right_logical3A_688 = arith.shrui %sub3A_685, %shift_right_logical3A_687 : vector<16xi32>
    %add3A_689 = arith.addi %select_n3A_683, %shift_right_logical3A_688 : vector<16xi32>
    %shift_right_logical3A_690 = arith.constant 7 : i32
    %shift_right_logical3A_691 = vector.broadcast %shift_right_logical3A_690 : i32 to vector<16xi32>
    %shift_right_logical3A_692 = arith.shrui %add3A_689, %shift_right_logical3A_691 : vector<16xi32>
    %shift_right_logical3A_693 = arith.constant 7 : i32
    %shift_right_logical3A_694 = vector.broadcast %shift_right_logical3A_693 : i32 to vector<16xi32>
    %shift_right_logical3A_695 = arith.shrui %shift_right_logical3A_692, %shift_right_logical3A_694 : vector<16xi32>
    %and3A_696 = arith.constant 127 : i32
    %and3A_697 = vector.broadcast %and3A_696 : i32 to vector<16xi32>
    %and3A_698 = arith.andi %shift_right_logical3A_692, %and3A_697 : vector<16xi32>
    %gather3A_699 = tpu.vector_load_idx %arg9[%shift_right_logical3A_695, %and3A_698] : memref<16x128xf32, #tpu.memory_space<vmem>>[vector<16xi32>, vector<16xi32>], vector<16xf32>,
    %le3A_700 = arith.cmpf ole, %mul3A_644, %gather3A_699 : vector<16xf32>
    %select_n3A_701 = arith.select %le3A_700, %select_n3A_683, %add3A_689 : vector<16xi1>, vector<16xi32>
    %select_n3A_702 = arith.select %le3A_700, %add3A_689, %select_n3A_684 : vector<16xi1>, vector<16xi32>
    %sub3A_703 = arith.subi %select_n3A_702, %select_n3A_701 : vector<16xi32>
    %shift_right_logical3A_704 = arith.constant 1 : i32
    %shift_right_logical3A_705 = vector.broadcast %shift_right_logical3A_704 : i32 to vector<16xi32>
    %shift_right_logical3A_706 = arith.shrui %sub3A_703, %shift_right_logical3A_705 : vector<16xi32>
    %add3A_707 = arith.addi %select_n3A_701, %shift_right_logical3A_706 : vector<16xi32>
    %shift_right_logical3A_708 = arith.constant 7 : i32
    %shift_right_logical3A_709 = vector.broadcast %shift_right_logical3A_708 : i32 to vector<16xi32>
    %shift_right_logical3A_710 = arith.shrui %add3A_707, %shift_right_logical3A_709 : vector<16xi32>
    %shift_right_logical3A_711 = arith.constant 7 : i32
    %shift_right_logical3A_712 = vector.broadcast %shift_right_logical3A_711 : i32 to vector<16xi32>
    %shift_right_logical3A_713 = arith.shrui %shift_right_logical3A_710, %shift_right_logical3A_712 : vector<16xi32>
    %and3A_714 = arith.constant 127 : i32
    %and3A_715 = vector.broadcast %and3A_714 : i32 to vector<16xi32>
    %and3A_716 = arith.andi %shift_right_logical3A_710, %and3A_715 : vector<16xi32>
    %gather3A_717 = tpu.vector_load_idx %arg9[%shift_right_logical3A_713, %and3A_716] : memref<16x128xf32, #tpu.memory_space<vmem>>[vector<16xi32>, vector<16xi32>], vector<16xf32>,
    %le3A_718 = arith.cmpf ole, %mul3A_644, %gather3A_717 : vector<16xf32>
    %select_n3A_719 = arith.select %le3A_718, %select_n3A_701, %add3A_707 : vector<16xi1>, vector<16xi32>
    %select_n3A_720 = arith.select %le3A_718, %add3A_707, %select_n3A_702 : vector<16xi1>, vector<16xi32>
    %sub3A_721 = arith.subi %select_n3A_720, %select_n3A_719 : vector<16xi32>
    %shift_right_logical3A_722 = arith.constant 1 : i32
    %shift_right_logical3A_723 = vector.broadcast %shift_right_logical3A_722 : i32 to vector<16xi32>
    %shift_right_logical3A_724 = arith.shrui %sub3A_721, %shift_right_logical3A_723 : vector<16xi32>
    %add3A_725 = arith.addi %select_n3A_719, %shift_right_logical3A_724 : vector<16xi32>
    %shift_right_logical3A_726 = arith.constant 7 : i32
    %shift_right_logical3A_727 = vector.broadcast %shift_right_logical3A_726 : i32 to vector<16xi32>
    %shift_right_logical3A_728 = arith.shrui %add3A_725, %shift_right_logical3A_727 : vector<16xi32>
    %shift_right_logical3A_729 = arith.constant 7 : i32
    %shift_right_logical3A_730 = vector.broadcast %shift_right_logical3A_729 : i32 to vector<16xi32>
    %shift_right_logical3A_731 = arith.shrui %shift_right_logical3A_728, %shift_right_logical3A_730 : vector<16xi32>
    %and3A_732 = arith.constant 127 : i32
    %and3A_733 = vector.broadcast %and3A_732 : i32 to vector<16xi32>
    %and3A_734 = arith.andi %shift_right_logical3A_728, %and3A_733 : vector<16xi32>
    %gather3A_735 = tpu.vector_load_idx %arg9[%shift_right_logical3A_731, %and3A_734] : memref<16x128xf32, #tpu.memory_space<vmem>>[vector<16xi32>, vector<16xi32>], vector<16xf32>,
    %le3A_736 = arith.cmpf ole, %mul3A_644, %gather3A_735 : vector<16xf32>
    %select_n3A_737 = arith.select %le3A_736, %select_n3A_719, %add3A_725 : vector<16xi1>, vector<16xi32>
    %select_n3A_738 = arith.select %le3A_736, %add3A_725, %select_n3A_720 : vector<16xi1>, vector<16xi32>
    %sub3A_739 = arith.subi %select_n3A_738, %select_n3A_737 : vector<16xi32>
    %shift_right_logical3A_740 = arith.constant 1 : i32
    %shift_right_logical3A_741 = vector.broadcast %shift_right_logical3A_740 : i32 to vector<16xi32>
    %shift_right_logical3A_742 = arith.shrui %sub3A_739, %shift_right_logical3A_741 : vector<16xi32>
    %add3A_743 = arith.addi %select_n3A_737, %shift_right_logical3A_742 : vector<16xi32>
    %shift_right_logical3A_744 = arith.constant 7 : i32
    %shift_right_logical3A_745 = vector.broadcast %shift_right_logical3A_744 : i32 to vector<16xi32>
    %shift_right_logical3A_746 = arith.shrui %add3A_743, %shift_right_logical3A_745 : vector<16xi32>
    %shift_right_logical3A_747 = arith.constant 7 : i32
    %shift_right_logical3A_748 = vector.broadcast %shift_right_logical3A_747 : i32 to vector<16xi32>
    %shift_right_logical3A_749 = arith.shrui %shift_right_logical3A_746, %shift_right_logical3A_748 : vector<16xi32>
    %and3A_750 = arith.constant 127 : i32
    %and3A_751 = vector.broadcast %and3A_750 : i32 to vector<16xi32>
    %and3A_752 = arith.andi %shift_right_logical3A_746, %and3A_751 : vector<16xi32>
    %gather3A_753 = tpu.vector_load_idx %arg9[%shift_right_logical3A_749, %and3A_752] : memref<16x128xf32, #tpu.memory_space<vmem>>[vector<16xi32>, vector<16xi32>], vector<16xf32>,
    %le3A_754 = arith.cmpf ole, %mul3A_644, %gather3A_753 : vector<16xf32>
    %select_n3A_755 = arith.select %le3A_754, %select_n3A_737, %add3A_743 : vector<16xi1>, vector<16xi32>
    %select_n3A_756 = arith.select %le3A_754, %add3A_743, %select_n3A_738 : vector<16xi1>, vector<16xi32>
    %sub3A_757 = arith.subi %select_n3A_756, %select_n3A_755 : vector<16xi32>
    %shift_right_logical3A_758 = arith.constant 1 : i32
    %shift_right_logical3A_759 = vector.broadcast %shift_right_logical3A_758 : i32 to vector<16xi32>
    %shift_right_logical3A_760 = arith.shrui %sub3A_757, %shift_right_logical3A_759 : vector<16xi32>
    %add3A_761 = arith.addi %select_n3A_755, %shift_right_logical3A_760 : vector<16xi32>
    %shift_right_logical3A_762 = arith.constant 7 : i32
    %shift_right_logical3A_763 = vector.broadcast %shift_right_logical3A_762 : i32 to vector<16xi32>
    %shift_right_logical3A_764 = arith.shrui %add3A_761, %shift_right_logical3A_763 : vector<16xi32>
    %shift_right_logical3A_765 = arith.constant 7 : i32
    %shift_right_logical3A_766 = vector.broadcast %shift_right_logical3A_765 : i32 to vector<16xi32>
    %shift_right_logical3A_767 = arith.shrui %shift_right_logical3A_764, %shift_right_logical3A_766 : vector<16xi32>
    %and3A_768 = arith.constant 127 : i32
    %and3A_769 = vector.broadcast %and3A_768 : i32 to vector<16xi32>
    %and3A_770 = arith.andi %shift_right_logical3A_764, %and3A_769 : vector<16xi32>
    %gather3A_771 = tpu.vector_load_idx %arg9[%shift_right_logical3A_767, %and3A_770] : memref<16x128xf32, #tpu.memory_space<vmem>>[vector<16xi32>, vector<16xi32>], vector<16xf32>,
    %le3A_772 = arith.cmpf ole, %mul3A_644, %gather3A_771 : vector<16xf32>
    %select_n3A_773 = arith.select %le3A_772, %select_n3A_755, %add3A_761 : vector<16xi1>, vector<16xi32>
    %select_n3A_774 = arith.select %le3A_772, %add3A_761, %select_n3A_756 : vector<16xi1>, vector<16xi32>
    %sub3A_775 = arith.subi %select_n3A_774, %select_n3A_773 : vector<16xi32>
    %shift_right_logical3A_776 = arith.constant 1 : i32
    %shift_right_logical3A_777 = vector.broadcast %shift_right_logical3A_776 : i32 to vector<16xi32>
    %shift_right_logical3A_778 = arith.shrui %sub3A_775, %shift_right_logical3A_777 : vector<16xi32>
    %add3A_779 = arith.addi %select_n3A_773, %shift_right_logical3A_778 : vector<16xi32>
    %shift_right_logical3A_780 = arith.constant 7 : i32
    %shift_right_logical3A_781 = vector.broadcast %shift_right_logical3A_780 : i32 to vector<16xi32>
    %shift_right_logical3A_782 = arith.shrui %add3A_779, %shift_right_logical3A_781 : vector<16xi32>
    %shift_right_logical3A_783 = arith.constant 7 : i32
    %shift_right_logical3A_784 = vector.broadcast %shift_right_logical3A_783 : i32 to vector<16xi32>
    %shift_right_logical3A_785 = arith.shrui %shift_right_logical3A_782, %shift_right_logical3A_784 : vector<16xi32>
    %and3A_786 = arith.constant 127 : i32
    %and3A_787 = vector.broadcast %and3A_786 : i32 to vector<16xi32>
    %and3A_788 = arith.andi %shift_right_logical3A_782, %and3A_787 : vector<16xi32>
    %gather3A_789 = tpu.vector_load_idx %arg9[%shift_right_logical3A_785, %and3A_788] : memref<16x128xf32, #tpu.memory_space<vmem>>[vector<16xi32>, vector<16xi32>], vector<16xf32>,
    %le3A_790 = arith.cmpf ole, %mul3A_644, %gather3A_789 : vector<16xf32>
    %select_n3A_791 = arith.select %le3A_790, %select_n3A_773, %add3A_779 : vector<16xi1>, vector<16xi32>
    %select_n3A_792 = arith.select %le3A_790, %add3A_779, %select_n3A_774 : vector<16xi1>, vector<16xi32>
    %sub3A_793 = arith.subi %select_n3A_792, %select_n3A_791 : vector<16xi32>
    %shift_right_logical3A_794 = arith.constant 1 : i32
    %shift_right_logical3A_795 = vector.broadcast %shift_right_logical3A_794 : i32 to vector<16xi32>
    %shift_right_logical3A_796 = arith.shrui %sub3A_793, %shift_right_logical3A_795 : vector<16xi32>
    %add3A_797 = arith.addi %select_n3A_791, %shift_right_logical3A_796 : vector<16xi32>
    %shift_right_logical3A_798 = arith.constant 7 : i32
    %shift_right_logical3A_799 = vector.broadcast %shift_right_logical3A_798 : i32 to vector<16xi32>
    %shift_right_logical3A_800 = arith.shrui %add3A_797, %shift_right_logical3A_799 : vector<16xi32>
    %shift_right_logical3A_801 = arith.constant 7 : i32
    %shift_right_logical3A_802 = vector.broadcast %shift_right_logical3A_801 : i32 to vector<16xi32>
    %shift_right_logical3A_803 = arith.shrui %shift_right_logical3A_800, %shift_right_logical3A_802 : vector<16xi32>
    %and3A_804 = arith.constant 127 : i32
    %and3A_805 = vector.broadcast %and3A_804 : i32 to vector<16xi32>
    %and3A_806 = arith.andi %shift_right_logical3A_800, %and3A_805 : vector<16xi32>
    %gather3A_807 = tpu.vector_load_idx %arg9[%shift_right_logical3A_803, %and3A_806] : memref<16x128xf32, #tpu.memory_space<vmem>>[vector<16xi32>, vector<16xi32>], vector<16xf32>,
    %le3A_808 = arith.cmpf ole, %mul3A_644, %gather3A_807 : vector<16xf32>
    %select_n3A_809 = arith.select %le3A_808, %select_n3A_791, %add3A_797 : vector<16xi1>, vector<16xi32>
    %select_n3A_810 = arith.select %le3A_808, %add3A_797, %select_n3A_792 : vector<16xi1>, vector<16xi32>
    %sub3A_811 = arith.subi %select_n3A_810, %select_n3A_809 : vector<16xi32>
    %shift_right_logical3A_812 = arith.constant 1 : i32
    %shift_right_logical3A_813 = vector.broadcast %shift_right_logical3A_812 : i32 to vector<16xi32>
    %shift_right_logical3A_814 = arith.shrui %sub3A_811, %shift_right_logical3A_813 : vector<16xi32>
    %add3A_815 = arith.addi %select_n3A_809, %shift_right_logical3A_814 : vector<16xi32>
    %shift_right_logical3A_816 = arith.constant 7 : i32
    %shift_right_logical3A_817 = vector.broadcast %shift_right_logical3A_816 : i32 to vector<16xi32>
    %shift_right_logical3A_818 = arith.shrui %add3A_815, %shift_right_logical3A_817 : vector<16xi32>
    %shift_right_logical3A_819 = arith.constant 7 : i32
    %shift_right_logical3A_820 = vector.broadcast %shift_right_logical3A_819 : i32 to vector<16xi32>
    %shift_right_logical3A_821 = arith.shrui %shift_right_logical3A_818, %shift_right_logical3A_820 : vector<16xi32>
    %and3A_822 = arith.constant 127 : i32
    %and3A_823 = vector.broadcast %and3A_822 : i32 to vector<16xi32>
    %and3A_824 = arith.andi %shift_right_logical3A_818, %and3A_823 : vector<16xi32>
    %gather3A_825 = tpu.vector_load_idx %arg9[%shift_right_logical3A_821, %and3A_824] : memref<16x128xf32, #tpu.memory_space<vmem>>[vector<16xi32>, vector<16xi32>], vector<16xf32>,
    %le3A_826 = arith.cmpf ole, %mul3A_644, %gather3A_825 : vector<16xf32>
    %select_n3A_827 = arith.select %le3A_826, %select_n3A_809, %add3A_815 : vector<16xi1>, vector<16xi32>
    %select_n3A_828 = arith.select %le3A_826, %add3A_815, %select_n3A_810 : vector<16xi1>, vector<16xi32>
    %sub3A_829 = arith.subi %select_n3A_828, %select_n3A_827 : vector<16xi32>
    %shift_right_logical3A_830 = arith.constant 1 : i32
    %shift_right_logical3A_831 = vector.broadcast %shift_right_logical3A_830 : i32 to vector<16xi32>
    %shift_right_logical3A_832 = arith.shrui %sub3A_829, %shift_right_logical3A_831 : vector<16xi32>
    %add3A_833 = arith.addi %select_n3A_827, %shift_right_logical3A_832 : vector<16xi32>
    %shift_right_logical3A_834 = arith.constant 7 : i32
    %shift_right_logical3A_835 = vector.broadcast %shift_right_logical3A_834 : i32 to vector<16xi32>
    %shift_right_logical3A_836 = arith.shrui %add3A_833, %shift_right_logical3A_835 : vector<16xi32>
    %shift_right_logical3A_837 = arith.constant 7 : i32
    %shift_right_logical3A_838 = vector.broadcast %shift_right_logical3A_837 : i32 to vector<16xi32>
    %shift_right_logical3A_839 = arith.shrui %shift_right_logical3A_836, %shift_right_logical3A_838 : vector<16xi32>
    %and3A_840 = arith.constant 127 : i32
    %and3A_841 = vector.broadcast %and3A_840 : i32 to vector<16xi32>
    %and3A_842 = arith.andi %shift_right_logical3A_836, %and3A_841 : vector<16xi32>
    %gather3A_843 = tpu.vector_load_idx %arg9[%shift_right_logical3A_839, %and3A_842] : memref<16x128xf32, #tpu.memory_space<vmem>>[vector<16xi32>, vector<16xi32>], vector<16xf32>,
    %le3A_844 = arith.cmpf ole, %mul3A_644, %gather3A_843 : vector<16xf32>
    %select_n3A_845 = arith.select %le3A_844, %select_n3A_827, %add3A_833 : vector<16xi1>, vector<16xi32>
    %select_n3A_846 = arith.select %le3A_844, %add3A_833, %select_n3A_828 : vector<16xi1>, vector<16xi32>
    %shift_right_logical3A_847 = arith.constant 7 : i32
    %shift_right_logical3A_848 = vector.broadcast %shift_right_logical3A_847 : i32 to vector<16xi32>
    %shift_right_logical3A_849 = arith.shrui %select_n3A_845, %shift_right_logical3A_848 : vector<16xi32>
    %swap3A_850 = arith.constant 48 : index
    %swap3A_851 = tpu.vector_load %arg12[%swap3A_850] {strides = array<i32>} : memref<64xi32, #tpu.memory_space<vmem>>, vector<16xi32>,
    tpu.vector_store %arg12[%swap3A_850], %shift_right_logical3A_849 {strides = array<i32>} : memref<64xi32, #tpu.memory_space<vmem>>, vector<16xi32>,
    %dma_start3A_852 = arith.constant 0 : i32
    %dma_start3A_853 = arith.constant 0 : i32
    %dma_start3A_854 = tpu.memref_slice %arg2[%dma_start3A_852, %dma_start3A_853] : memref<2048x128xf32, #tpu.memory_space<hbm>> -> memref<2048x128xf32, #tpu.memory_space<hbm>>
    tpu.enqueue_indirect_dma source(%dma_start3A_854 : memref<2048x128xf32, #tpu.memory_space<hbm>>) target(%arg13 : memref<64x128xf32, #tpu.memory_space<vmem>>) offsets(%arg12 : memref<64xi32, #tpu.memory_space<vmem>>) semaphore(%arg21 : memref<!tpu.dma_semaphore, #tpu.memory_space<semaphore_mem>>)
    %dma_wait3A_855 = arith.constant 0 : i32
    %dma_wait3A_856 = arith.constant 0 : i32
    %dma_wait3A_857 = tpu.memref_slice %arg2[%dma_wait3A_855, %dma_wait3A_856] : memref<2048x128xf32, #tpu.memory_space<hbm>> -> memref<2048x128xf32, #tpu.memory_space<hbm>>
    tpu.wait_indirect_dma semaphore(%arg21 : memref<!tpu.dma_semaphore, #tpu.memory_space<semaphore_mem>>) src(%dma_wait3A_857 : memref<2048x128xf32, #tpu.memory_space<hbm>>) dst(%arg13 : memref<64x128xf32, #tpu.memory_space<vmem>>)
    %add3A_858 = arith.constant 0 : i32
    %add3A_859 = vector.broadcast %add3A_858 : i32 to vector<16xi32>
    %add3A_860 = arith.addi %iota3A, %add3A_859 : vector<16xi32>
    %sub3A_861 = arith.subi %select_n3A_208, %select_n3A_207 : vector<16xi32>
    %shift_right_logical3A_862 = arith.constant 1 : i32
    %shift_right_logical3A_863 = vector.broadcast %shift_right_logical3A_862 : i32 to vector<16xi32>
    %shift_right_logical3A_864 = arith.shrui %sub3A_861, %shift_right_logical3A_863 : vector<16xi32>
    %add3A_865 = arith.addi %select_n3A_207, %shift_right_logical3A_864 : vector<16xi32>
    %sub3A_866 = arith.subi %add3A_865, %select_n3A_207 : vector<16xi32>
    %gather3A_867 = tpu.vector_load_idx %arg13[%add3A_860, %sub3A_866] : memref<64x128xf32, #tpu.memory_space<vmem>>[vector<16xi32>, vector<16xi32>], vector<16xf32>,
    %le3A_868 = arith.cmpf ole, %mul3A_11, %gather3A_867 : vector<16xf32>
    %select_n3A_869 = arith.select %le3A_868, %select_n3A_207, %add3A_865 : vector<16xi1>, vector<16xi32>
    %select_n3A_870 = arith.select %le3A_868, %add3A_865, %select_n3A_208 : vector<16xi1>, vector<16xi32>
    %sub3A_871 = arith.subi %select_n3A_870, %select_n3A_869 : vector<16xi32>
    %shift_right_logical3A_872 = arith.constant 1 : i32
    %shift_right_logical3A_873 = vector.broadcast %shift_right_logical3A_872 : i32 to vector<16xi32>
    %shift_right_logical3A_874 = arith.shrui %sub3A_871, %shift_right_logical3A_873 : vector<16xi32>
    %add3A_875 = arith.addi %select_n3A_869, %shift_right_logical3A_874 : vector<16xi32>
    %sub3A_876 = arith.subi %add3A_875, %select_n3A_207 : vector<16xi32>
    %gather3A_877 = tpu.vector_load_idx %arg13[%add3A_860, %sub3A_876] : memref<64x128xf32, #tpu.memory_space<vmem>>[vector<16xi32>, vector<16xi32>], vector<16xf32>,
    %le3A_878 = arith.cmpf ole, %mul3A_11, %gather3A_877 : vector<16xf32>
    %select_n3A_879 = arith.select %le3A_878, %select_n3A_869, %add3A_875 : vector<16xi1>, vector<16xi32>
    %select_n3A_880 = arith.select %le3A_878, %add3A_875, %select_n3A_870 : vector<16xi1>, vector<16xi32>
    %sub3A_881 = arith.subi %select_n3A_880, %select_n3A_879 : vector<16xi32>
    %shift_right_logical3A_882 = arith.constant 1 : i32
    %shift_right_logical3A_883 = vector.broadcast %shift_right_logical3A_882 : i32 to vector<16xi32>
    %shift_right_logical3A_884 = arith.shrui %sub3A_881, %shift_right_logical3A_883 : vector<16xi32>
    %add3A_885 = arith.addi %select_n3A_879, %shift_right_logical3A_884 : vector<16xi32>
    %sub3A_886 = arith.subi %add3A_885, %select_n3A_207 : vector<16xi32>
    %gather3A_887 = tpu.vector_load_idx %arg13[%add3A_860, %sub3A_886] : memref<64x128xf32, #tpu.memory_space<vmem>>[vector<16xi32>, vector<16xi32>], vector<16xf32>,
    %le3A_888 = arith.cmpf ole, %mul3A_11, %gather3A_887 : vector<16xf32>
    %select_n3A_889 = arith.select %le3A_888, %select_n3A_879, %add3A_885 : vector<16xi1>, vector<16xi32>
    %select_n3A_890 = arith.select %le3A_888, %add3A_885, %select_n3A_880 : vector<16xi1>, vector<16xi32>
    %sub3A_891 = arith.subi %select_n3A_890, %select_n3A_889 : vector<16xi32>
    %shift_right_logical3A_892 = arith.constant 1 : i32
    %shift_right_logical3A_893 = vector.broadcast %shift_right_logical3A_892 : i32 to vector<16xi32>
    %shift_right_logical3A_894 = arith.shrui %sub3A_891, %shift_right_logical3A_893 : vector<16xi32>
    %add3A_895 = arith.addi %select_n3A_889, %shift_right_logical3A_894 : vector<16xi32>
    %sub3A_896 = arith.subi %add3A_895, %select_n3A_207 : vector<16xi32>
    %gather3A_897 = tpu.vector_load_idx %arg13[%add3A_860, %sub3A_896] : memref<64x128xf32, #tpu.memory_space<vmem>>[vector<16xi32>, vector<16xi32>], vector<16xf32>,
    %le3A_898 = arith.cmpf ole, %mul3A_11, %gather3A_897 : vector<16xf32>
    %select_n3A_899 = arith.select %le3A_898, %select_n3A_889, %add3A_895 : vector<16xi1>, vector<16xi32>
    %select_n3A_900 = arith.select %le3A_898, %add3A_895, %select_n3A_890 : vector<16xi1>, vector<16xi32>
    %sub3A_901 = arith.subi %select_n3A_900, %select_n3A_899 : vector<16xi32>
    %shift_right_logical3A_902 = arith.constant 1 : i32
    %shift_right_logical3A_903 = vector.broadcast %shift_right_logical3A_902 : i32 to vector<16xi32>
    %shift_right_logical3A_904 = arith.shrui %sub3A_901, %shift_right_logical3A_903 : vector<16xi32>
    %add3A_905 = arith.addi %select_n3A_899, %shift_right_logical3A_904 : vector<16xi32>
    %sub3A_906 = arith.subi %add3A_905, %select_n3A_207 : vector<16xi32>
    %gather3A_907 = tpu.vector_load_idx %arg13[%add3A_860, %sub3A_906] : memref<64x128xf32, #tpu.memory_space<vmem>>[vector<16xi32>, vector<16xi32>], vector<16xf32>,
    %le3A_908 = arith.cmpf ole, %mul3A_11, %gather3A_907 : vector<16xf32>
    %select_n3A_909 = arith.select %le3A_908, %select_n3A_899, %add3A_905 : vector<16xi1>, vector<16xi32>
    %select_n3A_910 = arith.select %le3A_908, %add3A_905, %select_n3A_900 : vector<16xi1>, vector<16xi32>
    %sub3A_911 = arith.subi %select_n3A_910, %select_n3A_909 : vector<16xi32>
    %shift_right_logical3A_912 = arith.constant 1 : i32
    %shift_right_logical3A_913 = vector.broadcast %shift_right_logical3A_912 : i32 to vector<16xi32>
    %shift_right_logical3A_914 = arith.shrui %sub3A_911, %shift_right_logical3A_913 : vector<16xi32>
    %add3A_915 = arith.addi %select_n3A_909, %shift_right_logical3A_914 : vector<16xi32>
    %sub3A_916 = arith.subi %add3A_915, %select_n3A_207 : vector<16xi32>
    %gather3A_917 = tpu.vector_load_idx %arg13[%add3A_860, %sub3A_916] : memref<64x128xf32, #tpu.memory_space<vmem>>[vector<16xi32>, vector<16xi32>], vector<16xf32>,
    %le3A_918 = arith.cmpf ole, %mul3A_11, %gather3A_917 : vector<16xf32>
    %select_n3A_919 = arith.select %le3A_918, %select_n3A_909, %add3A_915 : vector<16xi1>, vector<16xi32>
    %select_n3A_920 = arith.select %le3A_918, %add3A_915, %select_n3A_910 : vector<16xi1>, vector<16xi32>
    %sub3A_921 = arith.subi %select_n3A_920, %select_n3A_919 : vector<16xi32>
    %shift_right_logical3A_922 = arith.constant 1 : i32
    %shift_right_logical3A_923 = vector.broadcast %shift_right_logical3A_922 : i32 to vector<16xi32>
    %shift_right_logical3A_924 = arith.shrui %sub3A_921, %shift_right_logical3A_923 : vector<16xi32>
    %add3A_925 = arith.addi %select_n3A_919, %shift_right_logical3A_924 : vector<16xi32>
    %sub3A_926 = arith.subi %add3A_925, %select_n3A_207 : vector<16xi32>
    %gather3A_927 = tpu.vector_load_idx %arg13[%add3A_860, %sub3A_926] : memref<64x128xf32, #tpu.memory_space<vmem>>[vector<16xi32>, vector<16xi32>], vector<16xf32>,
    %le3A_928 = arith.cmpf ole, %mul3A_11, %gather3A_927 : vector<16xf32>
    %select_n3A_929 = arith.select %le3A_928, %select_n3A_919, %add3A_925 : vector<16xi1>, vector<16xi32>
    %select_n3A_930 = arith.select %le3A_928, %add3A_925, %select_n3A_920 : vector<16xi1>, vector<16xi32>
    %sub3A_931 = arith.subi %select_n3A_930, %select_n3A_929 : vector<16xi32>
    %shift_right_logical3A_932 = arith.constant 1 : i32
    %shift_right_logical3A_933 = vector.broadcast %shift_right_logical3A_932 : i32 to vector<16xi32>
    %shift_right_logical3A_934 = arith.shrui %sub3A_931, %shift_right_logical3A_933 : vector<16xi32>
    %add3A_935 = arith.addi %select_n3A_929, %shift_right_logical3A_934 : vector<16xi32>
    %sub3A_936 = arith.subi %add3A_935, %select_n3A_207 : vector<16xi32>
    %gather3A_937 = tpu.vector_load_idx %arg13[%add3A_860, %sub3A_936] : memref<64x128xf32, #tpu.memory_space<vmem>>[vector<16xi32>, vector<16xi32>], vector<16xf32>,
    %le3A_938 = arith.cmpf ole, %mul3A_11, %gather3A_937 : vector<16xf32>
    %select_n3A_939 = arith.select %le3A_938, %select_n3A_929, %add3A_935 : vector<16xi1>, vector<16xi32>
    %select_n3A_940 = arith.select %le3A_938, %add3A_935, %select_n3A_930 : vector<16xi1>, vector<16xi32>
    %and3A_941 = arith.constant 511 : i32
    %and3A_942 = vector.broadcast %and3A_941 : i32 to vector<16xi32>
    %and3A_943 = arith.andi %select_n3A_940, %and3A_942 : vector<16xi32>
    %convert_element_type3A = arith.sitofp %and3A_943 : vector<16xi32> to vector<16xf32>
    %shift_right_logical3A_944 = arith.constant 9 : i32
    %shift_right_logical3A_945 = vector.broadcast %shift_right_logical3A_944 : i32 to vector<16xi32>
    %shift_right_logical3A_946 = arith.shrui %select_n3A_940, %shift_right_logical3A_945 : vector<16xi32>
    %convert_element_type3A_947 = arith.sitofp %shift_right_logical3A_946 : vector<16xi32> to vector<16xf32>
    %add3A_948 = arith.constant 5.000000e-01 : f32
    %add3A_949 = vector.broadcast %add3A_948 : f32 to vector<16xf32>
    %add3A_950 = arith.addf %convert_element_type3A, %add3A_949 : vector<16xf32>
    %mul3A_951 = arith.constant 3.906250e-03 : f32
    %mul3A_952 = vector.broadcast %mul3A_951 : f32 to vector<16xf32>
    %mul3A_953 = arith.mulf %add3A_950, %mul3A_952 : vector<16xf32>
    %sub3A_954 = arith.constant 1.000000e+00 : f32
    %sub3A_955 = vector.broadcast %sub3A_954 : f32 to vector<16xf32>
    %sub3A_956 = arith.subf %mul3A_953, %sub3A_955 : vector<16xf32>
    %add3A_957 = arith.constant 5.000000e-01 : f32
    %add3A_958 = vector.broadcast %add3A_957 : f32 to vector<16xf32>
    %add3A_959 = arith.addf %convert_element_type3A_947, %add3A_958 : vector<16xf32>
    %mul3A_960 = arith.constant 3.906250e-03 : f32
    %mul3A_961 = vector.broadcast %mul3A_960 : f32 to vector<16xf32>
    %mul3A_962 = arith.mulf %add3A_959, %mul3A_961 : vector<16xf32>
    %sub3A_963 = arith.constant 1.000000e+00 : f32
    %sub3A_964 = vector.broadcast %sub3A_963 : f32 to vector<16xf32>
    %sub3A_965 = arith.subf %mul3A_962, %sub3A_964 : vector<16xf32>
    tpu.vector_store_idx %arg16[%add3A_860, %broadcast_in_dim3A_4], %sub3A_956 : memref<64x2xf32, #tpu.memory_space<vmem>>[vector<16xi32>, vector<16xi32>], vector<16xf32>,
    %add3A_966 = arith.constant 1 : i32
    %add3A_967 = vector.broadcast %add3A_966 : i32 to vector<16xi32>
    %add3A_968 = arith.addi %broadcast_in_dim3A_4, %add3A_967 : vector<16xi32>
    tpu.vector_store_idx %arg16[%add3A_860, %add3A_968], %sub3A_965 : memref<64x2xf32, #tpu.memory_space<vmem>>[vector<16xi32>, vector<16xi32>], vector<16xf32>,
    %shift_right_logical3A_969 = arith.constant 4 : i32
    %shift_right_logical3A_970 = vector.broadcast %shift_right_logical3A_969 : i32 to vector<16xi32>
    %shift_right_logical3A_971 = arith.shrui %select_n3A_940, %shift_right_logical3A_970 : vector<16xi32>
    %swap3A_972 = arith.constant 0 : index
    %swap3A_973 = tpu.vector_load %arg14[%swap3A_972] {strides = array<i32>} : memref<64xi32, #tpu.memory_space<vmem>>, vector<16xi32>,
    tpu.vector_store %arg14[%swap3A_972], %shift_right_logical3A_971 {strides = array<i32>} : memref<64xi32, #tpu.memory_space<vmem>>, vector<16xi32>,
    %add3A_974 = arith.constant 16 : i32
    %add3A_975 = vector.broadcast %add3A_974 : i32 to vector<16xi32>
    %add3A_976 = arith.addi %iota3A, %add3A_975 : vector<16xi32>
    %sub3A_977 = arith.subi %select_n3A_420, %select_n3A_419 : vector<16xi32>
    %shift_right_logical3A_978 = arith.constant 1 : i32
    %shift_right_logical3A_979 = vector.broadcast %shift_right_logical3A_978 : i32 to vector<16xi32>
    %shift_right_logical3A_980 = arith.shrui %sub3A_977, %shift_right_logical3A_979 : vector<16xi32>
    %add3A_981 = arith.addi %select_n3A_419, %shift_right_logical3A_980 : vector<16xi32>
    %sub3A_982 = arith.subi %add3A_981, %select_n3A_419 : vector<16xi32>
    %gather3A_983 = tpu.vector_load_idx %arg13[%add3A_976, %sub3A_982] : memref<64x128xf32, #tpu.memory_space<vmem>>[vector<16xi32>, vector<16xi32>], vector<16xf32>,
    %le3A_984 = arith.cmpf ole, %mul3A_218, %gather3A_983 : vector<16xf32>
    %select_n3A_985 = arith.select %le3A_984, %select_n3A_419, %add3A_981 : vector<16xi1>, vector<16xi32>
    %select_n3A_986 = arith.select %le3A_984, %add3A_981, %select_n3A_420 : vector<16xi1>, vector<16xi32>
    %sub3A_987 = arith.subi %select_n3A_986, %select_n3A_985 : vector<16xi32>
    %shift_right_logical3A_988 = arith.constant 1 : i32
    %shift_right_logical3A_989 = vector.broadcast %shift_right_logical3A_988 : i32 to vector<16xi32>
    %shift_right_logical3A_990 = arith.shrui %sub3A_987, %shift_right_logical3A_989 : vector<16xi32>
    %add3A_991 = arith.addi %select_n3A_985, %shift_right_logical3A_990 : vector<16xi32>
    %sub3A_992 = arith.subi %add3A_991, %select_n3A_419 : vector<16xi32>
    %gather3A_993 = tpu.vector_load_idx %arg13[%add3A_976, %sub3A_992] : memref<64x128xf32, #tpu.memory_space<vmem>>[vector<16xi32>, vector<16xi32>], vector<16xf32>,
    %le3A_994 = arith.cmpf ole, %mul3A_218, %gather3A_993 : vector<16xf32>
    %select_n3A_995 = arith.select %le3A_994, %select_n3A_985, %add3A_991 : vector<16xi1>, vector<16xi32>
    %select_n3A_996 = arith.select %le3A_994, %add3A_991, %select_n3A_986 : vector<16xi1>, vector<16xi32>
    %sub3A_997 = arith.subi %select_n3A_996, %select_n3A_995 : vector<16xi32>
    %shift_right_logical3A_998 = arith.constant 1 : i32
    %shift_right_logical3A_999 = vector.broadcast %shift_right_logical3A_998 : i32 to vector<16xi32>
    %shift_right_logical3A_1000 = arith.shrui %sub3A_997, %shift_right_logical3A_999 : vector<16xi32>
    %add3A_1001 = arith.addi %select_n3A_995, %shift_right_logical3A_1000 : vector<16xi32>
    %sub3A_1002 = arith.subi %add3A_1001, %select_n3A_419 : vector<16xi32>
    %gather3A_1003 = tpu.vector_load_idx %arg13[%add3A_976, %sub3A_1002] : memref<64x128xf32, #tpu.memory_space<vmem>>[vector<16xi32>, vector<16xi32>], vector<16xf32>,
    %le3A_1004 = arith.cmpf ole, %mul3A_218, %gather3A_1003 : vector<16xf32>
    %select_n3A_1005 = arith.select %le3A_1004, %select_n3A_995, %add3A_1001 : vector<16xi1>, vector<16xi32>
    %select_n3A_1006 = arith.select %le3A_1004, %add3A_1001, %select_n3A_996 : vector<16xi1>, vector<16xi32>
    %sub3A_1007 = arith.subi %select_n3A_1006, %select_n3A_1005 : vector<16xi32>
    %shift_right_logical3A_1008 = arith.constant 1 : i32
    %shift_right_logical3A_1009 = vector.broadcast %shift_right_logical3A_1008 : i32 to vector<16xi32>
    %shift_right_logical3A_1010 = arith.shrui %sub3A_1007, %shift_right_logical3A_1009 : vector<16xi32>
    %add3A_1011 = arith.addi %select_n3A_1005, %shift_right_logical3A_1010 : vector<16xi32>
    %sub3A_1012 = arith.subi %add3A_1011, %select_n3A_419 : vector<16xi32>
    %gather3A_1013 = tpu.vector_load_idx %arg13[%add3A_976, %sub3A_1012] : memref<64x128xf32, #tpu.memory_space<vmem>>[vector<16xi32>, vector<16xi32>], vector<16xf32>,
    %le3A_1014 = arith.cmpf ole, %mul3A_218, %gather3A_1013 : vector<16xf32>
    %select_n3A_1015 = arith.select %le3A_1014, %select_n3A_1005, %add3A_1011 : vector<16xi1>, vector<16xi32>
    %select_n3A_1016 = arith.select %le3A_1014, %add3A_1011, %select_n3A_1006 : vector<16xi1>, vector<16xi32>
    %sub3A_1017 = arith.subi %select_n3A_1016, %select_n3A_1015 : vector<16xi32>
    %shift_right_logical3A_1018 = arith.constant 1 : i32
    %shift_right_logical3A_1019 = vector.broadcast %shift_right_logical3A_1018 : i32 to vector<16xi32>
    %shift_right_logical3A_1020 = arith.shrui %sub3A_1017, %shift_right_logical3A_1019 : vector<16xi32>
    %add3A_1021 = arith.addi %select_n3A_1015, %shift_right_logical3A_1020 : vector<16xi32>
    %sub3A_1022 = arith.subi %add3A_1021, %select_n3A_419 : vector<16xi32>
    %gather3A_1023 = tpu.vector_load_idx %arg13[%add3A_976, %sub3A_1022] : memref<64x128xf32, #tpu.memory_space<vmem>>[vector<16xi32>, vector<16xi32>], vector<16xf32>,
    %le3A_1024 = arith.cmpf ole, %mul3A_218, %gather3A_1023 : vector<16xf32>
    %select_n3A_1025 = arith.select %le3A_1024, %select_n3A_1015, %add3A_1021 : vector<16xi1>, vector<16xi32>
    %select_n3A_1026 = arith.select %le3A_1024, %add3A_1021, %select_n3A_1016 : vector<16xi1>, vector<16xi32>
    %sub3A_1027 = arith.subi %select_n3A_1026, %select_n3A_1025 : vector<16xi32>
    %shift_right_logical3A_1028 = arith.constant 1 : i32
    %shift_right_logical3A_1029 = vector.broadcast %shift_right_logical3A_1028 : i32 to vector<16xi32>
    %shift_right_logical3A_1030 = arith.shrui %sub3A_1027, %shift_right_logical3A_1029 : vector<16xi32>
    %add3A_1031 = arith.addi %select_n3A_1025, %shift_right_logical3A_1030 : vector<16xi32>
    %sub3A_1032 = arith.subi %add3A_1031, %select_n3A_419 : vector<16xi32>
    %gather3A_1033 = tpu.vector_load_idx %arg13[%add3A_976, %sub3A_1032] : memref<64x128xf32, #tpu.memory_space<vmem>>[vector<16xi32>, vector<16xi32>], vector<16xf32>,
    %le3A_1034 = arith.cmpf ole, %mul3A_218, %gather3A_1033 : vector<16xf32>
    %select_n3A_1035 = arith.select %le3A_1034, %select_n3A_1025, %add3A_1031 : vector<16xi1>, vector<16xi32>
    %select_n3A_1036 = arith.select %le3A_1034, %add3A_1031, %select_n3A_1026 : vector<16xi1>, vector<16xi32>
    %sub3A_1037 = arith.subi %select_n3A_1036, %select_n3A_1035 : vector<16xi32>
    %shift_right_logical3A_1038 = arith.constant 1 : i32
    %shift_right_logical3A_1039 = vector.broadcast %shift_right_logical3A_1038 : i32 to vector<16xi32>
    %shift_right_logical3A_1040 = arith.shrui %sub3A_1037, %shift_right_logical3A_1039 : vector<16xi32>
    %add3A_1041 = arith.addi %select_n3A_1035, %shift_right_logical3A_1040 : vector<16xi32>
    %sub3A_1042 = arith.subi %add3A_1041, %select_n3A_419 : vector<16xi32>
    %gather3A_1043 = tpu.vector_load_idx %arg13[%add3A_976, %sub3A_1042] : memref<64x128xf32, #tpu.memory_space<vmem>>[vector<16xi32>, vector<16xi32>], vector<16xf32>,
    %le3A_1044 = arith.cmpf ole, %mul3A_218, %gather3A_1043 : vector<16xf32>
    %select_n3A_1045 = arith.select %le3A_1044, %select_n3A_1035, %add3A_1041 : vector<16xi1>, vector<16xi32>
    %select_n3A_1046 = arith.select %le3A_1044, %add3A_1041, %select_n3A_1036 : vector<16xi1>, vector<16xi32>
    %sub3A_1047 = arith.subi %select_n3A_1046, %select_n3A_1045 : vector<16xi32>
    %shift_right_logical3A_1048 = arith.constant 1 : i32
    %shift_right_logical3A_1049 = vector.broadcast %shift_right_logical3A_1048 : i32 to vector<16xi32>
    %shift_right_logical3A_1050 = arith.shrui %sub3A_1047, %shift_right_logical3A_1049 : vector<16xi32>
    %add3A_1051 = arith.addi %select_n3A_1045, %shift_right_logical3A_1050 : vector<16xi32>
    %sub3A_1052 = arith.subi %add3A_1051, %select_n3A_419 : vector<16xi32>
    %gather3A_1053 = tpu.vector_load_idx %arg13[%add3A_976, %sub3A_1052] : memref<64x128xf32, #tpu.memory_space<vmem>>[vector<16xi32>, vector<16xi32>], vector<16xf32>,
    %le3A_1054 = arith.cmpf ole, %mul3A_218, %gather3A_1053 : vector<16xf32>
    %select_n3A_1055 = arith.select %le3A_1054, %select_n3A_1045, %add3A_1051 : vector<16xi1>, vector<16xi32>
    %select_n3A_1056 = arith.select %le3A_1054, %add3A_1051, %select_n3A_1046 : vector<16xi1>, vector<16xi32>
    %and3A_1057 = arith.constant 511 : i32
    %and3A_1058 = vector.broadcast %and3A_1057 : i32 to vector<16xi32>
    %and3A_1059 = arith.andi %select_n3A_1056, %and3A_1058 : vector<16xi32>
    %convert_element_type3A_1060 = arith.sitofp %and3A_1059 : vector<16xi32> to vector<16xf32>
    %shift_right_logical3A_1061 = arith.constant 9 : i32
    %shift_right_logical3A_1062 = vector.broadcast %shift_right_logical3A_1061 : i32 to vector<16xi32>
    %shift_right_logical3A_1063 = arith.shrui %select_n3A_1056, %shift_right_logical3A_1062 : vector<16xi32>
    %convert_element_type3A_1064 = arith.sitofp %shift_right_logical3A_1063 : vector<16xi32> to vector<16xf32>
    %add3A_1065 = arith.constant 5.000000e-01 : f32
    %add3A_1066 = vector.broadcast %add3A_1065 : f32 to vector<16xf32>
    %add3A_1067 = arith.addf %convert_element_type3A_1060, %add3A_1066 : vector<16xf32>
    %mul3A_1068 = arith.constant 3.906250e-03 : f32
    %mul3A_1069 = vector.broadcast %mul3A_1068 : f32 to vector<16xf32>
    %mul3A_1070 = arith.mulf %add3A_1067, %mul3A_1069 : vector<16xf32>
    %sub3A_1071 = arith.constant 1.000000e+00 : f32
    %sub3A_1072 = vector.broadcast %sub3A_1071 : f32 to vector<16xf32>
    %sub3A_1073 = arith.subf %mul3A_1070, %sub3A_1072 : vector<16xf32>
    %add3A_1074 = arith.constant 5.000000e-01 : f32
    %add3A_1075 = vector.broadcast %add3A_1074 : f32 to vector<16xf32>
    %add3A_1076 = arith.addf %convert_element_type3A_1064, %add3A_1075 : vector<16xf32>
    %mul3A_1077 = arith.constant 3.906250e-03 : f32
    %mul3A_1078 = vector.broadcast %mul3A_1077 : f32 to vector<16xf32>
    %mul3A_1079 = arith.mulf %add3A_1076, %mul3A_1078 : vector<16xf32>
    %sub3A_1080 = arith.constant 1.000000e+00 : f32
    %sub3A_1081 = vector.broadcast %sub3A_1080 : f32 to vector<16xf32>
    %sub3A_1082 = arith.subf %mul3A_1079, %sub3A_1081 : vector<16xf32>
    tpu.vector_store_idx %arg16[%add3A_976, %broadcast_in_dim3A_4], %sub3A_1073 : memref<64x2xf32, #tpu.memory_space<vmem>>[vector<16xi32>, vector<16xi32>], vector<16xf32>,
    %add3A_1083 = arith.constant 1 : i32
    %add3A_1084 = vector.broadcast %add3A_1083 : i32 to vector<16xi32>
    %add3A_1085 = arith.addi %broadcast_in_dim3A_4, %add3A_1084 : vector<16xi32>
    tpu.vector_store_idx %arg16[%add3A_976, %add3A_1085], %sub3A_1082 : memref<64x2xf32, #tpu.memory_space<vmem>>[vector<16xi32>, vector<16xi32>], vector<16xf32>,
    %shift_right_logical3A_1086 = arith.constant 4 : i32
    %shift_right_logical3A_1087 = vector.broadcast %shift_right_logical3A_1086 : i32 to vector<16xi32>
    %shift_right_logical3A_1088 = arith.shrui %select_n3A_1056, %shift_right_logical3A_1087 : vector<16xi32>
    %swap3A_1089 = arith.constant 16 : index
    %swap3A_1090 = tpu.vector_load %arg14[%swap3A_1089] {strides = array<i32>} : memref<64xi32, #tpu.memory_space<vmem>>, vector<16xi32>,
    tpu.vector_store %arg14[%swap3A_1089], %shift_right_logical3A_1088 {strides = array<i32>} : memref<64xi32, #tpu.memory_space<vmem>>, vector<16xi32>,
    %add3A_1091 = arith.constant 32 : i32
    %add3A_1092 = vector.broadcast %add3A_1091 : i32 to vector<16xi32>
    %add3A_1093 = arith.addi %iota3A, %add3A_1092 : vector<16xi32>
    %sub3A_1094 = arith.subi %select_n3A_633, %select_n3A_632 : vector<16xi32>
    %shift_right_logical3A_1095 = arith.constant 1 : i32
    %shift_right_logical3A_1096 = vector.broadcast %shift_right_logical3A_1095 : i32 to vector<16xi32>
    %shift_right_logical3A_1097 = arith.shrui %sub3A_1094, %shift_right_logical3A_1096 : vector<16xi32>
    %add3A_1098 = arith.addi %select_n3A_632, %shift_right_logical3A_1097 : vector<16xi32>
    %sub3A_1099 = arith.subi %add3A_1098, %select_n3A_632 : vector<16xi32>
    %gather3A_1100 = tpu.vector_load_idx %arg13[%add3A_1093, %sub3A_1099] : memref<64x128xf32, #tpu.memory_space<vmem>>[vector<16xi32>, vector<16xi32>], vector<16xf32>,
    %le3A_1101 = arith.cmpf ole, %mul3A_431, %gather3A_1100 : vector<16xf32>
    %select_n3A_1102 = arith.select %le3A_1101, %select_n3A_632, %add3A_1098 : vector<16xi1>, vector<16xi32>
    %select_n3A_1103 = arith.select %le3A_1101, %add3A_1098, %select_n3A_633 : vector<16xi1>, vector<16xi32>
    %sub3A_1104 = arith.subi %select_n3A_1103, %select_n3A_1102 : vector<16xi32>
    %shift_right_logical3A_1105 = arith.constant 1 : i32
    %shift_right_logical3A_1106 = vector.broadcast %shift_right_logical3A_1105 : i32 to vector<16xi32>
    %shift_right_logical3A_1107 = arith.shrui %sub3A_1104, %shift_right_logical3A_1106 : vector<16xi32>
    %add3A_1108 = arith.addi %select_n3A_1102, %shift_right_logical3A_1107 : vector<16xi32>
    %sub3A_1109 = arith.subi %add3A_1108, %select_n3A_632 : vector<16xi32>
    %gather3A_1110 = tpu.vector_load_idx %arg13[%add3A_1093, %sub3A_1109] : memref<64x128xf32, #tpu.memory_space<vmem>>[vector<16xi32>, vector<16xi32>], vector<16xf32>,
    %le3A_1111 = arith.cmpf ole, %mul3A_431, %gather3A_1110 : vector<16xf32>
    %select_n3A_1112 = arith.select %le3A_1111, %select_n3A_1102, %add3A_1108 : vector<16xi1>, vector<16xi32>
    %select_n3A_1113 = arith.select %le3A_1111, %add3A_1108, %select_n3A_1103 : vector<16xi1>, vector<16xi32>
    %sub3A_1114 = arith.subi %select_n3A_1113, %select_n3A_1112 : vector<16xi32>
    %shift_right_logical3A_1115 = arith.constant 1 : i32
    %shift_right_logical3A_1116 = vector.broadcast %shift_right_logical3A_1115 : i32 to vector<16xi32>
    %shift_right_logical3A_1117 = arith.shrui %sub3A_1114, %shift_right_logical3A_1116 : vector<16xi32>
    %add3A_1118 = arith.addi %select_n3A_1112, %shift_right_logical3A_1117 : vector<16xi32>
    %sub3A_1119 = arith.subi %add3A_1118, %select_n3A_632 : vector<16xi32>
    %gather3A_1120 = tpu.vector_load_idx %arg13[%add3A_1093, %sub3A_1119] : memref<64x128xf32, #tpu.memory_space<vmem>>[vector<16xi32>, vector<16xi32>], vector<16xf32>,
    %le3A_1121 = arith.cmpf ole, %mul3A_431, %gather3A_1120 : vector<16xf32>
    %select_n3A_1122 = arith.select %le3A_1121, %select_n3A_1112, %add3A_1118 : vector<16xi1>, vector<16xi32>
    %select_n3A_1123 = arith.select %le3A_1121, %add3A_1118, %select_n3A_1113 : vector<16xi1>, vector<16xi32>
    %sub3A_1124 = arith.subi %select_n3A_1123, %select_n3A_1122 : vector<16xi32>
    %shift_right_logical3A_1125 = arith.constant 1 : i32
    %shift_right_logical3A_1126 = vector.broadcast %shift_right_logical3A_1125 : i32 to vector<16xi32>
    %shift_right_logical3A_1127 = arith.shrui %sub3A_1124, %shift_right_logical3A_1126 : vector<16xi32>
    %add3A_1128 = arith.addi %select_n3A_1122, %shift_right_logical3A_1127 : vector<16xi32>
    %sub3A_1129 = arith.subi %add3A_1128, %select_n3A_632 : vector<16xi32>
    %gather3A_1130 = tpu.vector_load_idx %arg13[%add3A_1093, %sub3A_1129] : memref<64x128xf32, #tpu.memory_space<vmem>>[vector<16xi32>, vector<16xi32>], vector<16xf32>,
    %le3A_1131 = arith.cmpf ole, %mul3A_431, %gather3A_1130 : vector<16xf32>
    %select_n3A_1132 = arith.select %le3A_1131, %select_n3A_1122, %add3A_1128 : vector<16xi1>, vector<16xi32>
    %select_n3A_1133 = arith.select %le3A_1131, %add3A_1128, %select_n3A_1123 : vector<16xi1>, vector<16xi32>
    %sub3A_1134 = arith.subi %select_n3A_1133, %select_n3A_1132 : vector<16xi32>
    %shift_right_logical3A_1135 = arith.constant 1 : i32
    %shift_right_logical3A_1136 = vector.broadcast %shift_right_logical3A_1135 : i32 to vector<16xi32>
    %shift_right_logical3A_1137 = arith.shrui %sub3A_1134, %shift_right_logical3A_1136 : vector<16xi32>
    %add3A_1138 = arith.addi %select_n3A_1132, %shift_right_logical3A_1137 : vector<16xi32>
    %sub3A_1139 = arith.subi %add3A_1138, %select_n3A_632 : vector<16xi32>
    %gather3A_1140 = tpu.vector_load_idx %arg13[%add3A_1093, %sub3A_1139] : memref<64x128xf32, #tpu.memory_space<vmem>>[vector<16xi32>, vector<16xi32>], vector<16xf32>,
    %le3A_1141 = arith.cmpf ole, %mul3A_431, %gather3A_1140 : vector<16xf32>
    %select_n3A_1142 = arith.select %le3A_1141, %select_n3A_1132, %add3A_1138 : vector<16xi1>, vector<16xi32>
    %select_n3A_1143 = arith.select %le3A_1141, %add3A_1138, %select_n3A_1133 : vector<16xi1>, vector<16xi32>
    %sub3A_1144 = arith.subi %select_n3A_1143, %select_n3A_1142 : vector<16xi32>
    %shift_right_logical3A_1145 = arith.constant 1 : i32
    %shift_right_logical3A_1146 = vector.broadcast %shift_right_logical3A_1145 : i32 to vector<16xi32>
    %shift_right_logical3A_1147 = arith.shrui %sub3A_1144, %shift_right_logical3A_1146 : vector<16xi32>
    %add3A_1148 = arith.addi %select_n3A_1142, %shift_right_logical3A_1147 : vector<16xi32>
    %sub3A_1149 = arith.subi %add3A_1148, %select_n3A_632 : vector<16xi32>
    %gather3A_1150 = tpu.vector_load_idx %arg13[%add3A_1093, %sub3A_1149] : memref<64x128xf32, #tpu.memory_space<vmem>>[vector<16xi32>, vector<16xi32>], vector<16xf32>,
    %le3A_1151 = arith.cmpf ole, %mul3A_431, %gather3A_1150 : vector<16xf32>
    %select_n3A_1152 = arith.select %le3A_1151, %select_n3A_1142, %add3A_1148 : vector<16xi1>, vector<16xi32>
    %select_n3A_1153 = arith.select %le3A_1151, %add3A_1148, %select_n3A_1143 : vector<16xi1>, vector<16xi32>
    %sub3A_1154 = arith.subi %select_n3A_1153, %select_n3A_1152 : vector<16xi32>
    %shift_right_logical3A_1155 = arith.constant 1 : i32
    %shift_right_logical3A_1156 = vector.broadcast %shift_right_logical3A_1155 : i32 to vector<16xi32>
    %shift_right_logical3A_1157 = arith.shrui %sub3A_1154, %shift_right_logical3A_1156 : vector<16xi32>
    %add3A_1158 = arith.addi %select_n3A_1152, %shift_right_logical3A_1157 : vector<16xi32>
    %sub3A_1159 = arith.subi %add3A_1158, %select_n3A_632 : vector<16xi32>
    %gather3A_1160 = tpu.vector_load_idx %arg13[%add3A_1093, %sub3A_1159] : memref<64x128xf32, #tpu.memory_space<vmem>>[vector<16xi32>, vector<16xi32>], vector<16xf32>,
    %le3A_1161 = arith.cmpf ole, %mul3A_431, %gather3A_1160 : vector<16xf32>
    %select_n3A_1162 = arith.select %le3A_1161, %select_n3A_1152, %add3A_1158 : vector<16xi1>, vector<16xi32>
    %select_n3A_1163 = arith.select %le3A_1161, %add3A_1158, %select_n3A_1153 : vector<16xi1>, vector<16xi32>
    %sub3A_1164 = arith.subi %select_n3A_1163, %select_n3A_1162 : vector<16xi32>
    %shift_right_logical3A_1165 = arith.constant 1 : i32
    %shift_right_logical3A_1166 = vector.broadcast %shift_right_logical3A_1165 : i32 to vector<16xi32>
    %shift_right_logical3A_1167 = arith.shrui %sub3A_1164, %shift_right_logical3A_1166 : vector<16xi32>
    %add3A_1168 = arith.addi %select_n3A_1162, %shift_right_logical3A_1167 : vector<16xi32>
    %sub3A_1169 = arith.subi %add3A_1168, %select_n3A_632 : vector<16xi32>
    %gather3A_1170 = tpu.vector_load_idx %arg13[%add3A_1093, %sub3A_1169] : memref<64x128xf32, #tpu.memory_space<vmem>>[vector<16xi32>, vector<16xi32>], vector<16xf32>,
    %le3A_1171 = arith.cmpf ole, %mul3A_431, %gather3A_1170 : vector<16xf32>
    %select_n3A_1172 = arith.select %le3A_1171, %select_n3A_1162, %add3A_1168 : vector<16xi1>, vector<16xi32>
    %select_n3A_1173 = arith.select %le3A_1171, %add3A_1168, %select_n3A_1163 : vector<16xi1>, vector<16xi32>
    %and3A_1174 = arith.constant 511 : i32
    %and3A_1175 = vector.broadcast %and3A_1174 : i32 to vector<16xi32>
    %and3A_1176 = arith.andi %select_n3A_1173, %and3A_1175 : vector<16xi32>
    %convert_element_type3A_1177 = arith.sitofp %and3A_1176 : vector<16xi32> to vector<16xf32>
    %shift_right_logical3A_1178 = arith.constant 9 : i32
    %shift_right_logical3A_1179 = vector.broadcast %shift_right_logical3A_1178 : i32 to vector<16xi32>
    %shift_right_logical3A_1180 = arith.shrui %select_n3A_1173, %shift_right_logical3A_1179 : vector<16xi32>
    %convert_element_type3A_1181 = arith.sitofp %shift_right_logical3A_1180 : vector<16xi32> to vector<16xf32>
    %add3A_1182 = arith.constant 5.000000e-01 : f32
    %add3A_1183 = vector.broadcast %add3A_1182 : f32 to vector<16xf32>
    %add3A_1184 = arith.addf %convert_element_type3A_1177, %add3A_1183 : vector<16xf32>
    %mul3A_1185 = arith.constant 3.906250e-03 : f32
    %mul3A_1186 = vector.broadcast %mul3A_1185 : f32 to vector<16xf32>
    %mul3A_1187 = arith.mulf %add3A_1184, %mul3A_1186 : vector<16xf32>
    %sub3A_1188 = arith.constant 1.000000e+00 : f32
    %sub3A_1189 = vector.broadcast %sub3A_1188 : f32 to vector<16xf32>
    %sub3A_1190 = arith.subf %mul3A_1187, %sub3A_1189 : vector<16xf32>
    %add3A_1191 = arith.constant 5.000000e-01 : f32
    %add3A_1192 = vector.broadcast %add3A_1191 : f32 to vector<16xf32>
    %add3A_1193 = arith.addf %convert_element_type3A_1181, %add3A_1192 : vector<16xf32>
    %mul3A_1194 = arith.constant 3.906250e-03 : f32
    %mul3A_1195 = vector.broadcast %mul3A_1194 : f32 to vector<16xf32>
    %mul3A_1196 = arith.mulf %add3A_1193, %mul3A_1195 : vector<16xf32>
    %sub3A_1197 = arith.constant 1.000000e+00 : f32
    %sub3A_1198 = vector.broadcast %sub3A_1197 : f32 to vector<16xf32>
    %sub3A_1199 = arith.subf %mul3A_1196, %sub3A_1198 : vector<16xf32>
    tpu.vector_store_idx %arg16[%add3A_1093, %broadcast_in_dim3A_4], %sub3A_1190 : memref<64x2xf32, #tpu.memory_space<vmem>>[vector<16xi32>, vector<16xi32>], vector<16xf32>,
    %add3A_1200 = arith.constant 1 : i32
    %add3A_1201 = vector.broadcast %add3A_1200 : i32 to vector<16xi32>
    %add3A_1202 = arith.addi %broadcast_in_dim3A_4, %add3A_1201 : vector<16xi32>
    tpu.vector_store_idx %arg16[%add3A_1093, %add3A_1202], %sub3A_1199 : memref<64x2xf32, #tpu.memory_space<vmem>>[vector<16xi32>, vector<16xi32>], vector<16xf32>,
    %shift_right_logical3A_1203 = arith.constant 4 : i32
    %shift_right_logical3A_1204 = vector.broadcast %shift_right_logical3A_1203 : i32 to vector<16xi32>
    %shift_right_logical3A_1205 = arith.shrui %select_n3A_1173, %shift_right_logical3A_1204 : vector<16xi32>
    %swap3A_1206 = arith.constant 32 : index
    %swap3A_1207 = tpu.vector_load %arg14[%swap3A_1206] {strides = array<i32>} : memref<64xi32, #tpu.memory_space<vmem>>, vector<16xi32>,
    tpu.vector_store %arg14[%swap3A_1206], %shift_right_logical3A_1205 {strides = array<i32>} : memref<64xi32, #tpu.memory_space<vmem>>, vector<16xi32>,
    %add3A_1208 = arith.constant 48 : i32
    %add3A_1209 = vector.broadcast %add3A_1208 : i32 to vector<16xi32>
    %add3A_1210 = arith.addi %iota3A, %add3A_1209 : vector<16xi32>
    %sub3A_1211 = arith.subi %select_n3A_846, %select_n3A_845 : vector<16xi32>
    %shift_right_logical3A_1212 = arith.constant 1 : i32
    %shift_right_logical3A_1213 = vector.broadcast %shift_right_logical3A_1212 : i32 to vector<16xi32>
    %shift_right_logical3A_1214 = arith.shrui %sub3A_1211, %shift_right_logical3A_1213 : vector<16xi32>
    %add3A_1215 = arith.addi %select_n3A_845, %shift_right_logical3A_1214 : vector<16xi32>
    %sub3A_1216 = arith.subi %add3A_1215, %select_n3A_845 : vector<16xi32>
    %gather3A_1217 = tpu.vector_load_idx %arg13[%add3A_1210, %sub3A_1216] : memref<64x128xf32, #tpu.memory_space<vmem>>[vector<16xi32>, vector<16xi32>], vector<16xf32>,
    %le3A_1218 = arith.cmpf ole, %mul3A_644, %gather3A_1217 : vector<16xf32>
    %select_n3A_1219 = arith.select %le3A_1218, %select_n3A_845, %add3A_1215 : vector<16xi1>, vector<16xi32>
    %select_n3A_1220 = arith.select %le3A_1218, %add3A_1215, %select_n3A_846 : vector<16xi1>, vector<16xi32>
    %sub3A_1221 = arith.subi %select_n3A_1220, %select_n3A_1219 : vector<16xi32>
    %shift_right_logical3A_1222 = arith.constant 1 : i32
    %shift_right_logical3A_1223 = vector.broadcast %shift_right_logical3A_1222 : i32 to vector<16xi32>
    %shift_right_logical3A_1224 = arith.shrui %sub3A_1221, %shift_right_logical3A_1223 : vector<16xi32>
    %add3A_1225 = arith.addi %select_n3A_1219, %shift_right_logical3A_1224 : vector<16xi32>
    %sub3A_1226 = arith.subi %add3A_1225, %select_n3A_845 : vector<16xi32>
    %gather3A_1227 = tpu.vector_load_idx %arg13[%add3A_1210, %sub3A_1226] : memref<64x128xf32, #tpu.memory_space<vmem>>[vector<16xi32>, vector<16xi32>], vector<16xf32>,
    %le3A_1228 = arith.cmpf ole, %mul3A_644, %gather3A_1227 : vector<16xf32>
    %select_n3A_1229 = arith.select %le3A_1228, %select_n3A_1219, %add3A_1225 : vector<16xi1>, vector<16xi32>
    %select_n3A_1230 = arith.select %le3A_1228, %add3A_1225, %select_n3A_1220 : vector<16xi1>, vector<16xi32>
    %sub3A_1231 = arith.subi %select_n3A_1230, %select_n3A_1229 : vector<16xi32>
    %shift_right_logical3A_1232 = arith.constant 1 : i32
    %shift_right_logical3A_1233 = vector.broadcast %shift_right_logical3A_1232 : i32 to vector<16xi32>
    %shift_right_logical3A_1234 = arith.shrui %sub3A_1231, %shift_right_logical3A_1233 : vector<16xi32>
    %add3A_1235 = arith.addi %select_n3A_1229, %shift_right_logical3A_1234 : vector<16xi32>
    %sub3A_1236 = arith.subi %add3A_1235, %select_n3A_845 : vector<16xi32>
    %gather3A_1237 = tpu.vector_load_idx %arg13[%add3A_1210, %sub3A_1236] : memref<64x128xf32, #tpu.memory_space<vmem>>[vector<16xi32>, vector<16xi32>], vector<16xf32>,
    %le3A_1238 = arith.cmpf ole, %mul3A_644, %gather3A_1237 : vector<16xf32>
    %select_n3A_1239 = arith.select %le3A_1238, %select_n3A_1229, %add3A_1235 : vector<16xi1>, vector<16xi32>
    %select_n3A_1240 = arith.select %le3A_1238, %add3A_1235, %select_n3A_1230 : vector<16xi1>, vector<16xi32>
    %sub3A_1241 = arith.subi %select_n3A_1240, %select_n3A_1239 : vector<16xi32>
    %shift_right_logical3A_1242 = arith.constant 1 : i32
    %shift_right_logical3A_1243 = vector.broadcast %shift_right_logical3A_1242 : i32 to vector<16xi32>
    %shift_right_logical3A_1244 = arith.shrui %sub3A_1241, %shift_right_logical3A_1243 : vector<16xi32>
    %add3A_1245 = arith.addi %select_n3A_1239, %shift_right_logical3A_1244 : vector<16xi32>
    %sub3A_1246 = arith.subi %add3A_1245, %select_n3A_845 : vector<16xi32>
    %gather3A_1247 = tpu.vector_load_idx %arg13[%add3A_1210, %sub3A_1246] : memref<64x128xf32, #tpu.memory_space<vmem>>[vector<16xi32>, vector<16xi32>], vector<16xf32>,
    %le3A_1248 = arith.cmpf ole, %mul3A_644, %gather3A_1247 : vector<16xf32>
    %select_n3A_1249 = arith.select %le3A_1248, %select_n3A_1239, %add3A_1245 : vector<16xi1>, vector<16xi32>
    %select_n3A_1250 = arith.select %le3A_1248, %add3A_1245, %select_n3A_1240 : vector<16xi1>, vector<16xi32>
    %sub3A_1251 = arith.subi %select_n3A_1250, %select_n3A_1249 : vector<16xi32>
    %shift_right_logical3A_1252 = arith.constant 1 : i32
    %shift_right_logical3A_1253 = vector.broadcast %shift_right_logical3A_1252 : i32 to vector<16xi32>
    %shift_right_logical3A_1254 = arith.shrui %sub3A_1251, %shift_right_logical3A_1253 : vector<16xi32>
    %add3A_1255 = arith.addi %select_n3A_1249, %shift_right_logical3A_1254 : vector<16xi32>
    %sub3A_1256 = arith.subi %add3A_1255, %select_n3A_845 : vector<16xi32>
    %gather3A_1257 = tpu.vector_load_idx %arg13[%add3A_1210, %sub3A_1256] : memref<64x128xf32, #tpu.memory_space<vmem>>[vector<16xi32>, vector<16xi32>], vector<16xf32>,
    %le3A_1258 = arith.cmpf ole, %mul3A_644, %gather3A_1257 : vector<16xf32>
    %select_n3A_1259 = arith.select %le3A_1258, %select_n3A_1249, %add3A_1255 : vector<16xi1>, vector<16xi32>
    %select_n3A_1260 = arith.select %le3A_1258, %add3A_1255, %select_n3A_1250 : vector<16xi1>, vector<16xi32>
    %sub3A_1261 = arith.subi %select_n3A_1260, %select_n3A_1259 : vector<16xi32>
    %shift_right_logical3A_1262 = arith.constant 1 : i32
    %shift_right_logical3A_1263 = vector.broadcast %shift_right_logical3A_1262 : i32 to vector<16xi32>
    %shift_right_logical3A_1264 = arith.shrui %sub3A_1261, %shift_right_logical3A_1263 : vector<16xi32>
    %add3A_1265 = arith.addi %select_n3A_1259, %shift_right_logical3A_1264 : vector<16xi32>
    %sub3A_1266 = arith.subi %add3A_1265, %select_n3A_845 : vector<16xi32>
    %gather3A_1267 = tpu.vector_load_idx %arg13[%add3A_1210, %sub3A_1266] : memref<64x128xf32, #tpu.memory_space<vmem>>[vector<16xi32>, vector<16xi32>], vector<16xf32>,
    %le3A_1268 = arith.cmpf ole, %mul3A_644, %gather3A_1267 : vector<16xf32>
    %select_n3A_1269 = arith.select %le3A_1268, %select_n3A_1259, %add3A_1265 : vector<16xi1>, vector<16xi32>
    %select_n3A_1270 = arith.select %le3A_1268, %add3A_1265, %select_n3A_1260 : vector<16xi1>, vector<16xi32>
    %sub3A_1271 = arith.subi %select_n3A_1270, %select_n3A_1269 : vector<16xi32>
    %shift_right_logical3A_1272 = arith.constant 1 : i32
    %shift_right_logical3A_1273 = vector.broadcast %shift_right_logical3A_1272 : i32 to vector<16xi32>
    %shift_right_logical3A_1274 = arith.shrui %sub3A_1271, %shift_right_logical3A_1273 : vector<16xi32>
    %add3A_1275 = arith.addi %select_n3A_1269, %shift_right_logical3A_1274 : vector<16xi32>
    %sub3A_1276 = arith.subi %add3A_1275, %select_n3A_845 : vector<16xi32>
    %gather3A_1277 = tpu.vector_load_idx %arg13[%add3A_1210, %sub3A_1276] : memref<64x128xf32, #tpu.memory_space<vmem>>[vector<16xi32>, vector<16xi32>], vector<16xf32>,
    %le3A_1278 = arith.cmpf ole, %mul3A_644, %gather3A_1277 : vector<16xf32>
    %select_n3A_1279 = arith.select %le3A_1278, %select_n3A_1269, %add3A_1275 : vector<16xi1>, vector<16xi32>
    %select_n3A_1280 = arith.select %le3A_1278, %add3A_1275, %select_n3A_1270 : vector<16xi1>, vector<16xi32>
    %sub3A_1281 = arith.subi %select_n3A_1280, %select_n3A_1279 : vector<16xi32>
    %shift_right_logical3A_1282 = arith.constant 1 : i32
    %shift_right_logical3A_1283 = vector.broadcast %shift_right_logical3A_1282 : i32 to vector<16xi32>
    %shift_right_logical3A_1284 = arith.shrui %sub3A_1281, %shift_right_logical3A_1283 : vector<16xi32>
    %add3A_1285 = arith.addi %select_n3A_1279, %shift_right_logical3A_1284 : vector<16xi32>
    %sub3A_1286 = arith.subi %add3A_1285, %select_n3A_845 : vector<16xi32>
    %gather3A_1287 = tpu.vector_load_idx %arg13[%add3A_1210, %sub3A_1286] : memref<64x128xf32, #tpu.memory_space<vmem>>[vector<16xi32>, vector<16xi32>], vector<16xf32>,
    %le3A_1288 = arith.cmpf ole, %mul3A_644, %gather3A_1287 : vector<16xf32>
    %select_n3A_1289 = arith.select %le3A_1288, %select_n3A_1279, %add3A_1285 : vector<16xi1>, vector<16xi32>
    %select_n3A_1290 = arith.select %le3A_1288, %add3A_1285, %select_n3A_1280 : vector<16xi1>, vector<16xi32>
    %and3A_1291 = arith.constant 511 : i32
    %and3A_1292 = vector.broadcast %and3A_1291 : i32 to vector<16xi32>
    %and3A_1293 = arith.andi %select_n3A_1290, %and3A_1292 : vector<16xi32>
    %convert_element_type3A_1294 = arith.sitofp %and3A_1293 : vector<16xi32> to vector<16xf32>
    %shift_right_logical3A_1295 = arith.constant 9 : i32
    %shift_right_logical3A_1296 = vector.broadcast %shift_right_logical3A_1295 : i32 to vector<16xi32>
    %shift_right_logical3A_1297 = arith.shrui %select_n3A_1290, %shift_right_logical3A_1296 : vector<16xi32>
    %convert_element_type3A_1298 = arith.sitofp %shift_right_logical3A_1297 : vector<16xi32> to vector<16xf32>
    %add3A_1299 = arith.constant 5.000000e-01 : f32
    %add3A_1300 = vector.broadcast %add3A_1299 : f32 to vector<16xf32>
    %add3A_1301 = arith.addf %convert_element_type3A_1294, %add3A_1300 : vector<16xf32>
    %mul3A_1302 = arith.constant 3.906250e-03 : f32
    %mul3A_1303 = vector.broadcast %mul3A_1302 : f32 to vector<16xf32>
    %mul3A_1304 = arith.mulf %add3A_1301, %mul3A_1303 : vector<16xf32>
    %sub3A_1305 = arith.constant 1.000000e+00 : f32
    %sub3A_1306 = vector.broadcast %sub3A_1305 : f32 to vector<16xf32>
    %sub3A_1307 = arith.subf %mul3A_1304, %sub3A_1306 : vector<16xf32>
    %add3A_1308 = arith.constant 5.000000e-01 : f32
    %add3A_1309 = vector.broadcast %add3A_1308 : f32 to vector<16xf32>
    %add3A_1310 = arith.addf %convert_element_type3A_1298, %add3A_1309 : vector<16xf32>
    %mul3A_1311 = arith.constant 3.906250e-03 : f32
    %mul3A_1312 = vector.broadcast %mul3A_1311 : f32 to vector<16xf32>
    %mul3A_1313 = arith.mulf %add3A_1310, %mul3A_1312 : vector<16xf32>
    %sub3A_1314 = arith.constant 1.000000e+00 : f32
    %sub3A_1315 = vector.broadcast %sub3A_1314 : f32 to vector<16xf32>
    %sub3A_1316 = arith.subf %mul3A_1313, %sub3A_1315 : vector<16xf32>
    tpu.vector_store_idx %arg16[%add3A_1210, %broadcast_in_dim3A_4], %sub3A_1307 : memref<64x2xf32, #tpu.memory_space<vmem>>[vector<16xi32>, vector<16xi32>], vector<16xf32>,
    %add3A_1317 = arith.constant 1 : i32
    %add3A_1318 = vector.broadcast %add3A_1317 : i32 to vector<16xi32>
    %add3A_1319 = arith.addi %broadcast_in_dim3A_4, %add3A_1318 : vector<16xi32>
    tpu.vector_store_idx %arg16[%add3A_1210, %add3A_1319], %sub3A_1316 : memref<64x2xf32, #tpu.memory_space<vmem>>[vector<16xi32>, vector<16xi32>], vector<16xf32>,
    %shift_right_logical3A_1320 = arith.constant 4 : i32
    %shift_right_logical3A_1321 = vector.broadcast %shift_right_logical3A_1320 : i32 to vector<16xi32>
    %shift_right_logical3A_1322 = arith.shrui %select_n3A_1290, %shift_right_logical3A_1321 : vector<16xi32>
    %swap3A_1323 = arith.constant 48 : index
    %swap3A_1324 = tpu.vector_load %arg14[%swap3A_1323] {strides = array<i32>} : memref<64xi32, #tpu.memory_space<vmem>>, vector<16xi32>,
    tpu.vector_store %arg14[%swap3A_1323], %shift_right_logical3A_1322 {strides = array<i32>} : memref<64xi32, #tpu.memory_space<vmem>>, vector<16xi32>,
    %dma_start3A_1325 = arith.constant 0 : i32
    %dma_start3A_1326 = arith.constant 0 : i32
    %dma_start3A_1327 = tpu.memref_slice %arg6[%dma_start3A_1325, %dma_start3A_1326] : memref<16384x16xf32, #tpu.memory_space<hbm>> -> memref<16384x16xf32, #tpu.memory_space<hbm>>
    tpu.enqueue_indirect_dma source(%dma_start3A_1327 : memref<16384x16xf32, #tpu.memory_space<hbm>>) target(%arg15 : memref<64x16xf32, #tpu.memory_space<vmem>>) offsets(%arg14 : memref<64xi32, #tpu.memory_space<vmem>>) semaphore(%arg22 : memref<!tpu.dma_semaphore, #tpu.memory_space<semaphore_mem>>)
    %dma_start3A_1328 = arith.constant 0 : i32
    %dma_start3A_1329 = tpu.memref_slice %arg7[%mul3A_2, %dma_start3A_1328] : memref<2048x2xf32, #tpu.memory_space<hbm>> -> memref<64x2xf32, #tpu.memory_space<hbm>>
    %dma_start3A_1330 = arith.constant 0 : i32
    %dma_start3A_1331 = tpu.memref_slice %arg7[%mul3A_2, %dma_start3A_1330] : memref<2048x2xf32, #tpu.memory_space<hbm>> -> memref<64x2xf32, #tpu.memory_space<hbm>>
    tpu.enqueue_dma source(%arg16 : memref<64x2xf32, #tpu.memory_space<vmem>>) target(%dma_start3A_1331 : memref<64x2xf32, #tpu.memory_space<hbm>>) target_semaphore(%arg23 : memref<!tpu.dma_semaphore, #tpu.memory_space<semaphore_mem>>)
    %dma_wait3A_1332 = arith.constant 0 : i32
    %dma_wait3A_1333 = arith.constant 0 : i32
    %dma_wait3A_1334 = tpu.memref_slice %arg6[%dma_wait3A_1332, %dma_wait3A_1333] : memref<16384x16xf32, #tpu.memory_space<hbm>> -> memref<16384x16xf32, #tpu.memory_space<hbm>>
    tpu.wait_indirect_dma semaphore(%arg22 : memref<!tpu.dma_semaphore, #tpu.memory_space<semaphore_mem>>) src(%dma_wait3A_1334 : memref<16384x16xf32, #tpu.memory_space<hbm>>) dst(%arg15 : memref<64x16xf32, #tpu.memory_space<vmem>>)
    %add3A_1335 = arith.constant 0 : i32
    %add3A_1336 = vector.broadcast %add3A_1335 : i32 to vector<16xi32>
    %add3A_1337 = arith.addi %iota3A, %add3A_1336 : vector<16xi32>
    %and3A_1338 = arith.constant 15 : i32
    %and3A_1339 = vector.broadcast %and3A_1338 : i32 to vector<16xi32>
    %and3A_1340 = arith.andi %select_n3A_940, %and3A_1339 : vector<16xi32>
    %gather3A_1341 = tpu.vector_load_idx %arg15[%add3A_1337, %and3A_1340] : memref<64x16xf32, #tpu.memory_space<vmem>>[vector<16xi32>, vector<16xi32>], vector<16xf32>,
    tpu.vector_store_idx %arg17[%add3A_1337, %broadcast_in_dim3A_4], %gather3A_1341 : memref<64x1xf32, #tpu.memory_space<vmem>>[vector<16xi32>, vector<16xi32>], vector<16xf32>,
    %add3A_1342 = arith.constant 16 : i32
    %add3A_1343 = vector.broadcast %add3A_1342 : i32 to vector<16xi32>
    %add3A_1344 = arith.addi %iota3A, %add3A_1343 : vector<16xi32>
    %and3A_1345 = arith.constant 15 : i32
    %and3A_1346 = vector.broadcast %and3A_1345 : i32 to vector<16xi32>
    %and3A_1347 = arith.andi %select_n3A_1056, %and3A_1346 : vector<16xi32>
    %gather3A_1348 = tpu.vector_load_idx %arg15[%add3A_1344, %and3A_1347] : memref<64x16xf32, #tpu.memory_space<vmem>>[vector<16xi32>, vector<16xi32>], vector<16xf32>,
    tpu.vector_store_idx %arg17[%add3A_1344, %broadcast_in_dim3A_4], %gather3A_1348 : memref<64x1xf32, #tpu.memory_space<vmem>>[vector<16xi32>, vector<16xi32>], vector<16xf32>,
    %add3A_1349 = arith.constant 32 : i32
    %add3A_1350 = vector.broadcast %add3A_1349 : i32 to vector<16xi32>
    %add3A_1351 = arith.addi %iota3A, %add3A_1350 : vector<16xi32>
    %and3A_1352 = arith.constant 15 : i32
    %and3A_1353 = vector.broadcast %and3A_1352 : i32 to vector<16xi32>
    %and3A_1354 = arith.andi %select_n3A_1173, %and3A_1353 : vector<16xi32>
    %gather3A_1355 = tpu.vector_load_idx %arg15[%add3A_1351, %and3A_1354] : memref<64x16xf32, #tpu.memory_space<vmem>>[vector<16xi32>, vector<16xi32>], vector<16xf32>,
    tpu.vector_store_idx %arg17[%add3A_1351, %broadcast_in_dim3A_4], %gather3A_1355 : memref<64x1xf32, #tpu.memory_space<vmem>>[vector<16xi32>, vector<16xi32>], vector<16xf32>,
    %add3A_1356 = arith.constant 48 : i32
    %add3A_1357 = vector.broadcast %add3A_1356 : i32 to vector<16xi32>
    %add3A_1358 = arith.addi %iota3A, %add3A_1357 : vector<16xi32>
    %and3A_1359 = arith.constant 15 : i32
    %and3A_1360 = vector.broadcast %and3A_1359 : i32 to vector<16xi32>
    %and3A_1361 = arith.andi %select_n3A_1290, %and3A_1360 : vector<16xi32>
    %gather3A_1362 = tpu.vector_load_idx %arg15[%add3A_1358, %and3A_1361] : memref<64x16xf32, #tpu.memory_space<vmem>>[vector<16xi32>, vector<16xi32>], vector<16xf32>,
    tpu.vector_store_idx %arg17[%add3A_1358, %broadcast_in_dim3A_4], %gather3A_1362 : memref<64x1xf32, #tpu.memory_space<vmem>>[vector<16xi32>, vector<16xi32>], vector<16xf32>,
    %dma_start3A_1363 = arith.constant 0 : i32
    %dma_start3A_1364 = tpu.memref_slice %arg8[%mul3A_2, %dma_start3A_1363] : memref<2048x1xf32, #tpu.memory_space<hbm>> -> memref<64x1xf32, #tpu.memory_space<hbm>>
    %dma_start3A_1365 = arith.constant 0 : i32
    %dma_start3A_1366 = tpu.memref_slice %arg8[%mul3A_2, %dma_start3A_1365] : memref<2048x1xf32, #tpu.memory_space<hbm>> -> memref<64x1xf32, #tpu.memory_space<hbm>>
    tpu.enqueue_dma source(%arg17 : memref<64x1xf32, #tpu.memory_space<vmem>>) target(%dma_start3A_1366 : memref<64x1xf32, #tpu.memory_space<hbm>>) target_semaphore(%arg24 : memref<!tpu.dma_semaphore, #tpu.memory_space<semaphore_mem>>)
    %dma_wait3A_1367 = arith.constant 0 : i32
    %dma_wait3A_1368 = tpu.memref_slice %arg7[%mul3A_2, %dma_wait3A_1367] : memref<2048x2xf32, #tpu.memory_space<hbm>> -> memref<64x2xf32, #tpu.memory_space<hbm>>
    %dma_wait3A_1369 = arith.constant 0 : i32
    %dma_wait3A_1370 = tpu.memref_slice %arg7[%mul3A_2, %dma_wait3A_1369] : memref<2048x2xf32, #tpu.memory_space<hbm>> -> memref<64x2xf32, #tpu.memory_space<hbm>>
    tpu.wait_dma2 semaphore(%arg23 : memref<!tpu.dma_semaphore, #tpu.memory_space<semaphore_mem>>) src(%arg16 : memref<64x2xf32, #tpu.memory_space<vmem>>) dst(%dma_wait3A_1370 : memref<64x2xf32, #tpu.memory_space<hbm>>)
    %dma_wait3A_1371 = arith.constant 0 : i32
    %dma_wait3A_1372 = tpu.memref_slice %arg8[%mul3A_2, %dma_wait3A_1371] : memref<2048x1xf32, #tpu.memory_space<hbm>> -> memref<64x1xf32, #tpu.memory_space<hbm>>
    %dma_wait3A_1373 = arith.constant 0 : i32
    %dma_wait3A_1374 = tpu.memref_slice %arg8[%mul3A_2, %dma_wait3A_1373] : memref<2048x1xf32, #tpu.memory_space<hbm>> -> memref<64x1xf32, #tpu.memory_space<hbm>>
    tpu.wait_dma2 semaphore(%arg24 : memref<!tpu.dma_semaphore, #tpu.memory_space<semaphore_mem>>) src(%arg17 : memref<64x1xf32, #tpu.memory_space<vmem>>) dst(%dma_wait3A_1374 : memref<64x1xf32, #tpu.memory_space<hbm>>)
    return
  }
}

#map = affine_map<(d0, d1) -> (0)>
#map1 = affine_map<(d0, d1) -> (0, 0)>
module attributes {stable_mosaic.version = 14 : i64} {
  func.func @_sc_global_body(%arg0: i32, %arg1: i32, %arg2: memref<2048xf32, #tpu.memory_space<hbm>>, %arg3: memref<16384x16xf32, #tpu.memory_space<hbm>>, %arg4: memref<2048x2xf32, #tpu.memory_space<hbm>>, %arg5: memref<2048x1xf32, #tpu.memory_space<hbm>>, %arg6: memref<1024x1xf32, #tpu.memory_space<hbm>>, %arg7: memref<64xf32, #tpu.memory_space<vmem>>, %arg8: memref<64xi32, #tpu.memory_space<vmem>>, %arg9: memref<64x16xf32, #tpu.memory_space<vmem>>, %arg10: memref<32xi32, #tpu.memory_space<vmem>>, %arg11: memref<32x16xf32, #tpu.memory_space<vmem>>, %arg12: memref<64x2xf32, #tpu.memory_space<vmem>>, %arg13: memref<64x1xf32, #tpu.memory_space<vmem>>, %arg14: memref<32x1xf32, #tpu.memory_space<vmem>>, %arg15: memref<!tpu.dma_semaphore, #tpu.memory_space<semaphore_mem>>, %arg16: memref<!tpu.dma_semaphore, #tpu.memory_space<semaphore_mem>>, %arg17: memref<!tpu.dma_semaphore, #tpu.memory_space<semaphore_mem>>, %arg18: memref<!tpu.dma_semaphore, #tpu.memory_space<semaphore_mem>>, %arg19: memref<!tpu.dma_semaphore, #tpu.memory_space<semaphore_mem>>, %arg20: memref<!tpu.dma_semaphore, #tpu.memory_space<semaphore_mem>>) attributes {dimension_semantics = [#tpu.dimension_semantics<core_parallel>, #tpu.dimension_semantics<subcore_parallel>], iteration_bounds = array<i64: 2, 16>, scalar_prefetch = 0 : i64, scratch_operands = 14 : i64, tpu.core_type = #tpu.core_type<sc_vector_subcore>, window_params = [{transform_indices = #map}, {transform_indices = #map1}, {transform_indices = #map1}, {transform_indices = #map1}, {transform_indices = #map1}]} {
    %mul3A = arith.constant 2 : i32
    %mul3A_0 = arith.muli %arg1, %mul3A : i32
    %add3A = arith.addi %mul3A_0, %arg0 : i32
    %mul3A_1 = arith.constant 64 : i32
    %mul3A_2 = arith.muli %add3A, %mul3A_1 : i32
    %dma_start3A = tpu.memref_slice %arg2[%mul3A_2] : memref<2048xf32, #tpu.memory_space<hbm>> -> memref<64xf32, #tpu.memory_space<hbm>>
    %dma_start3A_3 = tpu.memref_slice %arg2[%mul3A_2] : memref<2048xf32, #tpu.memory_space<hbm>> -> memref<64xf32, #tpu.memory_space<hbm>>
    tpu.enqueue_dma source(%dma_start3A_3 : memref<64xf32, #tpu.memory_space<hbm>>) target(%arg7 : memref<64xf32, #tpu.memory_space<vmem>>) target_semaphore(%arg15 : memref<!tpu.dma_semaphore, #tpu.memory_space<semaphore_mem>>)
    %iota3A = tpu.iota {dimensions = array<i32: 0>} : vector<16xi32>
    %broadcast_in_dim3A = arith.constant 0 : i32
    %broadcast_in_dim3A_4 = vector.broadcast %broadcast_in_dim3A : i32 to vector<16xi32>
    %add3A_5 = arith.constant 0 : i32
    %add3A_6 = vector.broadcast %add3A_5 : i32 to vector<16xi32>
    %add3A_7 = arith.addi %iota3A, %add3A_6 : vector<16xi32>
    %mul3A_8 = arith.constant 512 : i32
    %mul3A_9 = arith.muli %add3A, %mul3A_8 : i32
    %add3A_10 = vector.broadcast %mul3A_9 : i32 to vector<16xi32>
    %add3A_11 = arith.addi %add3A_10, %add3A_7 : vector<16xi32>
    %swap3A = arith.constant 0 : index
    %swap3A_12 = tpu.vector_load %arg10[%swap3A] {strides = array<i32>} : memref<32xi32, #tpu.memory_space<vmem>>, vector<16xi32>,
    tpu.vector_store %arg10[%swap3A], %add3A_11 {strides = array<i32>} : memref<32xi32, #tpu.memory_space<vmem>>, vector<16xi32>,
    %add3A_13 = arith.constant 16 : i32
    %add3A_14 = vector.broadcast %add3A_13 : i32 to vector<16xi32>
    %add3A_15 = arith.addi %iota3A, %add3A_14 : vector<16xi32>
    %mul3A_16 = arith.constant 512 : i32
    %mul3A_17 = arith.muli %add3A, %mul3A_16 : i32
    %add3A_18 = vector.broadcast %mul3A_17 : i32 to vector<16xi32>
    %add3A_19 = arith.addi %add3A_18, %add3A_15 : vector<16xi32>
    %swap3A_20 = arith.constant 16 : index
    %swap3A_21 = tpu.vector_load %arg10[%swap3A_20] {strides = array<i32>} : memref<32xi32, #tpu.memory_space<vmem>>, vector<16xi32>,
    tpu.vector_store %arg10[%swap3A_20], %add3A_19 {strides = array<i32>} : memref<32xi32, #tpu.memory_space<vmem>>, vector<16xi32>,
    %dma_start3A_22 = arith.constant 0 : i32
    %dma_start3A_23 = arith.constant 0 : i32
    %dma_start3A_24 = tpu.memref_slice %arg3[%dma_start3A_22, %dma_start3A_23] : memref<16384x16xf32, #tpu.memory_space<hbm>> -> memref<16384x16xf32, #tpu.memory_space<hbm>>
    tpu.enqueue_indirect_dma source(%dma_start3A_24 : memref<16384x16xf32, #tpu.memory_space<hbm>>) target(%arg11 : memref<32x16xf32, #tpu.memory_space<vmem>>) offsets(%arg10 : memref<32xi32, #tpu.memory_space<vmem>>) semaphore(%arg17 : memref<!tpu.dma_semaphore, #tpu.memory_space<semaphore_mem>>)
    %dma_wait3A = tpu.memref_slice %arg2[%mul3A_2] : memref<2048xf32, #tpu.memory_space<hbm>> -> memref<64xf32, #tpu.memory_space<hbm>>
    %dma_wait3A_25 = tpu.memref_slice %arg2[%mul3A_2] : memref<2048xf32, #tpu.memory_space<hbm>> -> memref<64xf32, #tpu.memory_space<hbm>>
    tpu.wait_dma2 semaphore(%arg15 : memref<!tpu.dma_semaphore, #tpu.memory_space<semaphore_mem>>) src(%dma_wait3A_25 : memref<64xf32, #tpu.memory_space<hbm>>) dst(%arg7 : memref<64xf32, #tpu.memory_space<vmem>>)
    %get3A = arith.constant 0 : index
    %get3A_26 = tpu.vector_load %arg7[%get3A] {strides = array<i32>} : memref<64xf32, #tpu.memory_space<vmem>>, vector<16xf32>,
    %sub3A = arith.constant 1.000000e+00 : f32
    %sub3A_27 = vector.broadcast %sub3A : f32 to vector<16xf32>
    %sub3A_28 = arith.subf %sub3A_27, %get3A_26 : vector<16xf32>
    %mul3A_29 = arith.constant 1.310720e+05 : f32
    %mul3A_30 = vector.broadcast %mul3A_29 : f32 to vector<16xf32>
    %mul3A_31 = arith.mulf %sub3A_28, %mul3A_30 : vector<16xf32>
    %convert_element_type3A = arith.fptosi %mul3A_31 : vector<16xf32> to vector<16xi32>
    %convert_element_type3A_32 = arith.sitofp %convert_element_type3A : vector<16xi32> to vector<16xf32>
    %lt3A = arith.cmpf olt, %convert_element_type3A_32, %mul3A_31 : vector<16xf32>
    %jit3A = arith.constant 1 : i32
    %jit3A_33 = arith.constant 0 : i32
    %broadcast_in_dim3A_34 = vector.broadcast %jit3A : i32 to vector<16xi32>
    %broadcast_in_dim3A_35 = vector.broadcast %jit3A_33 : i32 to vector<16xi32>
    %select_n3A = arith.select %lt3A, %broadcast_in_dim3A_34, %broadcast_in_dim3A_35 : vector<16xi1>, vector<16xi32>
    %add3A_36 = arith.addi %convert_element_type3A, %select_n3A : vector<16xi32>
    %sub3A_37 = arith.constant 1 : i32
    %sub3A_38 = vector.broadcast %sub3A_37 : i32 to vector<16xi32>
    %sub3A_39 = arith.subi %add3A_36, %sub3A_38 : vector<16xi32>
    %shift_right_logical3A = arith.constant 8 : i32
    %shift_right_logical3A_40 = vector.broadcast %shift_right_logical3A : i32 to vector<16xi32>
    %shift_right_logical3A_41 = arith.shrui %sub3A_39, %shift_right_logical3A_40 : vector<16xi32>
    %mul3A_42 = arith.constant 512 : i32
    %mul3A_43 = vector.broadcast %mul3A_42 : i32 to vector<16xi32>
    %mul3A_44 = arith.muli %shift_right_logical3A_41, %mul3A_43 : vector<16xi32>
    %and3A = arith.constant 255 : i32
    %and3A_45 = vector.broadcast %and3A : i32 to vector<16xi32>
    %and3A_46 = arith.andi %sub3A_39, %and3A_45 : vector<16xi32>
    %add3A_47 = arith.addi %mul3A_44, %and3A_46 : vector<16xi32>
    %add3A_48 = arith.constant 0 : i32
    %add3A_49 = vector.broadcast %add3A_48 : i32 to vector<16xi32>
    %add3A_50 = arith.addi %iota3A, %add3A_49 : vector<16xi32>
    %and3A_51 = arith.constant 511 : i32
    %and3A_52 = vector.broadcast %and3A_51 : i32 to vector<16xi32>
    %and3A_53 = arith.andi %add3A_47, %and3A_52 : vector<16xi32>
    %convert_element_type3A_54 = arith.sitofp %and3A_53 : vector<16xi32> to vector<16xf32>
    %shift_right_logical3A_55 = arith.constant 9 : i32
    %shift_right_logical3A_56 = vector.broadcast %shift_right_logical3A_55 : i32 to vector<16xi32>
    %shift_right_logical3A_57 = arith.shrui %add3A_47, %shift_right_logical3A_56 : vector<16xi32>
    %convert_element_type3A_58 = arith.sitofp %shift_right_logical3A_57 : vector<16xi32> to vector<16xf32>
    %add3A_59 = arith.constant 5.000000e-01 : f32
    %add3A_60 = vector.broadcast %add3A_59 : f32 to vector<16xf32>
    %add3A_61 = arith.addf %convert_element_type3A_54, %add3A_60 : vector<16xf32>
    %mul3A_62 = arith.constant 3.906250e-03 : f32
    %mul3A_63 = vector.broadcast %mul3A_62 : f32 to vector<16xf32>
    %mul3A_64 = arith.mulf %add3A_61, %mul3A_63 : vector<16xf32>
    %sub3A_65 = arith.constant 1.000000e+00 : f32
    %sub3A_66 = vector.broadcast %sub3A_65 : f32 to vector<16xf32>
    %sub3A_67 = arith.subf %mul3A_64, %sub3A_66 : vector<16xf32>
    %add3A_68 = arith.constant 5.000000e-01 : f32
    %add3A_69 = vector.broadcast %add3A_68 : f32 to vector<16xf32>
    %add3A_70 = arith.addf %convert_element_type3A_58, %add3A_69 : vector<16xf32>
    %mul3A_71 = arith.constant 3.906250e-03 : f32
    %mul3A_72 = vector.broadcast %mul3A_71 : f32 to vector<16xf32>
    %mul3A_73 = arith.mulf %add3A_70, %mul3A_72 : vector<16xf32>
    %sub3A_74 = arith.constant 1.000000e+00 : f32
    %sub3A_75 = vector.broadcast %sub3A_74 : f32 to vector<16xf32>
    %sub3A_76 = arith.subf %mul3A_73, %sub3A_75 : vector<16xf32>
    tpu.vector_store_idx %arg12[%add3A_50, %broadcast_in_dim3A_4], %sub3A_67 : memref<64x2xf32, #tpu.memory_space<vmem>>[vector<16xi32>, vector<16xi32>], vector<16xf32>,
    %add3A_77 = arith.constant 1 : i32
    %add3A_78 = vector.broadcast %add3A_77 : i32 to vector<16xi32>
    %add3A_79 = arith.addi %broadcast_in_dim3A_4, %add3A_78 : vector<16xi32>
    tpu.vector_store_idx %arg12[%add3A_50, %add3A_79], %sub3A_76 : memref<64x2xf32, #tpu.memory_space<vmem>>[vector<16xi32>, vector<16xi32>], vector<16xf32>,
    %shift_right_logical3A_80 = arith.constant 4 : i32
    %shift_right_logical3A_81 = vector.broadcast %shift_right_logical3A_80 : i32 to vector<16xi32>
    %shift_right_logical3A_82 = arith.shrui %add3A_47, %shift_right_logical3A_81 : vector<16xi32>
    %swap3A_83 = arith.constant 0 : index
    %swap3A_84 = tpu.vector_load %arg8[%swap3A_83] {strides = array<i32>} : memref<64xi32, #tpu.memory_space<vmem>>, vector<16xi32>,
    tpu.vector_store %arg8[%swap3A_83], %shift_right_logical3A_82 {strides = array<i32>} : memref<64xi32, #tpu.memory_space<vmem>>, vector<16xi32>,
    %get3A_85 = arith.constant 16 : index
    %get3A_86 = tpu.vector_load %arg7[%get3A_85] {strides = array<i32>} : memref<64xf32, #tpu.memory_space<vmem>>, vector<16xf32>,
    %sub3A_87 = arith.constant 1.000000e+00 : f32
    %sub3A_88 = vector.broadcast %sub3A_87 : f32 to vector<16xf32>
    %sub3A_89 = arith.subf %sub3A_88, %get3A_86 : vector<16xf32>
    %mul3A_90 = arith.constant 1.310720e+05 : f32
    %mul3A_91 = vector.broadcast %mul3A_90 : f32 to vector<16xf32>
    %mul3A_92 = arith.mulf %sub3A_89, %mul3A_91 : vector<16xf32>
    %convert_element_type3A_93 = arith.fptosi %mul3A_92 : vector<16xf32> to vector<16xi32>
    %convert_element_type3A_94 = arith.sitofp %convert_element_type3A_93 : vector<16xi32> to vector<16xf32>
    %lt3A_95 = arith.cmpf olt, %convert_element_type3A_94, %mul3A_92 : vector<16xf32>
    %jit3A_96 = arith.constant 1 : i32
    %jit3A_97 = arith.constant 0 : i32
    %broadcast_in_dim3A_98 = vector.broadcast %jit3A_96 : i32 to vector<16xi32>
    %broadcast_in_dim3A_99 = vector.broadcast %jit3A_97 : i32 to vector<16xi32>
    %select_n3A_100 = arith.select %lt3A_95, %broadcast_in_dim3A_98, %broadcast_in_dim3A_99 : vector<16xi1>, vector<16xi32>
    %add3A_101 = arith.addi %convert_element_type3A_93, %select_n3A_100 : vector<16xi32>
    %sub3A_102 = arith.constant 1 : i32
    %sub3A_103 = vector.broadcast %sub3A_102 : i32 to vector<16xi32>
    %sub3A_104 = arith.subi %add3A_101, %sub3A_103 : vector<16xi32>
    %shift_right_logical3A_105 = arith.constant 8 : i32
    %shift_right_logical3A_106 = vector.broadcast %shift_right_logical3A_105 : i32 to vector<16xi32>
    %shift_right_logical3A_107 = arith.shrui %sub3A_104, %shift_right_logical3A_106 : vector<16xi32>
    %mul3A_108 = arith.constant 512 : i32
    %mul3A_109 = vector.broadcast %mul3A_108 : i32 to vector<16xi32>
    %mul3A_110 = arith.muli %shift_right_logical3A_107, %mul3A_109 : vector<16xi32>
    %and3A_111 = arith.constant 255 : i32
    %and3A_112 = vector.broadcast %and3A_111 : i32 to vector<16xi32>
    %and3A_113 = arith.andi %sub3A_104, %and3A_112 : vector<16xi32>
    %add3A_114 = arith.addi %mul3A_110, %and3A_113 : vector<16xi32>
    %add3A_115 = arith.constant 16 : i32
    %add3A_116 = vector.broadcast %add3A_115 : i32 to vector<16xi32>
    %add3A_117 = arith.addi %iota3A, %add3A_116 : vector<16xi32>
    %and3A_118 = arith.constant 511 : i32
    %and3A_119 = vector.broadcast %and3A_118 : i32 to vector<16xi32>
    %and3A_120 = arith.andi %add3A_114, %and3A_119 : vector<16xi32>
    %convert_element_type3A_121 = arith.sitofp %and3A_120 : vector<16xi32> to vector<16xf32>
    %shift_right_logical3A_122 = arith.constant 9 : i32
    %shift_right_logical3A_123 = vector.broadcast %shift_right_logical3A_122 : i32 to vector<16xi32>
    %shift_right_logical3A_124 = arith.shrui %add3A_114, %shift_right_logical3A_123 : vector<16xi32>
    %convert_element_type3A_125 = arith.sitofp %shift_right_logical3A_124 : vector<16xi32> to vector<16xf32>
    %add3A_126 = arith.constant 5.000000e-01 : f32
    %add3A_127 = vector.broadcast %add3A_126 : f32 to vector<16xf32>
    %add3A_128 = arith.addf %convert_element_type3A_121, %add3A_127 : vector<16xf32>
    %mul3A_129 = arith.constant 3.906250e-03 : f32
    %mul3A_130 = vector.broadcast %mul3A_129 : f32 to vector<16xf32>
    %mul3A_131 = arith.mulf %add3A_128, %mul3A_130 : vector<16xf32>
    %sub3A_132 = arith.constant 1.000000e+00 : f32
    %sub3A_133 = vector.broadcast %sub3A_132 : f32 to vector<16xf32>
    %sub3A_134 = arith.subf %mul3A_131, %sub3A_133 : vector<16xf32>
    %add3A_135 = arith.constant 5.000000e-01 : f32
    %add3A_136 = vector.broadcast %add3A_135 : f32 to vector<16xf32>
    %add3A_137 = arith.addf %convert_element_type3A_125, %add3A_136 : vector<16xf32>
    %mul3A_138 = arith.constant 3.906250e-03 : f32
    %mul3A_139 = vector.broadcast %mul3A_138 : f32 to vector<16xf32>
    %mul3A_140 = arith.mulf %add3A_137, %mul3A_139 : vector<16xf32>
    %sub3A_141 = arith.constant 1.000000e+00 : f32
    %sub3A_142 = vector.broadcast %sub3A_141 : f32 to vector<16xf32>
    %sub3A_143 = arith.subf %mul3A_140, %sub3A_142 : vector<16xf32>
    tpu.vector_store_idx %arg12[%add3A_117, %broadcast_in_dim3A_4], %sub3A_134 : memref<64x2xf32, #tpu.memory_space<vmem>>[vector<16xi32>, vector<16xi32>], vector<16xf32>,
    %add3A_144 = arith.constant 1 : i32
    %add3A_145 = vector.broadcast %add3A_144 : i32 to vector<16xi32>
    %add3A_146 = arith.addi %broadcast_in_dim3A_4, %add3A_145 : vector<16xi32>
    tpu.vector_store_idx %arg12[%add3A_117, %add3A_146], %sub3A_143 : memref<64x2xf32, #tpu.memory_space<vmem>>[vector<16xi32>, vector<16xi32>], vector<16xf32>,
    %shift_right_logical3A_147 = arith.constant 4 : i32
    %shift_right_logical3A_148 = vector.broadcast %shift_right_logical3A_147 : i32 to vector<16xi32>
    %shift_right_logical3A_149 = arith.shrui %add3A_114, %shift_right_logical3A_148 : vector<16xi32>
    %swap3A_150 = arith.constant 16 : index
    %swap3A_151 = tpu.vector_load %arg8[%swap3A_150] {strides = array<i32>} : memref<64xi32, #tpu.memory_space<vmem>>, vector<16xi32>,
    tpu.vector_store %arg8[%swap3A_150], %shift_right_logical3A_149 {strides = array<i32>} : memref<64xi32, #tpu.memory_space<vmem>>, vector<16xi32>,
    %get3A_152 = arith.constant 32 : index
    %get3A_153 = tpu.vector_load %arg7[%get3A_152] {strides = array<i32>} : memref<64xf32, #tpu.memory_space<vmem>>, vector<16xf32>,
    %sub3A_154 = arith.constant 1.000000e+00 : f32
    %sub3A_155 = vector.broadcast %sub3A_154 : f32 to vector<16xf32>
    %sub3A_156 = arith.subf %sub3A_155, %get3A_153 : vector<16xf32>
    %mul3A_157 = arith.constant 1.310720e+05 : f32
    %mul3A_158 = vector.broadcast %mul3A_157 : f32 to vector<16xf32>
    %mul3A_159 = arith.mulf %sub3A_156, %mul3A_158 : vector<16xf32>
    %convert_element_type3A_160 = arith.fptosi %mul3A_159 : vector<16xf32> to vector<16xi32>
    %convert_element_type3A_161 = arith.sitofp %convert_element_type3A_160 : vector<16xi32> to vector<16xf32>
    %lt3A_162 = arith.cmpf olt, %convert_element_type3A_161, %mul3A_159 : vector<16xf32>
    %jit3A_163 = arith.constant 1 : i32
    %jit3A_164 = arith.constant 0 : i32
    %broadcast_in_dim3A_165 = vector.broadcast %jit3A_163 : i32 to vector<16xi32>
    %broadcast_in_dim3A_166 = vector.broadcast %jit3A_164 : i32 to vector<16xi32>
    %select_n3A_167 = arith.select %lt3A_162, %broadcast_in_dim3A_165, %broadcast_in_dim3A_166 : vector<16xi1>, vector<16xi32>
    %add3A_168 = arith.addi %convert_element_type3A_160, %select_n3A_167 : vector<16xi32>
    %sub3A_169 = arith.constant 1 : i32
    %sub3A_170 = vector.broadcast %sub3A_169 : i32 to vector<16xi32>
    %sub3A_171 = arith.subi %add3A_168, %sub3A_170 : vector<16xi32>
    %shift_right_logical3A_172 = arith.constant 8 : i32
    %shift_right_logical3A_173 = vector.broadcast %shift_right_logical3A_172 : i32 to vector<16xi32>
    %shift_right_logical3A_174 = arith.shrui %sub3A_171, %shift_right_logical3A_173 : vector<16xi32>
    %mul3A_175 = arith.constant 512 : i32
    %mul3A_176 = vector.broadcast %mul3A_175 : i32 to vector<16xi32>
    %mul3A_177 = arith.muli %shift_right_logical3A_174, %mul3A_176 : vector<16xi32>
    %and3A_178 = arith.constant 255 : i32
    %and3A_179 = vector.broadcast %and3A_178 : i32 to vector<16xi32>
    %and3A_180 = arith.andi %sub3A_171, %and3A_179 : vector<16xi32>
    %add3A_181 = arith.addi %mul3A_177, %and3A_180 : vector<16xi32>
    %add3A_182 = arith.constant 32 : i32
    %add3A_183 = vector.broadcast %add3A_182 : i32 to vector<16xi32>
    %add3A_184 = arith.addi %iota3A, %add3A_183 : vector<16xi32>
    %and3A_185 = arith.constant 511 : i32
    %and3A_186 = vector.broadcast %and3A_185 : i32 to vector<16xi32>
    %and3A_187 = arith.andi %add3A_181, %and3A_186 : vector<16xi32>
    %convert_element_type3A_188 = arith.sitofp %and3A_187 : vector<16xi32> to vector<16xf32>
    %shift_right_logical3A_189 = arith.constant 9 : i32
    %shift_right_logical3A_190 = vector.broadcast %shift_right_logical3A_189 : i32 to vector<16xi32>
    %shift_right_logical3A_191 = arith.shrui %add3A_181, %shift_right_logical3A_190 : vector<16xi32>
    %convert_element_type3A_192 = arith.sitofp %shift_right_logical3A_191 : vector<16xi32> to vector<16xf32>
    %add3A_193 = arith.constant 5.000000e-01 : f32
    %add3A_194 = vector.broadcast %add3A_193 : f32 to vector<16xf32>
    %add3A_195 = arith.addf %convert_element_type3A_188, %add3A_194 : vector<16xf32>
    %mul3A_196 = arith.constant 3.906250e-03 : f32
    %mul3A_197 = vector.broadcast %mul3A_196 : f32 to vector<16xf32>
    %mul3A_198 = arith.mulf %add3A_195, %mul3A_197 : vector<16xf32>
    %sub3A_199 = arith.constant 1.000000e+00 : f32
    %sub3A_200 = vector.broadcast %sub3A_199 : f32 to vector<16xf32>
    %sub3A_201 = arith.subf %mul3A_198, %sub3A_200 : vector<16xf32>
    %add3A_202 = arith.constant 5.000000e-01 : f32
    %add3A_203 = vector.broadcast %add3A_202 : f32 to vector<16xf32>
    %add3A_204 = arith.addf %convert_element_type3A_192, %add3A_203 : vector<16xf32>
    %mul3A_205 = arith.constant 3.906250e-03 : f32
    %mul3A_206 = vector.broadcast %mul3A_205 : f32 to vector<16xf32>
    %mul3A_207 = arith.mulf %add3A_204, %mul3A_206 : vector<16xf32>
    %sub3A_208 = arith.constant 1.000000e+00 : f32
    %sub3A_209 = vector.broadcast %sub3A_208 : f32 to vector<16xf32>
    %sub3A_210 = arith.subf %mul3A_207, %sub3A_209 : vector<16xf32>
    tpu.vector_store_idx %arg12[%add3A_184, %broadcast_in_dim3A_4], %sub3A_201 : memref<64x2xf32, #tpu.memory_space<vmem>>[vector<16xi32>, vector<16xi32>], vector<16xf32>,
    %add3A_211 = arith.constant 1 : i32
    %add3A_212 = vector.broadcast %add3A_211 : i32 to vector<16xi32>
    %add3A_213 = arith.addi %broadcast_in_dim3A_4, %add3A_212 : vector<16xi32>
    tpu.vector_store_idx %arg12[%add3A_184, %add3A_213], %sub3A_210 : memref<64x2xf32, #tpu.memory_space<vmem>>[vector<16xi32>, vector<16xi32>], vector<16xf32>,
    %shift_right_logical3A_214 = arith.constant 4 : i32
    %shift_right_logical3A_215 = vector.broadcast %shift_right_logical3A_214 : i32 to vector<16xi32>
    %shift_right_logical3A_216 = arith.shrui %add3A_181, %shift_right_logical3A_215 : vector<16xi32>
    %swap3A_217 = arith.constant 32 : index
    %swap3A_218 = tpu.vector_load %arg8[%swap3A_217] {strides = array<i32>} : memref<64xi32, #tpu.memory_space<vmem>>, vector<16xi32>,
    tpu.vector_store %arg8[%swap3A_217], %shift_right_logical3A_216 {strides = array<i32>} : memref<64xi32, #tpu.memory_space<vmem>>, vector<16xi32>,
    %get3A_219 = arith.constant 48 : index
    %get3A_220 = tpu.vector_load %arg7[%get3A_219] {strides = array<i32>} : memref<64xf32, #tpu.memory_space<vmem>>, vector<16xf32>,
    %sub3A_221 = arith.constant 1.000000e+00 : f32
    %sub3A_222 = vector.broadcast %sub3A_221 : f32 to vector<16xf32>
    %sub3A_223 = arith.subf %sub3A_222, %get3A_220 : vector<16xf32>
    %mul3A_224 = arith.constant 1.310720e+05 : f32
    %mul3A_225 = vector.broadcast %mul3A_224 : f32 to vector<16xf32>
    %mul3A_226 = arith.mulf %sub3A_223, %mul3A_225 : vector<16xf32>
    %convert_element_type3A_227 = arith.fptosi %mul3A_226 : vector<16xf32> to vector<16xi32>
    %convert_element_type3A_228 = arith.sitofp %convert_element_type3A_227 : vector<16xi32> to vector<16xf32>
    %lt3A_229 = arith.cmpf olt, %convert_element_type3A_228, %mul3A_226 : vector<16xf32>
    %jit3A_230 = arith.constant 1 : i32
    %jit3A_231 = arith.constant 0 : i32
    %broadcast_in_dim3A_232 = vector.broadcast %jit3A_230 : i32 to vector<16xi32>
    %broadcast_in_dim3A_233 = vector.broadcast %jit3A_231 : i32 to vector<16xi32>
    %select_n3A_234 = arith.select %lt3A_229, %broadcast_in_dim3A_232, %broadcast_in_dim3A_233 : vector<16xi1>, vector<16xi32>
    %add3A_235 = arith.addi %convert_element_type3A_227, %select_n3A_234 : vector<16xi32>
    %sub3A_236 = arith.constant 1 : i32
    %sub3A_237 = vector.broadcast %sub3A_236 : i32 to vector<16xi32>
    %sub3A_238 = arith.subi %add3A_235, %sub3A_237 : vector<16xi32>
    %shift_right_logical3A_239 = arith.constant 8 : i32
    %shift_right_logical3A_240 = vector.broadcast %shift_right_logical3A_239 : i32 to vector<16xi32>
    %shift_right_logical3A_241 = arith.shrui %sub3A_238, %shift_right_logical3A_240 : vector<16xi32>
    %mul3A_242 = arith.constant 512 : i32
    %mul3A_243 = vector.broadcast %mul3A_242 : i32 to vector<16xi32>
    %mul3A_244 = arith.muli %shift_right_logical3A_241, %mul3A_243 : vector<16xi32>
    %and3A_245 = arith.constant 255 : i32
    %and3A_246 = vector.broadcast %and3A_245 : i32 to vector<16xi32>
    %and3A_247 = arith.andi %sub3A_238, %and3A_246 : vector<16xi32>
    %add3A_248 = arith.addi %mul3A_244, %and3A_247 : vector<16xi32>
    %add3A_249 = arith.constant 48 : i32
    %add3A_250 = vector.broadcast %add3A_249 : i32 to vector<16xi32>
    %add3A_251 = arith.addi %iota3A, %add3A_250 : vector<16xi32>
    %and3A_252 = arith.constant 511 : i32
    %and3A_253 = vector.broadcast %and3A_252 : i32 to vector<16xi32>
    %and3A_254 = arith.andi %add3A_248, %and3A_253 : vector<16xi32>
    %convert_element_type3A_255 = arith.sitofp %and3A_254 : vector<16xi32> to vector<16xf32>
    %shift_right_logical3A_256 = arith.constant 9 : i32
    %shift_right_logical3A_257 = vector.broadcast %shift_right_logical3A_256 : i32 to vector<16xi32>
    %shift_right_logical3A_258 = arith.shrui %add3A_248, %shift_right_logical3A_257 : vector<16xi32>
    %convert_element_type3A_259 = arith.sitofp %shift_right_logical3A_258 : vector<16xi32> to vector<16xf32>
    %add3A_260 = arith.constant 5.000000e-01 : f32
    %add3A_261 = vector.broadcast %add3A_260 : f32 to vector<16xf32>
    %add3A_262 = arith.addf %convert_element_type3A_255, %add3A_261 : vector<16xf32>
    %mul3A_263 = arith.constant 3.906250e-03 : f32
    %mul3A_264 = vector.broadcast %mul3A_263 : f32 to vector<16xf32>
    %mul3A_265 = arith.mulf %add3A_262, %mul3A_264 : vector<16xf32>
    %sub3A_266 = arith.constant 1.000000e+00 : f32
    %sub3A_267 = vector.broadcast %sub3A_266 : f32 to vector<16xf32>
    %sub3A_268 = arith.subf %mul3A_265, %sub3A_267 : vector<16xf32>
    %add3A_269 = arith.constant 5.000000e-01 : f32
    %add3A_270 = vector.broadcast %add3A_269 : f32 to vector<16xf32>
    %add3A_271 = arith.addf %convert_element_type3A_259, %add3A_270 : vector<16xf32>
    %mul3A_272 = arith.constant 3.906250e-03 : f32
    %mul3A_273 = vector.broadcast %mul3A_272 : f32 to vector<16xf32>
    %mul3A_274 = arith.mulf %add3A_271, %mul3A_273 : vector<16xf32>
    %sub3A_275 = arith.constant 1.000000e+00 : f32
    %sub3A_276 = vector.broadcast %sub3A_275 : f32 to vector<16xf32>
    %sub3A_277 = arith.subf %mul3A_274, %sub3A_276 : vector<16xf32>
    tpu.vector_store_idx %arg12[%add3A_251, %broadcast_in_dim3A_4], %sub3A_268 : memref<64x2xf32, #tpu.memory_space<vmem>>[vector<16xi32>, vector<16xi32>], vector<16xf32>,
    %add3A_278 = arith.constant 1 : i32
    %add3A_279 = vector.broadcast %add3A_278 : i32 to vector<16xi32>
    %add3A_280 = arith.addi %broadcast_in_dim3A_4, %add3A_279 : vector<16xi32>
    tpu.vector_store_idx %arg12[%add3A_251, %add3A_280], %sub3A_277 : memref<64x2xf32, #tpu.memory_space<vmem>>[vector<16xi32>, vector<16xi32>], vector<16xf32>,
    %shift_right_logical3A_281 = arith.constant 4 : i32
    %shift_right_logical3A_282 = vector.broadcast %shift_right_logical3A_281 : i32 to vector<16xi32>
    %shift_right_logical3A_283 = arith.shrui %add3A_248, %shift_right_logical3A_282 : vector<16xi32>
    %swap3A_284 = arith.constant 48 : index
    %swap3A_285 = tpu.vector_load %arg8[%swap3A_284] {strides = array<i32>} : memref<64xi32, #tpu.memory_space<vmem>>, vector<16xi32>,
    tpu.vector_store %arg8[%swap3A_284], %shift_right_logical3A_283 {strides = array<i32>} : memref<64xi32, #tpu.memory_space<vmem>>, vector<16xi32>,
    %dma_start3A_286 = arith.constant 0 : i32
    %dma_start3A_287 = arith.constant 0 : i32
    %dma_start3A_288 = tpu.memref_slice %arg3[%dma_start3A_286, %dma_start3A_287] : memref<16384x16xf32, #tpu.memory_space<hbm>> -> memref<16384x16xf32, #tpu.memory_space<hbm>>
    tpu.enqueue_indirect_dma source(%dma_start3A_288 : memref<16384x16xf32, #tpu.memory_space<hbm>>) target(%arg9 : memref<64x16xf32, #tpu.memory_space<vmem>>) offsets(%arg8 : memref<64xi32, #tpu.memory_space<vmem>>) semaphore(%arg16 : memref<!tpu.dma_semaphore, #tpu.memory_space<semaphore_mem>>)
    %dma_start3A_289 = arith.constant 0 : i32
    %dma_start3A_290 = tpu.memref_slice %arg4[%mul3A_2, %dma_start3A_289] : memref<2048x2xf32, #tpu.memory_space<hbm>> -> memref<64x2xf32, #tpu.memory_space<hbm>>
    %dma_start3A_291 = arith.constant 0 : i32
    %dma_start3A_292 = tpu.memref_slice %arg4[%mul3A_2, %dma_start3A_291] : memref<2048x2xf32, #tpu.memory_space<hbm>> -> memref<64x2xf32, #tpu.memory_space<hbm>>
    tpu.enqueue_dma source(%arg12 : memref<64x2xf32, #tpu.memory_space<vmem>>) target(%dma_start3A_292 : memref<64x2xf32, #tpu.memory_space<hbm>>) target_semaphore(%arg18 : memref<!tpu.dma_semaphore, #tpu.memory_space<semaphore_mem>>)
    %dma_wait3A_293 = arith.constant 0 : i32
    %dma_wait3A_294 = arith.constant 0 : i32
    %dma_wait3A_295 = tpu.memref_slice %arg3[%dma_wait3A_293, %dma_wait3A_294] : memref<16384x16xf32, #tpu.memory_space<hbm>> -> memref<16384x16xf32, #tpu.memory_space<hbm>>
    tpu.wait_indirect_dma semaphore(%arg17 : memref<!tpu.dma_semaphore, #tpu.memory_space<semaphore_mem>>) src(%dma_wait3A_295 : memref<16384x16xf32, #tpu.memory_space<hbm>>) dst(%arg11 : memref<32x16xf32, #tpu.memory_space<vmem>>)
    %add3A_296 = arith.constant 0 : i32
    %add3A_297 = vector.broadcast %add3A_296 : i32 to vector<16xi32>
    %add3A_298 = arith.addi %iota3A, %add3A_297 : vector<16xi32>
    %gather3A = tpu.vector_load_idx %arg11[%add3A_298, %broadcast_in_dim3A_4] : memref<32x16xf32, #tpu.memory_space<vmem>>[vector<16xi32>, vector<16xi32>], vector<16xf32>,
    tpu.vector_store_idx %arg14[%add3A_298, %broadcast_in_dim3A_4], %gather3A : memref<32x1xf32, #tpu.memory_space<vmem>>[vector<16xi32>, vector<16xi32>], vector<16xf32>,
    %add3A_299 = arith.constant 16 : i32
    %add3A_300 = vector.broadcast %add3A_299 : i32 to vector<16xi32>
    %add3A_301 = arith.addi %iota3A, %add3A_300 : vector<16xi32>
    %gather3A_302 = tpu.vector_load_idx %arg11[%add3A_301, %broadcast_in_dim3A_4] : memref<32x16xf32, #tpu.memory_space<vmem>>[vector<16xi32>, vector<16xi32>], vector<16xf32>,
    tpu.vector_store_idx %arg14[%add3A_301, %broadcast_in_dim3A_4], %gather3A_302 : memref<32x1xf32, #tpu.memory_space<vmem>>[vector<16xi32>, vector<16xi32>], vector<16xf32>,
    %mul3A_303 = arith.constant 32 : i32
    %mul3A_304 = arith.muli %add3A, %mul3A_303 : i32
    %dma_start3A_305 = arith.constant 0 : i32
    %dma_start3A_306 = tpu.memref_slice %arg6[%mul3A_304, %dma_start3A_305] : memref<1024x1xf32, #tpu.memory_space<hbm>> -> memref<32x1xf32, #tpu.memory_space<hbm>>
    %dma_start3A_307 = arith.constant 0 : i32
    %dma_start3A_308 = tpu.memref_slice %arg6[%mul3A_304, %dma_start3A_307] : memref<1024x1xf32, #tpu.memory_space<hbm>> -> memref<32x1xf32, #tpu.memory_space<hbm>>
    tpu.enqueue_dma source(%arg14 : memref<32x1xf32, #tpu.memory_space<vmem>>) target(%dma_start3A_308 : memref<32x1xf32, #tpu.memory_space<hbm>>) target_semaphore(%arg20 : memref<!tpu.dma_semaphore, #tpu.memory_space<semaphore_mem>>)
    %dma_wait3A_309 = arith.constant 0 : i32
    %dma_wait3A_310 = arith.constant 0 : i32
    %dma_wait3A_311 = tpu.memref_slice %arg3[%dma_wait3A_309, %dma_wait3A_310] : memref<16384x16xf32, #tpu.memory_space<hbm>> -> memref<16384x16xf32, #tpu.memory_space<hbm>>
    tpu.wait_indirect_dma semaphore(%arg16 : memref<!tpu.dma_semaphore, #tpu.memory_space<semaphore_mem>>) src(%dma_wait3A_311 : memref<16384x16xf32, #tpu.memory_space<hbm>>) dst(%arg9 : memref<64x16xf32, #tpu.memory_space<vmem>>)
    %add3A_312 = arith.constant 0 : i32
    %add3A_313 = vector.broadcast %add3A_312 : i32 to vector<16xi32>
    %add3A_314 = arith.addi %iota3A, %add3A_313 : vector<16xi32>
    %and3A_315 = arith.constant 15 : i32
    %and3A_316 = vector.broadcast %and3A_315 : i32 to vector<16xi32>
    %and3A_317 = arith.andi %add3A_47, %and3A_316 : vector<16xi32>
    %gather3A_318 = tpu.vector_load_idx %arg9[%add3A_314, %and3A_317] : memref<64x16xf32, #tpu.memory_space<vmem>>[vector<16xi32>, vector<16xi32>], vector<16xf32>,
    tpu.vector_store_idx %arg13[%add3A_314, %broadcast_in_dim3A_4], %gather3A_318 : memref<64x1xf32, #tpu.memory_space<vmem>>[vector<16xi32>, vector<16xi32>], vector<16xf32>,
    %add3A_319 = arith.constant 16 : i32
    %add3A_320 = vector.broadcast %add3A_319 : i32 to vector<16xi32>
    %add3A_321 = arith.addi %iota3A, %add3A_320 : vector<16xi32>
    %and3A_322 = arith.constant 15 : i32
    %and3A_323 = vector.broadcast %and3A_322 : i32 to vector<16xi32>
    %and3A_324 = arith.andi %add3A_114, %and3A_323 : vector<16xi32>
    %gather3A_325 = tpu.vector_load_idx %arg9[%add3A_321, %and3A_324] : memref<64x16xf32, #tpu.memory_space<vmem>>[vector<16xi32>, vector<16xi32>], vector<16xf32>,
    tpu.vector_store_idx %arg13[%add3A_321, %broadcast_in_dim3A_4], %gather3A_325 : memref<64x1xf32, #tpu.memory_space<vmem>>[vector<16xi32>, vector<16xi32>], vector<16xf32>,
    %add3A_326 = arith.constant 32 : i32
    %add3A_327 = vector.broadcast %add3A_326 : i32 to vector<16xi32>
    %add3A_328 = arith.addi %iota3A, %add3A_327 : vector<16xi32>
    %and3A_329 = arith.constant 15 : i32
    %and3A_330 = vector.broadcast %and3A_329 : i32 to vector<16xi32>
    %and3A_331 = arith.andi %add3A_181, %and3A_330 : vector<16xi32>
    %gather3A_332 = tpu.vector_load_idx %arg9[%add3A_328, %and3A_331] : memref<64x16xf32, #tpu.memory_space<vmem>>[vector<16xi32>, vector<16xi32>], vector<16xf32>,
    tpu.vector_store_idx %arg13[%add3A_328, %broadcast_in_dim3A_4], %gather3A_332 : memref<64x1xf32, #tpu.memory_space<vmem>>[vector<16xi32>, vector<16xi32>], vector<16xf32>,
    %add3A_333 = arith.constant 48 : i32
    %add3A_334 = vector.broadcast %add3A_333 : i32 to vector<16xi32>
    %add3A_335 = arith.addi %iota3A, %add3A_334 : vector<16xi32>
    %and3A_336 = arith.constant 15 : i32
    %and3A_337 = vector.broadcast %and3A_336 : i32 to vector<16xi32>
    %and3A_338 = arith.andi %add3A_248, %and3A_337 : vector<16xi32>
    %gather3A_339 = tpu.vector_load_idx %arg9[%add3A_335, %and3A_338] : memref<64x16xf32, #tpu.memory_space<vmem>>[vector<16xi32>, vector<16xi32>], vector<16xf32>,
    tpu.vector_store_idx %arg13[%add3A_335, %broadcast_in_dim3A_4], %gather3A_339 : memref<64x1xf32, #tpu.memory_space<vmem>>[vector<16xi32>, vector<16xi32>], vector<16xf32>,
    %dma_start3A_340 = arith.constant 0 : i32
    %dma_start3A_341 = tpu.memref_slice %arg5[%mul3A_2, %dma_start3A_340] : memref<2048x1xf32, #tpu.memory_space<hbm>> -> memref<64x1xf32, #tpu.memory_space<hbm>>
    %dma_start3A_342 = arith.constant 0 : i32
    %dma_start3A_343 = tpu.memref_slice %arg5[%mul3A_2, %dma_start3A_342] : memref<2048x1xf32, #tpu.memory_space<hbm>> -> memref<64x1xf32, #tpu.memory_space<hbm>>
    tpu.enqueue_dma source(%arg13 : memref<64x1xf32, #tpu.memory_space<vmem>>) target(%dma_start3A_343 : memref<64x1xf32, #tpu.memory_space<hbm>>) target_semaphore(%arg19 : memref<!tpu.dma_semaphore, #tpu.memory_space<semaphore_mem>>)
    %dma_wait3A_344 = arith.constant 0 : i32
    %dma_wait3A_345 = tpu.memref_slice %arg4[%mul3A_2, %dma_wait3A_344] : memref<2048x2xf32, #tpu.memory_space<hbm>> -> memref<64x2xf32, #tpu.memory_space<hbm>>
    %dma_wait3A_346 = arith.constant 0 : i32
    %dma_wait3A_347 = tpu.memref_slice %arg4[%mul3A_2, %dma_wait3A_346] : memref<2048x2xf32, #tpu.memory_space<hbm>> -> memref<64x2xf32, #tpu.memory_space<hbm>>
    tpu.wait_dma2 semaphore(%arg18 : memref<!tpu.dma_semaphore, #tpu.memory_space<semaphore_mem>>) src(%arg12 : memref<64x2xf32, #tpu.memory_space<vmem>>) dst(%dma_wait3A_347 : memref<64x2xf32, #tpu.memory_space<hbm>>)
    %dma_wait3A_348 = arith.constant 0 : i32
    %dma_wait3A_349 = tpu.memref_slice %arg6[%mul3A_304, %dma_wait3A_348] : memref<1024x1xf32, #tpu.memory_space<hbm>> -> memref<32x1xf32, #tpu.memory_space<hbm>>
    %dma_wait3A_350 = arith.constant 0 : i32
    %dma_wait3A_351 = tpu.memref_slice %arg6[%mul3A_304, %dma_wait3A_350] : memref<1024x1xf32, #tpu.memory_space<hbm>> -> memref<32x1xf32, #tpu.memory_space<hbm>>
    tpu.wait_dma2 semaphore(%arg20 : memref<!tpu.dma_semaphore, #tpu.memory_space<semaphore_mem>>) src(%arg14 : memref<32x1xf32, #tpu.memory_space<vmem>>) dst(%dma_wait3A_351 : memref<32x1xf32, #tpu.memory_space<hbm>>)
    %dma_wait3A_352 = arith.constant 0 : i32
    %dma_wait3A_353 = tpu.memref_slice %arg5[%mul3A_2, %dma_wait3A_352] : memref<2048x1xf32, #tpu.memory_space<hbm>> -> memref<64x1xf32, #tpu.memory_space<hbm>>
    %dma_wait3A_354 = arith.constant 0 : i32
    %dma_wait3A_355 = tpu.memref_slice %arg5[%mul3A_2, %dma_wait3A_354] : memref<2048x1xf32, #tpu.memory_space<hbm>> -> memref<64x1xf32, #tpu.memory_space<hbm>>
    tpu.wait_dma2 semaphore(%arg19 : memref<!tpu.dma_semaphore, #tpu.memory_space<semaphore_mem>>) src(%arg13 : memref<64x1xf32, #tpu.memory_space<vmem>>) dst(%dma_wait3A_355 : memref<64x1xf32, #tpu.memory_space<hbm>>)
    return
  }
}

module attributes {stable_mosaic.version = 14 : i64} {
  func.func @_scan_body(%arg0: memref<2048x128xf32, #tpu.memory_space<vmem>>, %arg1: memref<2048x128xf32, #tpu.memory_space<vmem>>, %arg2: memref<16x128xf32, #tpu.memory_space<vmem>>, %arg3: memref<1x16xf32, #tpu.memory_space<vmem>>, %arg4: memref<128x16x128xf32, #tpu.memory_space<vmem>>, %arg5: memref<128x16x128xf32, #tpu.memory_space<vmem>>, %arg6: memref<16x128xf32, #tpu.memory_space<vmem>>) attributes {dimension_semantics = [], scalar_prefetch = 0 : i64, scratch_operands = 3 : i64, tpu.core_type = #tpu.core_type<tc>} {
    %get3A = arith.constant 0 : index
    %get3A_0 = arith.constant 0 : index
    %get3A_1 = vector.load %arg0[%get3A, %get3A_0] : memref<2048x128xf32, #tpu.memory_space<vmem>>, vector<128x128xf32>
    %transpose3A = tpu.transpose %get3A_1, [1, 0] : vector<128x128xf32> -> vector<128x128xf32>
    %swap3A = arith.constant 0 : index
    %swap3A_2 = arith.constant 0 : index
    %swap3A_3 = arith.constant 0 : index
    %swap3A_4 = vector.load %arg4[%swap3A, %swap3A_2, %swap3A_3] : memref<128x16x128xf32, #tpu.memory_space<vmem>>, vector<128x1x128xf32>
    %swap3A_5 = vector.shape_cast %swap3A_4 : vector<128x1x128xf32> to vector<128x128xf32>
    %swap3A_6 = vector.shape_cast %transpose3A : vector<128x128xf32> to vector<128x1x128xf32>
    tpu.vector_store %arg4[%swap3A, %swap3A_2, %swap3A_3], %swap3A_6 {strides = array<i32>} : memref<128x16x128xf32, #tpu.memory_space<vmem>>, vector<128x1x128xf32>,
    %get3A_7 = arith.constant 128 : index
    %get3A_8 = arith.constant 0 : index
    %get3A_9 = vector.load %arg0[%get3A_7, %get3A_8] : memref<2048x128xf32, #tpu.memory_space<vmem>>, vector<128x128xf32>
    %transpose3A_10 = tpu.transpose %get3A_9, [1, 0] : vector<128x128xf32> -> vector<128x128xf32>
    %swap3A_11 = arith.constant 0 : index
    %swap3A_12 = arith.constant 1 : index
    %swap3A_13 = arith.constant 0 : index
    %swap3A_14 = vector.load %arg4[%swap3A_11, %swap3A_12, %swap3A_13] : memref<128x16x128xf32, #tpu.memory_space<vmem>>, vector<128x1x128xf32>
    %swap3A_15 = vector.shape_cast %swap3A_14 : vector<128x1x128xf32> to vector<128x128xf32>
    %swap3A_16 = vector.shape_cast %transpose3A_10 : vector<128x128xf32> to vector<128x1x128xf32>
    tpu.vector_store %arg4[%swap3A_11, %swap3A_12, %swap3A_13], %swap3A_16 {strides = array<i32>} : memref<128x16x128xf32, #tpu.memory_space<vmem>>, vector<128x1x128xf32>,
    %get3A_17 = arith.constant 256 : index
    %get3A_18 = arith.constant 0 : index
    %get3A_19 = vector.load %arg0[%get3A_17, %get3A_18] : memref<2048x128xf32, #tpu.memory_space<vmem>>, vector<128x128xf32>
    %transpose3A_20 = tpu.transpose %get3A_19, [1, 0] : vector<128x128xf32> -> vector<128x128xf32>
    %swap3A_21 = arith.constant 0 : index
    %swap3A_22 = arith.constant 2 : index
    %swap3A_23 = arith.constant 0 : index
    %swap3A_24 = vector.load %arg4[%swap3A_21, %swap3A_22, %swap3A_23] : memref<128x16x128xf32, #tpu.memory_space<vmem>>, vector<128x1x128xf32>
    %swap3A_25 = vector.shape_cast %swap3A_24 : vector<128x1x128xf32> to vector<128x128xf32>
    %swap3A_26 = vector.shape_cast %transpose3A_20 : vector<128x128xf32> to vector<128x1x128xf32>
    tpu.vector_store %arg4[%swap3A_21, %swap3A_22, %swap3A_23], %swap3A_26 {strides = array<i32>} : memref<128x16x128xf32, #tpu.memory_space<vmem>>, vector<128x1x128xf32>,
    %get3A_27 = arith.constant 384 : index
    %get3A_28 = arith.constant 0 : index
    %get3A_29 = vector.load %arg0[%get3A_27, %get3A_28] : memref<2048x128xf32, #tpu.memory_space<vmem>>, vector<128x128xf32>
    %transpose3A_30 = tpu.transpose %get3A_29, [1, 0] : vector<128x128xf32> -> vector<128x128xf32>
    %swap3A_31 = arith.constant 0 : index
    %swap3A_32 = arith.constant 3 : index
    %swap3A_33 = arith.constant 0 : index
    %swap3A_34 = vector.load %arg4[%swap3A_31, %swap3A_32, %swap3A_33] : memref<128x16x128xf32, #tpu.memory_space<vmem>>, vector<128x1x128xf32>
    %swap3A_35 = vector.shape_cast %swap3A_34 : vector<128x1x128xf32> to vector<128x128xf32>
    %swap3A_36 = vector.shape_cast %transpose3A_30 : vector<128x128xf32> to vector<128x1x128xf32>
    tpu.vector_store %arg4[%swap3A_31, %swap3A_32, %swap3A_33], %swap3A_36 {strides = array<i32>} : memref<128x16x128xf32, #tpu.memory_space<vmem>>, vector<128x1x128xf32>,
    %get3A_37 = arith.constant 512 : index
    %get3A_38 = arith.constant 0 : index
    %get3A_39 = vector.load %arg0[%get3A_37, %get3A_38] : memref<2048x128xf32, #tpu.memory_space<vmem>>, vector<128x128xf32>
    %transpose3A_40 = tpu.transpose %get3A_39, [1, 0] : vector<128x128xf32> -> vector<128x128xf32>
    %swap3A_41 = arith.constant 0 : index
    %swap3A_42 = arith.constant 4 : index
    %swap3A_43 = arith.constant 0 : index
    %swap3A_44 = vector.load %arg4[%swap3A_41, %swap3A_42, %swap3A_43] : memref<128x16x128xf32, #tpu.memory_space<vmem>>, vector<128x1x128xf32>
    %swap3A_45 = vector.shape_cast %swap3A_44 : vector<128x1x128xf32> to vector<128x128xf32>
    %swap3A_46 = vector.shape_cast %transpose3A_40 : vector<128x128xf32> to vector<128x1x128xf32>
    tpu.vector_store %arg4[%swap3A_41, %swap3A_42, %swap3A_43], %swap3A_46 {strides = array<i32>} : memref<128x16x128xf32, #tpu.memory_space<vmem>>, vector<128x1x128xf32>,
    %get3A_47 = arith.constant 640 : index
    %get3A_48 = arith.constant 0 : index
    %get3A_49 = vector.load %arg0[%get3A_47, %get3A_48] : memref<2048x128xf32, #tpu.memory_space<vmem>>, vector<128x128xf32>
    %transpose3A_50 = tpu.transpose %get3A_49, [1, 0] : vector<128x128xf32> -> vector<128x128xf32>
    %swap3A_51 = arith.constant 0 : index
    %swap3A_52 = arith.constant 5 : index
    %swap3A_53 = arith.constant 0 : index
    %swap3A_54 = vector.load %arg4[%swap3A_51, %swap3A_52, %swap3A_53] : memref<128x16x128xf32, #tpu.memory_space<vmem>>, vector<128x1x128xf32>
    %swap3A_55 = vector.shape_cast %swap3A_54 : vector<128x1x128xf32> to vector<128x128xf32>
    %swap3A_56 = vector.shape_cast %transpose3A_50 : vector<128x128xf32> to vector<128x1x128xf32>
    tpu.vector_store %arg4[%swap3A_51, %swap3A_52, %swap3A_53], %swap3A_56 {strides = array<i32>} : memref<128x16x128xf32, #tpu.memory_space<vmem>>, vector<128x1x128xf32>,
    %get3A_57 = arith.constant 768 : index
    %get3A_58 = arith.constant 0 : index
    %get3A_59 = vector.load %arg0[%get3A_57, %get3A_58] : memref<2048x128xf32, #tpu.memory_space<vmem>>, vector<128x128xf32>
    %transpose3A_60 = tpu.transpose %get3A_59, [1, 0] : vector<128x128xf32> -> vector<128x128xf32>
    %swap3A_61 = arith.constant 0 : index
    %swap3A_62 = arith.constant 6 : index
    %swap3A_63 = arith.constant 0 : index
    %swap3A_64 = vector.load %arg4[%swap3A_61, %swap3A_62, %swap3A_63] : memref<128x16x128xf32, #tpu.memory_space<vmem>>, vector<128x1x128xf32>
    %swap3A_65 = vector.shape_cast %swap3A_64 : vector<128x1x128xf32> to vector<128x128xf32>
    %swap3A_66 = vector.shape_cast %transpose3A_60 : vector<128x128xf32> to vector<128x1x128xf32>
    tpu.vector_store %arg4[%swap3A_61, %swap3A_62, %swap3A_63], %swap3A_66 {strides = array<i32>} : memref<128x16x128xf32, #tpu.memory_space<vmem>>, vector<128x1x128xf32>,
    %get3A_67 = arith.constant 896 : index
    %get3A_68 = arith.constant 0 : index
    %get3A_69 = vector.load %arg0[%get3A_67, %get3A_68] : memref<2048x128xf32, #tpu.memory_space<vmem>>, vector<128x128xf32>
    %transpose3A_70 = tpu.transpose %get3A_69, [1, 0] : vector<128x128xf32> -> vector<128x128xf32>
    %swap3A_71 = arith.constant 0 : index
    %swap3A_72 = arith.constant 7 : index
    %swap3A_73 = arith.constant 0 : index
    %swap3A_74 = vector.load %arg4[%swap3A_71, %swap3A_72, %swap3A_73] : memref<128x16x128xf32, #tpu.memory_space<vmem>>, vector<128x1x128xf32>
    %swap3A_75 = vector.shape_cast %swap3A_74 : vector<128x1x128xf32> to vector<128x128xf32>
    %swap3A_76 = vector.shape_cast %transpose3A_70 : vector<128x128xf32> to vector<128x1x128xf32>
    tpu.vector_store %arg4[%swap3A_71, %swap3A_72, %swap3A_73], %swap3A_76 {strides = array<i32>} : memref<128x16x128xf32, #tpu.memory_space<vmem>>, vector<128x1x128xf32>,
    %get3A_77 = arith.constant 1024 : index
    %get3A_78 = arith.constant 0 : index
    %get3A_79 = vector.load %arg0[%get3A_77, %get3A_78] : memref<2048x128xf32, #tpu.memory_space<vmem>>, vector<128x128xf32>
    %transpose3A_80 = tpu.transpose %get3A_79, [1, 0] : vector<128x128xf32> -> vector<128x128xf32>
    %swap3A_81 = arith.constant 0 : index
    %swap3A_82 = arith.constant 8 : index
    %swap3A_83 = arith.constant 0 : index
    %swap3A_84 = vector.load %arg4[%swap3A_81, %swap3A_82, %swap3A_83] : memref<128x16x128xf32, #tpu.memory_space<vmem>>, vector<128x1x128xf32>
    %swap3A_85 = vector.shape_cast %swap3A_84 : vector<128x1x128xf32> to vector<128x128xf32>
    %swap3A_86 = vector.shape_cast %transpose3A_80 : vector<128x128xf32> to vector<128x1x128xf32>
    tpu.vector_store %arg4[%swap3A_81, %swap3A_82, %swap3A_83], %swap3A_86 {strides = array<i32>} : memref<128x16x128xf32, #tpu.memory_space<vmem>>, vector<128x1x128xf32>,
    %get3A_87 = arith.constant 1152 : index
    %get3A_88 = arith.constant 0 : index
    %get3A_89 = vector.load %arg0[%get3A_87, %get3A_88] : memref<2048x128xf32, #tpu.memory_space<vmem>>, vector<128x128xf32>
    %transpose3A_90 = tpu.transpose %get3A_89, [1, 0] : vector<128x128xf32> -> vector<128x128xf32>
    %swap3A_91 = arith.constant 0 : index
    %swap3A_92 = arith.constant 9 : index
    %swap3A_93 = arith.constant 0 : index
    %swap3A_94 = vector.load %arg4[%swap3A_91, %swap3A_92, %swap3A_93] : memref<128x16x128xf32, #tpu.memory_space<vmem>>, vector<128x1x128xf32>
    %swap3A_95 = vector.shape_cast %swap3A_94 : vector<128x1x128xf32> to vector<128x128xf32>
    %swap3A_96 = vector.shape_cast %transpose3A_90 : vector<128x128xf32> to vector<128x1x128xf32>
    tpu.vector_store %arg4[%swap3A_91, %swap3A_92, %swap3A_93], %swap3A_96 {strides = array<i32>} : memref<128x16x128xf32, #tpu.memory_space<vmem>>, vector<128x1x128xf32>,
    %get3A_97 = arith.constant 1280 : index
    %get3A_98 = arith.constant 0 : index
    %get3A_99 = vector.load %arg0[%get3A_97, %get3A_98] : memref<2048x128xf32, #tpu.memory_space<vmem>>, vector<128x128xf32>
    %transpose3A_100 = tpu.transpose %get3A_99, [1, 0] : vector<128x128xf32> -> vector<128x128xf32>
    %swap3A_101 = arith.constant 0 : index
    %swap3A_102 = arith.constant 10 : index
    %swap3A_103 = arith.constant 0 : index
    %swap3A_104 = vector.load %arg4[%swap3A_101, %swap3A_102, %swap3A_103] : memref<128x16x128xf32, #tpu.memory_space<vmem>>, vector<128x1x128xf32>
    %swap3A_105 = vector.shape_cast %swap3A_104 : vector<128x1x128xf32> to vector<128x128xf32>
    %swap3A_106 = vector.shape_cast %transpose3A_100 : vector<128x128xf32> to vector<128x1x128xf32>
    tpu.vector_store %arg4[%swap3A_101, %swap3A_102, %swap3A_103], %swap3A_106 {strides = array<i32>} : memref<128x16x128xf32, #tpu.memory_space<vmem>>, vector<128x1x128xf32>,
    %get3A_107 = arith.constant 1408 : index
    %get3A_108 = arith.constant 0 : index
    %get3A_109 = vector.load %arg0[%get3A_107, %get3A_108] : memref<2048x128xf32, #tpu.memory_space<vmem>>, vector<128x128xf32>
    %transpose3A_110 = tpu.transpose %get3A_109, [1, 0] : vector<128x128xf32> -> vector<128x128xf32>
    %swap3A_111 = arith.constant 0 : index
    %swap3A_112 = arith.constant 11 : index
    %swap3A_113 = arith.constant 0 : index
    %swap3A_114 = vector.load %arg4[%swap3A_111, %swap3A_112, %swap3A_113] : memref<128x16x128xf32, #tpu.memory_space<vmem>>, vector<128x1x128xf32>
    %swap3A_115 = vector.shape_cast %swap3A_114 : vector<128x1x128xf32> to vector<128x128xf32>
    %swap3A_116 = vector.shape_cast %transpose3A_110 : vector<128x128xf32> to vector<128x1x128xf32>
    tpu.vector_store %arg4[%swap3A_111, %swap3A_112, %swap3A_113], %swap3A_116 {strides = array<i32>} : memref<128x16x128xf32, #tpu.memory_space<vmem>>, vector<128x1x128xf32>,
    %get3A_117 = arith.constant 1536 : index
    %get3A_118 = arith.constant 0 : index
    %get3A_119 = vector.load %arg0[%get3A_117, %get3A_118] : memref<2048x128xf32, #tpu.memory_space<vmem>>, vector<128x128xf32>
    %transpose3A_120 = tpu.transpose %get3A_119, [1, 0] : vector<128x128xf32> -> vector<128x128xf32>
    %swap3A_121 = arith.constant 0 : index
    %swap3A_122 = arith.constant 12 : index
    %swap3A_123 = arith.constant 0 : index
    %swap3A_124 = vector.load %arg4[%swap3A_121, %swap3A_122, %swap3A_123] : memref<128x16x128xf32, #tpu.memory_space<vmem>>, vector<128x1x128xf32>
    %swap3A_125 = vector.shape_cast %swap3A_124 : vector<128x1x128xf32> to vector<128x128xf32>
    %swap3A_126 = vector.shape_cast %transpose3A_120 : vector<128x128xf32> to vector<128x1x128xf32>
    tpu.vector_store %arg4[%swap3A_121, %swap3A_122, %swap3A_123], %swap3A_126 {strides = array<i32>} : memref<128x16x128xf32, #tpu.memory_space<vmem>>, vector<128x1x128xf32>,
    %get3A_127 = arith.constant 1664 : index
    %get3A_128 = arith.constant 0 : index
    %get3A_129 = vector.load %arg0[%get3A_127, %get3A_128] : memref<2048x128xf32, #tpu.memory_space<vmem>>, vector<128x128xf32>
    %transpose3A_130 = tpu.transpose %get3A_129, [1, 0] : vector<128x128xf32> -> vector<128x128xf32>
    %swap3A_131 = arith.constant 0 : index
    %swap3A_132 = arith.constant 13 : index
    %swap3A_133 = arith.constant 0 : index
    %swap3A_134 = vector.load %arg4[%swap3A_131, %swap3A_132, %swap3A_133] : memref<128x16x128xf32, #tpu.memory_space<vmem>>, vector<128x1x128xf32>
    %swap3A_135 = vector.shape_cast %swap3A_134 : vector<128x1x128xf32> to vector<128x128xf32>
    %swap3A_136 = vector.shape_cast %transpose3A_130 : vector<128x128xf32> to vector<128x1x128xf32>
    tpu.vector_store %arg4[%swap3A_131, %swap3A_132, %swap3A_133], %swap3A_136 {strides = array<i32>} : memref<128x16x128xf32, #tpu.memory_space<vmem>>, vector<128x1x128xf32>,
    %get3A_137 = arith.constant 1792 : index
    %get3A_138 = arith.constant 0 : index
    %get3A_139 = vector.load %arg0[%get3A_137, %get3A_138] : memref<2048x128xf32, #tpu.memory_space<vmem>>, vector<128x128xf32>
    %transpose3A_140 = tpu.transpose %get3A_139, [1, 0] : vector<128x128xf32> -> vector<128x128xf32>
    %swap3A_141 = arith.constant 0 : index
    %swap3A_142 = arith.constant 14 : index
    %swap3A_143 = arith.constant 0 : index
    %swap3A_144 = vector.load %arg4[%swap3A_141, %swap3A_142, %swap3A_143] : memref<128x16x128xf32, #tpu.memory_space<vmem>>, vector<128x1x128xf32>
    %swap3A_145 = vector.shape_cast %swap3A_144 : vector<128x1x128xf32> to vector<128x128xf32>
    %swap3A_146 = vector.shape_cast %transpose3A_140 : vector<128x128xf32> to vector<128x1x128xf32>
    tpu.vector_store %arg4[%swap3A_141, %swap3A_142, %swap3A_143], %swap3A_146 {strides = array<i32>} : memref<128x16x128xf32, #tpu.memory_space<vmem>>, vector<128x1x128xf32>,
    %get3A_147 = arith.constant 1920 : index
    %get3A_148 = arith.constant 0 : index
    %get3A_149 = vector.load %arg0[%get3A_147, %get3A_148] : memref<2048x128xf32, #tpu.memory_space<vmem>>, vector<128x128xf32>
    %transpose3A_150 = tpu.transpose %get3A_149, [1, 0] : vector<128x128xf32> -> vector<128x128xf32>
    %swap3A_151 = arith.constant 0 : index
    %swap3A_152 = arith.constant 15 : index
    %swap3A_153 = arith.constant 0 : index
    %swap3A_154 = vector.load %arg4[%swap3A_151, %swap3A_152, %swap3A_153] : memref<128x16x128xf32, #tpu.memory_space<vmem>>, vector<128x1x128xf32>
    %swap3A_155 = vector.shape_cast %swap3A_154 : vector<128x1x128xf32> to vector<128x128xf32>
    %swap3A_156 = vector.shape_cast %transpose3A_150 : vector<128x128xf32> to vector<128x1x128xf32>
    tpu.vector_store %arg4[%swap3A_151, %swap3A_152, %swap3A_153], %swap3A_156 {strides = array<i32>} : memref<128x16x128xf32, #tpu.memory_space<vmem>>, vector<128x1x128xf32>,
    %get3A_157 = arith.constant 0 : index
    %get3A_158 = arith.constant 0 : index
    %get3A_159 = arith.constant 0 : index
    %get3A_160 = vector.load %arg4[%get3A_157, %get3A_158, %get3A_159] : memref<128x16x128xf32, #tpu.memory_space<vmem>>, vector<128x16x128xf32>
    %iota3A = tpu.iota {dimensions = array<i32: 2>} : vector<128x16x128xi32>
    %jit3A = arith.constant 4 : i32
    %eq3A = arith.constant 0 : i32
    %eq3A_161 = arith.cmpi eq, %jit3A, %eq3A : i32
    %jit3A_162 = arith.constant 1 : i32
    %select_n3A = arith.select %eq3A_161, %jit3A_162, %jit3A : i32
    %rem3A = vector.broadcast %select_n3A : i32 to vector<128x16x128xi32>
    %rem3A_163 = arith.remsi %iota3A, %rem3A : vector<128x16x128xi32>
    %ne3A = arith.constant 0 : i32
    %ne3A_164 = vector.broadcast %ne3A : i32 to vector<128x16x128xi32>
    %ne3A_165 = arith.cmpi ne, %rem3A_163, %ne3A_164 : vector<128x16x128xi32>
    %lt3A = arith.constant 0 : i32
    %lt3A_166 = vector.broadcast %lt3A : i32 to vector<128x16x128xi32>
    %lt3A_167 = arith.cmpi slt, %rem3A_163, %lt3A_166 : vector<128x16x128xi32>
    %lt3A_168 = arith.constant 0 : i32
    %lt3A_169 = arith.cmpi slt, %select_n3A, %lt3A_168 : i32
    %ne3A_170 = vector.broadcast %lt3A_169 : i1 to vector<128x16x128xi1>
    %ne3A_171 = vector.broadcast %ne3A_170 : vector<128x16x128xi1> to vector<128x16x128xi1>
    %ne3A_172 = arith.xori %lt3A_167, %ne3A_171 : vector<128x16x128xi1>
    %and3A = arith.andi %ne3A_172, %ne3A_165 : vector<128x16x128xi1>
    %add3A = vector.broadcast %select_n3A : i32 to vector<128x16x128xi32>
    %add3A_173 = arith.addi %rem3A_163, %add3A : vector<128x16x128xi32>
    %select_n3A_174 = arith.select %and3A, %add3A_173, %rem3A_163 : vector<128x16x128xi1>, vector<128x16x128xi32>
    %lt3A_175 = arith.constant 2 : i32
    %lt3A_176 = vector.broadcast %lt3A_175 : i32 to vector<128x16x128xi32>
    %lt3A_177 = arith.cmpi slt, %select_n3A_174, %lt3A_176 : vector<128x16x128xi32>
    %abs3A = math.absf %get3A_160 : vector<128x16x128xf32>
    %lt3A_178 = arith.constant 1.000000e-01 : f32
    %lt3A_179 = vector.broadcast %lt3A_178 : f32 to vector<128x16x128xf32>
    %lt3A_180 = arith.cmpf olt, %abs3A, %lt3A_179 : vector<128x16x128xf32>
    %and3A_181 = arith.andi %lt3A_180, %lt3A_177 : vector<128x16x128xi1>
    %jit3A_182 = arith.constant 1.000000e+00 : f32
    %jit3A_183 = arith.constant 0.000000e+00 : f32
    %broadcast_in_dim3A = vector.broadcast %jit3A_182 : f32 to vector<128x16x128xf32>
    %broadcast_in_dim3A_184 = vector.broadcast %jit3A_183 : f32 to vector<128x16x128xf32>
    %select_n3A_185 = arith.select %and3A_181, %broadcast_in_dim3A, %broadcast_in_dim3A_184 : vector<128x16x128xi1>, vector<128x16x128xf32>
    %reduce_sum3A = vector.shape_cast %select_n3A_185 : vector<128x16x128xf32> to vector<1x128x16x128xf32>
    %reduce_sum3A_186 = arith.constant dense<0.000000e+00> : vector<1xf32>
    %reduce_sum3A_187 = vector.multi_reduction <add>, %reduce_sum3A, %reduce_sum3A_186 [1, 2, 3] : vector<1x128x16x128xf32> to vector<1xf32>
    %reduce_sum3A_188 = vector.shape_cast %reduce_sum3A_187 : vector<1xf32> to vector<1x1x1x1xf32>
    %reduce_sum3A_189 = vector.extract %reduce_sum3A_188[0, 0, 0, 0] : f32 from vector<1x1x1x1xf32>
    %max3A = arith.constant 9.99999996E-13 : f32
    %max3A_190 = arith.maximumf %reduce_sum3A_189, %max3A : f32
    %div3A = vector.broadcast %max3A_190 : f32 to vector<128x16x128xf32>
    %div3A_191 = arith.divf %select_n3A_185, %div3A : vector<128x16x128xf32>
    %broadcast_in_dim3A_192 = arith.constant 0.000000e+00 : f32
    %broadcast_in_dim3A_193 = vector.broadcast %broadcast_in_dim3A_192 : f32 to vector<16x128xf32>
    %slice3A = vector.extract_strided_slice %div3A_191 {offsets = [0, 0, 0], sizes = [1, 16, 128], strides = [1, 1, 1]} : vector<128x16x128xf32> to vector<1x16x128xf32>
    %squeeze3A = vector.shape_cast %slice3A : vector<1x16x128xf32> to vector<16x128xf32>
    %add3A_194 = arith.addf %broadcast_in_dim3A_193, %squeeze3A : vector<16x128xf32>
    %swap3A_195 = arith.constant 0 : index
    %swap3A_196 = arith.constant 0 : index
    %swap3A_197 = arith.constant 0 : index
    %swap3A_198 = vector.load %arg5[%swap3A_195, %swap3A_196, %swap3A_197] : memref<128x16x128xf32, #tpu.memory_space<vmem>>, vector<1x16x128xf32>
    %swap3A_199 = vector.shape_cast %swap3A_198 : vector<1x16x128xf32> to vector<16x128xf32>
    %swap3A_200 = vector.shape_cast %add3A_194 : vector<16x128xf32> to vector<1x16x128xf32>
    tpu.vector_store %arg5[%swap3A_195, %swap3A_196, %swap3A_197], %swap3A_200 {strides = array<i32>} : memref<128x16x128xf32, #tpu.memory_space<vmem>>, vector<1x16x128xf32>,
    %slice3A_201 = vector.extract_strided_slice %div3A_191 {offsets = [1, 0, 0], sizes = [1, 16, 128], strides = [1, 1, 1]} : vector<128x16x128xf32> to vector<1x16x128xf32>
    %squeeze3A_202 = vector.shape_cast %slice3A_201 : vector<1x16x128xf32> to vector<16x128xf32>
    %add3A_203 = arith.addf %add3A_194, %squeeze3A_202 : vector<16x128xf32>
    %swap3A_204 = arith.constant 1 : index
    %swap3A_205 = arith.constant 0 : index
    %swap3A_206 = arith.constant 0 : index
    %swap3A_207 = vector.load %arg5[%swap3A_204, %swap3A_205, %swap3A_206] : memref<128x16x128xf32, #tpu.memory_space<vmem>>, vector<1x16x128xf32>
    %swap3A_208 = vector.shape_cast %swap3A_207 : vector<1x16x128xf32> to vector<16x128xf32>
    %swap3A_209 = vector.shape_cast %add3A_203 : vector<16x128xf32> to vector<1x16x128xf32>
    tpu.vector_store %arg5[%swap3A_204, %swap3A_205, %swap3A_206], %swap3A_209 {strides = array<i32>} : memref<128x16x128xf32, #tpu.memory_space<vmem>>, vector<1x16x128xf32>,
    %slice3A_210 = vector.extract_strided_slice %div3A_191 {offsets = [2, 0, 0], sizes = [1, 16, 128], strides = [1, 1, 1]} : vector<128x16x128xf32> to vector<1x16x128xf32>
    %squeeze3A_211 = vector.shape_cast %slice3A_210 : vector<1x16x128xf32> to vector<16x128xf32>
    %add3A_212 = arith.addf %add3A_203, %squeeze3A_211 : vector<16x128xf32>
    %swap3A_213 = arith.constant 2 : index
    %swap3A_214 = arith.constant 0 : index
    %swap3A_215 = arith.constant 0 : index
    %swap3A_216 = vector.load %arg5[%swap3A_213, %swap3A_214, %swap3A_215] : memref<128x16x128xf32, #tpu.memory_space<vmem>>, vector<1x16x128xf32>
    %swap3A_217 = vector.shape_cast %swap3A_216 : vector<1x16x128xf32> to vector<16x128xf32>
    %swap3A_218 = vector.shape_cast %add3A_212 : vector<16x128xf32> to vector<1x16x128xf32>
    tpu.vector_store %arg5[%swap3A_213, %swap3A_214, %swap3A_215], %swap3A_218 {strides = array<i32>} : memref<128x16x128xf32, #tpu.memory_space<vmem>>, vector<1x16x128xf32>,
    %slice3A_219 = vector.extract_strided_slice %div3A_191 {offsets = [3, 0, 0], sizes = [1, 16, 128], strides = [1, 1, 1]} : vector<128x16x128xf32> to vector<1x16x128xf32>
    %squeeze3A_220 = vector.shape_cast %slice3A_219 : vector<1x16x128xf32> to vector<16x128xf32>
    %add3A_221 = arith.addf %add3A_212, %squeeze3A_220 : vector<16x128xf32>
    %swap3A_222 = arith.constant 3 : index
    %swap3A_223 = arith.constant 0 : index
    %swap3A_224 = arith.constant 0 : index
    %swap3A_225 = vector.load %arg5[%swap3A_222, %swap3A_223, %swap3A_224] : memref<128x16x128xf32, #tpu.memory_space<vmem>>, vector<1x16x128xf32>
    %swap3A_226 = vector.shape_cast %swap3A_225 : vector<1x16x128xf32> to vector<16x128xf32>
    %swap3A_227 = vector.shape_cast %add3A_221 : vector<16x128xf32> to vector<1x16x128xf32>
    tpu.vector_store %arg5[%swap3A_222, %swap3A_223, %swap3A_224], %swap3A_227 {strides = array<i32>} : memref<128x16x128xf32, #tpu.memory_space<vmem>>, vector<1x16x128xf32>,
    %slice3A_228 = vector.extract_strided_slice %div3A_191 {offsets = [4, 0, 0], sizes = [1, 16, 128], strides = [1, 1, 1]} : vector<128x16x128xf32> to vector<1x16x128xf32>
    %squeeze3A_229 = vector.shape_cast %slice3A_228 : vector<1x16x128xf32> to vector<16x128xf32>
    %add3A_230 = arith.addf %add3A_221, %squeeze3A_229 : vector<16x128xf32>
    %swap3A_231 = arith.constant 4 : index
    %swap3A_232 = arith.constant 0 : index
    %swap3A_233 = arith.constant 0 : index
    %swap3A_234 = vector.load %arg5[%swap3A_231, %swap3A_232, %swap3A_233] : memref<128x16x128xf32, #tpu.memory_space<vmem>>, vector<1x16x128xf32>
    %swap3A_235 = vector.shape_cast %swap3A_234 : vector<1x16x128xf32> to vector<16x128xf32>
    %swap3A_236 = vector.shape_cast %add3A_230 : vector<16x128xf32> to vector<1x16x128xf32>
    tpu.vector_store %arg5[%swap3A_231, %swap3A_232, %swap3A_233], %swap3A_236 {strides = array<i32>} : memref<128x16x128xf32, #tpu.memory_space<vmem>>, vector<1x16x128xf32>,
    %slice3A_237 = vector.extract_strided_slice %div3A_191 {offsets = [5, 0, 0], sizes = [1, 16, 128], strides = [1, 1, 1]} : vector<128x16x128xf32> to vector<1x16x128xf32>
    %squeeze3A_238 = vector.shape_cast %slice3A_237 : vector<1x16x128xf32> to vector<16x128xf32>
    %add3A_239 = arith.addf %add3A_230, %squeeze3A_238 : vector<16x128xf32>
    %swap3A_240 = arith.constant 5 : index
    %swap3A_241 = arith.constant 0 : index
    %swap3A_242 = arith.constant 0 : index
    %swap3A_243 = vector.load %arg5[%swap3A_240, %swap3A_241, %swap3A_242] : memref<128x16x128xf32, #tpu.memory_space<vmem>>, vector<1x16x128xf32>
    %swap3A_244 = vector.shape_cast %swap3A_243 : vector<1x16x128xf32> to vector<16x128xf32>
    %swap3A_245 = vector.shape_cast %add3A_239 : vector<16x128xf32> to vector<1x16x128xf32>
    tpu.vector_store %arg5[%swap3A_240, %swap3A_241, %swap3A_242], %swap3A_245 {strides = array<i32>} : memref<128x16x128xf32, #tpu.memory_space<vmem>>, vector<1x16x128xf32>,
    %slice3A_246 = vector.extract_strided_slice %div3A_191 {offsets = [6, 0, 0], sizes = [1, 16, 128], strides = [1, 1, 1]} : vector<128x16x128xf32> to vector<1x16x128xf32>
    %squeeze3A_247 = vector.shape_cast %slice3A_246 : vector<1x16x128xf32> to vector<16x128xf32>
    %add3A_248 = arith.addf %add3A_239, %squeeze3A_247 : vector<16x128xf32>
    %swap3A_249 = arith.constant 6 : index
    %swap3A_250 = arith.constant 0 : index
    %swap3A_251 = arith.constant 0 : index
    %swap3A_252 = vector.load %arg5[%swap3A_249, %swap3A_250, %swap3A_251] : memref<128x16x128xf32, #tpu.memory_space<vmem>>, vector<1x16x128xf32>
    %swap3A_253 = vector.shape_cast %swap3A_252 : vector<1x16x128xf32> to vector<16x128xf32>
    %swap3A_254 = vector.shape_cast %add3A_248 : vector<16x128xf32> to vector<1x16x128xf32>
    tpu.vector_store %arg5[%swap3A_249, %swap3A_250, %swap3A_251], %swap3A_254 {strides = array<i32>} : memref<128x16x128xf32, #tpu.memory_space<vmem>>, vector<1x16x128xf32>,
    %slice3A_255 = vector.extract_strided_slice %div3A_191 {offsets = [7, 0, 0], sizes = [1, 16, 128], strides = [1, 1, 1]} : vector<128x16x128xf32> to vector<1x16x128xf32>
    %squeeze3A_256 = vector.shape_cast %slice3A_255 : vector<1x16x128xf32> to vector<16x128xf32>
    %add3A_257 = arith.addf %add3A_248, %squeeze3A_256 : vector<16x128xf32>
    %swap3A_258 = arith.constant 7 : index
    %swap3A_259 = arith.constant 0 : index
    %swap3A_260 = arith.constant 0 : index
    %swap3A_261 = vector.load %arg5[%swap3A_258, %swap3A_259, %swap3A_260] : memref<128x16x128xf32, #tpu.memory_space<vmem>>, vector<1x16x128xf32>
    %swap3A_262 = vector.shape_cast %swap3A_261 : vector<1x16x128xf32> to vector<16x128xf32>
    %swap3A_263 = vector.shape_cast %add3A_257 : vector<16x128xf32> to vector<1x16x128xf32>
    tpu.vector_store %arg5[%swap3A_258, %swap3A_259, %swap3A_260], %swap3A_263 {strides = array<i32>} : memref<128x16x128xf32, #tpu.memory_space<vmem>>, vector<1x16x128xf32>,
    %slice3A_264 = vector.extract_strided_slice %div3A_191 {offsets = [8, 0, 0], sizes = [1, 16, 128], strides = [1, 1, 1]} : vector<128x16x128xf32> to vector<1x16x128xf32>
    %squeeze3A_265 = vector.shape_cast %slice3A_264 : vector<1x16x128xf32> to vector<16x128xf32>
    %add3A_266 = arith.addf %add3A_257, %squeeze3A_265 : vector<16x128xf32>
    %swap3A_267 = arith.constant 8 : index
    %swap3A_268 = arith.constant 0 : index
    %swap3A_269 = arith.constant 0 : index
    %swap3A_270 = vector.load %arg5[%swap3A_267, %swap3A_268, %swap3A_269] : memref<128x16x128xf32, #tpu.memory_space<vmem>>, vector<1x16x128xf32>
    %swap3A_271 = vector.shape_cast %swap3A_270 : vector<1x16x128xf32> to vector<16x128xf32>
    %swap3A_272 = vector.shape_cast %add3A_266 : vector<16x128xf32> to vector<1x16x128xf32>
    tpu.vector_store %arg5[%swap3A_267, %swap3A_268, %swap3A_269], %swap3A_272 {strides = array<i32>} : memref<128x16x128xf32, #tpu.memory_space<vmem>>, vector<1x16x128xf32>,
    %slice3A_273 = vector.extract_strided_slice %div3A_191 {offsets = [9, 0, 0], sizes = [1, 16, 128], strides = [1, 1, 1]} : vector<128x16x128xf32> to vector<1x16x128xf32>
    %squeeze3A_274 = vector.shape_cast %slice3A_273 : vector<1x16x128xf32> to vector<16x128xf32>
    %add3A_275 = arith.addf %add3A_266, %squeeze3A_274 : vector<16x128xf32>
    %swap3A_276 = arith.constant 9 : index
    %swap3A_277 = arith.constant 0 : index
    %swap3A_278 = arith.constant 0 : index
    %swap3A_279 = vector.load %arg5[%swap3A_276, %swap3A_277, %swap3A_278] : memref<128x16x128xf32, #tpu.memory_space<vmem>>, vector<1x16x128xf32>
    %swap3A_280 = vector.shape_cast %swap3A_279 : vector<1x16x128xf32> to vector<16x128xf32>
    %swap3A_281 = vector.shape_cast %add3A_275 : vector<16x128xf32> to vector<1x16x128xf32>
    tpu.vector_store %arg5[%swap3A_276, %swap3A_277, %swap3A_278], %swap3A_281 {strides = array<i32>} : memref<128x16x128xf32, #tpu.memory_space<vmem>>, vector<1x16x128xf32>,
    %slice3A_282 = vector.extract_strided_slice %div3A_191 {offsets = [10, 0, 0], sizes = [1, 16, 128], strides = [1, 1, 1]} : vector<128x16x128xf32> to vector<1x16x128xf32>
    %squeeze3A_283 = vector.shape_cast %slice3A_282 : vector<1x16x128xf32> to vector<16x128xf32>
    %add3A_284 = arith.addf %add3A_275, %squeeze3A_283 : vector<16x128xf32>
    %swap3A_285 = arith.constant 10 : index
    %swap3A_286 = arith.constant 0 : index
    %swap3A_287 = arith.constant 0 : index
    %swap3A_288 = vector.load %arg5[%swap3A_285, %swap3A_286, %swap3A_287] : memref<128x16x128xf32, #tpu.memory_space<vmem>>, vector<1x16x128xf32>
    %swap3A_289 = vector.shape_cast %swap3A_288 : vector<1x16x128xf32> to vector<16x128xf32>
    %swap3A_290 = vector.shape_cast %add3A_284 : vector<16x128xf32> to vector<1x16x128xf32>
    tpu.vector_store %arg5[%swap3A_285, %swap3A_286, %swap3A_287], %swap3A_290 {strides = array<i32>} : memref<128x16x128xf32, #tpu.memory_space<vmem>>, vector<1x16x128xf32>,
    %slice3A_291 = vector.extract_strided_slice %div3A_191 {offsets = [11, 0, 0], sizes = [1, 16, 128], strides = [1, 1, 1]} : vector<128x16x128xf32> to vector<1x16x128xf32>
    %squeeze3A_292 = vector.shape_cast %slice3A_291 : vector<1x16x128xf32> to vector<16x128xf32>
    %add3A_293 = arith.addf %add3A_284, %squeeze3A_292 : vector<16x128xf32>
    %swap3A_294 = arith.constant 11 : index
    %swap3A_295 = arith.constant 0 : index
    %swap3A_296 = arith.constant 0 : index
    %swap3A_297 = vector.load %arg5[%swap3A_294, %swap3A_295, %swap3A_296] : memref<128x16x128xf32, #tpu.memory_space<vmem>>, vector<1x16x128xf32>
    %swap3A_298 = vector.shape_cast %swap3A_297 : vector<1x16x128xf32> to vector<16x128xf32>
    %swap3A_299 = vector.shape_cast %add3A_293 : vector<16x128xf32> to vector<1x16x128xf32>
    tpu.vector_store %arg5[%swap3A_294, %swap3A_295, %swap3A_296], %swap3A_299 {strides = array<i32>} : memref<128x16x128xf32, #tpu.memory_space<vmem>>, vector<1x16x128xf32>,
    %slice3A_300 = vector.extract_strided_slice %div3A_191 {offsets = [12, 0, 0], sizes = [1, 16, 128], strides = [1, 1, 1]} : vector<128x16x128xf32> to vector<1x16x128xf32>
    %squeeze3A_301 = vector.shape_cast %slice3A_300 : vector<1x16x128xf32> to vector<16x128xf32>
    %add3A_302 = arith.addf %add3A_293, %squeeze3A_301 : vector<16x128xf32>
    %swap3A_303 = arith.constant 12 : index
    %swap3A_304 = arith.constant 0 : index
    %swap3A_305 = arith.constant 0 : index
    %swap3A_306 = vector.load %arg5[%swap3A_303, %swap3A_304, %swap3A_305] : memref<128x16x128xf32, #tpu.memory_space<vmem>>, vector<1x16x128xf32>
    %swap3A_307 = vector.shape_cast %swap3A_306 : vector<1x16x128xf32> to vector<16x128xf32>
    %swap3A_308 = vector.shape_cast %add3A_302 : vector<16x128xf32> to vector<1x16x128xf32>
    tpu.vector_store %arg5[%swap3A_303, %swap3A_304, %swap3A_305], %swap3A_308 {strides = array<i32>} : memref<128x16x128xf32, #tpu.memory_space<vmem>>, vector<1x16x128xf32>,
    %slice3A_309 = vector.extract_strided_slice %div3A_191 {offsets = [13, 0, 0], sizes = [1, 16, 128], strides = [1, 1, 1]} : vector<128x16x128xf32> to vector<1x16x128xf32>
    %squeeze3A_310 = vector.shape_cast %slice3A_309 : vector<1x16x128xf32> to vector<16x128xf32>
    %add3A_311 = arith.addf %add3A_302, %squeeze3A_310 : vector<16x128xf32>
    %swap3A_312 = arith.constant 13 : index
    %swap3A_313 = arith.constant 0 : index
    %swap3A_314 = arith.constant 0 : index
    %swap3A_315 = vector.load %arg5[%swap3A_312, %swap3A_313, %swap3A_314] : memref<128x16x128xf32, #tpu.memory_space<vmem>>, vector<1x16x128xf32>
    %swap3A_316 = vector.shape_cast %swap3A_315 : vector<1x16x128xf32> to vector<16x128xf32>
    %swap3A_317 = vector.shape_cast %add3A_311 : vector<16x128xf32> to vector<1x16x128xf32>
    tpu.vector_store %arg5[%swap3A_312, %swap3A_313, %swap3A_314], %swap3A_317 {strides = array<i32>} : memref<128x16x128xf32, #tpu.memory_space<vmem>>, vector<1x16x128xf32>,
    %slice3A_318 = vector.extract_strided_slice %div3A_191 {offsets = [14, 0, 0], sizes = [1, 16, 128], strides = [1, 1, 1]} : vector<128x16x128xf32> to vector<1x16x128xf32>
    %squeeze3A_319 = vector.shape_cast %slice3A_318 : vector<1x16x128xf32> to vector<16x128xf32>
    %add3A_320 = arith.addf %add3A_311, %squeeze3A_319 : vector<16x128xf32>
    %swap3A_321 = arith.constant 14 : index
    %swap3A_322 = arith.constant 0 : index
    %swap3A_323 = arith.constant 0 : index
    %swap3A_324 = vector.load %arg5[%swap3A_321, %swap3A_322, %swap3A_323] : memref<128x16x128xf32, #tpu.memory_space<vmem>>, vector<1x16x128xf32>
    %swap3A_325 = vector.shape_cast %swap3A_324 : vector<1x16x128xf32> to vector<16x128xf32>
    %swap3A_326 = vector.shape_cast %add3A_320 : vector<16x128xf32> to vector<1x16x128xf32>
    tpu.vector_store %arg5[%swap3A_321, %swap3A_322, %swap3A_323], %swap3A_326 {strides = array<i32>} : memref<128x16x128xf32, #tpu.memory_space<vmem>>, vector<1x16x128xf32>,
    %slice3A_327 = vector.extract_strided_slice %div3A_191 {offsets = [15, 0, 0], sizes = [1, 16, 128], strides = [1, 1, 1]} : vector<128x16x128xf32> to vector<1x16x128xf32>
    %squeeze3A_328 = vector.shape_cast %slice3A_327 : vector<1x16x128xf32> to vector<16x128xf32>
    %add3A_329 = arith.addf %add3A_320, %squeeze3A_328 : vector<16x128xf32>
    %swap3A_330 = arith.constant 15 : index
    %swap3A_331 = arith.constant 0 : index
    %swap3A_332 = arith.constant 0 : index
    %swap3A_333 = vector.load %arg5[%swap3A_330, %swap3A_331, %swap3A_332] : memref<128x16x128xf32, #tpu.memory_space<vmem>>, vector<1x16x128xf32>
    %swap3A_334 = vector.shape_cast %swap3A_333 : vector<1x16x128xf32> to vector<16x128xf32>
    %swap3A_335 = vector.shape_cast %add3A_329 : vector<16x128xf32> to vector<1x16x128xf32>
    tpu.vector_store %arg5[%swap3A_330, %swap3A_331, %swap3A_332], %swap3A_335 {strides = array<i32>} : memref<128x16x128xf32, #tpu.memory_space<vmem>>, vector<1x16x128xf32>,
    %slice3A_336 = vector.extract_strided_slice %div3A_191 {offsets = [16, 0, 0], sizes = [1, 16, 128], strides = [1, 1, 1]} : vector<128x16x128xf32> to vector<1x16x128xf32>
    %squeeze3A_337 = vector.shape_cast %slice3A_336 : vector<1x16x128xf32> to vector<16x128xf32>
    %add3A_338 = arith.addf %add3A_329, %squeeze3A_337 : vector<16x128xf32>
    %swap3A_339 = arith.constant 16 : index
    %swap3A_340 = arith.constant 0 : index
    %swap3A_341 = arith.constant 0 : index
    %swap3A_342 = vector.load %arg5[%swap3A_339, %swap3A_340, %swap3A_341] : memref<128x16x128xf32, #tpu.memory_space<vmem>>, vector<1x16x128xf32>
    %swap3A_343 = vector.shape_cast %swap3A_342 : vector<1x16x128xf32> to vector<16x128xf32>
    %swap3A_344 = vector.shape_cast %add3A_338 : vector<16x128xf32> to vector<1x16x128xf32>
    tpu.vector_store %arg5[%swap3A_339, %swap3A_340, %swap3A_341], %swap3A_344 {strides = array<i32>} : memref<128x16x128xf32, #tpu.memory_space<vmem>>, vector<1x16x128xf32>,
    %slice3A_345 = vector.extract_strided_slice %div3A_191 {offsets = [17, 0, 0], sizes = [1, 16, 128], strides = [1, 1, 1]} : vector<128x16x128xf32> to vector<1x16x128xf32>
    %squeeze3A_346 = vector.shape_cast %slice3A_345 : vector<1x16x128xf32> to vector<16x128xf32>
    %add3A_347 = arith.addf %add3A_338, %squeeze3A_346 : vector<16x128xf32>
    %swap3A_348 = arith.constant 17 : index
    %swap3A_349 = arith.constant 0 : index
    %swap3A_350 = arith.constant 0 : index
    %swap3A_351 = vector.load %arg5[%swap3A_348, %swap3A_349, %swap3A_350] : memref<128x16x128xf32, #tpu.memory_space<vmem>>, vector<1x16x128xf32>
    %swap3A_352 = vector.shape_cast %swap3A_351 : vector<1x16x128xf32> to vector<16x128xf32>
    %swap3A_353 = vector.shape_cast %add3A_347 : vector<16x128xf32> to vector<1x16x128xf32>
    tpu.vector_store %arg5[%swap3A_348, %swap3A_349, %swap3A_350], %swap3A_353 {strides = array<i32>} : memref<128x16x128xf32, #tpu.memory_space<vmem>>, vector<1x16x128xf32>,
    %slice3A_354 = vector.extract_strided_slice %div3A_191 {offsets = [18, 0, 0], sizes = [1, 16, 128], strides = [1, 1, 1]} : vector<128x16x128xf32> to vector<1x16x128xf32>
    %squeeze3A_355 = vector.shape_cast %slice3A_354 : vector<1x16x128xf32> to vector<16x128xf32>
    %add3A_356 = arith.addf %add3A_347, %squeeze3A_355 : vector<16x128xf32>
    %swap3A_357 = arith.constant 18 : index
    %swap3A_358 = arith.constant 0 : index
    %swap3A_359 = arith.constant 0 : index
    %swap3A_360 = vector.load %arg5[%swap3A_357, %swap3A_358, %swap3A_359] : memref<128x16x128xf32, #tpu.memory_space<vmem>>, vector<1x16x128xf32>
    %swap3A_361 = vector.shape_cast %swap3A_360 : vector<1x16x128xf32> to vector<16x128xf32>
    %swap3A_362 = vector.shape_cast %add3A_356 : vector<16x128xf32> to vector<1x16x128xf32>
    tpu.vector_store %arg5[%swap3A_357, %swap3A_358, %swap3A_359], %swap3A_362 {strides = array<i32>} : memref<128x16x128xf32, #tpu.memory_space<vmem>>, vector<1x16x128xf32>,
    %slice3A_363 = vector.extract_strided_slice %div3A_191 {offsets = [19, 0, 0], sizes = [1, 16, 128], strides = [1, 1, 1]} : vector<128x16x128xf32> to vector<1x16x128xf32>
    %squeeze3A_364 = vector.shape_cast %slice3A_363 : vector<1x16x128xf32> to vector<16x128xf32>
    %add3A_365 = arith.addf %add3A_356, %squeeze3A_364 : vector<16x128xf32>
    %swap3A_366 = arith.constant 19 : index
    %swap3A_367 = arith.constant 0 : index
    %swap3A_368 = arith.constant 0 : index
    %swap3A_369 = vector.load %arg5[%swap3A_366, %swap3A_367, %swap3A_368] : memref<128x16x128xf32, #tpu.memory_space<vmem>>, vector<1x16x128xf32>
    %swap3A_370 = vector.shape_cast %swap3A_369 : vector<1x16x128xf32> to vector<16x128xf32>
    %swap3A_371 = vector.shape_cast %add3A_365 : vector<16x128xf32> to vector<1x16x128xf32>
    tpu.vector_store %arg5[%swap3A_366, %swap3A_367, %swap3A_368], %swap3A_371 {strides = array<i32>} : memref<128x16x128xf32, #tpu.memory_space<vmem>>, vector<1x16x128xf32>,
    %slice3A_372 = vector.extract_strided_slice %div3A_191 {offsets = [20, 0, 0], sizes = [1, 16, 128], strides = [1, 1, 1]} : vector<128x16x128xf32> to vector<1x16x128xf32>
    %squeeze3A_373 = vector.shape_cast %slice3A_372 : vector<1x16x128xf32> to vector<16x128xf32>
    %add3A_374 = arith.addf %add3A_365, %squeeze3A_373 : vector<16x128xf32>
    %swap3A_375 = arith.constant 20 : index
    %swap3A_376 = arith.constant 0 : index
    %swap3A_377 = arith.constant 0 : index
    %swap3A_378 = vector.load %arg5[%swap3A_375, %swap3A_376, %swap3A_377] : memref<128x16x128xf32, #tpu.memory_space<vmem>>, vector<1x16x128xf32>
    %swap3A_379 = vector.shape_cast %swap3A_378 : vector<1x16x128xf32> to vector<16x128xf32>
    %swap3A_380 = vector.shape_cast %add3A_374 : vector<16x128xf32> to vector<1x16x128xf32>
    tpu.vector_store %arg5[%swap3A_375, %swap3A_376, %swap3A_377], %swap3A_380 {strides = array<i32>} : memref<128x16x128xf32, #tpu.memory_space<vmem>>, vector<1x16x128xf32>,
    %slice3A_381 = vector.extract_strided_slice %div3A_191 {offsets = [21, 0, 0], sizes = [1, 16, 128], strides = [1, 1, 1]} : vector<128x16x128xf32> to vector<1x16x128xf32>
    %squeeze3A_382 = vector.shape_cast %slice3A_381 : vector<1x16x128xf32> to vector<16x128xf32>
    %add3A_383 = arith.addf %add3A_374, %squeeze3A_382 : vector<16x128xf32>
    %swap3A_384 = arith.constant 21 : index
    %swap3A_385 = arith.constant 0 : index
    %swap3A_386 = arith.constant 0 : index
    %swap3A_387 = vector.load %arg5[%swap3A_384, %swap3A_385, %swap3A_386] : memref<128x16x128xf32, #tpu.memory_space<vmem>>, vector<1x16x128xf32>
    %swap3A_388 = vector.shape_cast %swap3A_387 : vector<1x16x128xf32> to vector<16x128xf32>
    %swap3A_389 = vector.shape_cast %add3A_383 : vector<16x128xf32> to vector<1x16x128xf32>
    tpu.vector_store %arg5[%swap3A_384, %swap3A_385, %swap3A_386], %swap3A_389 {strides = array<i32>} : memref<128x16x128xf32, #tpu.memory_space<vmem>>, vector<1x16x128xf32>,
    %slice3A_390 = vector.extract_strided_slice %div3A_191 {offsets = [22, 0, 0], sizes = [1, 16, 128], strides = [1, 1, 1]} : vector<128x16x128xf32> to vector<1x16x128xf32>
    %squeeze3A_391 = vector.shape_cast %slice3A_390 : vector<1x16x128xf32> to vector<16x128xf32>
    %add3A_392 = arith.addf %add3A_383, %squeeze3A_391 : vector<16x128xf32>
    %swap3A_393 = arith.constant 22 : index
    %swap3A_394 = arith.constant 0 : index
    %swap3A_395 = arith.constant 0 : index
    %swap3A_396 = vector.load %arg5[%swap3A_393, %swap3A_394, %swap3A_395] : memref<128x16x128xf32, #tpu.memory_space<vmem>>, vector<1x16x128xf32>
    %swap3A_397 = vector.shape_cast %swap3A_396 : vector<1x16x128xf32> to vector<16x128xf32>
    %swap3A_398 = vector.shape_cast %add3A_392 : vector<16x128xf32> to vector<1x16x128xf32>
    tpu.vector_store %arg5[%swap3A_393, %swap3A_394, %swap3A_395], %swap3A_398 {strides = array<i32>} : memref<128x16x128xf32, #tpu.memory_space<vmem>>, vector<1x16x128xf32>,
    %slice3A_399 = vector.extract_strided_slice %div3A_191 {offsets = [23, 0, 0], sizes = [1, 16, 128], strides = [1, 1, 1]} : vector<128x16x128xf32> to vector<1x16x128xf32>
    %squeeze3A_400 = vector.shape_cast %slice3A_399 : vector<1x16x128xf32> to vector<16x128xf32>
    %add3A_401 = arith.addf %add3A_392, %squeeze3A_400 : vector<16x128xf32>
    %swap3A_402 = arith.constant 23 : index
    %swap3A_403 = arith.constant 0 : index
    %swap3A_404 = arith.constant 0 : index
    %swap3A_405 = vector.load %arg5[%swap3A_402, %swap3A_403, %swap3A_404] : memref<128x16x128xf32, #tpu.memory_space<vmem>>, vector<1x16x128xf32>
    %swap3A_406 = vector.shape_cast %swap3A_405 : vector<1x16x128xf32> to vector<16x128xf32>
    %swap3A_407 = vector.shape_cast %add3A_401 : vector<16x128xf32> to vector<1x16x128xf32>
    tpu.vector_store %arg5[%swap3A_402, %swap3A_403, %swap3A_404], %swap3A_407 {strides = array<i32>} : memref<128x16x128xf32, #tpu.memory_space<vmem>>, vector<1x16x128xf32>,
    %slice3A_408 = vector.extract_strided_slice %div3A_191 {offsets = [24, 0, 0], sizes = [1, 16, 128], strides = [1, 1, 1]} : vector<128x16x128xf32> to vector<1x16x128xf32>
    %squeeze3A_409 = vector.shape_cast %slice3A_408 : vector<1x16x128xf32> to vector<16x128xf32>
    %add3A_410 = arith.addf %add3A_401, %squeeze3A_409 : vector<16x128xf32>
    %swap3A_411 = arith.constant 24 : index
    %swap3A_412 = arith.constant 0 : index
    %swap3A_413 = arith.constant 0 : index
    %swap3A_414 = vector.load %arg5[%swap3A_411, %swap3A_412, %swap3A_413] : memref<128x16x128xf32, #tpu.memory_space<vmem>>, vector<1x16x128xf32>
    %swap3A_415 = vector.shape_cast %swap3A_414 : vector<1x16x128xf32> to vector<16x128xf32>
    %swap3A_416 = vector.shape_cast %add3A_410 : vector<16x128xf32> to vector<1x16x128xf32>
    tpu.vector_store %arg5[%swap3A_411, %swap3A_412, %swap3A_413], %swap3A_416 {strides = array<i32>} : memref<128x16x128xf32, #tpu.memory_space<vmem>>, vector<1x16x128xf32>,
    %slice3A_417 = vector.extract_strided_slice %div3A_191 {offsets = [25, 0, 0], sizes = [1, 16, 128], strides = [1, 1, 1]} : vector<128x16x128xf32> to vector<1x16x128xf32>
    %squeeze3A_418 = vector.shape_cast %slice3A_417 : vector<1x16x128xf32> to vector<16x128xf32>
    %add3A_419 = arith.addf %add3A_410, %squeeze3A_418 : vector<16x128xf32>
    %swap3A_420 = arith.constant 25 : index
    %swap3A_421 = arith.constant 0 : index
    %swap3A_422 = arith.constant 0 : index
    %swap3A_423 = vector.load %arg5[%swap3A_420, %swap3A_421, %swap3A_422] : memref<128x16x128xf32, #tpu.memory_space<vmem>>, vector<1x16x128xf32>
    %swap3A_424 = vector.shape_cast %swap3A_423 : vector<1x16x128xf32> to vector<16x128xf32>
    %swap3A_425 = vector.shape_cast %add3A_419 : vector<16x128xf32> to vector<1x16x128xf32>
    tpu.vector_store %arg5[%swap3A_420, %swap3A_421, %swap3A_422], %swap3A_425 {strides = array<i32>} : memref<128x16x128xf32, #tpu.memory_space<vmem>>, vector<1x16x128xf32>,
    %slice3A_426 = vector.extract_strided_slice %div3A_191 {offsets = [26, 0, 0], sizes = [1, 16, 128], strides = [1, 1, 1]} : vector<128x16x128xf32> to vector<1x16x128xf32>
    %squeeze3A_427 = vector.shape_cast %slice3A_426 : vector<1x16x128xf32> to vector<16x128xf32>
    %add3A_428 = arith.addf %add3A_419, %squeeze3A_427 : vector<16x128xf32>
    %swap3A_429 = arith.constant 26 : index
    %swap3A_430 = arith.constant 0 : index
    %swap3A_431 = arith.constant 0 : index
    %swap3A_432 = vector.load %arg5[%swap3A_429, %swap3A_430, %swap3A_431] : memref<128x16x128xf32, #tpu.memory_space<vmem>>, vector<1x16x128xf32>
    %swap3A_433 = vector.shape_cast %swap3A_432 : vector<1x16x128xf32> to vector<16x128xf32>
    %swap3A_434 = vector.shape_cast %add3A_428 : vector<16x128xf32> to vector<1x16x128xf32>
    tpu.vector_store %arg5[%swap3A_429, %swap3A_430, %swap3A_431], %swap3A_434 {strides = array<i32>} : memref<128x16x128xf32, #tpu.memory_space<vmem>>, vector<1x16x128xf32>,
    %slice3A_435 = vector.extract_strided_slice %div3A_191 {offsets = [27, 0, 0], sizes = [1, 16, 128], strides = [1, 1, 1]} : vector<128x16x128xf32> to vector<1x16x128xf32>
    %squeeze3A_436 = vector.shape_cast %slice3A_435 : vector<1x16x128xf32> to vector<16x128xf32>
    %add3A_437 = arith.addf %add3A_428, %squeeze3A_436 : vector<16x128xf32>
    %swap3A_438 = arith.constant 27 : index
    %swap3A_439 = arith.constant 0 : index
    %swap3A_440 = arith.constant 0 : index
    %swap3A_441 = vector.load %arg5[%swap3A_438, %swap3A_439, %swap3A_440] : memref<128x16x128xf32, #tpu.memory_space<vmem>>, vector<1x16x128xf32>
    %swap3A_442 = vector.shape_cast %swap3A_441 : vector<1x16x128xf32> to vector<16x128xf32>
    %swap3A_443 = vector.shape_cast %add3A_437 : vector<16x128xf32> to vector<1x16x128xf32>
    tpu.vector_store %arg5[%swap3A_438, %swap3A_439, %swap3A_440], %swap3A_443 {strides = array<i32>} : memref<128x16x128xf32, #tpu.memory_space<vmem>>, vector<1x16x128xf32>,
    %slice3A_444 = vector.extract_strided_slice %div3A_191 {offsets = [28, 0, 0], sizes = [1, 16, 128], strides = [1, 1, 1]} : vector<128x16x128xf32> to vector<1x16x128xf32>
    %squeeze3A_445 = vector.shape_cast %slice3A_444 : vector<1x16x128xf32> to vector<16x128xf32>
    %add3A_446 = arith.addf %add3A_437, %squeeze3A_445 : vector<16x128xf32>
    %swap3A_447 = arith.constant 28 : index
    %swap3A_448 = arith.constant 0 : index
    %swap3A_449 = arith.constant 0 : index
    %swap3A_450 = vector.load %arg5[%swap3A_447, %swap3A_448, %swap3A_449] : memref<128x16x128xf32, #tpu.memory_space<vmem>>, vector<1x16x128xf32>
    %swap3A_451 = vector.shape_cast %swap3A_450 : vector<1x16x128xf32> to vector<16x128xf32>
    %swap3A_452 = vector.shape_cast %add3A_446 : vector<16x128xf32> to vector<1x16x128xf32>
    tpu.vector_store %arg5[%swap3A_447, %swap3A_448, %swap3A_449], %swap3A_452 {strides = array<i32>} : memref<128x16x128xf32, #tpu.memory_space<vmem>>, vector<1x16x128xf32>,
    %slice3A_453 = vector.extract_strided_slice %div3A_191 {offsets = [29, 0, 0], sizes = [1, 16, 128], strides = [1, 1, 1]} : vector<128x16x128xf32> to vector<1x16x128xf32>
    %squeeze3A_454 = vector.shape_cast %slice3A_453 : vector<1x16x128xf32> to vector<16x128xf32>
    %add3A_455 = arith.addf %add3A_446, %squeeze3A_454 : vector<16x128xf32>
    %swap3A_456 = arith.constant 29 : index
    %swap3A_457 = arith.constant 0 : index
    %swap3A_458 = arith.constant 0 : index
    %swap3A_459 = vector.load %arg5[%swap3A_456, %swap3A_457, %swap3A_458] : memref<128x16x128xf32, #tpu.memory_space<vmem>>, vector<1x16x128xf32>
    %swap3A_460 = vector.shape_cast %swap3A_459 : vector<1x16x128xf32> to vector<16x128xf32>
    %swap3A_461 = vector.shape_cast %add3A_455 : vector<16x128xf32> to vector<1x16x128xf32>
    tpu.vector_store %arg5[%swap3A_456, %swap3A_457, %swap3A_458], %swap3A_461 {strides = array<i32>} : memref<128x16x128xf32, #tpu.memory_space<vmem>>, vector<1x16x128xf32>,
    %slice3A_462 = vector.extract_strided_slice %div3A_191 {offsets = [30, 0, 0], sizes = [1, 16, 128], strides = [1, 1, 1]} : vector<128x16x128xf32> to vector<1x16x128xf32>
    %squeeze3A_463 = vector.shape_cast %slice3A_462 : vector<1x16x128xf32> to vector<16x128xf32>
    %add3A_464 = arith.addf %add3A_455, %squeeze3A_463 : vector<16x128xf32>
    %swap3A_465 = arith.constant 30 : index
    %swap3A_466 = arith.constant 0 : index
    %swap3A_467 = arith.constant 0 : index
    %swap3A_468 = vector.load %arg5[%swap3A_465, %swap3A_466, %swap3A_467] : memref<128x16x128xf32, #tpu.memory_space<vmem>>, vector<1x16x128xf32>
    %swap3A_469 = vector.shape_cast %swap3A_468 : vector<1x16x128xf32> to vector<16x128xf32>
    %swap3A_470 = vector.shape_cast %add3A_464 : vector<16x128xf32> to vector<1x16x128xf32>
    tpu.vector_store %arg5[%swap3A_465, %swap3A_466, %swap3A_467], %swap3A_470 {strides = array<i32>} : memref<128x16x128xf32, #tpu.memory_space<vmem>>, vector<1x16x128xf32>,
    %slice3A_471 = vector.extract_strided_slice %div3A_191 {offsets = [31, 0, 0], sizes = [1, 16, 128], strides = [1, 1, 1]} : vector<128x16x128xf32> to vector<1x16x128xf32>
    %squeeze3A_472 = vector.shape_cast %slice3A_471 : vector<1x16x128xf32> to vector<16x128xf32>
    %add3A_473 = arith.addf %add3A_464, %squeeze3A_472 : vector<16x128xf32>
    %swap3A_474 = arith.constant 31 : index
    %swap3A_475 = arith.constant 0 : index
    %swap3A_476 = arith.constant 0 : index
    %swap3A_477 = vector.load %arg5[%swap3A_474, %swap3A_475, %swap3A_476] : memref<128x16x128xf32, #tpu.memory_space<vmem>>, vector<1x16x128xf32>
    %swap3A_478 = vector.shape_cast %swap3A_477 : vector<1x16x128xf32> to vector<16x128xf32>
    %swap3A_479 = vector.shape_cast %add3A_473 : vector<16x128xf32> to vector<1x16x128xf32>
    tpu.vector_store %arg5[%swap3A_474, %swap3A_475, %swap3A_476], %swap3A_479 {strides = array<i32>} : memref<128x16x128xf32, #tpu.memory_space<vmem>>, vector<1x16x128xf32>,
    %slice3A_480 = vector.extract_strided_slice %div3A_191 {offsets = [32, 0, 0], sizes = [1, 16, 128], strides = [1, 1, 1]} : vector<128x16x128xf32> to vector<1x16x128xf32>
    %squeeze3A_481 = vector.shape_cast %slice3A_480 : vector<1x16x128xf32> to vector<16x128xf32>
    %add3A_482 = arith.addf %add3A_473, %squeeze3A_481 : vector<16x128xf32>
    %swap3A_483 = arith.constant 32 : index
    %swap3A_484 = arith.constant 0 : index
    %swap3A_485 = arith.constant 0 : index
    %swap3A_486 = vector.load %arg5[%swap3A_483, %swap3A_484, %swap3A_485] : memref<128x16x128xf32, #tpu.memory_space<vmem>>, vector<1x16x128xf32>
    %swap3A_487 = vector.shape_cast %swap3A_486 : vector<1x16x128xf32> to vector<16x128xf32>
    %swap3A_488 = vector.shape_cast %add3A_482 : vector<16x128xf32> to vector<1x16x128xf32>
    tpu.vector_store %arg5[%swap3A_483, %swap3A_484, %swap3A_485], %swap3A_488 {strides = array<i32>} : memref<128x16x128xf32, #tpu.memory_space<vmem>>, vector<1x16x128xf32>,
    %slice3A_489 = vector.extract_strided_slice %div3A_191 {offsets = [33, 0, 0], sizes = [1, 16, 128], strides = [1, 1, 1]} : vector<128x16x128xf32> to vector<1x16x128xf32>
    %squeeze3A_490 = vector.shape_cast %slice3A_489 : vector<1x16x128xf32> to vector<16x128xf32>
    %add3A_491 = arith.addf %add3A_482, %squeeze3A_490 : vector<16x128xf32>
    %swap3A_492 = arith.constant 33 : index
    %swap3A_493 = arith.constant 0 : index
    %swap3A_494 = arith.constant 0 : index
    %swap3A_495 = vector.load %arg5[%swap3A_492, %swap3A_493, %swap3A_494] : memref<128x16x128xf32, #tpu.memory_space<vmem>>, vector<1x16x128xf32>
    %swap3A_496 = vector.shape_cast %swap3A_495 : vector<1x16x128xf32> to vector<16x128xf32>
    %swap3A_497 = vector.shape_cast %add3A_491 : vector<16x128xf32> to vector<1x16x128xf32>
    tpu.vector_store %arg5[%swap3A_492, %swap3A_493, %swap3A_494], %swap3A_497 {strides = array<i32>} : memref<128x16x128xf32, #tpu.memory_space<vmem>>, vector<1x16x128xf32>,
    %slice3A_498 = vector.extract_strided_slice %div3A_191 {offsets = [34, 0, 0], sizes = [1, 16, 128], strides = [1, 1, 1]} : vector<128x16x128xf32> to vector<1x16x128xf32>
    %squeeze3A_499 = vector.shape_cast %slice3A_498 : vector<1x16x128xf32> to vector<16x128xf32>
    %add3A_500 = arith.addf %add3A_491, %squeeze3A_499 : vector<16x128xf32>
    %swap3A_501 = arith.constant 34 : index
    %swap3A_502 = arith.constant 0 : index
    %swap3A_503 = arith.constant 0 : index
    %swap3A_504 = vector.load %arg5[%swap3A_501, %swap3A_502, %swap3A_503] : memref<128x16x128xf32, #tpu.memory_space<vmem>>, vector<1x16x128xf32>
    %swap3A_505 = vector.shape_cast %swap3A_504 : vector<1x16x128xf32> to vector<16x128xf32>
    %swap3A_506 = vector.shape_cast %add3A_500 : vector<16x128xf32> to vector<1x16x128xf32>
    tpu.vector_store %arg5[%swap3A_501, %swap3A_502, %swap3A_503], %swap3A_506 {strides = array<i32>} : memref<128x16x128xf32, #tpu.memory_space<vmem>>, vector<1x16x128xf32>,
    %slice3A_507 = vector.extract_strided_slice %div3A_191 {offsets = [35, 0, 0], sizes = [1, 16, 128], strides = [1, 1, 1]} : vector<128x16x128xf32> to vector<1x16x128xf32>
    %squeeze3A_508 = vector.shape_cast %slice3A_507 : vector<1x16x128xf32> to vector<16x128xf32>
    %add3A_509 = arith.addf %add3A_500, %squeeze3A_508 : vector<16x128xf32>
    %swap3A_510 = arith.constant 35 : index
    %swap3A_511 = arith.constant 0 : index
    %swap3A_512 = arith.constant 0 : index
    %swap3A_513 = vector.load %arg5[%swap3A_510, %swap3A_511, %swap3A_512] : memref<128x16x128xf32, #tpu.memory_space<vmem>>, vector<1x16x128xf32>
    %swap3A_514 = vector.shape_cast %swap3A_513 : vector<1x16x128xf32> to vector<16x128xf32>
    %swap3A_515 = vector.shape_cast %add3A_509 : vector<16x128xf32> to vector<1x16x128xf32>
    tpu.vector_store %arg5[%swap3A_510, %swap3A_511, %swap3A_512], %swap3A_515 {strides = array<i32>} : memref<128x16x128xf32, #tpu.memory_space<vmem>>, vector<1x16x128xf32>,
    %slice3A_516 = vector.extract_strided_slice %div3A_191 {offsets = [36, 0, 0], sizes = [1, 16, 128], strides = [1, 1, 1]} : vector<128x16x128xf32> to vector<1x16x128xf32>
    %squeeze3A_517 = vector.shape_cast %slice3A_516 : vector<1x16x128xf32> to vector<16x128xf32>
    %add3A_518 = arith.addf %add3A_509, %squeeze3A_517 : vector<16x128xf32>
    %swap3A_519 = arith.constant 36 : index
    %swap3A_520 = arith.constant 0 : index
    %swap3A_521 = arith.constant 0 : index
    %swap3A_522 = vector.load %arg5[%swap3A_519, %swap3A_520, %swap3A_521] : memref<128x16x128xf32, #tpu.memory_space<vmem>>, vector<1x16x128xf32>
    %swap3A_523 = vector.shape_cast %swap3A_522 : vector<1x16x128xf32> to vector<16x128xf32>
    %swap3A_524 = vector.shape_cast %add3A_518 : vector<16x128xf32> to vector<1x16x128xf32>
    tpu.vector_store %arg5[%swap3A_519, %swap3A_520, %swap3A_521], %swap3A_524 {strides = array<i32>} : memref<128x16x128xf32, #tpu.memory_space<vmem>>, vector<1x16x128xf32>,
    %slice3A_525 = vector.extract_strided_slice %div3A_191 {offsets = [37, 0, 0], sizes = [1, 16, 128], strides = [1, 1, 1]} : vector<128x16x128xf32> to vector<1x16x128xf32>
    %squeeze3A_526 = vector.shape_cast %slice3A_525 : vector<1x16x128xf32> to vector<16x128xf32>
    %add3A_527 = arith.addf %add3A_518, %squeeze3A_526 : vector<16x128xf32>
    %swap3A_528 = arith.constant 37 : index
    %swap3A_529 = arith.constant 0 : index
    %swap3A_530 = arith.constant 0 : index
    %swap3A_531 = vector.load %arg5[%swap3A_528, %swap3A_529, %swap3A_530] : memref<128x16x128xf32, #tpu.memory_space<vmem>>, vector<1x16x128xf32>
    %swap3A_532 = vector.shape_cast %swap3A_531 : vector<1x16x128xf32> to vector<16x128xf32>
    %swap3A_533 = vector.shape_cast %add3A_527 : vector<16x128xf32> to vector<1x16x128xf32>
    tpu.vector_store %arg5[%swap3A_528, %swap3A_529, %swap3A_530], %swap3A_533 {strides = array<i32>} : memref<128x16x128xf32, #tpu.memory_space<vmem>>, vector<1x16x128xf32>,
    %slice3A_534 = vector.extract_strided_slice %div3A_191 {offsets = [38, 0, 0], sizes = [1, 16, 128], strides = [1, 1, 1]} : vector<128x16x128xf32> to vector<1x16x128xf32>
    %squeeze3A_535 = vector.shape_cast %slice3A_534 : vector<1x16x128xf32> to vector<16x128xf32>
    %add3A_536 = arith.addf %add3A_527, %squeeze3A_535 : vector<16x128xf32>
    %swap3A_537 = arith.constant 38 : index
    %swap3A_538 = arith.constant 0 : index
    %swap3A_539 = arith.constant 0 : index
    %swap3A_540 = vector.load %arg5[%swap3A_537, %swap3A_538, %swap3A_539] : memref<128x16x128xf32, #tpu.memory_space<vmem>>, vector<1x16x128xf32>
    %swap3A_541 = vector.shape_cast %swap3A_540 : vector<1x16x128xf32> to vector<16x128xf32>
    %swap3A_542 = vector.shape_cast %add3A_536 : vector<16x128xf32> to vector<1x16x128xf32>
    tpu.vector_store %arg5[%swap3A_537, %swap3A_538, %swap3A_539], %swap3A_542 {strides = array<i32>} : memref<128x16x128xf32, #tpu.memory_space<vmem>>, vector<1x16x128xf32>,
    %slice3A_543 = vector.extract_strided_slice %div3A_191 {offsets = [39, 0, 0], sizes = [1, 16, 128], strides = [1, 1, 1]} : vector<128x16x128xf32> to vector<1x16x128xf32>
    %squeeze3A_544 = vector.shape_cast %slice3A_543 : vector<1x16x128xf32> to vector<16x128xf32>
    %add3A_545 = arith.addf %add3A_536, %squeeze3A_544 : vector<16x128xf32>
    %swap3A_546 = arith.constant 39 : index
    %swap3A_547 = arith.constant 0 : index
    %swap3A_548 = arith.constant 0 : index
    %swap3A_549 = vector.load %arg5[%swap3A_546, %swap3A_547, %swap3A_548] : memref<128x16x128xf32, #tpu.memory_space<vmem>>, vector<1x16x128xf32>
    %swap3A_550 = vector.shape_cast %swap3A_549 : vector<1x16x128xf32> to vector<16x128xf32>
    %swap3A_551 = vector.shape_cast %add3A_545 : vector<16x128xf32> to vector<1x16x128xf32>
    tpu.vector_store %arg5[%swap3A_546, %swap3A_547, %swap3A_548], %swap3A_551 {strides = array<i32>} : memref<128x16x128xf32, #tpu.memory_space<vmem>>, vector<1x16x128xf32>,
    %slice3A_552 = vector.extract_strided_slice %div3A_191 {offsets = [40, 0, 0], sizes = [1, 16, 128], strides = [1, 1, 1]} : vector<128x16x128xf32> to vector<1x16x128xf32>
    %squeeze3A_553 = vector.shape_cast %slice3A_552 : vector<1x16x128xf32> to vector<16x128xf32>
    %add3A_554 = arith.addf %add3A_545, %squeeze3A_553 : vector<16x128xf32>
    %swap3A_555 = arith.constant 40 : index
    %swap3A_556 = arith.constant 0 : index
    %swap3A_557 = arith.constant 0 : index
    %swap3A_558 = vector.load %arg5[%swap3A_555, %swap3A_556, %swap3A_557] : memref<128x16x128xf32, #tpu.memory_space<vmem>>, vector<1x16x128xf32>
    %swap3A_559 = vector.shape_cast %swap3A_558 : vector<1x16x128xf32> to vector<16x128xf32>
    %swap3A_560 = vector.shape_cast %add3A_554 : vector<16x128xf32> to vector<1x16x128xf32>
    tpu.vector_store %arg5[%swap3A_555, %swap3A_556, %swap3A_557], %swap3A_560 {strides = array<i32>} : memref<128x16x128xf32, #tpu.memory_space<vmem>>, vector<1x16x128xf32>,
    %slice3A_561 = vector.extract_strided_slice %div3A_191 {offsets = [41, 0, 0], sizes = [1, 16, 128], strides = [1, 1, 1]} : vector<128x16x128xf32> to vector<1x16x128xf32>
    %squeeze3A_562 = vector.shape_cast %slice3A_561 : vector<1x16x128xf32> to vector<16x128xf32>
    %add3A_563 = arith.addf %add3A_554, %squeeze3A_562 : vector<16x128xf32>
    %swap3A_564 = arith.constant 41 : index
    %swap3A_565 = arith.constant 0 : index
    %swap3A_566 = arith.constant 0 : index
    %swap3A_567 = vector.load %arg5[%swap3A_564, %swap3A_565, %swap3A_566] : memref<128x16x128xf32, #tpu.memory_space<vmem>>, vector<1x16x128xf32>
    %swap3A_568 = vector.shape_cast %swap3A_567 : vector<1x16x128xf32> to vector<16x128xf32>
    %swap3A_569 = vector.shape_cast %add3A_563 : vector<16x128xf32> to vector<1x16x128xf32>
    tpu.vector_store %arg5[%swap3A_564, %swap3A_565, %swap3A_566], %swap3A_569 {strides = array<i32>} : memref<128x16x128xf32, #tpu.memory_space<vmem>>, vector<1x16x128xf32>,
    %slice3A_570 = vector.extract_strided_slice %div3A_191 {offsets = [42, 0, 0], sizes = [1, 16, 128], strides = [1, 1, 1]} : vector<128x16x128xf32> to vector<1x16x128xf32>
    %squeeze3A_571 = vector.shape_cast %slice3A_570 : vector<1x16x128xf32> to vector<16x128xf32>
    %add3A_572 = arith.addf %add3A_563, %squeeze3A_571 : vector<16x128xf32>
    %swap3A_573 = arith.constant 42 : index
    %swap3A_574 = arith.constant 0 : index
    %swap3A_575 = arith.constant 0 : index
    %swap3A_576 = vector.load %arg5[%swap3A_573, %swap3A_574, %swap3A_575] : memref<128x16x128xf32, #tpu.memory_space<vmem>>, vector<1x16x128xf32>
    %swap3A_577 = vector.shape_cast %swap3A_576 : vector<1x16x128xf32> to vector<16x128xf32>
    %swap3A_578 = vector.shape_cast %add3A_572 : vector<16x128xf32> to vector<1x16x128xf32>
    tpu.vector_store %arg5[%swap3A_573, %swap3A_574, %swap3A_575], %swap3A_578 {strides = array<i32>} : memref<128x16x128xf32, #tpu.memory_space<vmem>>, vector<1x16x128xf32>,
    %slice3A_579 = vector.extract_strided_slice %div3A_191 {offsets = [43, 0, 0], sizes = [1, 16, 128], strides = [1, 1, 1]} : vector<128x16x128xf32> to vector<1x16x128xf32>
    %squeeze3A_580 = vector.shape_cast %slice3A_579 : vector<1x16x128xf32> to vector<16x128xf32>
    %add3A_581 = arith.addf %add3A_572, %squeeze3A_580 : vector<16x128xf32>
    %swap3A_582 = arith.constant 43 : index
    %swap3A_583 = arith.constant 0 : index
    %swap3A_584 = arith.constant 0 : index
    %swap3A_585 = vector.load %arg5[%swap3A_582, %swap3A_583, %swap3A_584] : memref<128x16x128xf32, #tpu.memory_space<vmem>>, vector<1x16x128xf32>
    %swap3A_586 = vector.shape_cast %swap3A_585 : vector<1x16x128xf32> to vector<16x128xf32>
    %swap3A_587 = vector.shape_cast %add3A_581 : vector<16x128xf32> to vector<1x16x128xf32>
    tpu.vector_store %arg5[%swap3A_582, %swap3A_583, %swap3A_584], %swap3A_587 {strides = array<i32>} : memref<128x16x128xf32, #tpu.memory_space<vmem>>, vector<1x16x128xf32>,
    %slice3A_588 = vector.extract_strided_slice %div3A_191 {offsets = [44, 0, 0], sizes = [1, 16, 128], strides = [1, 1, 1]} : vector<128x16x128xf32> to vector<1x16x128xf32>
    %squeeze3A_589 = vector.shape_cast %slice3A_588 : vector<1x16x128xf32> to vector<16x128xf32>
    %add3A_590 = arith.addf %add3A_581, %squeeze3A_589 : vector<16x128xf32>
    %swap3A_591 = arith.constant 44 : index
    %swap3A_592 = arith.constant 0 : index
    %swap3A_593 = arith.constant 0 : index
    %swap3A_594 = vector.load %arg5[%swap3A_591, %swap3A_592, %swap3A_593] : memref<128x16x128xf32, #tpu.memory_space<vmem>>, vector<1x16x128xf32>
    %swap3A_595 = vector.shape_cast %swap3A_594 : vector<1x16x128xf32> to vector<16x128xf32>
    %swap3A_596 = vector.shape_cast %add3A_590 : vector<16x128xf32> to vector<1x16x128xf32>
    tpu.vector_store %arg5[%swap3A_591, %swap3A_592, %swap3A_593], %swap3A_596 {strides = array<i32>} : memref<128x16x128xf32, #tpu.memory_space<vmem>>, vector<1x16x128xf32>,
    %slice3A_597 = vector.extract_strided_slice %div3A_191 {offsets = [45, 0, 0], sizes = [1, 16, 128], strides = [1, 1, 1]} : vector<128x16x128xf32> to vector<1x16x128xf32>
    %squeeze3A_598 = vector.shape_cast %slice3A_597 : vector<1x16x128xf32> to vector<16x128xf32>
    %add3A_599 = arith.addf %add3A_590, %squeeze3A_598 : vector<16x128xf32>
    %swap3A_600 = arith.constant 45 : index
    %swap3A_601 = arith.constant 0 : index
    %swap3A_602 = arith.constant 0 : index
    %swap3A_603 = vector.load %arg5[%swap3A_600, %swap3A_601, %swap3A_602] : memref<128x16x128xf32, #tpu.memory_space<vmem>>, vector<1x16x128xf32>
    %swap3A_604 = vector.shape_cast %swap3A_603 : vector<1x16x128xf32> to vector<16x128xf32>
    %swap3A_605 = vector.shape_cast %add3A_599 : vector<16x128xf32> to vector<1x16x128xf32>
    tpu.vector_store %arg5[%swap3A_600, %swap3A_601, %swap3A_602], %swap3A_605 {strides = array<i32>} : memref<128x16x128xf32, #tpu.memory_space<vmem>>, vector<1x16x128xf32>,
    %slice3A_606 = vector.extract_strided_slice %div3A_191 {offsets = [46, 0, 0], sizes = [1, 16, 128], strides = [1, 1, 1]} : vector<128x16x128xf32> to vector<1x16x128xf32>
    %squeeze3A_607 = vector.shape_cast %slice3A_606 : vector<1x16x128xf32> to vector<16x128xf32>
    %add3A_608 = arith.addf %add3A_599, %squeeze3A_607 : vector<16x128xf32>
    %swap3A_609 = arith.constant 46 : index
    %swap3A_610 = arith.constant 0 : index
    %swap3A_611 = arith.constant 0 : index
    %swap3A_612 = vector.load %arg5[%swap3A_609, %swap3A_610, %swap3A_611] : memref<128x16x128xf32, #tpu.memory_space<vmem>>, vector<1x16x128xf32>
    %swap3A_613 = vector.shape_cast %swap3A_612 : vector<1x16x128xf32> to vector<16x128xf32>
    %swap3A_614 = vector.shape_cast %add3A_608 : vector<16x128xf32> to vector<1x16x128xf32>
    tpu.vector_store %arg5[%swap3A_609, %swap3A_610, %swap3A_611], %swap3A_614 {strides = array<i32>} : memref<128x16x128xf32, #tpu.memory_space<vmem>>, vector<1x16x128xf32>,
    %slice3A_615 = vector.extract_strided_slice %div3A_191 {offsets = [47, 0, 0], sizes = [1, 16, 128], strides = [1, 1, 1]} : vector<128x16x128xf32> to vector<1x16x128xf32>
    %squeeze3A_616 = vector.shape_cast %slice3A_615 : vector<1x16x128xf32> to vector<16x128xf32>
    %add3A_617 = arith.addf %add3A_608, %squeeze3A_616 : vector<16x128xf32>
    %swap3A_618 = arith.constant 47 : index
    %swap3A_619 = arith.constant 0 : index
    %swap3A_620 = arith.constant 0 : index
    %swap3A_621 = vector.load %arg5[%swap3A_618, %swap3A_619, %swap3A_620] : memref<128x16x128xf32, #tpu.memory_space<vmem>>, vector<1x16x128xf32>
    %swap3A_622 = vector.shape_cast %swap3A_621 : vector<1x16x128xf32> to vector<16x128xf32>
    %swap3A_623 = vector.shape_cast %add3A_617 : vector<16x128xf32> to vector<1x16x128xf32>
    tpu.vector_store %arg5[%swap3A_618, %swap3A_619, %swap3A_620], %swap3A_623 {strides = array<i32>} : memref<128x16x128xf32, #tpu.memory_space<vmem>>, vector<1x16x128xf32>,
    %slice3A_624 = vector.extract_strided_slice %div3A_191 {offsets = [48, 0, 0], sizes = [1, 16, 128], strides = [1, 1, 1]} : vector<128x16x128xf32> to vector<1x16x128xf32>
    %squeeze3A_625 = vector.shape_cast %slice3A_624 : vector<1x16x128xf32> to vector<16x128xf32>
    %add3A_626 = arith.addf %add3A_617, %squeeze3A_625 : vector<16x128xf32>
    %swap3A_627 = arith.constant 48 : index
    %swap3A_628 = arith.constant 0 : index
    %swap3A_629 = arith.constant 0 : index
    %swap3A_630 = vector.load %arg5[%swap3A_627, %swap3A_628, %swap3A_629] : memref<128x16x128xf32, #tpu.memory_space<vmem>>, vector<1x16x128xf32>
    %swap3A_631 = vector.shape_cast %swap3A_630 : vector<1x16x128xf32> to vector<16x128xf32>
    %swap3A_632 = vector.shape_cast %add3A_626 : vector<16x128xf32> to vector<1x16x128xf32>
    tpu.vector_store %arg5[%swap3A_627, %swap3A_628, %swap3A_629], %swap3A_632 {strides = array<i32>} : memref<128x16x128xf32, #tpu.memory_space<vmem>>, vector<1x16x128xf32>,
    %slice3A_633 = vector.extract_strided_slice %div3A_191 {offsets = [49, 0, 0], sizes = [1, 16, 128], strides = [1, 1, 1]} : vector<128x16x128xf32> to vector<1x16x128xf32>
    %squeeze3A_634 = vector.shape_cast %slice3A_633 : vector<1x16x128xf32> to vector<16x128xf32>
    %add3A_635 = arith.addf %add3A_626, %squeeze3A_634 : vector<16x128xf32>
    %swap3A_636 = arith.constant 49 : index
    %swap3A_637 = arith.constant 0 : index
    %swap3A_638 = arith.constant 0 : index
    %swap3A_639 = vector.load %arg5[%swap3A_636, %swap3A_637, %swap3A_638] : memref<128x16x128xf32, #tpu.memory_space<vmem>>, vector<1x16x128xf32>
    %swap3A_640 = vector.shape_cast %swap3A_639 : vector<1x16x128xf32> to vector<16x128xf32>
    %swap3A_641 = vector.shape_cast %add3A_635 : vector<16x128xf32> to vector<1x16x128xf32>
    tpu.vector_store %arg5[%swap3A_636, %swap3A_637, %swap3A_638], %swap3A_641 {strides = array<i32>} : memref<128x16x128xf32, #tpu.memory_space<vmem>>, vector<1x16x128xf32>,
    %slice3A_642 = vector.extract_strided_slice %div3A_191 {offsets = [50, 0, 0], sizes = [1, 16, 128], strides = [1, 1, 1]} : vector<128x16x128xf32> to vector<1x16x128xf32>
    %squeeze3A_643 = vector.shape_cast %slice3A_642 : vector<1x16x128xf32> to vector<16x128xf32>
    %add3A_644 = arith.addf %add3A_635, %squeeze3A_643 : vector<16x128xf32>
    %swap3A_645 = arith.constant 50 : index
    %swap3A_646 = arith.constant 0 : index
    %swap3A_647 = arith.constant 0 : index
    %swap3A_648 = vector.load %arg5[%swap3A_645, %swap3A_646, %swap3A_647] : memref<128x16x128xf32, #tpu.memory_space<vmem>>, vector<1x16x128xf32>
    %swap3A_649 = vector.shape_cast %swap3A_648 : vector<1x16x128xf32> to vector<16x128xf32>
    %swap3A_650 = vector.shape_cast %add3A_644 : vector<16x128xf32> to vector<1x16x128xf32>
    tpu.vector_store %arg5[%swap3A_645, %swap3A_646, %swap3A_647], %swap3A_650 {strides = array<i32>} : memref<128x16x128xf32, #tpu.memory_space<vmem>>, vector<1x16x128xf32>,
    %slice3A_651 = vector.extract_strided_slice %div3A_191 {offsets = [51, 0, 0], sizes = [1, 16, 128], strides = [1, 1, 1]} : vector<128x16x128xf32> to vector<1x16x128xf32>
    %squeeze3A_652 = vector.shape_cast %slice3A_651 : vector<1x16x128xf32> to vector<16x128xf32>
    %add3A_653 = arith.addf %add3A_644, %squeeze3A_652 : vector<16x128xf32>
    %swap3A_654 = arith.constant 51 : index
    %swap3A_655 = arith.constant 0 : index
    %swap3A_656 = arith.constant 0 : index
    %swap3A_657 = vector.load %arg5[%swap3A_654, %swap3A_655, %swap3A_656] : memref<128x16x128xf32, #tpu.memory_space<vmem>>, vector<1x16x128xf32>
    %swap3A_658 = vector.shape_cast %swap3A_657 : vector<1x16x128xf32> to vector<16x128xf32>
    %swap3A_659 = vector.shape_cast %add3A_653 : vector<16x128xf32> to vector<1x16x128xf32>
    tpu.vector_store %arg5[%swap3A_654, %swap3A_655, %swap3A_656], %swap3A_659 {strides = array<i32>} : memref<128x16x128xf32, #tpu.memory_space<vmem>>, vector<1x16x128xf32>,
    %slice3A_660 = vector.extract_strided_slice %div3A_191 {offsets = [52, 0, 0], sizes = [1, 16, 128], strides = [1, 1, 1]} : vector<128x16x128xf32> to vector<1x16x128xf32>
    %squeeze3A_661 = vector.shape_cast %slice3A_660 : vector<1x16x128xf32> to vector<16x128xf32>
    %add3A_662 = arith.addf %add3A_653, %squeeze3A_661 : vector<16x128xf32>
    %swap3A_663 = arith.constant 52 : index
    %swap3A_664 = arith.constant 0 : index
    %swap3A_665 = arith.constant 0 : index
    %swap3A_666 = vector.load %arg5[%swap3A_663, %swap3A_664, %swap3A_665] : memref<128x16x128xf32, #tpu.memory_space<vmem>>, vector<1x16x128xf32>
    %swap3A_667 = vector.shape_cast %swap3A_666 : vector<1x16x128xf32> to vector<16x128xf32>
    %swap3A_668 = vector.shape_cast %add3A_662 : vector<16x128xf32> to vector<1x16x128xf32>
    tpu.vector_store %arg5[%swap3A_663, %swap3A_664, %swap3A_665], %swap3A_668 {strides = array<i32>} : memref<128x16x128xf32, #tpu.memory_space<vmem>>, vector<1x16x128xf32>,
    %slice3A_669 = vector.extract_strided_slice %div3A_191 {offsets = [53, 0, 0], sizes = [1, 16, 128], strides = [1, 1, 1]} : vector<128x16x128xf32> to vector<1x16x128xf32>
    %squeeze3A_670 = vector.shape_cast %slice3A_669 : vector<1x16x128xf32> to vector<16x128xf32>
    %add3A_671 = arith.addf %add3A_662, %squeeze3A_670 : vector<16x128xf32>
    %swap3A_672 = arith.constant 53 : index
    %swap3A_673 = arith.constant 0 : index
    %swap3A_674 = arith.constant 0 : index
    %swap3A_675 = vector.load %arg5[%swap3A_672, %swap3A_673, %swap3A_674] : memref<128x16x128xf32, #tpu.memory_space<vmem>>, vector<1x16x128xf32>
    %swap3A_676 = vector.shape_cast %swap3A_675 : vector<1x16x128xf32> to vector<16x128xf32>
    %swap3A_677 = vector.shape_cast %add3A_671 : vector<16x128xf32> to vector<1x16x128xf32>
    tpu.vector_store %arg5[%swap3A_672, %swap3A_673, %swap3A_674], %swap3A_677 {strides = array<i32>} : memref<128x16x128xf32, #tpu.memory_space<vmem>>, vector<1x16x128xf32>,
    %slice3A_678 = vector.extract_strided_slice %div3A_191 {offsets = [54, 0, 0], sizes = [1, 16, 128], strides = [1, 1, 1]} : vector<128x16x128xf32> to vector<1x16x128xf32>
    %squeeze3A_679 = vector.shape_cast %slice3A_678 : vector<1x16x128xf32> to vector<16x128xf32>
    %add3A_680 = arith.addf %add3A_671, %squeeze3A_679 : vector<16x128xf32>
    %swap3A_681 = arith.constant 54 : index
    %swap3A_682 = arith.constant 0 : index
    %swap3A_683 = arith.constant 0 : index
    %swap3A_684 = vector.load %arg5[%swap3A_681, %swap3A_682, %swap3A_683] : memref<128x16x128xf32, #tpu.memory_space<vmem>>, vector<1x16x128xf32>
    %swap3A_685 = vector.shape_cast %swap3A_684 : vector<1x16x128xf32> to vector<16x128xf32>
    %swap3A_686 = vector.shape_cast %add3A_680 : vector<16x128xf32> to vector<1x16x128xf32>
    tpu.vector_store %arg5[%swap3A_681, %swap3A_682, %swap3A_683], %swap3A_686 {strides = array<i32>} : memref<128x16x128xf32, #tpu.memory_space<vmem>>, vector<1x16x128xf32>,
    %slice3A_687 = vector.extract_strided_slice %div3A_191 {offsets = [55, 0, 0], sizes = [1, 16, 128], strides = [1, 1, 1]} : vector<128x16x128xf32> to vector<1x16x128xf32>
    %squeeze3A_688 = vector.shape_cast %slice3A_687 : vector<1x16x128xf32> to vector<16x128xf32>
    %add3A_689 = arith.addf %add3A_680, %squeeze3A_688 : vector<16x128xf32>
    %swap3A_690 = arith.constant 55 : index
    %swap3A_691 = arith.constant 0 : index
    %swap3A_692 = arith.constant 0 : index
    %swap3A_693 = vector.load %arg5[%swap3A_690, %swap3A_691, %swap3A_692] : memref<128x16x128xf32, #tpu.memory_space<vmem>>, vector<1x16x128xf32>
    %swap3A_694 = vector.shape_cast %swap3A_693 : vector<1x16x128xf32> to vector<16x128xf32>
    %swap3A_695 = vector.shape_cast %add3A_689 : vector<16x128xf32> to vector<1x16x128xf32>
    tpu.vector_store %arg5[%swap3A_690, %swap3A_691, %swap3A_692], %swap3A_695 {strides = array<i32>} : memref<128x16x128xf32, #tpu.memory_space<vmem>>, vector<1x16x128xf32>,
    %slice3A_696 = vector.extract_strided_slice %div3A_191 {offsets = [56, 0, 0], sizes = [1, 16, 128], strides = [1, 1, 1]} : vector<128x16x128xf32> to vector<1x16x128xf32>
    %squeeze3A_697 = vector.shape_cast %slice3A_696 : vector<1x16x128xf32> to vector<16x128xf32>
    %add3A_698 = arith.addf %add3A_689, %squeeze3A_697 : vector<16x128xf32>
    %swap3A_699 = arith.constant 56 : index
    %swap3A_700 = arith.constant 0 : index
    %swap3A_701 = arith.constant 0 : index
    %swap3A_702 = vector.load %arg5[%swap3A_699, %swap3A_700, %swap3A_701] : memref<128x16x128xf32, #tpu.memory_space<vmem>>, vector<1x16x128xf32>
    %swap3A_703 = vector.shape_cast %swap3A_702 : vector<1x16x128xf32> to vector<16x128xf32>
    %swap3A_704 = vector.shape_cast %add3A_698 : vector<16x128xf32> to vector<1x16x128xf32>
    tpu.vector_store %arg5[%swap3A_699, %swap3A_700, %swap3A_701], %swap3A_704 {strides = array<i32>} : memref<128x16x128xf32, #tpu.memory_space<vmem>>, vector<1x16x128xf32>,
    %slice3A_705 = vector.extract_strided_slice %div3A_191 {offsets = [57, 0, 0], sizes = [1, 16, 128], strides = [1, 1, 1]} : vector<128x16x128xf32> to vector<1x16x128xf32>
    %squeeze3A_706 = vector.shape_cast %slice3A_705 : vector<1x16x128xf32> to vector<16x128xf32>
    %add3A_707 = arith.addf %add3A_698, %squeeze3A_706 : vector<16x128xf32>
    %swap3A_708 = arith.constant 57 : index
    %swap3A_709 = arith.constant 0 : index
    %swap3A_710 = arith.constant 0 : index
    %swap3A_711 = vector.load %arg5[%swap3A_708, %swap3A_709, %swap3A_710] : memref<128x16x128xf32, #tpu.memory_space<vmem>>, vector<1x16x128xf32>
    %swap3A_712 = vector.shape_cast %swap3A_711 : vector<1x16x128xf32> to vector<16x128xf32>
    %swap3A_713 = vector.shape_cast %add3A_707 : vector<16x128xf32> to vector<1x16x128xf32>
    tpu.vector_store %arg5[%swap3A_708, %swap3A_709, %swap3A_710], %swap3A_713 {strides = array<i32>} : memref<128x16x128xf32, #tpu.memory_space<vmem>>, vector<1x16x128xf32>,
    %slice3A_714 = vector.extract_strided_slice %div3A_191 {offsets = [58, 0, 0], sizes = [1, 16, 128], strides = [1, 1, 1]} : vector<128x16x128xf32> to vector<1x16x128xf32>
    %squeeze3A_715 = vector.shape_cast %slice3A_714 : vector<1x16x128xf32> to vector<16x128xf32>
    %add3A_716 = arith.addf %add3A_707, %squeeze3A_715 : vector<16x128xf32>
    %swap3A_717 = arith.constant 58 : index
    %swap3A_718 = arith.constant 0 : index
    %swap3A_719 = arith.constant 0 : index
    %swap3A_720 = vector.load %arg5[%swap3A_717, %swap3A_718, %swap3A_719] : memref<128x16x128xf32, #tpu.memory_space<vmem>>, vector<1x16x128xf32>
    %swap3A_721 = vector.shape_cast %swap3A_720 : vector<1x16x128xf32> to vector<16x128xf32>
    %swap3A_722 = vector.shape_cast %add3A_716 : vector<16x128xf32> to vector<1x16x128xf32>
    tpu.vector_store %arg5[%swap3A_717, %swap3A_718, %swap3A_719], %swap3A_722 {strides = array<i32>} : memref<128x16x128xf32, #tpu.memory_space<vmem>>, vector<1x16x128xf32>,
    %slice3A_723 = vector.extract_strided_slice %div3A_191 {offsets = [59, 0, 0], sizes = [1, 16, 128], strides = [1, 1, 1]} : vector<128x16x128xf32> to vector<1x16x128xf32>
    %squeeze3A_724 = vector.shape_cast %slice3A_723 : vector<1x16x128xf32> to vector<16x128xf32>
    %add3A_725 = arith.addf %add3A_716, %squeeze3A_724 : vector<16x128xf32>
    %swap3A_726 = arith.constant 59 : index
    %swap3A_727 = arith.constant 0 : index
    %swap3A_728 = arith.constant 0 : index
    %swap3A_729 = vector.load %arg5[%swap3A_726, %swap3A_727, %swap3A_728] : memref<128x16x128xf32, #tpu.memory_space<vmem>>, vector<1x16x128xf32>
    %swap3A_730 = vector.shape_cast %swap3A_729 : vector<1x16x128xf32> to vector<16x128xf32>
    %swap3A_731 = vector.shape_cast %add3A_725 : vector<16x128xf32> to vector<1x16x128xf32>
    tpu.vector_store %arg5[%swap3A_726, %swap3A_727, %swap3A_728], %swap3A_731 {strides = array<i32>} : memref<128x16x128xf32, #tpu.memory_space<vmem>>, vector<1x16x128xf32>,
    %slice3A_732 = vector.extract_strided_slice %div3A_191 {offsets = [60, 0, 0], sizes = [1, 16, 128], strides = [1, 1, 1]} : vector<128x16x128xf32> to vector<1x16x128xf32>
    %squeeze3A_733 = vector.shape_cast %slice3A_732 : vector<1x16x128xf32> to vector<16x128xf32>
    %add3A_734 = arith.addf %add3A_725, %squeeze3A_733 : vector<16x128xf32>
    %swap3A_735 = arith.constant 60 : index
    %swap3A_736 = arith.constant 0 : index
    %swap3A_737 = arith.constant 0 : index
    %swap3A_738 = vector.load %arg5[%swap3A_735, %swap3A_736, %swap3A_737] : memref<128x16x128xf32, #tpu.memory_space<vmem>>, vector<1x16x128xf32>
    %swap3A_739 = vector.shape_cast %swap3A_738 : vector<1x16x128xf32> to vector<16x128xf32>
    %swap3A_740 = vector.shape_cast %add3A_734 : vector<16x128xf32> to vector<1x16x128xf32>
    tpu.vector_store %arg5[%swap3A_735, %swap3A_736, %swap3A_737], %swap3A_740 {strides = array<i32>} : memref<128x16x128xf32, #tpu.memory_space<vmem>>, vector<1x16x128xf32>,
    %slice3A_741 = vector.extract_strided_slice %div3A_191 {offsets = [61, 0, 0], sizes = [1, 16, 128], strides = [1, 1, 1]} : vector<128x16x128xf32> to vector<1x16x128xf32>
    %squeeze3A_742 = vector.shape_cast %slice3A_741 : vector<1x16x128xf32> to vector<16x128xf32>
    %add3A_743 = arith.addf %add3A_734, %squeeze3A_742 : vector<16x128xf32>
    %swap3A_744 = arith.constant 61 : index
    %swap3A_745 = arith.constant 0 : index
    %swap3A_746 = arith.constant 0 : index
    %swap3A_747 = vector.load %arg5[%swap3A_744, %swap3A_745, %swap3A_746] : memref<128x16x128xf32, #tpu.memory_space<vmem>>, vector<1x16x128xf32>
    %swap3A_748 = vector.shape_cast %swap3A_747 : vector<1x16x128xf32> to vector<16x128xf32>
    %swap3A_749 = vector.shape_cast %add3A_743 : vector<16x128xf32> to vector<1x16x128xf32>
    tpu.vector_store %arg5[%swap3A_744, %swap3A_745, %swap3A_746], %swap3A_749 {strides = array<i32>} : memref<128x16x128xf32, #tpu.memory_space<vmem>>, vector<1x16x128xf32>,
    %slice3A_750 = vector.extract_strided_slice %div3A_191 {offsets = [62, 0, 0], sizes = [1, 16, 128], strides = [1, 1, 1]} : vector<128x16x128xf32> to vector<1x16x128xf32>
    %squeeze3A_751 = vector.shape_cast %slice3A_750 : vector<1x16x128xf32> to vector<16x128xf32>
    %add3A_752 = arith.addf %add3A_743, %squeeze3A_751 : vector<16x128xf32>
    %swap3A_753 = arith.constant 62 : index
    %swap3A_754 = arith.constant 0 : index
    %swap3A_755 = arith.constant 0 : index
    %swap3A_756 = vector.load %arg5[%swap3A_753, %swap3A_754, %swap3A_755] : memref<128x16x128xf32, #tpu.memory_space<vmem>>, vector<1x16x128xf32>
    %swap3A_757 = vector.shape_cast %swap3A_756 : vector<1x16x128xf32> to vector<16x128xf32>
    %swap3A_758 = vector.shape_cast %add3A_752 : vector<16x128xf32> to vector<1x16x128xf32>
    tpu.vector_store %arg5[%swap3A_753, %swap3A_754, %swap3A_755], %swap3A_758 {strides = array<i32>} : memref<128x16x128xf32, #tpu.memory_space<vmem>>, vector<1x16x128xf32>,
    %slice3A_759 = vector.extract_strided_slice %div3A_191 {offsets = [63, 0, 0], sizes = [1, 16, 128], strides = [1, 1, 1]} : vector<128x16x128xf32> to vector<1x16x128xf32>
    %squeeze3A_760 = vector.shape_cast %slice3A_759 : vector<1x16x128xf32> to vector<16x128xf32>
    %add3A_761 = arith.addf %add3A_752, %squeeze3A_760 : vector<16x128xf32>
    %swap3A_762 = arith.constant 63 : index
    %swap3A_763 = arith.constant 0 : index
    %swap3A_764 = arith.constant 0 : index
    %swap3A_765 = vector.load %arg5[%swap3A_762, %swap3A_763, %swap3A_764] : memref<128x16x128xf32, #tpu.memory_space<vmem>>, vector<1x16x128xf32>
    %swap3A_766 = vector.shape_cast %swap3A_765 : vector<1x16x128xf32> to vector<16x128xf32>
    %swap3A_767 = vector.shape_cast %add3A_761 : vector<16x128xf32> to vector<1x16x128xf32>
    tpu.vector_store %arg5[%swap3A_762, %swap3A_763, %swap3A_764], %swap3A_767 {strides = array<i32>} : memref<128x16x128xf32, #tpu.memory_space<vmem>>, vector<1x16x128xf32>,
    %slice3A_768 = vector.extract_strided_slice %div3A_191 {offsets = [64, 0, 0], sizes = [1, 16, 128], strides = [1, 1, 1]} : vector<128x16x128xf32> to vector<1x16x128xf32>
    %squeeze3A_769 = vector.shape_cast %slice3A_768 : vector<1x16x128xf32> to vector<16x128xf32>
    %add3A_770 = arith.addf %add3A_761, %squeeze3A_769 : vector<16x128xf32>
    %swap3A_771 = arith.constant 64 : index
    %swap3A_772 = arith.constant 0 : index
    %swap3A_773 = arith.constant 0 : index
    %swap3A_774 = vector.load %arg5[%swap3A_771, %swap3A_772, %swap3A_773] : memref<128x16x128xf32, #tpu.memory_space<vmem>>, vector<1x16x128xf32>
    %swap3A_775 = vector.shape_cast %swap3A_774 : vector<1x16x128xf32> to vector<16x128xf32>
    %swap3A_776 = vector.shape_cast %add3A_770 : vector<16x128xf32> to vector<1x16x128xf32>
    tpu.vector_store %arg5[%swap3A_771, %swap3A_772, %swap3A_773], %swap3A_776 {strides = array<i32>} : memref<128x16x128xf32, #tpu.memory_space<vmem>>, vector<1x16x128xf32>,
    %slice3A_777 = vector.extract_strided_slice %div3A_191 {offsets = [65, 0, 0], sizes = [1, 16, 128], strides = [1, 1, 1]} : vector<128x16x128xf32> to vector<1x16x128xf32>
    %squeeze3A_778 = vector.shape_cast %slice3A_777 : vector<1x16x128xf32> to vector<16x128xf32>
    %add3A_779 = arith.addf %add3A_770, %squeeze3A_778 : vector<16x128xf32>
    %swap3A_780 = arith.constant 65 : index
    %swap3A_781 = arith.constant 0 : index
    %swap3A_782 = arith.constant 0 : index
    %swap3A_783 = vector.load %arg5[%swap3A_780, %swap3A_781, %swap3A_782] : memref<128x16x128xf32, #tpu.memory_space<vmem>>, vector<1x16x128xf32>
    %swap3A_784 = vector.shape_cast %swap3A_783 : vector<1x16x128xf32> to vector<16x128xf32>
    %swap3A_785 = vector.shape_cast %add3A_779 : vector<16x128xf32> to vector<1x16x128xf32>
    tpu.vector_store %arg5[%swap3A_780, %swap3A_781, %swap3A_782], %swap3A_785 {strides = array<i32>} : memref<128x16x128xf32, #tpu.memory_space<vmem>>, vector<1x16x128xf32>,
    %slice3A_786 = vector.extract_strided_slice %div3A_191 {offsets = [66, 0, 0], sizes = [1, 16, 128], strides = [1, 1, 1]} : vector<128x16x128xf32> to vector<1x16x128xf32>
    %squeeze3A_787 = vector.shape_cast %slice3A_786 : vector<1x16x128xf32> to vector<16x128xf32>
    %add3A_788 = arith.addf %add3A_779, %squeeze3A_787 : vector<16x128xf32>
    %swap3A_789 = arith.constant 66 : index
    %swap3A_790 = arith.constant 0 : index
    %swap3A_791 = arith.constant 0 : index
    %swap3A_792 = vector.load %arg5[%swap3A_789, %swap3A_790, %swap3A_791] : memref<128x16x128xf32, #tpu.memory_space<vmem>>, vector<1x16x128xf32>
    %swap3A_793 = vector.shape_cast %swap3A_792 : vector<1x16x128xf32> to vector<16x128xf32>
    %swap3A_794 = vector.shape_cast %add3A_788 : vector<16x128xf32> to vector<1x16x128xf32>
    tpu.vector_store %arg5[%swap3A_789, %swap3A_790, %swap3A_791], %swap3A_794 {strides = array<i32>} : memref<128x16x128xf32, #tpu.memory_space<vmem>>, vector<1x16x128xf32>,
    %slice3A_795 = vector.extract_strided_slice %div3A_191 {offsets = [67, 0, 0], sizes = [1, 16, 128], strides = [1, 1, 1]} : vector<128x16x128xf32> to vector<1x16x128xf32>
    %squeeze3A_796 = vector.shape_cast %slice3A_795 : vector<1x16x128xf32> to vector<16x128xf32>
    %add3A_797 = arith.addf %add3A_788, %squeeze3A_796 : vector<16x128xf32>
    %swap3A_798 = arith.constant 67 : index
    %swap3A_799 = arith.constant 0 : index
    %swap3A_800 = arith.constant 0 : index
    %swap3A_801 = vector.load %arg5[%swap3A_798, %swap3A_799, %swap3A_800] : memref<128x16x128xf32, #tpu.memory_space<vmem>>, vector<1x16x128xf32>
    %swap3A_802 = vector.shape_cast %swap3A_801 : vector<1x16x128xf32> to vector<16x128xf32>
    %swap3A_803 = vector.shape_cast %add3A_797 : vector<16x128xf32> to vector<1x16x128xf32>
    tpu.vector_store %arg5[%swap3A_798, %swap3A_799, %swap3A_800], %swap3A_803 {strides = array<i32>} : memref<128x16x128xf32, #tpu.memory_space<vmem>>, vector<1x16x128xf32>,
    %slice3A_804 = vector.extract_strided_slice %div3A_191 {offsets = [68, 0, 0], sizes = [1, 16, 128], strides = [1, 1, 1]} : vector<128x16x128xf32> to vector<1x16x128xf32>
    %squeeze3A_805 = vector.shape_cast %slice3A_804 : vector<1x16x128xf32> to vector<16x128xf32>
    %add3A_806 = arith.addf %add3A_797, %squeeze3A_805 : vector<16x128xf32>
    %swap3A_807 = arith.constant 68 : index
    %swap3A_808 = arith.constant 0 : index
    %swap3A_809 = arith.constant 0 : index
    %swap3A_810 = vector.load %arg5[%swap3A_807, %swap3A_808, %swap3A_809] : memref<128x16x128xf32, #tpu.memory_space<vmem>>, vector<1x16x128xf32>
    %swap3A_811 = vector.shape_cast %swap3A_810 : vector<1x16x128xf32> to vector<16x128xf32>
    %swap3A_812 = vector.shape_cast %add3A_806 : vector<16x128xf32> to vector<1x16x128xf32>
    tpu.vector_store %arg5[%swap3A_807, %swap3A_808, %swap3A_809], %swap3A_812 {strides = array<i32>} : memref<128x16x128xf32, #tpu.memory_space<vmem>>, vector<1x16x128xf32>,
    %slice3A_813 = vector.extract_strided_slice %div3A_191 {offsets = [69, 0, 0], sizes = [1, 16, 128], strides = [1, 1, 1]} : vector<128x16x128xf32> to vector<1x16x128xf32>
    %squeeze3A_814 = vector.shape_cast %slice3A_813 : vector<1x16x128xf32> to vector<16x128xf32>
    %add3A_815 = arith.addf %add3A_806, %squeeze3A_814 : vector<16x128xf32>
    %swap3A_816 = arith.constant 69 : index
    %swap3A_817 = arith.constant 0 : index
    %swap3A_818 = arith.constant 0 : index
    %swap3A_819 = vector.load %arg5[%swap3A_816, %swap3A_817, %swap3A_818] : memref<128x16x128xf32, #tpu.memory_space<vmem>>, vector<1x16x128xf32>
    %swap3A_820 = vector.shape_cast %swap3A_819 : vector<1x16x128xf32> to vector<16x128xf32>
    %swap3A_821 = vector.shape_cast %add3A_815 : vector<16x128xf32> to vector<1x16x128xf32>
    tpu.vector_store %arg5[%swap3A_816, %swap3A_817, %swap3A_818], %swap3A_821 {strides = array<i32>} : memref<128x16x128xf32, #tpu.memory_space<vmem>>, vector<1x16x128xf32>,
    %slice3A_822 = vector.extract_strided_slice %div3A_191 {offsets = [70, 0, 0], sizes = [1, 16, 128], strides = [1, 1, 1]} : vector<128x16x128xf32> to vector<1x16x128xf32>
    %squeeze3A_823 = vector.shape_cast %slice3A_822 : vector<1x16x128xf32> to vector<16x128xf32>
    %add3A_824 = arith.addf %add3A_815, %squeeze3A_823 : vector<16x128xf32>
    %swap3A_825 = arith.constant 70 : index
    %swap3A_826 = arith.constant 0 : index
    %swap3A_827 = arith.constant 0 : index
    %swap3A_828 = vector.load %arg5[%swap3A_825, %swap3A_826, %swap3A_827] : memref<128x16x128xf32, #tpu.memory_space<vmem>>, vector<1x16x128xf32>
    %swap3A_829 = vector.shape_cast %swap3A_828 : vector<1x16x128xf32> to vector<16x128xf32>
    %swap3A_830 = vector.shape_cast %add3A_824 : vector<16x128xf32> to vector<1x16x128xf32>
    tpu.vector_store %arg5[%swap3A_825, %swap3A_826, %swap3A_827], %swap3A_830 {strides = array<i32>} : memref<128x16x128xf32, #tpu.memory_space<vmem>>, vector<1x16x128xf32>,
    %slice3A_831 = vector.extract_strided_slice %div3A_191 {offsets = [71, 0, 0], sizes = [1, 16, 128], strides = [1, 1, 1]} : vector<128x16x128xf32> to vector<1x16x128xf32>
    %squeeze3A_832 = vector.shape_cast %slice3A_831 : vector<1x16x128xf32> to vector<16x128xf32>
    %add3A_833 = arith.addf %add3A_824, %squeeze3A_832 : vector<16x128xf32>
    %swap3A_834 = arith.constant 71 : index
    %swap3A_835 = arith.constant 0 : index
    %swap3A_836 = arith.constant 0 : index
    %swap3A_837 = vector.load %arg5[%swap3A_834, %swap3A_835, %swap3A_836] : memref<128x16x128xf32, #tpu.memory_space<vmem>>, vector<1x16x128xf32>
    %swap3A_838 = vector.shape_cast %swap3A_837 : vector<1x16x128xf32> to vector<16x128xf32>
    %swap3A_839 = vector.shape_cast %add3A_833 : vector<16x128xf32> to vector<1x16x128xf32>
    tpu.vector_store %arg5[%swap3A_834, %swap3A_835, %swap3A_836], %swap3A_839 {strides = array<i32>} : memref<128x16x128xf32, #tpu.memory_space<vmem>>, vector<1x16x128xf32>,
    %slice3A_840 = vector.extract_strided_slice %div3A_191 {offsets = [72, 0, 0], sizes = [1, 16, 128], strides = [1, 1, 1]} : vector<128x16x128xf32> to vector<1x16x128xf32>
    %squeeze3A_841 = vector.shape_cast %slice3A_840 : vector<1x16x128xf32> to vector<16x128xf32>
    %add3A_842 = arith.addf %add3A_833, %squeeze3A_841 : vector<16x128xf32>
    %swap3A_843 = arith.constant 72 : index
    %swap3A_844 = arith.constant 0 : index
    %swap3A_845 = arith.constant 0 : index
    %swap3A_846 = vector.load %arg5[%swap3A_843, %swap3A_844, %swap3A_845] : memref<128x16x128xf32, #tpu.memory_space<vmem>>, vector<1x16x128xf32>
    %swap3A_847 = vector.shape_cast %swap3A_846 : vector<1x16x128xf32> to vector<16x128xf32>
    %swap3A_848 = vector.shape_cast %add3A_842 : vector<16x128xf32> to vector<1x16x128xf32>
    tpu.vector_store %arg5[%swap3A_843, %swap3A_844, %swap3A_845], %swap3A_848 {strides = array<i32>} : memref<128x16x128xf32, #tpu.memory_space<vmem>>, vector<1x16x128xf32>,
    %slice3A_849 = vector.extract_strided_slice %div3A_191 {offsets = [73, 0, 0], sizes = [1, 16, 128], strides = [1, 1, 1]} : vector<128x16x128xf32> to vector<1x16x128xf32>
    %squeeze3A_850 = vector.shape_cast %slice3A_849 : vector<1x16x128xf32> to vector<16x128xf32>
    %add3A_851 = arith.addf %add3A_842, %squeeze3A_850 : vector<16x128xf32>
    %swap3A_852 = arith.constant 73 : index
    %swap3A_853 = arith.constant 0 : index
    %swap3A_854 = arith.constant 0 : index
    %swap3A_855 = vector.load %arg5[%swap3A_852, %swap3A_853, %swap3A_854] : memref<128x16x128xf32, #tpu.memory_space<vmem>>, vector<1x16x128xf32>
    %swap3A_856 = vector.shape_cast %swap3A_855 : vector<1x16x128xf32> to vector<16x128xf32>
    %swap3A_857 = vector.shape_cast %add3A_851 : vector<16x128xf32> to vector<1x16x128xf32>
    tpu.vector_store %arg5[%swap3A_852, %swap3A_853, %swap3A_854], %swap3A_857 {strides = array<i32>} : memref<128x16x128xf32, #tpu.memory_space<vmem>>, vector<1x16x128xf32>,
    %slice3A_858 = vector.extract_strided_slice %div3A_191 {offsets = [74, 0, 0], sizes = [1, 16, 128], strides = [1, 1, 1]} : vector<128x16x128xf32> to vector<1x16x128xf32>
    %squeeze3A_859 = vector.shape_cast %slice3A_858 : vector<1x16x128xf32> to vector<16x128xf32>
    %add3A_860 = arith.addf %add3A_851, %squeeze3A_859 : vector<16x128xf32>
    %swap3A_861 = arith.constant 74 : index
    %swap3A_862 = arith.constant 0 : index
    %swap3A_863 = arith.constant 0 : index
    %swap3A_864 = vector.load %arg5[%swap3A_861, %swap3A_862, %swap3A_863] : memref<128x16x128xf32, #tpu.memory_space<vmem>>, vector<1x16x128xf32>
    %swap3A_865 = vector.shape_cast %swap3A_864 : vector<1x16x128xf32> to vector<16x128xf32>
    %swap3A_866 = vector.shape_cast %add3A_860 : vector<16x128xf32> to vector<1x16x128xf32>
    tpu.vector_store %arg5[%swap3A_861, %swap3A_862, %swap3A_863], %swap3A_866 {strides = array<i32>} : memref<128x16x128xf32, #tpu.memory_space<vmem>>, vector<1x16x128xf32>,
    %slice3A_867 = vector.extract_strided_slice %div3A_191 {offsets = [75, 0, 0], sizes = [1, 16, 128], strides = [1, 1, 1]} : vector<128x16x128xf32> to vector<1x16x128xf32>
    %squeeze3A_868 = vector.shape_cast %slice3A_867 : vector<1x16x128xf32> to vector<16x128xf32>
    %add3A_869 = arith.addf %add3A_860, %squeeze3A_868 : vector<16x128xf32>
    %swap3A_870 = arith.constant 75 : index
    %swap3A_871 = arith.constant 0 : index
    %swap3A_872 = arith.constant 0 : index
    %swap3A_873 = vector.load %arg5[%swap3A_870, %swap3A_871, %swap3A_872] : memref<128x16x128xf32, #tpu.memory_space<vmem>>, vector<1x16x128xf32>
    %swap3A_874 = vector.shape_cast %swap3A_873 : vector<1x16x128xf32> to vector<16x128xf32>
    %swap3A_875 = vector.shape_cast %add3A_869 : vector<16x128xf32> to vector<1x16x128xf32>
    tpu.vector_store %arg5[%swap3A_870, %swap3A_871, %swap3A_872], %swap3A_875 {strides = array<i32>} : memref<128x16x128xf32, #tpu.memory_space<vmem>>, vector<1x16x128xf32>,
    %slice3A_876 = vector.extract_strided_slice %div3A_191 {offsets = [76, 0, 0], sizes = [1, 16, 128], strides = [1, 1, 1]} : vector<128x16x128xf32> to vector<1x16x128xf32>
    %squeeze3A_877 = vector.shape_cast %slice3A_876 : vector<1x16x128xf32> to vector<16x128xf32>
    %add3A_878 = arith.addf %add3A_869, %squeeze3A_877 : vector<16x128xf32>
    %swap3A_879 = arith.constant 76 : index
    %swap3A_880 = arith.constant 0 : index
    %swap3A_881 = arith.constant 0 : index
    %swap3A_882 = vector.load %arg5[%swap3A_879, %swap3A_880, %swap3A_881] : memref<128x16x128xf32, #tpu.memory_space<vmem>>, vector<1x16x128xf32>
    %swap3A_883 = vector.shape_cast %swap3A_882 : vector<1x16x128xf32> to vector<16x128xf32>
    %swap3A_884 = vector.shape_cast %add3A_878 : vector<16x128xf32> to vector<1x16x128xf32>
    tpu.vector_store %arg5[%swap3A_879, %swap3A_880, %swap3A_881], %swap3A_884 {strides = array<i32>} : memref<128x16x128xf32, #tpu.memory_space<vmem>>, vector<1x16x128xf32>,
    %slice3A_885 = vector.extract_strided_slice %div3A_191 {offsets = [77, 0, 0], sizes = [1, 16, 128], strides = [1, 1, 1]} : vector<128x16x128xf32> to vector<1x16x128xf32>
    %squeeze3A_886 = vector.shape_cast %slice3A_885 : vector<1x16x128xf32> to vector<16x128xf32>
    %add3A_887 = arith.addf %add3A_878, %squeeze3A_886 : vector<16x128xf32>
    %swap3A_888 = arith.constant 77 : index
    %swap3A_889 = arith.constant 0 : index
    %swap3A_890 = arith.constant 0 : index
    %swap3A_891 = vector.load %arg5[%swap3A_888, %swap3A_889, %swap3A_890] : memref<128x16x128xf32, #tpu.memory_space<vmem>>, vector<1x16x128xf32>
    %swap3A_892 = vector.shape_cast %swap3A_891 : vector<1x16x128xf32> to vector<16x128xf32>
    %swap3A_893 = vector.shape_cast %add3A_887 : vector<16x128xf32> to vector<1x16x128xf32>
    tpu.vector_store %arg5[%swap3A_888, %swap3A_889, %swap3A_890], %swap3A_893 {strides = array<i32>} : memref<128x16x128xf32, #tpu.memory_space<vmem>>, vector<1x16x128xf32>,
    %slice3A_894 = vector.extract_strided_slice %div3A_191 {offsets = [78, 0, 0], sizes = [1, 16, 128], strides = [1, 1, 1]} : vector<128x16x128xf32> to vector<1x16x128xf32>
    %squeeze3A_895 = vector.shape_cast %slice3A_894 : vector<1x16x128xf32> to vector<16x128xf32>
    %add3A_896 = arith.addf %add3A_887, %squeeze3A_895 : vector<16x128xf32>
    %swap3A_897 = arith.constant 78 : index
    %swap3A_898 = arith.constant 0 : index
    %swap3A_899 = arith.constant 0 : index
    %swap3A_900 = vector.load %arg5[%swap3A_897, %swap3A_898, %swap3A_899] : memref<128x16x128xf32, #tpu.memory_space<vmem>>, vector<1x16x128xf32>
    %swap3A_901 = vector.shape_cast %swap3A_900 : vector<1x16x128xf32> to vector<16x128xf32>
    %swap3A_902 = vector.shape_cast %add3A_896 : vector<16x128xf32> to vector<1x16x128xf32>
    tpu.vector_store %arg5[%swap3A_897, %swap3A_898, %swap3A_899], %swap3A_902 {strides = array<i32>} : memref<128x16x128xf32, #tpu.memory_space<vmem>>, vector<1x16x128xf32>,
    %slice3A_903 = vector.extract_strided_slice %div3A_191 {offsets = [79, 0, 0], sizes = [1, 16, 128], strides = [1, 1, 1]} : vector<128x16x128xf32> to vector<1x16x128xf32>
    %squeeze3A_904 = vector.shape_cast %slice3A_903 : vector<1x16x128xf32> to vector<16x128xf32>
    %add3A_905 = arith.addf %add3A_896, %squeeze3A_904 : vector<16x128xf32>
    %swap3A_906 = arith.constant 79 : index
    %swap3A_907 = arith.constant 0 : index
    %swap3A_908 = arith.constant 0 : index
    %swap3A_909 = vector.load %arg5[%swap3A_906, %swap3A_907, %swap3A_908] : memref<128x16x128xf32, #tpu.memory_space<vmem>>, vector<1x16x128xf32>
    %swap3A_910 = vector.shape_cast %swap3A_909 : vector<1x16x128xf32> to vector<16x128xf32>
    %swap3A_911 = vector.shape_cast %add3A_905 : vector<16x128xf32> to vector<1x16x128xf32>
    tpu.vector_store %arg5[%swap3A_906, %swap3A_907, %swap3A_908], %swap3A_911 {strides = array<i32>} : memref<128x16x128xf32, #tpu.memory_space<vmem>>, vector<1x16x128xf32>,
    %slice3A_912 = vector.extract_strided_slice %div3A_191 {offsets = [80, 0, 0], sizes = [1, 16, 128], strides = [1, 1, 1]} : vector<128x16x128xf32> to vector<1x16x128xf32>
    %squeeze3A_913 = vector.shape_cast %slice3A_912 : vector<1x16x128xf32> to vector<16x128xf32>
    %add3A_914 = arith.addf %add3A_905, %squeeze3A_913 : vector<16x128xf32>
    %swap3A_915 = arith.constant 80 : index
    %swap3A_916 = arith.constant 0 : index
    %swap3A_917 = arith.constant 0 : index
    %swap3A_918 = vector.load %arg5[%swap3A_915, %swap3A_916, %swap3A_917] : memref<128x16x128xf32, #tpu.memory_space<vmem>>, vector<1x16x128xf32>
    %swap3A_919 = vector.shape_cast %swap3A_918 : vector<1x16x128xf32> to vector<16x128xf32>
    %swap3A_920 = vector.shape_cast %add3A_914 : vector<16x128xf32> to vector<1x16x128xf32>
    tpu.vector_store %arg5[%swap3A_915, %swap3A_916, %swap3A_917], %swap3A_920 {strides = array<i32>} : memref<128x16x128xf32, #tpu.memory_space<vmem>>, vector<1x16x128xf32>,
    %slice3A_921 = vector.extract_strided_slice %div3A_191 {offsets = [81, 0, 0], sizes = [1, 16, 128], strides = [1, 1, 1]} : vector<128x16x128xf32> to vector<1x16x128xf32>
    %squeeze3A_922 = vector.shape_cast %slice3A_921 : vector<1x16x128xf32> to vector<16x128xf32>
    %add3A_923 = arith.addf %add3A_914, %squeeze3A_922 : vector<16x128xf32>
    %swap3A_924 = arith.constant 81 : index
    %swap3A_925 = arith.constant 0 : index
    %swap3A_926 = arith.constant 0 : index
    %swap3A_927 = vector.load %arg5[%swap3A_924, %swap3A_925, %swap3A_926] : memref<128x16x128xf32, #tpu.memory_space<vmem>>, vector<1x16x128xf32>
    %swap3A_928 = vector.shape_cast %swap3A_927 : vector<1x16x128xf32> to vector<16x128xf32>
    %swap3A_929 = vector.shape_cast %add3A_923 : vector<16x128xf32> to vector<1x16x128xf32>
    tpu.vector_store %arg5[%swap3A_924, %swap3A_925, %swap3A_926], %swap3A_929 {strides = array<i32>} : memref<128x16x128xf32, #tpu.memory_space<vmem>>, vector<1x16x128xf32>,
    %slice3A_930 = vector.extract_strided_slice %div3A_191 {offsets = [82, 0, 0], sizes = [1, 16, 128], strides = [1, 1, 1]} : vector<128x16x128xf32> to vector<1x16x128xf32>
    %squeeze3A_931 = vector.shape_cast %slice3A_930 : vector<1x16x128xf32> to vector<16x128xf32>
    %add3A_932 = arith.addf %add3A_923, %squeeze3A_931 : vector<16x128xf32>
    %swap3A_933 = arith.constant 82 : index
    %swap3A_934 = arith.constant 0 : index
    %swap3A_935 = arith.constant 0 : index
    %swap3A_936 = vector.load %arg5[%swap3A_933, %swap3A_934, %swap3A_935] : memref<128x16x128xf32, #tpu.memory_space<vmem>>, vector<1x16x128xf32>
    %swap3A_937 = vector.shape_cast %swap3A_936 : vector<1x16x128xf32> to vector<16x128xf32>
    %swap3A_938 = vector.shape_cast %add3A_932 : vector<16x128xf32> to vector<1x16x128xf32>
    tpu.vector_store %arg5[%swap3A_933, %swap3A_934, %swap3A_935], %swap3A_938 {strides = array<i32>} : memref<128x16x128xf32, #tpu.memory_space<vmem>>, vector<1x16x128xf32>,
    %slice3A_939 = vector.extract_strided_slice %div3A_191 {offsets = [83, 0, 0], sizes = [1, 16, 128], strides = [1, 1, 1]} : vector<128x16x128xf32> to vector<1x16x128xf32>
    %squeeze3A_940 = vector.shape_cast %slice3A_939 : vector<1x16x128xf32> to vector<16x128xf32>
    %add3A_941 = arith.addf %add3A_932, %squeeze3A_940 : vector<16x128xf32>
    %swap3A_942 = arith.constant 83 : index
    %swap3A_943 = arith.constant 0 : index
    %swap3A_944 = arith.constant 0 : index
    %swap3A_945 = vector.load %arg5[%swap3A_942, %swap3A_943, %swap3A_944] : memref<128x16x128xf32, #tpu.memory_space<vmem>>, vector<1x16x128xf32>
    %swap3A_946 = vector.shape_cast %swap3A_945 : vector<1x16x128xf32> to vector<16x128xf32>
    %swap3A_947 = vector.shape_cast %add3A_941 : vector<16x128xf32> to vector<1x16x128xf32>
    tpu.vector_store %arg5[%swap3A_942, %swap3A_943, %swap3A_944], %swap3A_947 {strides = array<i32>} : memref<128x16x128xf32, #tpu.memory_space<vmem>>, vector<1x16x128xf32>,
    %slice3A_948 = vector.extract_strided_slice %div3A_191 {offsets = [84, 0, 0], sizes = [1, 16, 128], strides = [1, 1, 1]} : vector<128x16x128xf32> to vector<1x16x128xf32>
    %squeeze3A_949 = vector.shape_cast %slice3A_948 : vector<1x16x128xf32> to vector<16x128xf32>
    %add3A_950 = arith.addf %add3A_941, %squeeze3A_949 : vector<16x128xf32>
    %swap3A_951 = arith.constant 84 : index
    %swap3A_952 = arith.constant 0 : index
    %swap3A_953 = arith.constant 0 : index
    %swap3A_954 = vector.load %arg5[%swap3A_951, %swap3A_952, %swap3A_953] : memref<128x16x128xf32, #tpu.memory_space<vmem>>, vector<1x16x128xf32>
    %swap3A_955 = vector.shape_cast %swap3A_954 : vector<1x16x128xf32> to vector<16x128xf32>
    %swap3A_956 = vector.shape_cast %add3A_950 : vector<16x128xf32> to vector<1x16x128xf32>
    tpu.vector_store %arg5[%swap3A_951, %swap3A_952, %swap3A_953], %swap3A_956 {strides = array<i32>} : memref<128x16x128xf32, #tpu.memory_space<vmem>>, vector<1x16x128xf32>,
    %slice3A_957 = vector.extract_strided_slice %div3A_191 {offsets = [85, 0, 0], sizes = [1, 16, 128], strides = [1, 1, 1]} : vector<128x16x128xf32> to vector<1x16x128xf32>
    %squeeze3A_958 = vector.shape_cast %slice3A_957 : vector<1x16x128xf32> to vector<16x128xf32>
    %add3A_959 = arith.addf %add3A_950, %squeeze3A_958 : vector<16x128xf32>
    %swap3A_960 = arith.constant 85 : index
    %swap3A_961 = arith.constant 0 : index
    %swap3A_962 = arith.constant 0 : index
    %swap3A_963 = vector.load %arg5[%swap3A_960, %swap3A_961, %swap3A_962] : memref<128x16x128xf32, #tpu.memory_space<vmem>>, vector<1x16x128xf32>
    %swap3A_964 = vector.shape_cast %swap3A_963 : vector<1x16x128xf32> to vector<16x128xf32>
    %swap3A_965 = vector.shape_cast %add3A_959 : vector<16x128xf32> to vector<1x16x128xf32>
    tpu.vector_store %arg5[%swap3A_960, %swap3A_961, %swap3A_962], %swap3A_965 {strides = array<i32>} : memref<128x16x128xf32, #tpu.memory_space<vmem>>, vector<1x16x128xf32>,
    %slice3A_966 = vector.extract_strided_slice %div3A_191 {offsets = [86, 0, 0], sizes = [1, 16, 128], strides = [1, 1, 1]} : vector<128x16x128xf32> to vector<1x16x128xf32>
    %squeeze3A_967 = vector.shape_cast %slice3A_966 : vector<1x16x128xf32> to vector<16x128xf32>
    %add3A_968 = arith.addf %add3A_959, %squeeze3A_967 : vector<16x128xf32>
    %swap3A_969 = arith.constant 86 : index
    %swap3A_970 = arith.constant 0 : index
    %swap3A_971 = arith.constant 0 : index
    %swap3A_972 = vector.load %arg5[%swap3A_969, %swap3A_970, %swap3A_971] : memref<128x16x128xf32, #tpu.memory_space<vmem>>, vector<1x16x128xf32>
    %swap3A_973 = vector.shape_cast %swap3A_972 : vector<1x16x128xf32> to vector<16x128xf32>
    %swap3A_974 = vector.shape_cast %add3A_968 : vector<16x128xf32> to vector<1x16x128xf32>
    tpu.vector_store %arg5[%swap3A_969, %swap3A_970, %swap3A_971], %swap3A_974 {strides = array<i32>} : memref<128x16x128xf32, #tpu.memory_space<vmem>>, vector<1x16x128xf32>,
    %slice3A_975 = vector.extract_strided_slice %div3A_191 {offsets = [87, 0, 0], sizes = [1, 16, 128], strides = [1, 1, 1]} : vector<128x16x128xf32> to vector<1x16x128xf32>
    %squeeze3A_976 = vector.shape_cast %slice3A_975 : vector<1x16x128xf32> to vector<16x128xf32>
    %add3A_977 = arith.addf %add3A_968, %squeeze3A_976 : vector<16x128xf32>
    %swap3A_978 = arith.constant 87 : index
    %swap3A_979 = arith.constant 0 : index
    %swap3A_980 = arith.constant 0 : index
    %swap3A_981 = vector.load %arg5[%swap3A_978, %swap3A_979, %swap3A_980] : memref<128x16x128xf32, #tpu.memory_space<vmem>>, vector<1x16x128xf32>
    %swap3A_982 = vector.shape_cast %swap3A_981 : vector<1x16x128xf32> to vector<16x128xf32>
    %swap3A_983 = vector.shape_cast %add3A_977 : vector<16x128xf32> to vector<1x16x128xf32>
    tpu.vector_store %arg5[%swap3A_978, %swap3A_979, %swap3A_980], %swap3A_983 {strides = array<i32>} : memref<128x16x128xf32, #tpu.memory_space<vmem>>, vector<1x16x128xf32>,
    %slice3A_984 = vector.extract_strided_slice %div3A_191 {offsets = [88, 0, 0], sizes = [1, 16, 128], strides = [1, 1, 1]} : vector<128x16x128xf32> to vector<1x16x128xf32>
    %squeeze3A_985 = vector.shape_cast %slice3A_984 : vector<1x16x128xf32> to vector<16x128xf32>
    %add3A_986 = arith.addf %add3A_977, %squeeze3A_985 : vector<16x128xf32>
    %swap3A_987 = arith.constant 88 : index
    %swap3A_988 = arith.constant 0 : index
    %swap3A_989 = arith.constant 0 : index
    %swap3A_990 = vector.load %arg5[%swap3A_987, %swap3A_988, %swap3A_989] : memref<128x16x128xf32, #tpu.memory_space<vmem>>, vector<1x16x128xf32>
    %swap3A_991 = vector.shape_cast %swap3A_990 : vector<1x16x128xf32> to vector<16x128xf32>
    %swap3A_992 = vector.shape_cast %add3A_986 : vector<16x128xf32> to vector<1x16x128xf32>
    tpu.vector_store %arg5[%swap3A_987, %swap3A_988, %swap3A_989], %swap3A_992 {strides = array<i32>} : memref<128x16x128xf32, #tpu.memory_space<vmem>>, vector<1x16x128xf32>,
    %slice3A_993 = vector.extract_strided_slice %div3A_191 {offsets = [89, 0, 0], sizes = [1, 16, 128], strides = [1, 1, 1]} : vector<128x16x128xf32> to vector<1x16x128xf32>
    %squeeze3A_994 = vector.shape_cast %slice3A_993 : vector<1x16x128xf32> to vector<16x128xf32>
    %add3A_995 = arith.addf %add3A_986, %squeeze3A_994 : vector<16x128xf32>
    %swap3A_996 = arith.constant 89 : index
    %swap3A_997 = arith.constant 0 : index
    %swap3A_998 = arith.constant 0 : index
    %swap3A_999 = vector.load %arg5[%swap3A_996, %swap3A_997, %swap3A_998] : memref<128x16x128xf32, #tpu.memory_space<vmem>>, vector<1x16x128xf32>
    %swap3A_1000 = vector.shape_cast %swap3A_999 : vector<1x16x128xf32> to vector<16x128xf32>
    %swap3A_1001 = vector.shape_cast %add3A_995 : vector<16x128xf32> to vector<1x16x128xf32>
    tpu.vector_store %arg5[%swap3A_996, %swap3A_997, %swap3A_998], %swap3A_1001 {strides = array<i32>} : memref<128x16x128xf32, #tpu.memory_space<vmem>>, vector<1x16x128xf32>,
    %slice3A_1002 = vector.extract_strided_slice %div3A_191 {offsets = [90, 0, 0], sizes = [1, 16, 128], strides = [1, 1, 1]} : vector<128x16x128xf32> to vector<1x16x128xf32>
    %squeeze3A_1003 = vector.shape_cast %slice3A_1002 : vector<1x16x128xf32> to vector<16x128xf32>
    %add3A_1004 = arith.addf %add3A_995, %squeeze3A_1003 : vector<16x128xf32>
    %swap3A_1005 = arith.constant 90 : index
    %swap3A_1006 = arith.constant 0 : index
    %swap3A_1007 = arith.constant 0 : index
    %swap3A_1008 = vector.load %arg5[%swap3A_1005, %swap3A_1006, %swap3A_1007] : memref<128x16x128xf32, #tpu.memory_space<vmem>>, vector<1x16x128xf32>
    %swap3A_1009 = vector.shape_cast %swap3A_1008 : vector<1x16x128xf32> to vector<16x128xf32>
    %swap3A_1010 = vector.shape_cast %add3A_1004 : vector<16x128xf32> to vector<1x16x128xf32>
    tpu.vector_store %arg5[%swap3A_1005, %swap3A_1006, %swap3A_1007], %swap3A_1010 {strides = array<i32>} : memref<128x16x128xf32, #tpu.memory_space<vmem>>, vector<1x16x128xf32>,
    %slice3A_1011 = vector.extract_strided_slice %div3A_191 {offsets = [91, 0, 0], sizes = [1, 16, 128], strides = [1, 1, 1]} : vector<128x16x128xf32> to vector<1x16x128xf32>
    %squeeze3A_1012 = vector.shape_cast %slice3A_1011 : vector<1x16x128xf32> to vector<16x128xf32>
    %add3A_1013 = arith.addf %add3A_1004, %squeeze3A_1012 : vector<16x128xf32>
    %swap3A_1014 = arith.constant 91 : index
    %swap3A_1015 = arith.constant 0 : index
    %swap3A_1016 = arith.constant 0 : index
    %swap3A_1017 = vector.load %arg5[%swap3A_1014, %swap3A_1015, %swap3A_1016] : memref<128x16x128xf32, #tpu.memory_space<vmem>>, vector<1x16x128xf32>
    %swap3A_1018 = vector.shape_cast %swap3A_1017 : vector<1x16x128xf32> to vector<16x128xf32>
    %swap3A_1019 = vector.shape_cast %add3A_1013 : vector<16x128xf32> to vector<1x16x128xf32>
    tpu.vector_store %arg5[%swap3A_1014, %swap3A_1015, %swap3A_1016], %swap3A_1019 {strides = array<i32>} : memref<128x16x128xf32, #tpu.memory_space<vmem>>, vector<1x16x128xf32>,
    %slice3A_1020 = vector.extract_strided_slice %div3A_191 {offsets = [92, 0, 0], sizes = [1, 16, 128], strides = [1, 1, 1]} : vector<128x16x128xf32> to vector<1x16x128xf32>
    %squeeze3A_1021 = vector.shape_cast %slice3A_1020 : vector<1x16x128xf32> to vector<16x128xf32>
    %add3A_1022 = arith.addf %add3A_1013, %squeeze3A_1021 : vector<16x128xf32>
    %swap3A_1023 = arith.constant 92 : index
    %swap3A_1024 = arith.constant 0 : index
    %swap3A_1025 = arith.constant 0 : index
    %swap3A_1026 = vector.load %arg5[%swap3A_1023, %swap3A_1024, %swap3A_1025] : memref<128x16x128xf32, #tpu.memory_space<vmem>>, vector<1x16x128xf32>
    %swap3A_1027 = vector.shape_cast %swap3A_1026 : vector<1x16x128xf32> to vector<16x128xf32>
    %swap3A_1028 = vector.shape_cast %add3A_1022 : vector<16x128xf32> to vector<1x16x128xf32>
    tpu.vector_store %arg5[%swap3A_1023, %swap3A_1024, %swap3A_1025], %swap3A_1028 {strides = array<i32>} : memref<128x16x128xf32, #tpu.memory_space<vmem>>, vector<1x16x128xf32>,
    %slice3A_1029 = vector.extract_strided_slice %div3A_191 {offsets = [93, 0, 0], sizes = [1, 16, 128], strides = [1, 1, 1]} : vector<128x16x128xf32> to vector<1x16x128xf32>
    %squeeze3A_1030 = vector.shape_cast %slice3A_1029 : vector<1x16x128xf32> to vector<16x128xf32>
    %add3A_1031 = arith.addf %add3A_1022, %squeeze3A_1030 : vector<16x128xf32>
    %swap3A_1032 = arith.constant 93 : index
    %swap3A_1033 = arith.constant 0 : index
    %swap3A_1034 = arith.constant 0 : index
    %swap3A_1035 = vector.load %arg5[%swap3A_1032, %swap3A_1033, %swap3A_1034] : memref<128x16x128xf32, #tpu.memory_space<vmem>>, vector<1x16x128xf32>
    %swap3A_1036 = vector.shape_cast %swap3A_1035 : vector<1x16x128xf32> to vector<16x128xf32>
    %swap3A_1037 = vector.shape_cast %add3A_1031 : vector<16x128xf32> to vector<1x16x128xf32>
    tpu.vector_store %arg5[%swap3A_1032, %swap3A_1033, %swap3A_1034], %swap3A_1037 {strides = array<i32>} : memref<128x16x128xf32, #tpu.memory_space<vmem>>, vector<1x16x128xf32>,
    %slice3A_1038 = vector.extract_strided_slice %div3A_191 {offsets = [94, 0, 0], sizes = [1, 16, 128], strides = [1, 1, 1]} : vector<128x16x128xf32> to vector<1x16x128xf32>
    %squeeze3A_1039 = vector.shape_cast %slice3A_1038 : vector<1x16x128xf32> to vector<16x128xf32>
    %add3A_1040 = arith.addf %add3A_1031, %squeeze3A_1039 : vector<16x128xf32>
    %swap3A_1041 = arith.constant 94 : index
    %swap3A_1042 = arith.constant 0 : index
    %swap3A_1043 = arith.constant 0 : index
    %swap3A_1044 = vector.load %arg5[%swap3A_1041, %swap3A_1042, %swap3A_1043] : memref<128x16x128xf32, #tpu.memory_space<vmem>>, vector<1x16x128xf32>
    %swap3A_1045 = vector.shape_cast %swap3A_1044 : vector<1x16x128xf32> to vector<16x128xf32>
    %swap3A_1046 = vector.shape_cast %add3A_1040 : vector<16x128xf32> to vector<1x16x128xf32>
    tpu.vector_store %arg5[%swap3A_1041, %swap3A_1042, %swap3A_1043], %swap3A_1046 {strides = array<i32>} : memref<128x16x128xf32, #tpu.memory_space<vmem>>, vector<1x16x128xf32>,
    %slice3A_1047 = vector.extract_strided_slice %div3A_191 {offsets = [95, 0, 0], sizes = [1, 16, 128], strides = [1, 1, 1]} : vector<128x16x128xf32> to vector<1x16x128xf32>
    %squeeze3A_1048 = vector.shape_cast %slice3A_1047 : vector<1x16x128xf32> to vector<16x128xf32>
    %add3A_1049 = arith.addf %add3A_1040, %squeeze3A_1048 : vector<16x128xf32>
    %swap3A_1050 = arith.constant 95 : index
    %swap3A_1051 = arith.constant 0 : index
    %swap3A_1052 = arith.constant 0 : index
    %swap3A_1053 = vector.load %arg5[%swap3A_1050, %swap3A_1051, %swap3A_1052] : memref<128x16x128xf32, #tpu.memory_space<vmem>>, vector<1x16x128xf32>
    %swap3A_1054 = vector.shape_cast %swap3A_1053 : vector<1x16x128xf32> to vector<16x128xf32>
    %swap3A_1055 = vector.shape_cast %add3A_1049 : vector<16x128xf32> to vector<1x16x128xf32>
    tpu.vector_store %arg5[%swap3A_1050, %swap3A_1051, %swap3A_1052], %swap3A_1055 {strides = array<i32>} : memref<128x16x128xf32, #tpu.memory_space<vmem>>, vector<1x16x128xf32>,
    %slice3A_1056 = vector.extract_strided_slice %div3A_191 {offsets = [96, 0, 0], sizes = [1, 16, 128], strides = [1, 1, 1]} : vector<128x16x128xf32> to vector<1x16x128xf32>
    %squeeze3A_1057 = vector.shape_cast %slice3A_1056 : vector<1x16x128xf32> to vector<16x128xf32>
    %add3A_1058 = arith.addf %add3A_1049, %squeeze3A_1057 : vector<16x128xf32>
    %swap3A_1059 = arith.constant 96 : index
    %swap3A_1060 = arith.constant 0 : index
    %swap3A_1061 = arith.constant 0 : index
    %swap3A_1062 = vector.load %arg5[%swap3A_1059, %swap3A_1060, %swap3A_1061] : memref<128x16x128xf32, #tpu.memory_space<vmem>>, vector<1x16x128xf32>
    %swap3A_1063 = vector.shape_cast %swap3A_1062 : vector<1x16x128xf32> to vector<16x128xf32>
    %swap3A_1064 = vector.shape_cast %add3A_1058 : vector<16x128xf32> to vector<1x16x128xf32>
    tpu.vector_store %arg5[%swap3A_1059, %swap3A_1060, %swap3A_1061], %swap3A_1064 {strides = array<i32>} : memref<128x16x128xf32, #tpu.memory_space<vmem>>, vector<1x16x128xf32>,
    %slice3A_1065 = vector.extract_strided_slice %div3A_191 {offsets = [97, 0, 0], sizes = [1, 16, 128], strides = [1, 1, 1]} : vector<128x16x128xf32> to vector<1x16x128xf32>
    %squeeze3A_1066 = vector.shape_cast %slice3A_1065 : vector<1x16x128xf32> to vector<16x128xf32>
    %add3A_1067 = arith.addf %add3A_1058, %squeeze3A_1066 : vector<16x128xf32>
    %swap3A_1068 = arith.constant 97 : index
    %swap3A_1069 = arith.constant 0 : index
    %swap3A_1070 = arith.constant 0 : index
    %swap3A_1071 = vector.load %arg5[%swap3A_1068, %swap3A_1069, %swap3A_1070] : memref<128x16x128xf32, #tpu.memory_space<vmem>>, vector<1x16x128xf32>
    %swap3A_1072 = vector.shape_cast %swap3A_1071 : vector<1x16x128xf32> to vector<16x128xf32>
    %swap3A_1073 = vector.shape_cast %add3A_1067 : vector<16x128xf32> to vector<1x16x128xf32>
    tpu.vector_store %arg5[%swap3A_1068, %swap3A_1069, %swap3A_1070], %swap3A_1073 {strides = array<i32>} : memref<128x16x128xf32, #tpu.memory_space<vmem>>, vector<1x16x128xf32>,
    %slice3A_1074 = vector.extract_strided_slice %div3A_191 {offsets = [98, 0, 0], sizes = [1, 16, 128], strides = [1, 1, 1]} : vector<128x16x128xf32> to vector<1x16x128xf32>
    %squeeze3A_1075 = vector.shape_cast %slice3A_1074 : vector<1x16x128xf32> to vector<16x128xf32>
    %add3A_1076 = arith.addf %add3A_1067, %squeeze3A_1075 : vector<16x128xf32>
    %swap3A_1077 = arith.constant 98 : index
    %swap3A_1078 = arith.constant 0 : index
    %swap3A_1079 = arith.constant 0 : index
    %swap3A_1080 = vector.load %arg5[%swap3A_1077, %swap3A_1078, %swap3A_1079] : memref<128x16x128xf32, #tpu.memory_space<vmem>>, vector<1x16x128xf32>
    %swap3A_1081 = vector.shape_cast %swap3A_1080 : vector<1x16x128xf32> to vector<16x128xf32>
    %swap3A_1082 = vector.shape_cast %add3A_1076 : vector<16x128xf32> to vector<1x16x128xf32>
    tpu.vector_store %arg5[%swap3A_1077, %swap3A_1078, %swap3A_1079], %swap3A_1082 {strides = array<i32>} : memref<128x16x128xf32, #tpu.memory_space<vmem>>, vector<1x16x128xf32>,
    %slice3A_1083 = vector.extract_strided_slice %div3A_191 {offsets = [99, 0, 0], sizes = [1, 16, 128], strides = [1, 1, 1]} : vector<128x16x128xf32> to vector<1x16x128xf32>
    %squeeze3A_1084 = vector.shape_cast %slice3A_1083 : vector<1x16x128xf32> to vector<16x128xf32>
    %add3A_1085 = arith.addf %add3A_1076, %squeeze3A_1084 : vector<16x128xf32>
    %swap3A_1086 = arith.constant 99 : index
    %swap3A_1087 = arith.constant 0 : index
    %swap3A_1088 = arith.constant 0 : index
    %swap3A_1089 = vector.load %arg5[%swap3A_1086, %swap3A_1087, %swap3A_1088] : memref<128x16x128xf32, #tpu.memory_space<vmem>>, vector<1x16x128xf32>
    %swap3A_1090 = vector.shape_cast %swap3A_1089 : vector<1x16x128xf32> to vector<16x128xf32>
    %swap3A_1091 = vector.shape_cast %add3A_1085 : vector<16x128xf32> to vector<1x16x128xf32>
    tpu.vector_store %arg5[%swap3A_1086, %swap3A_1087, %swap3A_1088], %swap3A_1091 {strides = array<i32>} : memref<128x16x128xf32, #tpu.memory_space<vmem>>, vector<1x16x128xf32>,
    %slice3A_1092 = vector.extract_strided_slice %div3A_191 {offsets = [100, 0, 0], sizes = [1, 16, 128], strides = [1, 1, 1]} : vector<128x16x128xf32> to vector<1x16x128xf32>
    %squeeze3A_1093 = vector.shape_cast %slice3A_1092 : vector<1x16x128xf32> to vector<16x128xf32>
    %add3A_1094 = arith.addf %add3A_1085, %squeeze3A_1093 : vector<16x128xf32>
    %swap3A_1095 = arith.constant 100 : index
    %swap3A_1096 = arith.constant 0 : index
    %swap3A_1097 = arith.constant 0 : index
    %swap3A_1098 = vector.load %arg5[%swap3A_1095, %swap3A_1096, %swap3A_1097] : memref<128x16x128xf32, #tpu.memory_space<vmem>>, vector<1x16x128xf32>
    %swap3A_1099 = vector.shape_cast %swap3A_1098 : vector<1x16x128xf32> to vector<16x128xf32>
    %swap3A_1100 = vector.shape_cast %add3A_1094 : vector<16x128xf32> to vector<1x16x128xf32>
    tpu.vector_store %arg5[%swap3A_1095, %swap3A_1096, %swap3A_1097], %swap3A_1100 {strides = array<i32>} : memref<128x16x128xf32, #tpu.memory_space<vmem>>, vector<1x16x128xf32>,
    %slice3A_1101 = vector.extract_strided_slice %div3A_191 {offsets = [101, 0, 0], sizes = [1, 16, 128], strides = [1, 1, 1]} : vector<128x16x128xf32> to vector<1x16x128xf32>
    %squeeze3A_1102 = vector.shape_cast %slice3A_1101 : vector<1x16x128xf32> to vector<16x128xf32>
    %add3A_1103 = arith.addf %add3A_1094, %squeeze3A_1102 : vector<16x128xf32>
    %swap3A_1104 = arith.constant 101 : index
    %swap3A_1105 = arith.constant 0 : index
    %swap3A_1106 = arith.constant 0 : index
    %swap3A_1107 = vector.load %arg5[%swap3A_1104, %swap3A_1105, %swap3A_1106] : memref<128x16x128xf32, #tpu.memory_space<vmem>>, vector<1x16x128xf32>
    %swap3A_1108 = vector.shape_cast %swap3A_1107 : vector<1x16x128xf32> to vector<16x128xf32>
    %swap3A_1109 = vector.shape_cast %add3A_1103 : vector<16x128xf32> to vector<1x16x128xf32>
    tpu.vector_store %arg5[%swap3A_1104, %swap3A_1105, %swap3A_1106], %swap3A_1109 {strides = array<i32>} : memref<128x16x128xf32, #tpu.memory_space<vmem>>, vector<1x16x128xf32>,
    %slice3A_1110 = vector.extract_strided_slice %div3A_191 {offsets = [102, 0, 0], sizes = [1, 16, 128], strides = [1, 1, 1]} : vector<128x16x128xf32> to vector<1x16x128xf32>
    %squeeze3A_1111 = vector.shape_cast %slice3A_1110 : vector<1x16x128xf32> to vector<16x128xf32>
    %add3A_1112 = arith.addf %add3A_1103, %squeeze3A_1111 : vector<16x128xf32>
    %swap3A_1113 = arith.constant 102 : index
    %swap3A_1114 = arith.constant 0 : index
    %swap3A_1115 = arith.constant 0 : index
    %swap3A_1116 = vector.load %arg5[%swap3A_1113, %swap3A_1114, %swap3A_1115] : memref<128x16x128xf32, #tpu.memory_space<vmem>>, vector<1x16x128xf32>
    %swap3A_1117 = vector.shape_cast %swap3A_1116 : vector<1x16x128xf32> to vector<16x128xf32>
    %swap3A_1118 = vector.shape_cast %add3A_1112 : vector<16x128xf32> to vector<1x16x128xf32>
    tpu.vector_store %arg5[%swap3A_1113, %swap3A_1114, %swap3A_1115], %swap3A_1118 {strides = array<i32>} : memref<128x16x128xf32, #tpu.memory_space<vmem>>, vector<1x16x128xf32>,
    %slice3A_1119 = vector.extract_strided_slice %div3A_191 {offsets = [103, 0, 0], sizes = [1, 16, 128], strides = [1, 1, 1]} : vector<128x16x128xf32> to vector<1x16x128xf32>
    %squeeze3A_1120 = vector.shape_cast %slice3A_1119 : vector<1x16x128xf32> to vector<16x128xf32>
    %add3A_1121 = arith.addf %add3A_1112, %squeeze3A_1120 : vector<16x128xf32>
    %swap3A_1122 = arith.constant 103 : index
    %swap3A_1123 = arith.constant 0 : index
    %swap3A_1124 = arith.constant 0 : index
    %swap3A_1125 = vector.load %arg5[%swap3A_1122, %swap3A_1123, %swap3A_1124] : memref<128x16x128xf32, #tpu.memory_space<vmem>>, vector<1x16x128xf32>
    %swap3A_1126 = vector.shape_cast %swap3A_1125 : vector<1x16x128xf32> to vector<16x128xf32>
    %swap3A_1127 = vector.shape_cast %add3A_1121 : vector<16x128xf32> to vector<1x16x128xf32>
    tpu.vector_store %arg5[%swap3A_1122, %swap3A_1123, %swap3A_1124], %swap3A_1127 {strides = array<i32>} : memref<128x16x128xf32, #tpu.memory_space<vmem>>, vector<1x16x128xf32>,
    %slice3A_1128 = vector.extract_strided_slice %div3A_191 {offsets = [104, 0, 0], sizes = [1, 16, 128], strides = [1, 1, 1]} : vector<128x16x128xf32> to vector<1x16x128xf32>
    %squeeze3A_1129 = vector.shape_cast %slice3A_1128 : vector<1x16x128xf32> to vector<16x128xf32>
    %add3A_1130 = arith.addf %add3A_1121, %squeeze3A_1129 : vector<16x128xf32>
    %swap3A_1131 = arith.constant 104 : index
    %swap3A_1132 = arith.constant 0 : index
    %swap3A_1133 = arith.constant 0 : index
    %swap3A_1134 = vector.load %arg5[%swap3A_1131, %swap3A_1132, %swap3A_1133] : memref<128x16x128xf32, #tpu.memory_space<vmem>>, vector<1x16x128xf32>
    %swap3A_1135 = vector.shape_cast %swap3A_1134 : vector<1x16x128xf32> to vector<16x128xf32>
    %swap3A_1136 = vector.shape_cast %add3A_1130 : vector<16x128xf32> to vector<1x16x128xf32>
    tpu.vector_store %arg5[%swap3A_1131, %swap3A_1132, %swap3A_1133], %swap3A_1136 {strides = array<i32>} : memref<128x16x128xf32, #tpu.memory_space<vmem>>, vector<1x16x128xf32>,
    %slice3A_1137 = vector.extract_strided_slice %div3A_191 {offsets = [105, 0, 0], sizes = [1, 16, 128], strides = [1, 1, 1]} : vector<128x16x128xf32> to vector<1x16x128xf32>
    %squeeze3A_1138 = vector.shape_cast %slice3A_1137 : vector<1x16x128xf32> to vector<16x128xf32>
    %add3A_1139 = arith.addf %add3A_1130, %squeeze3A_1138 : vector<16x128xf32>
    %swap3A_1140 = arith.constant 105 : index
    %swap3A_1141 = arith.constant 0 : index
    %swap3A_1142 = arith.constant 0 : index
    %swap3A_1143 = vector.load %arg5[%swap3A_1140, %swap3A_1141, %swap3A_1142] : memref<128x16x128xf32, #tpu.memory_space<vmem>>, vector<1x16x128xf32>
    %swap3A_1144 = vector.shape_cast %swap3A_1143 : vector<1x16x128xf32> to vector<16x128xf32>
    %swap3A_1145 = vector.shape_cast %add3A_1139 : vector<16x128xf32> to vector<1x16x128xf32>
    tpu.vector_store %arg5[%swap3A_1140, %swap3A_1141, %swap3A_1142], %swap3A_1145 {strides = array<i32>} : memref<128x16x128xf32, #tpu.memory_space<vmem>>, vector<1x16x128xf32>,
    %slice3A_1146 = vector.extract_strided_slice %div3A_191 {offsets = [106, 0, 0], sizes = [1, 16, 128], strides = [1, 1, 1]} : vector<128x16x128xf32> to vector<1x16x128xf32>
    %squeeze3A_1147 = vector.shape_cast %slice3A_1146 : vector<1x16x128xf32> to vector<16x128xf32>
    %add3A_1148 = arith.addf %add3A_1139, %squeeze3A_1147 : vector<16x128xf32>
    %swap3A_1149 = arith.constant 106 : index
    %swap3A_1150 = arith.constant 0 : index
    %swap3A_1151 = arith.constant 0 : index
    %swap3A_1152 = vector.load %arg5[%swap3A_1149, %swap3A_1150, %swap3A_1151] : memref<128x16x128xf32, #tpu.memory_space<vmem>>, vector<1x16x128xf32>
    %swap3A_1153 = vector.shape_cast %swap3A_1152 : vector<1x16x128xf32> to vector<16x128xf32>
    %swap3A_1154 = vector.shape_cast %add3A_1148 : vector<16x128xf32> to vector<1x16x128xf32>
    tpu.vector_store %arg5[%swap3A_1149, %swap3A_1150, %swap3A_1151], %swap3A_1154 {strides = array<i32>} : memref<128x16x128xf32, #tpu.memory_space<vmem>>, vector<1x16x128xf32>,
    %slice3A_1155 = vector.extract_strided_slice %div3A_191 {offsets = [107, 0, 0], sizes = [1, 16, 128], strides = [1, 1, 1]} : vector<128x16x128xf32> to vector<1x16x128xf32>
    %squeeze3A_1156 = vector.shape_cast %slice3A_1155 : vector<1x16x128xf32> to vector<16x128xf32>
    %add3A_1157 = arith.addf %add3A_1148, %squeeze3A_1156 : vector<16x128xf32>
    %swap3A_1158 = arith.constant 107 : index
    %swap3A_1159 = arith.constant 0 : index
    %swap3A_1160 = arith.constant 0 : index
    %swap3A_1161 = vector.load %arg5[%swap3A_1158, %swap3A_1159, %swap3A_1160] : memref<128x16x128xf32, #tpu.memory_space<vmem>>, vector<1x16x128xf32>
    %swap3A_1162 = vector.shape_cast %swap3A_1161 : vector<1x16x128xf32> to vector<16x128xf32>
    %swap3A_1163 = vector.shape_cast %add3A_1157 : vector<16x128xf32> to vector<1x16x128xf32>
    tpu.vector_store %arg5[%swap3A_1158, %swap3A_1159, %swap3A_1160], %swap3A_1163 {strides = array<i32>} : memref<128x16x128xf32, #tpu.memory_space<vmem>>, vector<1x16x128xf32>,
    %slice3A_1164 = vector.extract_strided_slice %div3A_191 {offsets = [108, 0, 0], sizes = [1, 16, 128], strides = [1, 1, 1]} : vector<128x16x128xf32> to vector<1x16x128xf32>
    %squeeze3A_1165 = vector.shape_cast %slice3A_1164 : vector<1x16x128xf32> to vector<16x128xf32>
    %add3A_1166 = arith.addf %add3A_1157, %squeeze3A_1165 : vector<16x128xf32>
    %swap3A_1167 = arith.constant 108 : index
    %swap3A_1168 = arith.constant 0 : index
    %swap3A_1169 = arith.constant 0 : index
    %swap3A_1170 = vector.load %arg5[%swap3A_1167, %swap3A_1168, %swap3A_1169] : memref<128x16x128xf32, #tpu.memory_space<vmem>>, vector<1x16x128xf32>
    %swap3A_1171 = vector.shape_cast %swap3A_1170 : vector<1x16x128xf32> to vector<16x128xf32>
    %swap3A_1172 = vector.shape_cast %add3A_1166 : vector<16x128xf32> to vector<1x16x128xf32>
    tpu.vector_store %arg5[%swap3A_1167, %swap3A_1168, %swap3A_1169], %swap3A_1172 {strides = array<i32>} : memref<128x16x128xf32, #tpu.memory_space<vmem>>, vector<1x16x128xf32>,
    %slice3A_1173 = vector.extract_strided_slice %div3A_191 {offsets = [109, 0, 0], sizes = [1, 16, 128], strides = [1, 1, 1]} : vector<128x16x128xf32> to vector<1x16x128xf32>
    %squeeze3A_1174 = vector.shape_cast %slice3A_1173 : vector<1x16x128xf32> to vector<16x128xf32>
    %add3A_1175 = arith.addf %add3A_1166, %squeeze3A_1174 : vector<16x128xf32>
    %swap3A_1176 = arith.constant 109 : index
    %swap3A_1177 = arith.constant 0 : index
    %swap3A_1178 = arith.constant 0 : index
    %swap3A_1179 = vector.load %arg5[%swap3A_1176, %swap3A_1177, %swap3A_1178] : memref<128x16x128xf32, #tpu.memory_space<vmem>>, vector<1x16x128xf32>
    %swap3A_1180 = vector.shape_cast %swap3A_1179 : vector<1x16x128xf32> to vector<16x128xf32>
    %swap3A_1181 = vector.shape_cast %add3A_1175 : vector<16x128xf32> to vector<1x16x128xf32>
    tpu.vector_store %arg5[%swap3A_1176, %swap3A_1177, %swap3A_1178], %swap3A_1181 {strides = array<i32>} : memref<128x16x128xf32, #tpu.memory_space<vmem>>, vector<1x16x128xf32>,
    %slice3A_1182 = vector.extract_strided_slice %div3A_191 {offsets = [110, 0, 0], sizes = [1, 16, 128], strides = [1, 1, 1]} : vector<128x16x128xf32> to vector<1x16x128xf32>
    %squeeze3A_1183 = vector.shape_cast %slice3A_1182 : vector<1x16x128xf32> to vector<16x128xf32>
    %add3A_1184 = arith.addf %add3A_1175, %squeeze3A_1183 : vector<16x128xf32>
    %swap3A_1185 = arith.constant 110 : index
    %swap3A_1186 = arith.constant 0 : index
    %swap3A_1187 = arith.constant 0 : index
    %swap3A_1188 = vector.load %arg5[%swap3A_1185, %swap3A_1186, %swap3A_1187] : memref<128x16x128xf32, #tpu.memory_space<vmem>>, vector<1x16x128xf32>
    %swap3A_1189 = vector.shape_cast %swap3A_1188 : vector<1x16x128xf32> to vector<16x128xf32>
    %swap3A_1190 = vector.shape_cast %add3A_1184 : vector<16x128xf32> to vector<1x16x128xf32>
    tpu.vector_store %arg5[%swap3A_1185, %swap3A_1186, %swap3A_1187], %swap3A_1190 {strides = array<i32>} : memref<128x16x128xf32, #tpu.memory_space<vmem>>, vector<1x16x128xf32>,
    %slice3A_1191 = vector.extract_strided_slice %div3A_191 {offsets = [111, 0, 0], sizes = [1, 16, 128], strides = [1, 1, 1]} : vector<128x16x128xf32> to vector<1x16x128xf32>
    %squeeze3A_1192 = vector.shape_cast %slice3A_1191 : vector<1x16x128xf32> to vector<16x128xf32>
    %add3A_1193 = arith.addf %add3A_1184, %squeeze3A_1192 : vector<16x128xf32>
    %swap3A_1194 = arith.constant 111 : index
    %swap3A_1195 = arith.constant 0 : index
    %swap3A_1196 = arith.constant 0 : index
    %swap3A_1197 = vector.load %arg5[%swap3A_1194, %swap3A_1195, %swap3A_1196] : memref<128x16x128xf32, #tpu.memory_space<vmem>>, vector<1x16x128xf32>
    %swap3A_1198 = vector.shape_cast %swap3A_1197 : vector<1x16x128xf32> to vector<16x128xf32>
    %swap3A_1199 = vector.shape_cast %add3A_1193 : vector<16x128xf32> to vector<1x16x128xf32>
    tpu.vector_store %arg5[%swap3A_1194, %swap3A_1195, %swap3A_1196], %swap3A_1199 {strides = array<i32>} : memref<128x16x128xf32, #tpu.memory_space<vmem>>, vector<1x16x128xf32>,
    %slice3A_1200 = vector.extract_strided_slice %div3A_191 {offsets = [112, 0, 0], sizes = [1, 16, 128], strides = [1, 1, 1]} : vector<128x16x128xf32> to vector<1x16x128xf32>
    %squeeze3A_1201 = vector.shape_cast %slice3A_1200 : vector<1x16x128xf32> to vector<16x128xf32>
    %add3A_1202 = arith.addf %add3A_1193, %squeeze3A_1201 : vector<16x128xf32>
    %swap3A_1203 = arith.constant 112 : index
    %swap3A_1204 = arith.constant 0 : index
    %swap3A_1205 = arith.constant 0 : index
    %swap3A_1206 = vector.load %arg5[%swap3A_1203, %swap3A_1204, %swap3A_1205] : memref<128x16x128xf32, #tpu.memory_space<vmem>>, vector<1x16x128xf32>
    %swap3A_1207 = vector.shape_cast %swap3A_1206 : vector<1x16x128xf32> to vector<16x128xf32>
    %swap3A_1208 = vector.shape_cast %add3A_1202 : vector<16x128xf32> to vector<1x16x128xf32>
    tpu.vector_store %arg5[%swap3A_1203, %swap3A_1204, %swap3A_1205], %swap3A_1208 {strides = array<i32>} : memref<128x16x128xf32, #tpu.memory_space<vmem>>, vector<1x16x128xf32>,
    %slice3A_1209 = vector.extract_strided_slice %div3A_191 {offsets = [113, 0, 0], sizes = [1, 16, 128], strides = [1, 1, 1]} : vector<128x16x128xf32> to vector<1x16x128xf32>
    %squeeze3A_1210 = vector.shape_cast %slice3A_1209 : vector<1x16x128xf32> to vector<16x128xf32>
    %add3A_1211 = arith.addf %add3A_1202, %squeeze3A_1210 : vector<16x128xf32>
    %swap3A_1212 = arith.constant 113 : index
    %swap3A_1213 = arith.constant 0 : index
    %swap3A_1214 = arith.constant 0 : index
    %swap3A_1215 = vector.load %arg5[%swap3A_1212, %swap3A_1213, %swap3A_1214] : memref<128x16x128xf32, #tpu.memory_space<vmem>>, vector<1x16x128xf32>
    %swap3A_1216 = vector.shape_cast %swap3A_1215 : vector<1x16x128xf32> to vector<16x128xf32>
    %swap3A_1217 = vector.shape_cast %add3A_1211 : vector<16x128xf32> to vector<1x16x128xf32>
    tpu.vector_store %arg5[%swap3A_1212, %swap3A_1213, %swap3A_1214], %swap3A_1217 {strides = array<i32>} : memref<128x16x128xf32, #tpu.memory_space<vmem>>, vector<1x16x128xf32>,
    %slice3A_1218 = vector.extract_strided_slice %div3A_191 {offsets = [114, 0, 0], sizes = [1, 16, 128], strides = [1, 1, 1]} : vector<128x16x128xf32> to vector<1x16x128xf32>
    %squeeze3A_1219 = vector.shape_cast %slice3A_1218 : vector<1x16x128xf32> to vector<16x128xf32>
    %add3A_1220 = arith.addf %add3A_1211, %squeeze3A_1219 : vector<16x128xf32>
    %swap3A_1221 = arith.constant 114 : index
    %swap3A_1222 = arith.constant 0 : index
    %swap3A_1223 = arith.constant 0 : index
    %swap3A_1224 = vector.load %arg5[%swap3A_1221, %swap3A_1222, %swap3A_1223] : memref<128x16x128xf32, #tpu.memory_space<vmem>>, vector<1x16x128xf32>
    %swap3A_1225 = vector.shape_cast %swap3A_1224 : vector<1x16x128xf32> to vector<16x128xf32>
    %swap3A_1226 = vector.shape_cast %add3A_1220 : vector<16x128xf32> to vector<1x16x128xf32>
    tpu.vector_store %arg5[%swap3A_1221, %swap3A_1222, %swap3A_1223], %swap3A_1226 {strides = array<i32>} : memref<128x16x128xf32, #tpu.memory_space<vmem>>, vector<1x16x128xf32>,
    %slice3A_1227 = vector.extract_strided_slice %div3A_191 {offsets = [115, 0, 0], sizes = [1, 16, 128], strides = [1, 1, 1]} : vector<128x16x128xf32> to vector<1x16x128xf32>
    %squeeze3A_1228 = vector.shape_cast %slice3A_1227 : vector<1x16x128xf32> to vector<16x128xf32>
    %add3A_1229 = arith.addf %add3A_1220, %squeeze3A_1228 : vector<16x128xf32>
    %swap3A_1230 = arith.constant 115 : index
    %swap3A_1231 = arith.constant 0 : index
    %swap3A_1232 = arith.constant 0 : index
    %swap3A_1233 = vector.load %arg5[%swap3A_1230, %swap3A_1231, %swap3A_1232] : memref<128x16x128xf32, #tpu.memory_space<vmem>>, vector<1x16x128xf32>
    %swap3A_1234 = vector.shape_cast %swap3A_1233 : vector<1x16x128xf32> to vector<16x128xf32>
    %swap3A_1235 = vector.shape_cast %add3A_1229 : vector<16x128xf32> to vector<1x16x128xf32>
    tpu.vector_store %arg5[%swap3A_1230, %swap3A_1231, %swap3A_1232], %swap3A_1235 {strides = array<i32>} : memref<128x16x128xf32, #tpu.memory_space<vmem>>, vector<1x16x128xf32>,
    %slice3A_1236 = vector.extract_strided_slice %div3A_191 {offsets = [116, 0, 0], sizes = [1, 16, 128], strides = [1, 1, 1]} : vector<128x16x128xf32> to vector<1x16x128xf32>
    %squeeze3A_1237 = vector.shape_cast %slice3A_1236 : vector<1x16x128xf32> to vector<16x128xf32>
    %add3A_1238 = arith.addf %add3A_1229, %squeeze3A_1237 : vector<16x128xf32>
    %swap3A_1239 = arith.constant 116 : index
    %swap3A_1240 = arith.constant 0 : index
    %swap3A_1241 = arith.constant 0 : index
    %swap3A_1242 = vector.load %arg5[%swap3A_1239, %swap3A_1240, %swap3A_1241] : memref<128x16x128xf32, #tpu.memory_space<vmem>>, vector<1x16x128xf32>
    %swap3A_1243 = vector.shape_cast %swap3A_1242 : vector<1x16x128xf32> to vector<16x128xf32>
    %swap3A_1244 = vector.shape_cast %add3A_1238 : vector<16x128xf32> to vector<1x16x128xf32>
    tpu.vector_store %arg5[%swap3A_1239, %swap3A_1240, %swap3A_1241], %swap3A_1244 {strides = array<i32>} : memref<128x16x128xf32, #tpu.memory_space<vmem>>, vector<1x16x128xf32>,
    %slice3A_1245 = vector.extract_strided_slice %div3A_191 {offsets = [117, 0, 0], sizes = [1, 16, 128], strides = [1, 1, 1]} : vector<128x16x128xf32> to vector<1x16x128xf32>
    %squeeze3A_1246 = vector.shape_cast %slice3A_1245 : vector<1x16x128xf32> to vector<16x128xf32>
    %add3A_1247 = arith.addf %add3A_1238, %squeeze3A_1246 : vector<16x128xf32>
    %swap3A_1248 = arith.constant 117 : index
    %swap3A_1249 = arith.constant 0 : index
    %swap3A_1250 = arith.constant 0 : index
    %swap3A_1251 = vector.load %arg5[%swap3A_1248, %swap3A_1249, %swap3A_1250] : memref<128x16x128xf32, #tpu.memory_space<vmem>>, vector<1x16x128xf32>
    %swap3A_1252 = vector.shape_cast %swap3A_1251 : vector<1x16x128xf32> to vector<16x128xf32>
    %swap3A_1253 = vector.shape_cast %add3A_1247 : vector<16x128xf32> to vector<1x16x128xf32>
    tpu.vector_store %arg5[%swap3A_1248, %swap3A_1249, %swap3A_1250], %swap3A_1253 {strides = array<i32>} : memref<128x16x128xf32, #tpu.memory_space<vmem>>, vector<1x16x128xf32>,
    %slice3A_1254 = vector.extract_strided_slice %div3A_191 {offsets = [118, 0, 0], sizes = [1, 16, 128], strides = [1, 1, 1]} : vector<128x16x128xf32> to vector<1x16x128xf32>
    %squeeze3A_1255 = vector.shape_cast %slice3A_1254 : vector<1x16x128xf32> to vector<16x128xf32>
    %add3A_1256 = arith.addf %add3A_1247, %squeeze3A_1255 : vector<16x128xf32>
    %swap3A_1257 = arith.constant 118 : index
    %swap3A_1258 = arith.constant 0 : index
    %swap3A_1259 = arith.constant 0 : index
    %swap3A_1260 = vector.load %arg5[%swap3A_1257, %swap3A_1258, %swap3A_1259] : memref<128x16x128xf32, #tpu.memory_space<vmem>>, vector<1x16x128xf32>
    %swap3A_1261 = vector.shape_cast %swap3A_1260 : vector<1x16x128xf32> to vector<16x128xf32>
    %swap3A_1262 = vector.shape_cast %add3A_1256 : vector<16x128xf32> to vector<1x16x128xf32>
    tpu.vector_store %arg5[%swap3A_1257, %swap3A_1258, %swap3A_1259], %swap3A_1262 {strides = array<i32>} : memref<128x16x128xf32, #tpu.memory_space<vmem>>, vector<1x16x128xf32>,
    %slice3A_1263 = vector.extract_strided_slice %div3A_191 {offsets = [119, 0, 0], sizes = [1, 16, 128], strides = [1, 1, 1]} : vector<128x16x128xf32> to vector<1x16x128xf32>
    %squeeze3A_1264 = vector.shape_cast %slice3A_1263 : vector<1x16x128xf32> to vector<16x128xf32>
    %add3A_1265 = arith.addf %add3A_1256, %squeeze3A_1264 : vector<16x128xf32>
    %swap3A_1266 = arith.constant 119 : index
    %swap3A_1267 = arith.constant 0 : index
    %swap3A_1268 = arith.constant 0 : index
    %swap3A_1269 = vector.load %arg5[%swap3A_1266, %swap3A_1267, %swap3A_1268] : memref<128x16x128xf32, #tpu.memory_space<vmem>>, vector<1x16x128xf32>
    %swap3A_1270 = vector.shape_cast %swap3A_1269 : vector<1x16x128xf32> to vector<16x128xf32>
    %swap3A_1271 = vector.shape_cast %add3A_1265 : vector<16x128xf32> to vector<1x16x128xf32>
    tpu.vector_store %arg5[%swap3A_1266, %swap3A_1267, %swap3A_1268], %swap3A_1271 {strides = array<i32>} : memref<128x16x128xf32, #tpu.memory_space<vmem>>, vector<1x16x128xf32>,
    %slice3A_1272 = vector.extract_strided_slice %div3A_191 {offsets = [120, 0, 0], sizes = [1, 16, 128], strides = [1, 1, 1]} : vector<128x16x128xf32> to vector<1x16x128xf32>
    %squeeze3A_1273 = vector.shape_cast %slice3A_1272 : vector<1x16x128xf32> to vector<16x128xf32>
    %add3A_1274 = arith.addf %add3A_1265, %squeeze3A_1273 : vector<16x128xf32>
    %swap3A_1275 = arith.constant 120 : index
    %swap3A_1276 = arith.constant 0 : index
    %swap3A_1277 = arith.constant 0 : index
    %swap3A_1278 = vector.load %arg5[%swap3A_1275, %swap3A_1276, %swap3A_1277] : memref<128x16x128xf32, #tpu.memory_space<vmem>>, vector<1x16x128xf32>
    %swap3A_1279 = vector.shape_cast %swap3A_1278 : vector<1x16x128xf32> to vector<16x128xf32>
    %swap3A_1280 = vector.shape_cast %add3A_1274 : vector<16x128xf32> to vector<1x16x128xf32>
    tpu.vector_store %arg5[%swap3A_1275, %swap3A_1276, %swap3A_1277], %swap3A_1280 {strides = array<i32>} : memref<128x16x128xf32, #tpu.memory_space<vmem>>, vector<1x16x128xf32>,
    %slice3A_1281 = vector.extract_strided_slice %div3A_191 {offsets = [121, 0, 0], sizes = [1, 16, 128], strides = [1, 1, 1]} : vector<128x16x128xf32> to vector<1x16x128xf32>
    %squeeze3A_1282 = vector.shape_cast %slice3A_1281 : vector<1x16x128xf32> to vector<16x128xf32>
    %add3A_1283 = arith.addf %add3A_1274, %squeeze3A_1282 : vector<16x128xf32>
    %swap3A_1284 = arith.constant 121 : index
    %swap3A_1285 = arith.constant 0 : index
    %swap3A_1286 = arith.constant 0 : index
    %swap3A_1287 = vector.load %arg5[%swap3A_1284, %swap3A_1285, %swap3A_1286] : memref<128x16x128xf32, #tpu.memory_space<vmem>>, vector<1x16x128xf32>
    %swap3A_1288 = vector.shape_cast %swap3A_1287 : vector<1x16x128xf32> to vector<16x128xf32>
    %swap3A_1289 = vector.shape_cast %add3A_1283 : vector<16x128xf32> to vector<1x16x128xf32>
    tpu.vector_store %arg5[%swap3A_1284, %swap3A_1285, %swap3A_1286], %swap3A_1289 {strides = array<i32>} : memref<128x16x128xf32, #tpu.memory_space<vmem>>, vector<1x16x128xf32>,
    %slice3A_1290 = vector.extract_strided_slice %div3A_191 {offsets = [122, 0, 0], sizes = [1, 16, 128], strides = [1, 1, 1]} : vector<128x16x128xf32> to vector<1x16x128xf32>
    %squeeze3A_1291 = vector.shape_cast %slice3A_1290 : vector<1x16x128xf32> to vector<16x128xf32>
    %add3A_1292 = arith.addf %add3A_1283, %squeeze3A_1291 : vector<16x128xf32>
    %swap3A_1293 = arith.constant 122 : index
    %swap3A_1294 = arith.constant 0 : index
    %swap3A_1295 = arith.constant 0 : index
    %swap3A_1296 = vector.load %arg5[%swap3A_1293, %swap3A_1294, %swap3A_1295] : memref<128x16x128xf32, #tpu.memory_space<vmem>>, vector<1x16x128xf32>
    %swap3A_1297 = vector.shape_cast %swap3A_1296 : vector<1x16x128xf32> to vector<16x128xf32>
    %swap3A_1298 = vector.shape_cast %add3A_1292 : vector<16x128xf32> to vector<1x16x128xf32>
    tpu.vector_store %arg5[%swap3A_1293, %swap3A_1294, %swap3A_1295], %swap3A_1298 {strides = array<i32>} : memref<128x16x128xf32, #tpu.memory_space<vmem>>, vector<1x16x128xf32>,
    %slice3A_1299 = vector.extract_strided_slice %div3A_191 {offsets = [123, 0, 0], sizes = [1, 16, 128], strides = [1, 1, 1]} : vector<128x16x128xf32> to vector<1x16x128xf32>
    %squeeze3A_1300 = vector.shape_cast %slice3A_1299 : vector<1x16x128xf32> to vector<16x128xf32>
    %add3A_1301 = arith.addf %add3A_1292, %squeeze3A_1300 : vector<16x128xf32>
    %swap3A_1302 = arith.constant 123 : index
    %swap3A_1303 = arith.constant 0 : index
    %swap3A_1304 = arith.constant 0 : index
    %swap3A_1305 = vector.load %arg5[%swap3A_1302, %swap3A_1303, %swap3A_1304] : memref<128x16x128xf32, #tpu.memory_space<vmem>>, vector<1x16x128xf32>
    %swap3A_1306 = vector.shape_cast %swap3A_1305 : vector<1x16x128xf32> to vector<16x128xf32>
    %swap3A_1307 = vector.shape_cast %add3A_1301 : vector<16x128xf32> to vector<1x16x128xf32>
    tpu.vector_store %arg5[%swap3A_1302, %swap3A_1303, %swap3A_1304], %swap3A_1307 {strides = array<i32>} : memref<128x16x128xf32, #tpu.memory_space<vmem>>, vector<1x16x128xf32>,
    %slice3A_1308 = vector.extract_strided_slice %div3A_191 {offsets = [124, 0, 0], sizes = [1, 16, 128], strides = [1, 1, 1]} : vector<128x16x128xf32> to vector<1x16x128xf32>
    %squeeze3A_1309 = vector.shape_cast %slice3A_1308 : vector<1x16x128xf32> to vector<16x128xf32>
    %add3A_1310 = arith.addf %add3A_1301, %squeeze3A_1309 : vector<16x128xf32>
    %swap3A_1311 = arith.constant 124 : index
    %swap3A_1312 = arith.constant 0 : index
    %swap3A_1313 = arith.constant 0 : index
    %swap3A_1314 = vector.load %arg5[%swap3A_1311, %swap3A_1312, %swap3A_1313] : memref<128x16x128xf32, #tpu.memory_space<vmem>>, vector<1x16x128xf32>
    %swap3A_1315 = vector.shape_cast %swap3A_1314 : vector<1x16x128xf32> to vector<16x128xf32>
    %swap3A_1316 = vector.shape_cast %add3A_1310 : vector<16x128xf32> to vector<1x16x128xf32>
    tpu.vector_store %arg5[%swap3A_1311, %swap3A_1312, %swap3A_1313], %swap3A_1316 {strides = array<i32>} : memref<128x16x128xf32, #tpu.memory_space<vmem>>, vector<1x16x128xf32>,
    %slice3A_1317 = vector.extract_strided_slice %div3A_191 {offsets = [125, 0, 0], sizes = [1, 16, 128], strides = [1, 1, 1]} : vector<128x16x128xf32> to vector<1x16x128xf32>
    %squeeze3A_1318 = vector.shape_cast %slice3A_1317 : vector<1x16x128xf32> to vector<16x128xf32>
    %add3A_1319 = arith.addf %add3A_1310, %squeeze3A_1318 : vector<16x128xf32>
    %swap3A_1320 = arith.constant 125 : index
    %swap3A_1321 = arith.constant 0 : index
    %swap3A_1322 = arith.constant 0 : index
    %swap3A_1323 = vector.load %arg5[%swap3A_1320, %swap3A_1321, %swap3A_1322] : memref<128x16x128xf32, #tpu.memory_space<vmem>>, vector<1x16x128xf32>
    %swap3A_1324 = vector.shape_cast %swap3A_1323 : vector<1x16x128xf32> to vector<16x128xf32>
    %swap3A_1325 = vector.shape_cast %add3A_1319 : vector<16x128xf32> to vector<1x16x128xf32>
    tpu.vector_store %arg5[%swap3A_1320, %swap3A_1321, %swap3A_1322], %swap3A_1325 {strides = array<i32>} : memref<128x16x128xf32, #tpu.memory_space<vmem>>, vector<1x16x128xf32>,
    %slice3A_1326 = vector.extract_strided_slice %div3A_191 {offsets = [126, 0, 0], sizes = [1, 16, 128], strides = [1, 1, 1]} : vector<128x16x128xf32> to vector<1x16x128xf32>
    %squeeze3A_1327 = vector.shape_cast %slice3A_1326 : vector<1x16x128xf32> to vector<16x128xf32>
    %add3A_1328 = arith.addf %add3A_1319, %squeeze3A_1327 : vector<16x128xf32>
    %swap3A_1329 = arith.constant 126 : index
    %swap3A_1330 = arith.constant 0 : index
    %swap3A_1331 = arith.constant 0 : index
    %swap3A_1332 = vector.load %arg5[%swap3A_1329, %swap3A_1330, %swap3A_1331] : memref<128x16x128xf32, #tpu.memory_space<vmem>>, vector<1x16x128xf32>
    %swap3A_1333 = vector.shape_cast %swap3A_1332 : vector<1x16x128xf32> to vector<16x128xf32>
    %swap3A_1334 = vector.shape_cast %add3A_1328 : vector<16x128xf32> to vector<1x16x128xf32>
    tpu.vector_store %arg5[%swap3A_1329, %swap3A_1330, %swap3A_1331], %swap3A_1334 {strides = array<i32>} : memref<128x16x128xf32, #tpu.memory_space<vmem>>, vector<1x16x128xf32>,
    %slice3A_1335 = vector.extract_strided_slice %div3A_191 {offsets = [127, 0, 0], sizes = [1, 16, 128], strides = [1, 1, 1]} : vector<128x16x128xf32> to vector<1x16x128xf32>
    %squeeze3A_1336 = vector.shape_cast %slice3A_1335 : vector<1x16x128xf32> to vector<16x128xf32>
    %add3A_1337 = arith.addf %add3A_1328, %squeeze3A_1336 : vector<16x128xf32>
    %swap3A_1338 = arith.constant 127 : index
    %swap3A_1339 = arith.constant 0 : index
    %swap3A_1340 = arith.constant 0 : index
    %swap3A_1341 = vector.load %arg5[%swap3A_1338, %swap3A_1339, %swap3A_1340] : memref<128x16x128xf32, #tpu.memory_space<vmem>>, vector<1x16x128xf32>
    %swap3A_1342 = vector.shape_cast %swap3A_1341 : vector<1x16x128xf32> to vector<16x128xf32>
    %swap3A_1343 = vector.shape_cast %add3A_1337 : vector<16x128xf32> to vector<1x16x128xf32>
    tpu.vector_store %arg5[%swap3A_1338, %swap3A_1339, %swap3A_1340], %swap3A_1343 {strides = array<i32>} : memref<128x16x128xf32, #tpu.memory_space<vmem>>, vector<1x16x128xf32>,
    %get3A_1344 = arith.constant 127 : index
    %get3A_1345 = arith.constant 0 : index
    %get3A_1346 = arith.constant 0 : index
    %get3A_1347 = vector.load %arg5[%get3A_1344, %get3A_1345, %get3A_1346] : memref<128x16x128xf32, #tpu.memory_space<vmem>>, vector<1x16x128xf32>
    %get3A_1348 = vector.shape_cast %get3A_1347 : vector<1x16x128xf32> to vector<16x128xf32>
    %broadcast_in_dim3A_1349 = arith.constant 0.000000e+00 : f32
    %broadcast_in_dim3A_1350 = vector.broadcast %broadcast_in_dim3A_1349 : f32 to vector<16x1xf32>
    %slice3A_1351 = vector.extract_strided_slice %get3A_1348 {offsets = [0, 0], sizes = [16, 1], strides = [1, 1]} : vector<16x128xf32> to vector<16x1xf32>
    %add3A_1352 = arith.addf %broadcast_in_dim3A_1350, %slice3A_1351 : vector<16x1xf32>
    %swap3A_1353 = arith.constant 0 : index
    %swap3A_1354 = arith.constant 0 : index
    %swap3A_1355 = vector.load %arg6[%swap3A_1353, %swap3A_1354] : memref<16x128xf32, #tpu.memory_space<vmem>>, vector<16x1xf32>
    tpu.vector_store %arg6[%swap3A_1353, %swap3A_1354], %add3A_1352 {strides = array<i32>} : memref<16x128xf32, #tpu.memory_space<vmem>>, vector<16x1xf32>,
    %slice3A_1356 = vector.extract_strided_slice %get3A_1348 {offsets = [0, 1], sizes = [16, 1], strides = [1, 1]} : vector<16x128xf32> to vector<16x1xf32>
    %add3A_1357 = arith.addf %add3A_1352, %slice3A_1356 : vector<16x1xf32>
    %swap3A_1358 = arith.constant 0 : index
    %swap3A_1359 = arith.constant 1 : index
    %swap3A_1360 = vector.load %arg6[%swap3A_1358, %swap3A_1359] : memref<16x128xf32, #tpu.memory_space<vmem>>, vector<16x1xf32>
    tpu.vector_store %arg6[%swap3A_1358, %swap3A_1359], %add3A_1357 {strides = array<i32>} : memref<16x128xf32, #tpu.memory_space<vmem>>, vector<16x1xf32>,
    %slice3A_1361 = vector.extract_strided_slice %get3A_1348 {offsets = [0, 2], sizes = [16, 1], strides = [1, 1]} : vector<16x128xf32> to vector<16x1xf32>
    %add3A_1362 = arith.addf %add3A_1357, %slice3A_1361 : vector<16x1xf32>
    %swap3A_1363 = arith.constant 0 : index
    %swap3A_1364 = arith.constant 2 : index
    %swap3A_1365 = vector.load %arg6[%swap3A_1363, %swap3A_1364] : memref<16x128xf32, #tpu.memory_space<vmem>>, vector<16x1xf32>
    tpu.vector_store %arg6[%swap3A_1363, %swap3A_1364], %add3A_1362 {strides = array<i32>} : memref<16x128xf32, #tpu.memory_space<vmem>>, vector<16x1xf32>,
    %slice3A_1366 = vector.extract_strided_slice %get3A_1348 {offsets = [0, 3], sizes = [16, 1], strides = [1, 1]} : vector<16x128xf32> to vector<16x1xf32>
    %add3A_1367 = arith.addf %add3A_1362, %slice3A_1366 : vector<16x1xf32>
    %swap3A_1368 = arith.constant 0 : index
    %swap3A_1369 = arith.constant 3 : index
    %swap3A_1370 = vector.load %arg6[%swap3A_1368, %swap3A_1369] : memref<16x128xf32, #tpu.memory_space<vmem>>, vector<16x1xf32>
    tpu.vector_store %arg6[%swap3A_1368, %swap3A_1369], %add3A_1367 {strides = array<i32>} : memref<16x128xf32, #tpu.memory_space<vmem>>, vector<16x1xf32>,
    %slice3A_1371 = vector.extract_strided_slice %get3A_1348 {offsets = [0, 4], sizes = [16, 1], strides = [1, 1]} : vector<16x128xf32> to vector<16x1xf32>
    %add3A_1372 = arith.addf %add3A_1367, %slice3A_1371 : vector<16x1xf32>
    %swap3A_1373 = arith.constant 0 : index
    %swap3A_1374 = arith.constant 4 : index
    %swap3A_1375 = vector.load %arg6[%swap3A_1373, %swap3A_1374] : memref<16x128xf32, #tpu.memory_space<vmem>>, vector<16x1xf32>
    tpu.vector_store %arg6[%swap3A_1373, %swap3A_1374], %add3A_1372 {strides = array<i32>} : memref<16x128xf32, #tpu.memory_space<vmem>>, vector<16x1xf32>,
    %slice3A_1376 = vector.extract_strided_slice %get3A_1348 {offsets = [0, 5], sizes = [16, 1], strides = [1, 1]} : vector<16x128xf32> to vector<16x1xf32>
    %add3A_1377 = arith.addf %add3A_1372, %slice3A_1376 : vector<16x1xf32>
    %swap3A_1378 = arith.constant 0 : index
    %swap3A_1379 = arith.constant 5 : index
    %swap3A_1380 = vector.load %arg6[%swap3A_1378, %swap3A_1379] : memref<16x128xf32, #tpu.memory_space<vmem>>, vector<16x1xf32>
    tpu.vector_store %arg6[%swap3A_1378, %swap3A_1379], %add3A_1377 {strides = array<i32>} : memref<16x128xf32, #tpu.memory_space<vmem>>, vector<16x1xf32>,
    %slice3A_1381 = vector.extract_strided_slice %get3A_1348 {offsets = [0, 6], sizes = [16, 1], strides = [1, 1]} : vector<16x128xf32> to vector<16x1xf32>
    %add3A_1382 = arith.addf %add3A_1377, %slice3A_1381 : vector<16x1xf32>
    %swap3A_1383 = arith.constant 0 : index
    %swap3A_1384 = arith.constant 6 : index
    %swap3A_1385 = vector.load %arg6[%swap3A_1383, %swap3A_1384] : memref<16x128xf32, #tpu.memory_space<vmem>>, vector<16x1xf32>
    tpu.vector_store %arg6[%swap3A_1383, %swap3A_1384], %add3A_1382 {strides = array<i32>} : memref<16x128xf32, #tpu.memory_space<vmem>>, vector<16x1xf32>,
    %slice3A_1386 = vector.extract_strided_slice %get3A_1348 {offsets = [0, 7], sizes = [16, 1], strides = [1, 1]} : vector<16x128xf32> to vector<16x1xf32>
    %add3A_1387 = arith.addf %add3A_1382, %slice3A_1386 : vector<16x1xf32>
    %swap3A_1388 = arith.constant 0 : index
    %swap3A_1389 = arith.constant 7 : index
    %swap3A_1390 = vector.load %arg6[%swap3A_1388, %swap3A_1389] : memref<16x128xf32, #tpu.memory_space<vmem>>, vector<16x1xf32>
    tpu.vector_store %arg6[%swap3A_1388, %swap3A_1389], %add3A_1387 {strides = array<i32>} : memref<16x128xf32, #tpu.memory_space<vmem>>, vector<16x1xf32>,
    %slice3A_1391 = vector.extract_strided_slice %get3A_1348 {offsets = [0, 8], sizes = [16, 1], strides = [1, 1]} : vector<16x128xf32> to vector<16x1xf32>
    %add3A_1392 = arith.addf %add3A_1387, %slice3A_1391 : vector<16x1xf32>
    %swap3A_1393 = arith.constant 0 : index
    %swap3A_1394 = arith.constant 8 : index
    %swap3A_1395 = vector.load %arg6[%swap3A_1393, %swap3A_1394] : memref<16x128xf32, #tpu.memory_space<vmem>>, vector<16x1xf32>
    tpu.vector_store %arg6[%swap3A_1393, %swap3A_1394], %add3A_1392 {strides = array<i32>} : memref<16x128xf32, #tpu.memory_space<vmem>>, vector<16x1xf32>,
    %slice3A_1396 = vector.extract_strided_slice %get3A_1348 {offsets = [0, 9], sizes = [16, 1], strides = [1, 1]} : vector<16x128xf32> to vector<16x1xf32>
    %add3A_1397 = arith.addf %add3A_1392, %slice3A_1396 : vector<16x1xf32>
    %swap3A_1398 = arith.constant 0 : index
    %swap3A_1399 = arith.constant 9 : index
    %swap3A_1400 = vector.load %arg6[%swap3A_1398, %swap3A_1399] : memref<16x128xf32, #tpu.memory_space<vmem>>, vector<16x1xf32>
    tpu.vector_store %arg6[%swap3A_1398, %swap3A_1399], %add3A_1397 {strides = array<i32>} : memref<16x128xf32, #tpu.memory_space<vmem>>, vector<16x1xf32>,
    %slice3A_1401 = vector.extract_strided_slice %get3A_1348 {offsets = [0, 10], sizes = [16, 1], strides = [1, 1]} : vector<16x128xf32> to vector<16x1xf32>
    %add3A_1402 = arith.addf %add3A_1397, %slice3A_1401 : vector<16x1xf32>
    %swap3A_1403 = arith.constant 0 : index
    %swap3A_1404 = arith.constant 10 : index
    %swap3A_1405 = vector.load %arg6[%swap3A_1403, %swap3A_1404] : memref<16x128xf32, #tpu.memory_space<vmem>>, vector<16x1xf32>
    tpu.vector_store %arg6[%swap3A_1403, %swap3A_1404], %add3A_1402 {strides = array<i32>} : memref<16x128xf32, #tpu.memory_space<vmem>>, vector<16x1xf32>,
    %slice3A_1406 = vector.extract_strided_slice %get3A_1348 {offsets = [0, 11], sizes = [16, 1], strides = [1, 1]} : vector<16x128xf32> to vector<16x1xf32>
    %add3A_1407 = arith.addf %add3A_1402, %slice3A_1406 : vector<16x1xf32>
    %swap3A_1408 = arith.constant 0 : index
    %swap3A_1409 = arith.constant 11 : index
    %swap3A_1410 = vector.load %arg6[%swap3A_1408, %swap3A_1409] : memref<16x128xf32, #tpu.memory_space<vmem>>, vector<16x1xf32>
    tpu.vector_store %arg6[%swap3A_1408, %swap3A_1409], %add3A_1407 {strides = array<i32>} : memref<16x128xf32, #tpu.memory_space<vmem>>, vector<16x1xf32>,
    %slice3A_1411 = vector.extract_strided_slice %get3A_1348 {offsets = [0, 12], sizes = [16, 1], strides = [1, 1]} : vector<16x128xf32> to vector<16x1xf32>
    %add3A_1412 = arith.addf %add3A_1407, %slice3A_1411 : vector<16x1xf32>
    %swap3A_1413 = arith.constant 0 : index
    %swap3A_1414 = arith.constant 12 : index
    %swap3A_1415 = vector.load %arg6[%swap3A_1413, %swap3A_1414] : memref<16x128xf32, #tpu.memory_space<vmem>>, vector<16x1xf32>
    tpu.vector_store %arg6[%swap3A_1413, %swap3A_1414], %add3A_1412 {strides = array<i32>} : memref<16x128xf32, #tpu.memory_space<vmem>>, vector<16x1xf32>,
    %slice3A_1416 = vector.extract_strided_slice %get3A_1348 {offsets = [0, 13], sizes = [16, 1], strides = [1, 1]} : vector<16x128xf32> to vector<16x1xf32>
    %add3A_1417 = arith.addf %add3A_1412, %slice3A_1416 : vector<16x1xf32>
    %swap3A_1418 = arith.constant 0 : index
    %swap3A_1419 = arith.constant 13 : index
    %swap3A_1420 = vector.load %arg6[%swap3A_1418, %swap3A_1419] : memref<16x128xf32, #tpu.memory_space<vmem>>, vector<16x1xf32>
    tpu.vector_store %arg6[%swap3A_1418, %swap3A_1419], %add3A_1417 {strides = array<i32>} : memref<16x128xf32, #tpu.memory_space<vmem>>, vector<16x1xf32>,
    %slice3A_1421 = vector.extract_strided_slice %get3A_1348 {offsets = [0, 14], sizes = [16, 1], strides = [1, 1]} : vector<16x128xf32> to vector<16x1xf32>
    %add3A_1422 = arith.addf %add3A_1417, %slice3A_1421 : vector<16x1xf32>
    %swap3A_1423 = arith.constant 0 : index
    %swap3A_1424 = arith.constant 14 : index
    %swap3A_1425 = vector.load %arg6[%swap3A_1423, %swap3A_1424] : memref<16x128xf32, #tpu.memory_space<vmem>>, vector<16x1xf32>
    tpu.vector_store %arg6[%swap3A_1423, %swap3A_1424], %add3A_1422 {strides = array<i32>} : memref<16x128xf32, #tpu.memory_space<vmem>>, vector<16x1xf32>,
    %slice3A_1426 = vector.extract_strided_slice %get3A_1348 {offsets = [0, 15], sizes = [16, 1], strides = [1, 1]} : vector<16x128xf32> to vector<16x1xf32>
    %add3A_1427 = arith.addf %add3A_1422, %slice3A_1426 : vector<16x1xf32>
    %swap3A_1428 = arith.constant 0 : index
    %swap3A_1429 = arith.constant 15 : index
    %swap3A_1430 = vector.load %arg6[%swap3A_1428, %swap3A_1429] : memref<16x128xf32, #tpu.memory_space<vmem>>, vector<16x1xf32>
    tpu.vector_store %arg6[%swap3A_1428, %swap3A_1429], %add3A_1427 {strides = array<i32>} : memref<16x128xf32, #tpu.memory_space<vmem>>, vector<16x1xf32>,
    %slice3A_1431 = vector.extract_strided_slice %get3A_1348 {offsets = [0, 16], sizes = [16, 1], strides = [1, 1]} : vector<16x128xf32> to vector<16x1xf32>
    %add3A_1432 = arith.addf %add3A_1427, %slice3A_1431 : vector<16x1xf32>
    %swap3A_1433 = arith.constant 0 : index
    %swap3A_1434 = arith.constant 16 : index
    %swap3A_1435 = vector.load %arg6[%swap3A_1433, %swap3A_1434] : memref<16x128xf32, #tpu.memory_space<vmem>>, vector<16x1xf32>
    tpu.vector_store %arg6[%swap3A_1433, %swap3A_1434], %add3A_1432 {strides = array<i32>} : memref<16x128xf32, #tpu.memory_space<vmem>>, vector<16x1xf32>,
    %slice3A_1436 = vector.extract_strided_slice %get3A_1348 {offsets = [0, 17], sizes = [16, 1], strides = [1, 1]} : vector<16x128xf32> to vector<16x1xf32>
    %add3A_1437 = arith.addf %add3A_1432, %slice3A_1436 : vector<16x1xf32>
    %swap3A_1438 = arith.constant 0 : index
    %swap3A_1439 = arith.constant 17 : index
    %swap3A_1440 = vector.load %arg6[%swap3A_1438, %swap3A_1439] : memref<16x128xf32, #tpu.memory_space<vmem>>, vector<16x1xf32>
    tpu.vector_store %arg6[%swap3A_1438, %swap3A_1439], %add3A_1437 {strides = array<i32>} : memref<16x128xf32, #tpu.memory_space<vmem>>, vector<16x1xf32>,
    %slice3A_1441 = vector.extract_strided_slice %get3A_1348 {offsets = [0, 18], sizes = [16, 1], strides = [1, 1]} : vector<16x128xf32> to vector<16x1xf32>
    %add3A_1442 = arith.addf %add3A_1437, %slice3A_1441 : vector<16x1xf32>
    %swap3A_1443 = arith.constant 0 : index
    %swap3A_1444 = arith.constant 18 : index
    %swap3A_1445 = vector.load %arg6[%swap3A_1443, %swap3A_1444] : memref<16x128xf32, #tpu.memory_space<vmem>>, vector<16x1xf32>
    tpu.vector_store %arg6[%swap3A_1443, %swap3A_1444], %add3A_1442 {strides = array<i32>} : memref<16x128xf32, #tpu.memory_space<vmem>>, vector<16x1xf32>,
    %slice3A_1446 = vector.extract_strided_slice %get3A_1348 {offsets = [0, 19], sizes = [16, 1], strides = [1, 1]} : vector<16x128xf32> to vector<16x1xf32>
    %add3A_1447 = arith.addf %add3A_1442, %slice3A_1446 : vector<16x1xf32>
    %swap3A_1448 = arith.constant 0 : index
    %swap3A_1449 = arith.constant 19 : index
    %swap3A_1450 = vector.load %arg6[%swap3A_1448, %swap3A_1449] : memref<16x128xf32, #tpu.memory_space<vmem>>, vector<16x1xf32>
    tpu.vector_store %arg6[%swap3A_1448, %swap3A_1449], %add3A_1447 {strides = array<i32>} : memref<16x128xf32, #tpu.memory_space<vmem>>, vector<16x1xf32>,
    %slice3A_1451 = vector.extract_strided_slice %get3A_1348 {offsets = [0, 20], sizes = [16, 1], strides = [1, 1]} : vector<16x128xf32> to vector<16x1xf32>
    %add3A_1452 = arith.addf %add3A_1447, %slice3A_1451 : vector<16x1xf32>
    %swap3A_1453 = arith.constant 0 : index
    %swap3A_1454 = arith.constant 20 : index
    %swap3A_1455 = vector.load %arg6[%swap3A_1453, %swap3A_1454] : memref<16x128xf32, #tpu.memory_space<vmem>>, vector<16x1xf32>
    tpu.vector_store %arg6[%swap3A_1453, %swap3A_1454], %add3A_1452 {strides = array<i32>} : memref<16x128xf32, #tpu.memory_space<vmem>>, vector<16x1xf32>,
    %slice3A_1456 = vector.extract_strided_slice %get3A_1348 {offsets = [0, 21], sizes = [16, 1], strides = [1, 1]} : vector<16x128xf32> to vector<16x1xf32>
    %add3A_1457 = arith.addf %add3A_1452, %slice3A_1456 : vector<16x1xf32>
    %swap3A_1458 = arith.constant 0 : index
    %swap3A_1459 = arith.constant 21 : index
    %swap3A_1460 = vector.load %arg6[%swap3A_1458, %swap3A_1459] : memref<16x128xf32, #tpu.memory_space<vmem>>, vector<16x1xf32>
    tpu.vector_store %arg6[%swap3A_1458, %swap3A_1459], %add3A_1457 {strides = array<i32>} : memref<16x128xf32, #tpu.memory_space<vmem>>, vector<16x1xf32>,
    %slice3A_1461 = vector.extract_strided_slice %get3A_1348 {offsets = [0, 22], sizes = [16, 1], strides = [1, 1]} : vector<16x128xf32> to vector<16x1xf32>
    %add3A_1462 = arith.addf %add3A_1457, %slice3A_1461 : vector<16x1xf32>
    %swap3A_1463 = arith.constant 0 : index
    %swap3A_1464 = arith.constant 22 : index
    %swap3A_1465 = vector.load %arg6[%swap3A_1463, %swap3A_1464] : memref<16x128xf32, #tpu.memory_space<vmem>>, vector<16x1xf32>
    tpu.vector_store %arg6[%swap3A_1463, %swap3A_1464], %add3A_1462 {strides = array<i32>} : memref<16x128xf32, #tpu.memory_space<vmem>>, vector<16x1xf32>,
    %slice3A_1466 = vector.extract_strided_slice %get3A_1348 {offsets = [0, 23], sizes = [16, 1], strides = [1, 1]} : vector<16x128xf32> to vector<16x1xf32>
    %add3A_1467 = arith.addf %add3A_1462, %slice3A_1466 : vector<16x1xf32>
    %swap3A_1468 = arith.constant 0 : index
    %swap3A_1469 = arith.constant 23 : index
    %swap3A_1470 = vector.load %arg6[%swap3A_1468, %swap3A_1469] : memref<16x128xf32, #tpu.memory_space<vmem>>, vector<16x1xf32>
    tpu.vector_store %arg6[%swap3A_1468, %swap3A_1469], %add3A_1467 {strides = array<i32>} : memref<16x128xf32, #tpu.memory_space<vmem>>, vector<16x1xf32>,
    %slice3A_1471 = vector.extract_strided_slice %get3A_1348 {offsets = [0, 24], sizes = [16, 1], strides = [1, 1]} : vector<16x128xf32> to vector<16x1xf32>
    %add3A_1472 = arith.addf %add3A_1467, %slice3A_1471 : vector<16x1xf32>
    %swap3A_1473 = arith.constant 0 : index
    %swap3A_1474 = arith.constant 24 : index
    %swap3A_1475 = vector.load %arg6[%swap3A_1473, %swap3A_1474] : memref<16x128xf32, #tpu.memory_space<vmem>>, vector<16x1xf32>
    tpu.vector_store %arg6[%swap3A_1473, %swap3A_1474], %add3A_1472 {strides = array<i32>} : memref<16x128xf32, #tpu.memory_space<vmem>>, vector<16x1xf32>,
    %slice3A_1476 = vector.extract_strided_slice %get3A_1348 {offsets = [0, 25], sizes = [16, 1], strides = [1, 1]} : vector<16x128xf32> to vector<16x1xf32>
    %add3A_1477 = arith.addf %add3A_1472, %slice3A_1476 : vector<16x1xf32>
    %swap3A_1478 = arith.constant 0 : index
    %swap3A_1479 = arith.constant 25 : index
    %swap3A_1480 = vector.load %arg6[%swap3A_1478, %swap3A_1479] : memref<16x128xf32, #tpu.memory_space<vmem>>, vector<16x1xf32>
    tpu.vector_store %arg6[%swap3A_1478, %swap3A_1479], %add3A_1477 {strides = array<i32>} : memref<16x128xf32, #tpu.memory_space<vmem>>, vector<16x1xf32>,
    %slice3A_1481 = vector.extract_strided_slice %get3A_1348 {offsets = [0, 26], sizes = [16, 1], strides = [1, 1]} : vector<16x128xf32> to vector<16x1xf32>
    %add3A_1482 = arith.addf %add3A_1477, %slice3A_1481 : vector<16x1xf32>
    %swap3A_1483 = arith.constant 0 : index
    %swap3A_1484 = arith.constant 26 : index
    %swap3A_1485 = vector.load %arg6[%swap3A_1483, %swap3A_1484] : memref<16x128xf32, #tpu.memory_space<vmem>>, vector<16x1xf32>
    tpu.vector_store %arg6[%swap3A_1483, %swap3A_1484], %add3A_1482 {strides = array<i32>} : memref<16x128xf32, #tpu.memory_space<vmem>>, vector<16x1xf32>,
    %slice3A_1486 = vector.extract_strided_slice %get3A_1348 {offsets = [0, 27], sizes = [16, 1], strides = [1, 1]} : vector<16x128xf32> to vector<16x1xf32>
    %add3A_1487 = arith.addf %add3A_1482, %slice3A_1486 : vector<16x1xf32>
    %swap3A_1488 = arith.constant 0 : index
    %swap3A_1489 = arith.constant 27 : index
    %swap3A_1490 = vector.load %arg6[%swap3A_1488, %swap3A_1489] : memref<16x128xf32, #tpu.memory_space<vmem>>, vector<16x1xf32>
    tpu.vector_store %arg6[%swap3A_1488, %swap3A_1489], %add3A_1487 {strides = array<i32>} : memref<16x128xf32, #tpu.memory_space<vmem>>, vector<16x1xf32>,
    %slice3A_1491 = vector.extract_strided_slice %get3A_1348 {offsets = [0, 28], sizes = [16, 1], strides = [1, 1]} : vector<16x128xf32> to vector<16x1xf32>
    %add3A_1492 = arith.addf %add3A_1487, %slice3A_1491 : vector<16x1xf32>
    %swap3A_1493 = arith.constant 0 : index
    %swap3A_1494 = arith.constant 28 : index
    %swap3A_1495 = vector.load %arg6[%swap3A_1493, %swap3A_1494] : memref<16x128xf32, #tpu.memory_space<vmem>>, vector<16x1xf32>
    tpu.vector_store %arg6[%swap3A_1493, %swap3A_1494], %add3A_1492 {strides = array<i32>} : memref<16x128xf32, #tpu.memory_space<vmem>>, vector<16x1xf32>,
    %slice3A_1496 = vector.extract_strided_slice %get3A_1348 {offsets = [0, 29], sizes = [16, 1], strides = [1, 1]} : vector<16x128xf32> to vector<16x1xf32>
    %add3A_1497 = arith.addf %add3A_1492, %slice3A_1496 : vector<16x1xf32>
    %swap3A_1498 = arith.constant 0 : index
    %swap3A_1499 = arith.constant 29 : index
    %swap3A_1500 = vector.load %arg6[%swap3A_1498, %swap3A_1499] : memref<16x128xf32, #tpu.memory_space<vmem>>, vector<16x1xf32>
    tpu.vector_store %arg6[%swap3A_1498, %swap3A_1499], %add3A_1497 {strides = array<i32>} : memref<16x128xf32, #tpu.memory_space<vmem>>, vector<16x1xf32>,
    %slice3A_1501 = vector.extract_strided_slice %get3A_1348 {offsets = [0, 30], sizes = [16, 1], strides = [1, 1]} : vector<16x128xf32> to vector<16x1xf32>
    %add3A_1502 = arith.addf %add3A_1497, %slice3A_1501 : vector<16x1xf32>
    %swap3A_1503 = arith.constant 0 : index
    %swap3A_1504 = arith.constant 30 : index
    %swap3A_1505 = vector.load %arg6[%swap3A_1503, %swap3A_1504] : memref<16x128xf32, #tpu.memory_space<vmem>>, vector<16x1xf32>
    tpu.vector_store %arg6[%swap3A_1503, %swap3A_1504], %add3A_1502 {strides = array<i32>} : memref<16x128xf32, #tpu.memory_space<vmem>>, vector<16x1xf32>,
    %slice3A_1506 = vector.extract_strided_slice %get3A_1348 {offsets = [0, 31], sizes = [16, 1], strides = [1, 1]} : vector<16x128xf32> to vector<16x1xf32>
    %add3A_1507 = arith.addf %add3A_1502, %slice3A_1506 : vector<16x1xf32>
    %swap3A_1508 = arith.constant 0 : index
    %swap3A_1509 = arith.constant 31 : index
    %swap3A_1510 = vector.load %arg6[%swap3A_1508, %swap3A_1509] : memref<16x128xf32, #tpu.memory_space<vmem>>, vector<16x1xf32>
    tpu.vector_store %arg6[%swap3A_1508, %swap3A_1509], %add3A_1507 {strides = array<i32>} : memref<16x128xf32, #tpu.memory_space<vmem>>, vector<16x1xf32>,
    %slice3A_1511 = vector.extract_strided_slice %get3A_1348 {offsets = [0, 32], sizes = [16, 1], strides = [1, 1]} : vector<16x128xf32> to vector<16x1xf32>
    %add3A_1512 = arith.addf %add3A_1507, %slice3A_1511 : vector<16x1xf32>
    %swap3A_1513 = arith.constant 0 : index
    %swap3A_1514 = arith.constant 32 : index
    %swap3A_1515 = vector.load %arg6[%swap3A_1513, %swap3A_1514] : memref<16x128xf32, #tpu.memory_space<vmem>>, vector<16x1xf32>
    tpu.vector_store %arg6[%swap3A_1513, %swap3A_1514], %add3A_1512 {strides = array<i32>} : memref<16x128xf32, #tpu.memory_space<vmem>>, vector<16x1xf32>,
    %slice3A_1516 = vector.extract_strided_slice %get3A_1348 {offsets = [0, 33], sizes = [16, 1], strides = [1, 1]} : vector<16x128xf32> to vector<16x1xf32>
    %add3A_1517 = arith.addf %add3A_1512, %slice3A_1516 : vector<16x1xf32>
    %swap3A_1518 = arith.constant 0 : index
    %swap3A_1519 = arith.constant 33 : index
    %swap3A_1520 = vector.load %arg6[%swap3A_1518, %swap3A_1519] : memref<16x128xf32, #tpu.memory_space<vmem>>, vector<16x1xf32>
    tpu.vector_store %arg6[%swap3A_1518, %swap3A_1519], %add3A_1517 {strides = array<i32>} : memref<16x128xf32, #tpu.memory_space<vmem>>, vector<16x1xf32>,
    %slice3A_1521 = vector.extract_strided_slice %get3A_1348 {offsets = [0, 34], sizes = [16, 1], strides = [1, 1]} : vector<16x128xf32> to vector<16x1xf32>
    %add3A_1522 = arith.addf %add3A_1517, %slice3A_1521 : vector<16x1xf32>
    %swap3A_1523 = arith.constant 0 : index
    %swap3A_1524 = arith.constant 34 : index
    %swap3A_1525 = vector.load %arg6[%swap3A_1523, %swap3A_1524] : memref<16x128xf32, #tpu.memory_space<vmem>>, vector<16x1xf32>
    tpu.vector_store %arg6[%swap3A_1523, %swap3A_1524], %add3A_1522 {strides = array<i32>} : memref<16x128xf32, #tpu.memory_space<vmem>>, vector<16x1xf32>,
    %slice3A_1526 = vector.extract_strided_slice %get3A_1348 {offsets = [0, 35], sizes = [16, 1], strides = [1, 1]} : vector<16x128xf32> to vector<16x1xf32>
    %add3A_1527 = arith.addf %add3A_1522, %slice3A_1526 : vector<16x1xf32>
    %swap3A_1528 = arith.constant 0 : index
    %swap3A_1529 = arith.constant 35 : index
    %swap3A_1530 = vector.load %arg6[%swap3A_1528, %swap3A_1529] : memref<16x128xf32, #tpu.memory_space<vmem>>, vector<16x1xf32>
    tpu.vector_store %arg6[%swap3A_1528, %swap3A_1529], %add3A_1527 {strides = array<i32>} : memref<16x128xf32, #tpu.memory_space<vmem>>, vector<16x1xf32>,
    %slice3A_1531 = vector.extract_strided_slice %get3A_1348 {offsets = [0, 36], sizes = [16, 1], strides = [1, 1]} : vector<16x128xf32> to vector<16x1xf32>
    %add3A_1532 = arith.addf %add3A_1527, %slice3A_1531 : vector<16x1xf32>
    %swap3A_1533 = arith.constant 0 : index
    %swap3A_1534 = arith.constant 36 : index
    %swap3A_1535 = vector.load %arg6[%swap3A_1533, %swap3A_1534] : memref<16x128xf32, #tpu.memory_space<vmem>>, vector<16x1xf32>
    tpu.vector_store %arg6[%swap3A_1533, %swap3A_1534], %add3A_1532 {strides = array<i32>} : memref<16x128xf32, #tpu.memory_space<vmem>>, vector<16x1xf32>,
    %slice3A_1536 = vector.extract_strided_slice %get3A_1348 {offsets = [0, 37], sizes = [16, 1], strides = [1, 1]} : vector<16x128xf32> to vector<16x1xf32>
    %add3A_1537 = arith.addf %add3A_1532, %slice3A_1536 : vector<16x1xf32>
    %swap3A_1538 = arith.constant 0 : index
    %swap3A_1539 = arith.constant 37 : index
    %swap3A_1540 = vector.load %arg6[%swap3A_1538, %swap3A_1539] : memref<16x128xf32, #tpu.memory_space<vmem>>, vector<16x1xf32>
    tpu.vector_store %arg6[%swap3A_1538, %swap3A_1539], %add3A_1537 {strides = array<i32>} : memref<16x128xf32, #tpu.memory_space<vmem>>, vector<16x1xf32>,
    %slice3A_1541 = vector.extract_strided_slice %get3A_1348 {offsets = [0, 38], sizes = [16, 1], strides = [1, 1]} : vector<16x128xf32> to vector<16x1xf32>
    %add3A_1542 = arith.addf %add3A_1537, %slice3A_1541 : vector<16x1xf32>
    %swap3A_1543 = arith.constant 0 : index
    %swap3A_1544 = arith.constant 38 : index
    %swap3A_1545 = vector.load %arg6[%swap3A_1543, %swap3A_1544] : memref<16x128xf32, #tpu.memory_space<vmem>>, vector<16x1xf32>
    tpu.vector_store %arg6[%swap3A_1543, %swap3A_1544], %add3A_1542 {strides = array<i32>} : memref<16x128xf32, #tpu.memory_space<vmem>>, vector<16x1xf32>,
    %slice3A_1546 = vector.extract_strided_slice %get3A_1348 {offsets = [0, 39], sizes = [16, 1], strides = [1, 1]} : vector<16x128xf32> to vector<16x1xf32>
    %add3A_1547 = arith.addf %add3A_1542, %slice3A_1546 : vector<16x1xf32>
    %swap3A_1548 = arith.constant 0 : index
    %swap3A_1549 = arith.constant 39 : index
    %swap3A_1550 = vector.load %arg6[%swap3A_1548, %swap3A_1549] : memref<16x128xf32, #tpu.memory_space<vmem>>, vector<16x1xf32>
    tpu.vector_store %arg6[%swap3A_1548, %swap3A_1549], %add3A_1547 {strides = array<i32>} : memref<16x128xf32, #tpu.memory_space<vmem>>, vector<16x1xf32>,
    %slice3A_1551 = vector.extract_strided_slice %get3A_1348 {offsets = [0, 40], sizes = [16, 1], strides = [1, 1]} : vector<16x128xf32> to vector<16x1xf32>
    %add3A_1552 = arith.addf %add3A_1547, %slice3A_1551 : vector<16x1xf32>
    %swap3A_1553 = arith.constant 0 : index
    %swap3A_1554 = arith.constant 40 : index
    %swap3A_1555 = vector.load %arg6[%swap3A_1553, %swap3A_1554] : memref<16x128xf32, #tpu.memory_space<vmem>>, vector<16x1xf32>
    tpu.vector_store %arg6[%swap3A_1553, %swap3A_1554], %add3A_1552 {strides = array<i32>} : memref<16x128xf32, #tpu.memory_space<vmem>>, vector<16x1xf32>,
    %slice3A_1556 = vector.extract_strided_slice %get3A_1348 {offsets = [0, 41], sizes = [16, 1], strides = [1, 1]} : vector<16x128xf32> to vector<16x1xf32>
    %add3A_1557 = arith.addf %add3A_1552, %slice3A_1556 : vector<16x1xf32>
    %swap3A_1558 = arith.constant 0 : index
    %swap3A_1559 = arith.constant 41 : index
    %swap3A_1560 = vector.load %arg6[%swap3A_1558, %swap3A_1559] : memref<16x128xf32, #tpu.memory_space<vmem>>, vector<16x1xf32>
    tpu.vector_store %arg6[%swap3A_1558, %swap3A_1559], %add3A_1557 {strides = array<i32>} : memref<16x128xf32, #tpu.memory_space<vmem>>, vector<16x1xf32>,
    %slice3A_1561 = vector.extract_strided_slice %get3A_1348 {offsets = [0, 42], sizes = [16, 1], strides = [1, 1]} : vector<16x128xf32> to vector<16x1xf32>
    %add3A_1562 = arith.addf %add3A_1557, %slice3A_1561 : vector<16x1xf32>
    %swap3A_1563 = arith.constant 0 : index
    %swap3A_1564 = arith.constant 42 : index
    %swap3A_1565 = vector.load %arg6[%swap3A_1563, %swap3A_1564] : memref<16x128xf32, #tpu.memory_space<vmem>>, vector<16x1xf32>
    tpu.vector_store %arg6[%swap3A_1563, %swap3A_1564], %add3A_1562 {strides = array<i32>} : memref<16x128xf32, #tpu.memory_space<vmem>>, vector<16x1xf32>,
    %slice3A_1566 = vector.extract_strided_slice %get3A_1348 {offsets = [0, 43], sizes = [16, 1], strides = [1, 1]} : vector<16x128xf32> to vector<16x1xf32>
    %add3A_1567 = arith.addf %add3A_1562, %slice3A_1566 : vector<16x1xf32>
    %swap3A_1568 = arith.constant 0 : index
    %swap3A_1569 = arith.constant 43 : index
    %swap3A_1570 = vector.load %arg6[%swap3A_1568, %swap3A_1569] : memref<16x128xf32, #tpu.memory_space<vmem>>, vector<16x1xf32>
    tpu.vector_store %arg6[%swap3A_1568, %swap3A_1569], %add3A_1567 {strides = array<i32>} : memref<16x128xf32, #tpu.memory_space<vmem>>, vector<16x1xf32>,
    %slice3A_1571 = vector.extract_strided_slice %get3A_1348 {offsets = [0, 44], sizes = [16, 1], strides = [1, 1]} : vector<16x128xf32> to vector<16x1xf32>
    %add3A_1572 = arith.addf %add3A_1567, %slice3A_1571 : vector<16x1xf32>
    %swap3A_1573 = arith.constant 0 : index
    %swap3A_1574 = arith.constant 44 : index
    %swap3A_1575 = vector.load %arg6[%swap3A_1573, %swap3A_1574] : memref<16x128xf32, #tpu.memory_space<vmem>>, vector<16x1xf32>
    tpu.vector_store %arg6[%swap3A_1573, %swap3A_1574], %add3A_1572 {strides = array<i32>} : memref<16x128xf32, #tpu.memory_space<vmem>>, vector<16x1xf32>,
    %slice3A_1576 = vector.extract_strided_slice %get3A_1348 {offsets = [0, 45], sizes = [16, 1], strides = [1, 1]} : vector<16x128xf32> to vector<16x1xf32>
    %add3A_1577 = arith.addf %add3A_1572, %slice3A_1576 : vector<16x1xf32>
    %swap3A_1578 = arith.constant 0 : index
    %swap3A_1579 = arith.constant 45 : index
    %swap3A_1580 = vector.load %arg6[%swap3A_1578, %swap3A_1579] : memref<16x128xf32, #tpu.memory_space<vmem>>, vector<16x1xf32>
    tpu.vector_store %arg6[%swap3A_1578, %swap3A_1579], %add3A_1577 {strides = array<i32>} : memref<16x128xf32, #tpu.memory_space<vmem>>, vector<16x1xf32>,
    %slice3A_1581 = vector.extract_strided_slice %get3A_1348 {offsets = [0, 46], sizes = [16, 1], strides = [1, 1]} : vector<16x128xf32> to vector<16x1xf32>
    %add3A_1582 = arith.addf %add3A_1577, %slice3A_1581 : vector<16x1xf32>
    %swap3A_1583 = arith.constant 0 : index
    %swap3A_1584 = arith.constant 46 : index
    %swap3A_1585 = vector.load %arg6[%swap3A_1583, %swap3A_1584] : memref<16x128xf32, #tpu.memory_space<vmem>>, vector<16x1xf32>
    tpu.vector_store %arg6[%swap3A_1583, %swap3A_1584], %add3A_1582 {strides = array<i32>} : memref<16x128xf32, #tpu.memory_space<vmem>>, vector<16x1xf32>,
    %slice3A_1586 = vector.extract_strided_slice %get3A_1348 {offsets = [0, 47], sizes = [16, 1], strides = [1, 1]} : vector<16x128xf32> to vector<16x1xf32>
    %add3A_1587 = arith.addf %add3A_1582, %slice3A_1586 : vector<16x1xf32>
    %swap3A_1588 = arith.constant 0 : index
    %swap3A_1589 = arith.constant 47 : index
    %swap3A_1590 = vector.load %arg6[%swap3A_1588, %swap3A_1589] : memref<16x128xf32, #tpu.memory_space<vmem>>, vector<16x1xf32>
    tpu.vector_store %arg6[%swap3A_1588, %swap3A_1589], %add3A_1587 {strides = array<i32>} : memref<16x128xf32, #tpu.memory_space<vmem>>, vector<16x1xf32>,
    %slice3A_1591 = vector.extract_strided_slice %get3A_1348 {offsets = [0, 48], sizes = [16, 1], strides = [1, 1]} : vector<16x128xf32> to vector<16x1xf32>
    %add3A_1592 = arith.addf %add3A_1587, %slice3A_1591 : vector<16x1xf32>
    %swap3A_1593 = arith.constant 0 : index
    %swap3A_1594 = arith.constant 48 : index
    %swap3A_1595 = vector.load %arg6[%swap3A_1593, %swap3A_1594] : memref<16x128xf32, #tpu.memory_space<vmem>>, vector<16x1xf32>
    tpu.vector_store %arg6[%swap3A_1593, %swap3A_1594], %add3A_1592 {strides = array<i32>} : memref<16x128xf32, #tpu.memory_space<vmem>>, vector<16x1xf32>,
    %slice3A_1596 = vector.extract_strided_slice %get3A_1348 {offsets = [0, 49], sizes = [16, 1], strides = [1, 1]} : vector<16x128xf32> to vector<16x1xf32>
    %add3A_1597 = arith.addf %add3A_1592, %slice3A_1596 : vector<16x1xf32>
    %swap3A_1598 = arith.constant 0 : index
    %swap3A_1599 = arith.constant 49 : index
    %swap3A_1600 = vector.load %arg6[%swap3A_1598, %swap3A_1599] : memref<16x128xf32, #tpu.memory_space<vmem>>, vector<16x1xf32>
    tpu.vector_store %arg6[%swap3A_1598, %swap3A_1599], %add3A_1597 {strides = array<i32>} : memref<16x128xf32, #tpu.memory_space<vmem>>, vector<16x1xf32>,
    %slice3A_1601 = vector.extract_strided_slice %get3A_1348 {offsets = [0, 50], sizes = [16, 1], strides = [1, 1]} : vector<16x128xf32> to vector<16x1xf32>
    %add3A_1602 = arith.addf %add3A_1597, %slice3A_1601 : vector<16x1xf32>
    %swap3A_1603 = arith.constant 0 : index
    %swap3A_1604 = arith.constant 50 : index
    %swap3A_1605 = vector.load %arg6[%swap3A_1603, %swap3A_1604] : memref<16x128xf32, #tpu.memory_space<vmem>>, vector<16x1xf32>
    tpu.vector_store %arg6[%swap3A_1603, %swap3A_1604], %add3A_1602 {strides = array<i32>} : memref<16x128xf32, #tpu.memory_space<vmem>>, vector<16x1xf32>,
    %slice3A_1606 = vector.extract_strided_slice %get3A_1348 {offsets = [0, 51], sizes = [16, 1], strides = [1, 1]} : vector<16x128xf32> to vector<16x1xf32>
    %add3A_1607 = arith.addf %add3A_1602, %slice3A_1606 : vector<16x1xf32>
    %swap3A_1608 = arith.constant 0 : index
    %swap3A_1609 = arith.constant 51 : index
    %swap3A_1610 = vector.load %arg6[%swap3A_1608, %swap3A_1609] : memref<16x128xf32, #tpu.memory_space<vmem>>, vector<16x1xf32>
    tpu.vector_store %arg6[%swap3A_1608, %swap3A_1609], %add3A_1607 {strides = array<i32>} : memref<16x128xf32, #tpu.memory_space<vmem>>, vector<16x1xf32>,
    %slice3A_1611 = vector.extract_strided_slice %get3A_1348 {offsets = [0, 52], sizes = [16, 1], strides = [1, 1]} : vector<16x128xf32> to vector<16x1xf32>
    %add3A_1612 = arith.addf %add3A_1607, %slice3A_1611 : vector<16x1xf32>
    %swap3A_1613 = arith.constant 0 : index
    %swap3A_1614 = arith.constant 52 : index
    %swap3A_1615 = vector.load %arg6[%swap3A_1613, %swap3A_1614] : memref<16x128xf32, #tpu.memory_space<vmem>>, vector<16x1xf32>
    tpu.vector_store %arg6[%swap3A_1613, %swap3A_1614], %add3A_1612 {strides = array<i32>} : memref<16x128xf32, #tpu.memory_space<vmem>>, vector<16x1xf32>,
    %slice3A_1616 = vector.extract_strided_slice %get3A_1348 {offsets = [0, 53], sizes = [16, 1], strides = [1, 1]} : vector<16x128xf32> to vector<16x1xf32>
    %add3A_1617 = arith.addf %add3A_1612, %slice3A_1616 : vector<16x1xf32>
    %swap3A_1618 = arith.constant 0 : index
    %swap3A_1619 = arith.constant 53 : index
    %swap3A_1620 = vector.load %arg6[%swap3A_1618, %swap3A_1619] : memref<16x128xf32, #tpu.memory_space<vmem>>, vector<16x1xf32>
    tpu.vector_store %arg6[%swap3A_1618, %swap3A_1619], %add3A_1617 {strides = array<i32>} : memref<16x128xf32, #tpu.memory_space<vmem>>, vector<16x1xf32>,
    %slice3A_1621 = vector.extract_strided_slice %get3A_1348 {offsets = [0, 54], sizes = [16, 1], strides = [1, 1]} : vector<16x128xf32> to vector<16x1xf32>
    %add3A_1622 = arith.addf %add3A_1617, %slice3A_1621 : vector<16x1xf32>
    %swap3A_1623 = arith.constant 0 : index
    %swap3A_1624 = arith.constant 54 : index
    %swap3A_1625 = vector.load %arg6[%swap3A_1623, %swap3A_1624] : memref<16x128xf32, #tpu.memory_space<vmem>>, vector<16x1xf32>
    tpu.vector_store %arg6[%swap3A_1623, %swap3A_1624], %add3A_1622 {strides = array<i32>} : memref<16x128xf32, #tpu.memory_space<vmem>>, vector<16x1xf32>,
    %slice3A_1626 = vector.extract_strided_slice %get3A_1348 {offsets = [0, 55], sizes = [16, 1], strides = [1, 1]} : vector<16x128xf32> to vector<16x1xf32>
    %add3A_1627 = arith.addf %add3A_1622, %slice3A_1626 : vector<16x1xf32>
    %swap3A_1628 = arith.constant 0 : index
    %swap3A_1629 = arith.constant 55 : index
    %swap3A_1630 = vector.load %arg6[%swap3A_1628, %swap3A_1629] : memref<16x128xf32, #tpu.memory_space<vmem>>, vector<16x1xf32>
    tpu.vector_store %arg6[%swap3A_1628, %swap3A_1629], %add3A_1627 {strides = array<i32>} : memref<16x128xf32, #tpu.memory_space<vmem>>, vector<16x1xf32>,
    %slice3A_1631 = vector.extract_strided_slice %get3A_1348 {offsets = [0, 56], sizes = [16, 1], strides = [1, 1]} : vector<16x128xf32> to vector<16x1xf32>
    %add3A_1632 = arith.addf %add3A_1627, %slice3A_1631 : vector<16x1xf32>
    %swap3A_1633 = arith.constant 0 : index
    %swap3A_1634 = arith.constant 56 : index
    %swap3A_1635 = vector.load %arg6[%swap3A_1633, %swap3A_1634] : memref<16x128xf32, #tpu.memory_space<vmem>>, vector<16x1xf32>
    tpu.vector_store %arg6[%swap3A_1633, %swap3A_1634], %add3A_1632 {strides = array<i32>} : memref<16x128xf32, #tpu.memory_space<vmem>>, vector<16x1xf32>,
    %slice3A_1636 = vector.extract_strided_slice %get3A_1348 {offsets = [0, 57], sizes = [16, 1], strides = [1, 1]} : vector<16x128xf32> to vector<16x1xf32>
    %add3A_1637 = arith.addf %add3A_1632, %slice3A_1636 : vector<16x1xf32>
    %swap3A_1638 = arith.constant 0 : index
    %swap3A_1639 = arith.constant 57 : index
    %swap3A_1640 = vector.load %arg6[%swap3A_1638, %swap3A_1639] : memref<16x128xf32, #tpu.memory_space<vmem>>, vector<16x1xf32>
    tpu.vector_store %arg6[%swap3A_1638, %swap3A_1639], %add3A_1637 {strides = array<i32>} : memref<16x128xf32, #tpu.memory_space<vmem>>, vector<16x1xf32>,
    %slice3A_1641 = vector.extract_strided_slice %get3A_1348 {offsets = [0, 58], sizes = [16, 1], strides = [1, 1]} : vector<16x128xf32> to vector<16x1xf32>
    %add3A_1642 = arith.addf %add3A_1637, %slice3A_1641 : vector<16x1xf32>
    %swap3A_1643 = arith.constant 0 : index
    %swap3A_1644 = arith.constant 58 : index
    %swap3A_1645 = vector.load %arg6[%swap3A_1643, %swap3A_1644] : memref<16x128xf32, #tpu.memory_space<vmem>>, vector<16x1xf32>
    tpu.vector_store %arg6[%swap3A_1643, %swap3A_1644], %add3A_1642 {strides = array<i32>} : memref<16x128xf32, #tpu.memory_space<vmem>>, vector<16x1xf32>,
    %slice3A_1646 = vector.extract_strided_slice %get3A_1348 {offsets = [0, 59], sizes = [16, 1], strides = [1, 1]} : vector<16x128xf32> to vector<16x1xf32>
    %add3A_1647 = arith.addf %add3A_1642, %slice3A_1646 : vector<16x1xf32>
    %swap3A_1648 = arith.constant 0 : index
    %swap3A_1649 = arith.constant 59 : index
    %swap3A_1650 = vector.load %arg6[%swap3A_1648, %swap3A_1649] : memref<16x128xf32, #tpu.memory_space<vmem>>, vector<16x1xf32>
    tpu.vector_store %arg6[%swap3A_1648, %swap3A_1649], %add3A_1647 {strides = array<i32>} : memref<16x128xf32, #tpu.memory_space<vmem>>, vector<16x1xf32>,
    %slice3A_1651 = vector.extract_strided_slice %get3A_1348 {offsets = [0, 60], sizes = [16, 1], strides = [1, 1]} : vector<16x128xf32> to vector<16x1xf32>
    %add3A_1652 = arith.addf %add3A_1647, %slice3A_1651 : vector<16x1xf32>
    %swap3A_1653 = arith.constant 0 : index
    %swap3A_1654 = arith.constant 60 : index
    %swap3A_1655 = vector.load %arg6[%swap3A_1653, %swap3A_1654] : memref<16x128xf32, #tpu.memory_space<vmem>>, vector<16x1xf32>
    tpu.vector_store %arg6[%swap3A_1653, %swap3A_1654], %add3A_1652 {strides = array<i32>} : memref<16x128xf32, #tpu.memory_space<vmem>>, vector<16x1xf32>,
    %slice3A_1656 = vector.extract_strided_slice %get3A_1348 {offsets = [0, 61], sizes = [16, 1], strides = [1, 1]} : vector<16x128xf32> to vector<16x1xf32>
    %add3A_1657 = arith.addf %add3A_1652, %slice3A_1656 : vector<16x1xf32>
    %swap3A_1658 = arith.constant 0 : index
    %swap3A_1659 = arith.constant 61 : index
    %swap3A_1660 = vector.load %arg6[%swap3A_1658, %swap3A_1659] : memref<16x128xf32, #tpu.memory_space<vmem>>, vector<16x1xf32>
    tpu.vector_store %arg6[%swap3A_1658, %swap3A_1659], %add3A_1657 {strides = array<i32>} : memref<16x128xf32, #tpu.memory_space<vmem>>, vector<16x1xf32>,
    %slice3A_1661 = vector.extract_strided_slice %get3A_1348 {offsets = [0, 62], sizes = [16, 1], strides = [1, 1]} : vector<16x128xf32> to vector<16x1xf32>
    %add3A_1662 = arith.addf %add3A_1657, %slice3A_1661 : vector<16x1xf32>
    %swap3A_1663 = arith.constant 0 : index
    %swap3A_1664 = arith.constant 62 : index
    %swap3A_1665 = vector.load %arg6[%swap3A_1663, %swap3A_1664] : memref<16x128xf32, #tpu.memory_space<vmem>>, vector<16x1xf32>
    tpu.vector_store %arg6[%swap3A_1663, %swap3A_1664], %add3A_1662 {strides = array<i32>} : memref<16x128xf32, #tpu.memory_space<vmem>>, vector<16x1xf32>,
    %slice3A_1666 = vector.extract_strided_slice %get3A_1348 {offsets = [0, 63], sizes = [16, 1], strides = [1, 1]} : vector<16x128xf32> to vector<16x1xf32>
    %add3A_1667 = arith.addf %add3A_1662, %slice3A_1666 : vector<16x1xf32>
    %swap3A_1668 = arith.constant 0 : index
    %swap3A_1669 = arith.constant 63 : index
    %swap3A_1670 = vector.load %arg6[%swap3A_1668, %swap3A_1669] : memref<16x128xf32, #tpu.memory_space<vmem>>, vector<16x1xf32>
    tpu.vector_store %arg6[%swap3A_1668, %swap3A_1669], %add3A_1667 {strides = array<i32>} : memref<16x128xf32, #tpu.memory_space<vmem>>, vector<16x1xf32>,
    %slice3A_1671 = vector.extract_strided_slice %get3A_1348 {offsets = [0, 64], sizes = [16, 1], strides = [1, 1]} : vector<16x128xf32> to vector<16x1xf32>
    %add3A_1672 = arith.addf %add3A_1667, %slice3A_1671 : vector<16x1xf32>
    %swap3A_1673 = arith.constant 0 : index
    %swap3A_1674 = arith.constant 64 : index
    %swap3A_1675 = vector.load %arg6[%swap3A_1673, %swap3A_1674] : memref<16x128xf32, #tpu.memory_space<vmem>>, vector<16x1xf32>
    tpu.vector_store %arg6[%swap3A_1673, %swap3A_1674], %add3A_1672 {strides = array<i32>} : memref<16x128xf32, #tpu.memory_space<vmem>>, vector<16x1xf32>,
    %slice3A_1676 = vector.extract_strided_slice %get3A_1348 {offsets = [0, 65], sizes = [16, 1], strides = [1, 1]} : vector<16x128xf32> to vector<16x1xf32>
    %add3A_1677 = arith.addf %add3A_1672, %slice3A_1676 : vector<16x1xf32>
    %swap3A_1678 = arith.constant 0 : index
    %swap3A_1679 = arith.constant 65 : index
    %swap3A_1680 = vector.load %arg6[%swap3A_1678, %swap3A_1679] : memref<16x128xf32, #tpu.memory_space<vmem>>, vector<16x1xf32>
    tpu.vector_store %arg6[%swap3A_1678, %swap3A_1679], %add3A_1677 {strides = array<i32>} : memref<16x128xf32, #tpu.memory_space<vmem>>, vector<16x1xf32>,
    %slice3A_1681 = vector.extract_strided_slice %get3A_1348 {offsets = [0, 66], sizes = [16, 1], strides = [1, 1]} : vector<16x128xf32> to vector<16x1xf32>
    %add3A_1682 = arith.addf %add3A_1677, %slice3A_1681 : vector<16x1xf32>
    %swap3A_1683 = arith.constant 0 : index
    %swap3A_1684 = arith.constant 66 : index
    %swap3A_1685 = vector.load %arg6[%swap3A_1683, %swap3A_1684] : memref<16x128xf32, #tpu.memory_space<vmem>>, vector<16x1xf32>
    tpu.vector_store %arg6[%swap3A_1683, %swap3A_1684], %add3A_1682 {strides = array<i32>} : memref<16x128xf32, #tpu.memory_space<vmem>>, vector<16x1xf32>,
    %slice3A_1686 = vector.extract_strided_slice %get3A_1348 {offsets = [0, 67], sizes = [16, 1], strides = [1, 1]} : vector<16x128xf32> to vector<16x1xf32>
    %add3A_1687 = arith.addf %add3A_1682, %slice3A_1686 : vector<16x1xf32>
    %swap3A_1688 = arith.constant 0 : index
    %swap3A_1689 = arith.constant 67 : index
    %swap3A_1690 = vector.load %arg6[%swap3A_1688, %swap3A_1689] : memref<16x128xf32, #tpu.memory_space<vmem>>, vector<16x1xf32>
    tpu.vector_store %arg6[%swap3A_1688, %swap3A_1689], %add3A_1687 {strides = array<i32>} : memref<16x128xf32, #tpu.memory_space<vmem>>, vector<16x1xf32>,
    %slice3A_1691 = vector.extract_strided_slice %get3A_1348 {offsets = [0, 68], sizes = [16, 1], strides = [1, 1]} : vector<16x128xf32> to vector<16x1xf32>
    %add3A_1692 = arith.addf %add3A_1687, %slice3A_1691 : vector<16x1xf32>
    %swap3A_1693 = arith.constant 0 : index
    %swap3A_1694 = arith.constant 68 : index
    %swap3A_1695 = vector.load %arg6[%swap3A_1693, %swap3A_1694] : memref<16x128xf32, #tpu.memory_space<vmem>>, vector<16x1xf32>
    tpu.vector_store %arg6[%swap3A_1693, %swap3A_1694], %add3A_1692 {strides = array<i32>} : memref<16x128xf32, #tpu.memory_space<vmem>>, vector<16x1xf32>,
    %slice3A_1696 = vector.extract_strided_slice %get3A_1348 {offsets = [0, 69], sizes = [16, 1], strides = [1, 1]} : vector<16x128xf32> to vector<16x1xf32>
    %add3A_1697 = arith.addf %add3A_1692, %slice3A_1696 : vector<16x1xf32>
    %swap3A_1698 = arith.constant 0 : index
    %swap3A_1699 = arith.constant 69 : index
    %swap3A_1700 = vector.load %arg6[%swap3A_1698, %swap3A_1699] : memref<16x128xf32, #tpu.memory_space<vmem>>, vector<16x1xf32>
    tpu.vector_store %arg6[%swap3A_1698, %swap3A_1699], %add3A_1697 {strides = array<i32>} : memref<16x128xf32, #tpu.memory_space<vmem>>, vector<16x1xf32>,
    %slice3A_1701 = vector.extract_strided_slice %get3A_1348 {offsets = [0, 70], sizes = [16, 1], strides = [1, 1]} : vector<16x128xf32> to vector<16x1xf32>
    %add3A_1702 = arith.addf %add3A_1697, %slice3A_1701 : vector<16x1xf32>
    %swap3A_1703 = arith.constant 0 : index
    %swap3A_1704 = arith.constant 70 : index
    %swap3A_1705 = vector.load %arg6[%swap3A_1703, %swap3A_1704] : memref<16x128xf32, #tpu.memory_space<vmem>>, vector<16x1xf32>
    tpu.vector_store %arg6[%swap3A_1703, %swap3A_1704], %add3A_1702 {strides = array<i32>} : memref<16x128xf32, #tpu.memory_space<vmem>>, vector<16x1xf32>,
    %slice3A_1706 = vector.extract_strided_slice %get3A_1348 {offsets = [0, 71], sizes = [16, 1], strides = [1, 1]} : vector<16x128xf32> to vector<16x1xf32>
    %add3A_1707 = arith.addf %add3A_1702, %slice3A_1706 : vector<16x1xf32>
    %swap3A_1708 = arith.constant 0 : index
    %swap3A_1709 = arith.constant 71 : index
    %swap3A_1710 = vector.load %arg6[%swap3A_1708, %swap3A_1709] : memref<16x128xf32, #tpu.memory_space<vmem>>, vector<16x1xf32>
    tpu.vector_store %arg6[%swap3A_1708, %swap3A_1709], %add3A_1707 {strides = array<i32>} : memref<16x128xf32, #tpu.memory_space<vmem>>, vector<16x1xf32>,
    %slice3A_1711 = vector.extract_strided_slice %get3A_1348 {offsets = [0, 72], sizes = [16, 1], strides = [1, 1]} : vector<16x128xf32> to vector<16x1xf32>
    %add3A_1712 = arith.addf %add3A_1707, %slice3A_1711 : vector<16x1xf32>
    %swap3A_1713 = arith.constant 0 : index
    %swap3A_1714 = arith.constant 72 : index
    %swap3A_1715 = vector.load %arg6[%swap3A_1713, %swap3A_1714] : memref<16x128xf32, #tpu.memory_space<vmem>>, vector<16x1xf32>
    tpu.vector_store %arg6[%swap3A_1713, %swap3A_1714], %add3A_1712 {strides = array<i32>} : memref<16x128xf32, #tpu.memory_space<vmem>>, vector<16x1xf32>,
    %slice3A_1716 = vector.extract_strided_slice %get3A_1348 {offsets = [0, 73], sizes = [16, 1], strides = [1, 1]} : vector<16x128xf32> to vector<16x1xf32>
    %add3A_1717 = arith.addf %add3A_1712, %slice3A_1716 : vector<16x1xf32>
    %swap3A_1718 = arith.constant 0 : index
    %swap3A_1719 = arith.constant 73 : index
    %swap3A_1720 = vector.load %arg6[%swap3A_1718, %swap3A_1719] : memref<16x128xf32, #tpu.memory_space<vmem>>, vector<16x1xf32>
    tpu.vector_store %arg6[%swap3A_1718, %swap3A_1719], %add3A_1717 {strides = array<i32>} : memref<16x128xf32, #tpu.memory_space<vmem>>, vector<16x1xf32>,
    %slice3A_1721 = vector.extract_strided_slice %get3A_1348 {offsets = [0, 74], sizes = [16, 1], strides = [1, 1]} : vector<16x128xf32> to vector<16x1xf32>
    %add3A_1722 = arith.addf %add3A_1717, %slice3A_1721 : vector<16x1xf32>
    %swap3A_1723 = arith.constant 0 : index
    %swap3A_1724 = arith.constant 74 : index
    %swap3A_1725 = vector.load %arg6[%swap3A_1723, %swap3A_1724] : memref<16x128xf32, #tpu.memory_space<vmem>>, vector<16x1xf32>
    tpu.vector_store %arg6[%swap3A_1723, %swap3A_1724], %add3A_1722 {strides = array<i32>} : memref<16x128xf32, #tpu.memory_space<vmem>>, vector<16x1xf32>,
    %slice3A_1726 = vector.extract_strided_slice %get3A_1348 {offsets = [0, 75], sizes = [16, 1], strides = [1, 1]} : vector<16x128xf32> to vector<16x1xf32>
    %add3A_1727 = arith.addf %add3A_1722, %slice3A_1726 : vector<16x1xf32>
    %swap3A_1728 = arith.constant 0 : index
    %swap3A_1729 = arith.constant 75 : index
    %swap3A_1730 = vector.load %arg6[%swap3A_1728, %swap3A_1729] : memref<16x128xf32, #tpu.memory_space<vmem>>, vector<16x1xf32>
    tpu.vector_store %arg6[%swap3A_1728, %swap3A_1729], %add3A_1727 {strides = array<i32>} : memref<16x128xf32, #tpu.memory_space<vmem>>, vector<16x1xf32>,
    %slice3A_1731 = vector.extract_strided_slice %get3A_1348 {offsets = [0, 76], sizes = [16, 1], strides = [1, 1]} : vector<16x128xf32> to vector<16x1xf32>
    %add3A_1732 = arith.addf %add3A_1727, %slice3A_1731 : vector<16x1xf32>
    %swap3A_1733 = arith.constant 0 : index
    %swap3A_1734 = arith.constant 76 : index
    %swap3A_1735 = vector.load %arg6[%swap3A_1733, %swap3A_1734] : memref<16x128xf32, #tpu.memory_space<vmem>>, vector<16x1xf32>
    tpu.vector_store %arg6[%swap3A_1733, %swap3A_1734], %add3A_1732 {strides = array<i32>} : memref<16x128xf32, #tpu.memory_space<vmem>>, vector<16x1xf32>,
    %slice3A_1736 = vector.extract_strided_slice %get3A_1348 {offsets = [0, 77], sizes = [16, 1], strides = [1, 1]} : vector<16x128xf32> to vector<16x1xf32>
    %add3A_1737 = arith.addf %add3A_1732, %slice3A_1736 : vector<16x1xf32>
    %swap3A_1738 = arith.constant 0 : index
    %swap3A_1739 = arith.constant 77 : index
    %swap3A_1740 = vector.load %arg6[%swap3A_1738, %swap3A_1739] : memref<16x128xf32, #tpu.memory_space<vmem>>, vector<16x1xf32>
    tpu.vector_store %arg6[%swap3A_1738, %swap3A_1739], %add3A_1737 {strides = array<i32>} : memref<16x128xf32, #tpu.memory_space<vmem>>, vector<16x1xf32>,
    %slice3A_1741 = vector.extract_strided_slice %get3A_1348 {offsets = [0, 78], sizes = [16, 1], strides = [1, 1]} : vector<16x128xf32> to vector<16x1xf32>
    %add3A_1742 = arith.addf %add3A_1737, %slice3A_1741 : vector<16x1xf32>
    %swap3A_1743 = arith.constant 0 : index
    %swap3A_1744 = arith.constant 78 : index
    %swap3A_1745 = vector.load %arg6[%swap3A_1743, %swap3A_1744] : memref<16x128xf32, #tpu.memory_space<vmem>>, vector<16x1xf32>
    tpu.vector_store %arg6[%swap3A_1743, %swap3A_1744], %add3A_1742 {strides = array<i32>} : memref<16x128xf32, #tpu.memory_space<vmem>>, vector<16x1xf32>,
    %slice3A_1746 = vector.extract_strided_slice %get3A_1348 {offsets = [0, 79], sizes = [16, 1], strides = [1, 1]} : vector<16x128xf32> to vector<16x1xf32>
    %add3A_1747 = arith.addf %add3A_1742, %slice3A_1746 : vector<16x1xf32>
    %swap3A_1748 = arith.constant 0 : index
    %swap3A_1749 = arith.constant 79 : index
    %swap3A_1750 = vector.load %arg6[%swap3A_1748, %swap3A_1749] : memref<16x128xf32, #tpu.memory_space<vmem>>, vector<16x1xf32>
    tpu.vector_store %arg6[%swap3A_1748, %swap3A_1749], %add3A_1747 {strides = array<i32>} : memref<16x128xf32, #tpu.memory_space<vmem>>, vector<16x1xf32>,
    %slice3A_1751 = vector.extract_strided_slice %get3A_1348 {offsets = [0, 80], sizes = [16, 1], strides = [1, 1]} : vector<16x128xf32> to vector<16x1xf32>
    %add3A_1752 = arith.addf %add3A_1747, %slice3A_1751 : vector<16x1xf32>
    %swap3A_1753 = arith.constant 0 : index
    %swap3A_1754 = arith.constant 80 : index
    %swap3A_1755 = vector.load %arg6[%swap3A_1753, %swap3A_1754] : memref<16x128xf32, #tpu.memory_space<vmem>>, vector<16x1xf32>
    tpu.vector_store %arg6[%swap3A_1753, %swap3A_1754], %add3A_1752 {strides = array<i32>} : memref<16x128xf32, #tpu.memory_space<vmem>>, vector<16x1xf32>,
    %slice3A_1756 = vector.extract_strided_slice %get3A_1348 {offsets = [0, 81], sizes = [16, 1], strides = [1, 1]} : vector<16x128xf32> to vector<16x1xf32>
    %add3A_1757 = arith.addf %add3A_1752, %slice3A_1756 : vector<16x1xf32>
    %swap3A_1758 = arith.constant 0 : index
    %swap3A_1759 = arith.constant 81 : index
    %swap3A_1760 = vector.load %arg6[%swap3A_1758, %swap3A_1759] : memref<16x128xf32, #tpu.memory_space<vmem>>, vector<16x1xf32>
    tpu.vector_store %arg6[%swap3A_1758, %swap3A_1759], %add3A_1757 {strides = array<i32>} : memref<16x128xf32, #tpu.memory_space<vmem>>, vector<16x1xf32>,
    %slice3A_1761 = vector.extract_strided_slice %get3A_1348 {offsets = [0, 82], sizes = [16, 1], strides = [1, 1]} : vector<16x128xf32> to vector<16x1xf32>
    %add3A_1762 = arith.addf %add3A_1757, %slice3A_1761 : vector<16x1xf32>
    %swap3A_1763 = arith.constant 0 : index
    %swap3A_1764 = arith.constant 82 : index
    %swap3A_1765 = vector.load %arg6[%swap3A_1763, %swap3A_1764] : memref<16x128xf32, #tpu.memory_space<vmem>>, vector<16x1xf32>
    tpu.vector_store %arg6[%swap3A_1763, %swap3A_1764], %add3A_1762 {strides = array<i32>} : memref<16x128xf32, #tpu.memory_space<vmem>>, vector<16x1xf32>,
    %slice3A_1766 = vector.extract_strided_slice %get3A_1348 {offsets = [0, 83], sizes = [16, 1], strides = [1, 1]} : vector<16x128xf32> to vector<16x1xf32>
    %add3A_1767 = arith.addf %add3A_1762, %slice3A_1766 : vector<16x1xf32>
    %swap3A_1768 = arith.constant 0 : index
    %swap3A_1769 = arith.constant 83 : index
    %swap3A_1770 = vector.load %arg6[%swap3A_1768, %swap3A_1769] : memref<16x128xf32, #tpu.memory_space<vmem>>, vector<16x1xf32>
    tpu.vector_store %arg6[%swap3A_1768, %swap3A_1769], %add3A_1767 {strides = array<i32>} : memref<16x128xf32, #tpu.memory_space<vmem>>, vector<16x1xf32>,
    %slice3A_1771 = vector.extract_strided_slice %get3A_1348 {offsets = [0, 84], sizes = [16, 1], strides = [1, 1]} : vector<16x128xf32> to vector<16x1xf32>
    %add3A_1772 = arith.addf %add3A_1767, %slice3A_1771 : vector<16x1xf32>
    %swap3A_1773 = arith.constant 0 : index
    %swap3A_1774 = arith.constant 84 : index
    %swap3A_1775 = vector.load %arg6[%swap3A_1773, %swap3A_1774] : memref<16x128xf32, #tpu.memory_space<vmem>>, vector<16x1xf32>
    tpu.vector_store %arg6[%swap3A_1773, %swap3A_1774], %add3A_1772 {strides = array<i32>} : memref<16x128xf32, #tpu.memory_space<vmem>>, vector<16x1xf32>,
    %slice3A_1776 = vector.extract_strided_slice %get3A_1348 {offsets = [0, 85], sizes = [16, 1], strides = [1, 1]} : vector<16x128xf32> to vector<16x1xf32>
    %add3A_1777 = arith.addf %add3A_1772, %slice3A_1776 : vector<16x1xf32>
    %swap3A_1778 = arith.constant 0 : index
    %swap3A_1779 = arith.constant 85 : index
    %swap3A_1780 = vector.load %arg6[%swap3A_1778, %swap3A_1779] : memref<16x128xf32, #tpu.memory_space<vmem>>, vector<16x1xf32>
    tpu.vector_store %arg6[%swap3A_1778, %swap3A_1779], %add3A_1777 {strides = array<i32>} : memref<16x128xf32, #tpu.memory_space<vmem>>, vector<16x1xf32>,
    %slice3A_1781 = vector.extract_strided_slice %get3A_1348 {offsets = [0, 86], sizes = [16, 1], strides = [1, 1]} : vector<16x128xf32> to vector<16x1xf32>
    %add3A_1782 = arith.addf %add3A_1777, %slice3A_1781 : vector<16x1xf32>
    %swap3A_1783 = arith.constant 0 : index
    %swap3A_1784 = arith.constant 86 : index
    %swap3A_1785 = vector.load %arg6[%swap3A_1783, %swap3A_1784] : memref<16x128xf32, #tpu.memory_space<vmem>>, vector<16x1xf32>
    tpu.vector_store %arg6[%swap3A_1783, %swap3A_1784], %add3A_1782 {strides = array<i32>} : memref<16x128xf32, #tpu.memory_space<vmem>>, vector<16x1xf32>,
    %slice3A_1786 = vector.extract_strided_slice %get3A_1348 {offsets = [0, 87], sizes = [16, 1], strides = [1, 1]} : vector<16x128xf32> to vector<16x1xf32>
    %add3A_1787 = arith.addf %add3A_1782, %slice3A_1786 : vector<16x1xf32>
    %swap3A_1788 = arith.constant 0 : index
    %swap3A_1789 = arith.constant 87 : index
    %swap3A_1790 = vector.load %arg6[%swap3A_1788, %swap3A_1789] : memref<16x128xf32, #tpu.memory_space<vmem>>, vector<16x1xf32>
    tpu.vector_store %arg6[%swap3A_1788, %swap3A_1789], %add3A_1787 {strides = array<i32>} : memref<16x128xf32, #tpu.memory_space<vmem>>, vector<16x1xf32>,
    %slice3A_1791 = vector.extract_strided_slice %get3A_1348 {offsets = [0, 88], sizes = [16, 1], strides = [1, 1]} : vector<16x128xf32> to vector<16x1xf32>
    %add3A_1792 = arith.addf %add3A_1787, %slice3A_1791 : vector<16x1xf32>
    %swap3A_1793 = arith.constant 0 : index
    %swap3A_1794 = arith.constant 88 : index
    %swap3A_1795 = vector.load %arg6[%swap3A_1793, %swap3A_1794] : memref<16x128xf32, #tpu.memory_space<vmem>>, vector<16x1xf32>
    tpu.vector_store %arg6[%swap3A_1793, %swap3A_1794], %add3A_1792 {strides = array<i32>} : memref<16x128xf32, #tpu.memory_space<vmem>>, vector<16x1xf32>,
    %slice3A_1796 = vector.extract_strided_slice %get3A_1348 {offsets = [0, 89], sizes = [16, 1], strides = [1, 1]} : vector<16x128xf32> to vector<16x1xf32>
    %add3A_1797 = arith.addf %add3A_1792, %slice3A_1796 : vector<16x1xf32>
    %swap3A_1798 = arith.constant 0 : index
    %swap3A_1799 = arith.constant 89 : index
    %swap3A_1800 = vector.load %arg6[%swap3A_1798, %swap3A_1799] : memref<16x128xf32, #tpu.memory_space<vmem>>, vector<16x1xf32>
    tpu.vector_store %arg6[%swap3A_1798, %swap3A_1799], %add3A_1797 {strides = array<i32>} : memref<16x128xf32, #tpu.memory_space<vmem>>, vector<16x1xf32>,
    %slice3A_1801 = vector.extract_strided_slice %get3A_1348 {offsets = [0, 90], sizes = [16, 1], strides = [1, 1]} : vector<16x128xf32> to vector<16x1xf32>
    %add3A_1802 = arith.addf %add3A_1797, %slice3A_1801 : vector<16x1xf32>
    %swap3A_1803 = arith.constant 0 : index
    %swap3A_1804 = arith.constant 90 : index
    %swap3A_1805 = vector.load %arg6[%swap3A_1803, %swap3A_1804] : memref<16x128xf32, #tpu.memory_space<vmem>>, vector<16x1xf32>
    tpu.vector_store %arg6[%swap3A_1803, %swap3A_1804], %add3A_1802 {strides = array<i32>} : memref<16x128xf32, #tpu.memory_space<vmem>>, vector<16x1xf32>,
    %slice3A_1806 = vector.extract_strided_slice %get3A_1348 {offsets = [0, 91], sizes = [16, 1], strides = [1, 1]} : vector<16x128xf32> to vector<16x1xf32>
    %add3A_1807 = arith.addf %add3A_1802, %slice3A_1806 : vector<16x1xf32>
    %swap3A_1808 = arith.constant 0 : index
    %swap3A_1809 = arith.constant 91 : index
    %swap3A_1810 = vector.load %arg6[%swap3A_1808, %swap3A_1809] : memref<16x128xf32, #tpu.memory_space<vmem>>, vector<16x1xf32>
    tpu.vector_store %arg6[%swap3A_1808, %swap3A_1809], %add3A_1807 {strides = array<i32>} : memref<16x128xf32, #tpu.memory_space<vmem>>, vector<16x1xf32>,
    %slice3A_1811 = vector.extract_strided_slice %get3A_1348 {offsets = [0, 92], sizes = [16, 1], strides = [1, 1]} : vector<16x128xf32> to vector<16x1xf32>
    %add3A_1812 = arith.addf %add3A_1807, %slice3A_1811 : vector<16x1xf32>
    %swap3A_1813 = arith.constant 0 : index
    %swap3A_1814 = arith.constant 92 : index
    %swap3A_1815 = vector.load %arg6[%swap3A_1813, %swap3A_1814] : memref<16x128xf32, #tpu.memory_space<vmem>>, vector<16x1xf32>
    tpu.vector_store %arg6[%swap3A_1813, %swap3A_1814], %add3A_1812 {strides = array<i32>} : memref<16x128xf32, #tpu.memory_space<vmem>>, vector<16x1xf32>,
    %slice3A_1816 = vector.extract_strided_slice %get3A_1348 {offsets = [0, 93], sizes = [16, 1], strides = [1, 1]} : vector<16x128xf32> to vector<16x1xf32>
    %add3A_1817 = arith.addf %add3A_1812, %slice3A_1816 : vector<16x1xf32>
    %swap3A_1818 = arith.constant 0 : index
    %swap3A_1819 = arith.constant 93 : index
    %swap3A_1820 = vector.load %arg6[%swap3A_1818, %swap3A_1819] : memref<16x128xf32, #tpu.memory_space<vmem>>, vector<16x1xf32>
    tpu.vector_store %arg6[%swap3A_1818, %swap3A_1819], %add3A_1817 {strides = array<i32>} : memref<16x128xf32, #tpu.memory_space<vmem>>, vector<16x1xf32>,
    %slice3A_1821 = vector.extract_strided_slice %get3A_1348 {offsets = [0, 94], sizes = [16, 1], strides = [1, 1]} : vector<16x128xf32> to vector<16x1xf32>
    %add3A_1822 = arith.addf %add3A_1817, %slice3A_1821 : vector<16x1xf32>
    %swap3A_1823 = arith.constant 0 : index
    %swap3A_1824 = arith.constant 94 : index
    %swap3A_1825 = vector.load %arg6[%swap3A_1823, %swap3A_1824] : memref<16x128xf32, #tpu.memory_space<vmem>>, vector<16x1xf32>
    tpu.vector_store %arg6[%swap3A_1823, %swap3A_1824], %add3A_1822 {strides = array<i32>} : memref<16x128xf32, #tpu.memory_space<vmem>>, vector<16x1xf32>,
    %slice3A_1826 = vector.extract_strided_slice %get3A_1348 {offsets = [0, 95], sizes = [16, 1], strides = [1, 1]} : vector<16x128xf32> to vector<16x1xf32>
    %add3A_1827 = arith.addf %add3A_1822, %slice3A_1826 : vector<16x1xf32>
    %swap3A_1828 = arith.constant 0 : index
    %swap3A_1829 = arith.constant 95 : index
    %swap3A_1830 = vector.load %arg6[%swap3A_1828, %swap3A_1829] : memref<16x128xf32, #tpu.memory_space<vmem>>, vector<16x1xf32>
    tpu.vector_store %arg6[%swap3A_1828, %swap3A_1829], %add3A_1827 {strides = array<i32>} : memref<16x128xf32, #tpu.memory_space<vmem>>, vector<16x1xf32>,
    %slice3A_1831 = vector.extract_strided_slice %get3A_1348 {offsets = [0, 96], sizes = [16, 1], strides = [1, 1]} : vector<16x128xf32> to vector<16x1xf32>
    %add3A_1832 = arith.addf %add3A_1827, %slice3A_1831 : vector<16x1xf32>
    %swap3A_1833 = arith.constant 0 : index
    %swap3A_1834 = arith.constant 96 : index
    %swap3A_1835 = vector.load %arg6[%swap3A_1833, %swap3A_1834] : memref<16x128xf32, #tpu.memory_space<vmem>>, vector<16x1xf32>
    tpu.vector_store %arg6[%swap3A_1833, %swap3A_1834], %add3A_1832 {strides = array<i32>} : memref<16x128xf32, #tpu.memory_space<vmem>>, vector<16x1xf32>,
    %slice3A_1836 = vector.extract_strided_slice %get3A_1348 {offsets = [0, 97], sizes = [16, 1], strides = [1, 1]} : vector<16x128xf32> to vector<16x1xf32>
    %add3A_1837 = arith.addf %add3A_1832, %slice3A_1836 : vector<16x1xf32>
    %swap3A_1838 = arith.constant 0 : index
    %swap3A_1839 = arith.constant 97 : index
    %swap3A_1840 = vector.load %arg6[%swap3A_1838, %swap3A_1839] : memref<16x128xf32, #tpu.memory_space<vmem>>, vector<16x1xf32>
    tpu.vector_store %arg6[%swap3A_1838, %swap3A_1839], %add3A_1837 {strides = array<i32>} : memref<16x128xf32, #tpu.memory_space<vmem>>, vector<16x1xf32>,
    %slice3A_1841 = vector.extract_strided_slice %get3A_1348 {offsets = [0, 98], sizes = [16, 1], strides = [1, 1]} : vector<16x128xf32> to vector<16x1xf32>
    %add3A_1842 = arith.addf %add3A_1837, %slice3A_1841 : vector<16x1xf32>
    %swap3A_1843 = arith.constant 0 : index
    %swap3A_1844 = arith.constant 98 : index
    %swap3A_1845 = vector.load %arg6[%swap3A_1843, %swap3A_1844] : memref<16x128xf32, #tpu.memory_space<vmem>>, vector<16x1xf32>
    tpu.vector_store %arg6[%swap3A_1843, %swap3A_1844], %add3A_1842 {strides = array<i32>} : memref<16x128xf32, #tpu.memory_space<vmem>>, vector<16x1xf32>,
    %slice3A_1846 = vector.extract_strided_slice %get3A_1348 {offsets = [0, 99], sizes = [16, 1], strides = [1, 1]} : vector<16x128xf32> to vector<16x1xf32>
    %add3A_1847 = arith.addf %add3A_1842, %slice3A_1846 : vector<16x1xf32>
    %swap3A_1848 = arith.constant 0 : index
    %swap3A_1849 = arith.constant 99 : index
    %swap3A_1850 = vector.load %arg6[%swap3A_1848, %swap3A_1849] : memref<16x128xf32, #tpu.memory_space<vmem>>, vector<16x1xf32>
    tpu.vector_store %arg6[%swap3A_1848, %swap3A_1849], %add3A_1847 {strides = array<i32>} : memref<16x128xf32, #tpu.memory_space<vmem>>, vector<16x1xf32>,
    %slice3A_1851 = vector.extract_strided_slice %get3A_1348 {offsets = [0, 100], sizes = [16, 1], strides = [1, 1]} : vector<16x128xf32> to vector<16x1xf32>
    %add3A_1852 = arith.addf %add3A_1847, %slice3A_1851 : vector<16x1xf32>
    %swap3A_1853 = arith.constant 0 : index
    %swap3A_1854 = arith.constant 100 : index
    %swap3A_1855 = vector.load %arg6[%swap3A_1853, %swap3A_1854] : memref<16x128xf32, #tpu.memory_space<vmem>>, vector<16x1xf32>
    tpu.vector_store %arg6[%swap3A_1853, %swap3A_1854], %add3A_1852 {strides = array<i32>} : memref<16x128xf32, #tpu.memory_space<vmem>>, vector<16x1xf32>,
    %slice3A_1856 = vector.extract_strided_slice %get3A_1348 {offsets = [0, 101], sizes = [16, 1], strides = [1, 1]} : vector<16x128xf32> to vector<16x1xf32>
    %add3A_1857 = arith.addf %add3A_1852, %slice3A_1856 : vector<16x1xf32>
    %swap3A_1858 = arith.constant 0 : index
    %swap3A_1859 = arith.constant 101 : index
    %swap3A_1860 = vector.load %arg6[%swap3A_1858, %swap3A_1859] : memref<16x128xf32, #tpu.memory_space<vmem>>, vector<16x1xf32>
    tpu.vector_store %arg6[%swap3A_1858, %swap3A_1859], %add3A_1857 {strides = array<i32>} : memref<16x128xf32, #tpu.memory_space<vmem>>, vector<16x1xf32>,
    %slice3A_1861 = vector.extract_strided_slice %get3A_1348 {offsets = [0, 102], sizes = [16, 1], strides = [1, 1]} : vector<16x128xf32> to vector<16x1xf32>
    %add3A_1862 = arith.addf %add3A_1857, %slice3A_1861 : vector<16x1xf32>
    %swap3A_1863 = arith.constant 0 : index
    %swap3A_1864 = arith.constant 102 : index
    %swap3A_1865 = vector.load %arg6[%swap3A_1863, %swap3A_1864] : memref<16x128xf32, #tpu.memory_space<vmem>>, vector<16x1xf32>
    tpu.vector_store %arg6[%swap3A_1863, %swap3A_1864], %add3A_1862 {strides = array<i32>} : memref<16x128xf32, #tpu.memory_space<vmem>>, vector<16x1xf32>,
    %slice3A_1866 = vector.extract_strided_slice %get3A_1348 {offsets = [0, 103], sizes = [16, 1], strides = [1, 1]} : vector<16x128xf32> to vector<16x1xf32>
    %add3A_1867 = arith.addf %add3A_1862, %slice3A_1866 : vector<16x1xf32>
    %swap3A_1868 = arith.constant 0 : index
    %swap3A_1869 = arith.constant 103 : index
    %swap3A_1870 = vector.load %arg6[%swap3A_1868, %swap3A_1869] : memref<16x128xf32, #tpu.memory_space<vmem>>, vector<16x1xf32>
    tpu.vector_store %arg6[%swap3A_1868, %swap3A_1869], %add3A_1867 {strides = array<i32>} : memref<16x128xf32, #tpu.memory_space<vmem>>, vector<16x1xf32>,
    %slice3A_1871 = vector.extract_strided_slice %get3A_1348 {offsets = [0, 104], sizes = [16, 1], strides = [1, 1]} : vector<16x128xf32> to vector<16x1xf32>
    %add3A_1872 = arith.addf %add3A_1867, %slice3A_1871 : vector<16x1xf32>
    %swap3A_1873 = arith.constant 0 : index
    %swap3A_1874 = arith.constant 104 : index
    %swap3A_1875 = vector.load %arg6[%swap3A_1873, %swap3A_1874] : memref<16x128xf32, #tpu.memory_space<vmem>>, vector<16x1xf32>
    tpu.vector_store %arg6[%swap3A_1873, %swap3A_1874], %add3A_1872 {strides = array<i32>} : memref<16x128xf32, #tpu.memory_space<vmem>>, vector<16x1xf32>,
    %slice3A_1876 = vector.extract_strided_slice %get3A_1348 {offsets = [0, 105], sizes = [16, 1], strides = [1, 1]} : vector<16x128xf32> to vector<16x1xf32>
    %add3A_1877 = arith.addf %add3A_1872, %slice3A_1876 : vector<16x1xf32>
    %swap3A_1878 = arith.constant 0 : index
    %swap3A_1879 = arith.constant 105 : index
    %swap3A_1880 = vector.load %arg6[%swap3A_1878, %swap3A_1879] : memref<16x128xf32, #tpu.memory_space<vmem>>, vector<16x1xf32>
    tpu.vector_store %arg6[%swap3A_1878, %swap3A_1879], %add3A_1877 {strides = array<i32>} : memref<16x128xf32, #tpu.memory_space<vmem>>, vector<16x1xf32>,
    %slice3A_1881 = vector.extract_strided_slice %get3A_1348 {offsets = [0, 106], sizes = [16, 1], strides = [1, 1]} : vector<16x128xf32> to vector<16x1xf32>
    %add3A_1882 = arith.addf %add3A_1877, %slice3A_1881 : vector<16x1xf32>
    %swap3A_1883 = arith.constant 0 : index
    %swap3A_1884 = arith.constant 106 : index
    %swap3A_1885 = vector.load %arg6[%swap3A_1883, %swap3A_1884] : memref<16x128xf32, #tpu.memory_space<vmem>>, vector<16x1xf32>
    tpu.vector_store %arg6[%swap3A_1883, %swap3A_1884], %add3A_1882 {strides = array<i32>} : memref<16x128xf32, #tpu.memory_space<vmem>>, vector<16x1xf32>,
    %slice3A_1886 = vector.extract_strided_slice %get3A_1348 {offsets = [0, 107], sizes = [16, 1], strides = [1, 1]} : vector<16x128xf32> to vector<16x1xf32>
    %add3A_1887 = arith.addf %add3A_1882, %slice3A_1886 : vector<16x1xf32>
    %swap3A_1888 = arith.constant 0 : index
    %swap3A_1889 = arith.constant 107 : index
    %swap3A_1890 = vector.load %arg6[%swap3A_1888, %swap3A_1889] : memref<16x128xf32, #tpu.memory_space<vmem>>, vector<16x1xf32>
    tpu.vector_store %arg6[%swap3A_1888, %swap3A_1889], %add3A_1887 {strides = array<i32>} : memref<16x128xf32, #tpu.memory_space<vmem>>, vector<16x1xf32>,
    %slice3A_1891 = vector.extract_strided_slice %get3A_1348 {offsets = [0, 108], sizes = [16, 1], strides = [1, 1]} : vector<16x128xf32> to vector<16x1xf32>
    %add3A_1892 = arith.addf %add3A_1887, %slice3A_1891 : vector<16x1xf32>
    %swap3A_1893 = arith.constant 0 : index
    %swap3A_1894 = arith.constant 108 : index
    %swap3A_1895 = vector.load %arg6[%swap3A_1893, %swap3A_1894] : memref<16x128xf32, #tpu.memory_space<vmem>>, vector<16x1xf32>
    tpu.vector_store %arg6[%swap3A_1893, %swap3A_1894], %add3A_1892 {strides = array<i32>} : memref<16x128xf32, #tpu.memory_space<vmem>>, vector<16x1xf32>,
    %slice3A_1896 = vector.extract_strided_slice %get3A_1348 {offsets = [0, 109], sizes = [16, 1], strides = [1, 1]} : vector<16x128xf32> to vector<16x1xf32>
    %add3A_1897 = arith.addf %add3A_1892, %slice3A_1896 : vector<16x1xf32>
    %swap3A_1898 = arith.constant 0 : index
    %swap3A_1899 = arith.constant 109 : index
    %swap3A_1900 = vector.load %arg6[%swap3A_1898, %swap3A_1899] : memref<16x128xf32, #tpu.memory_space<vmem>>, vector<16x1xf32>
    tpu.vector_store %arg6[%swap3A_1898, %swap3A_1899], %add3A_1897 {strides = array<i32>} : memref<16x128xf32, #tpu.memory_space<vmem>>, vector<16x1xf32>,
    %slice3A_1901 = vector.extract_strided_slice %get3A_1348 {offsets = [0, 110], sizes = [16, 1], strides = [1, 1]} : vector<16x128xf32> to vector<16x1xf32>
    %add3A_1902 = arith.addf %add3A_1897, %slice3A_1901 : vector<16x1xf32>
    %swap3A_1903 = arith.constant 0 : index
    %swap3A_1904 = arith.constant 110 : index
    %swap3A_1905 = vector.load %arg6[%swap3A_1903, %swap3A_1904] : memref<16x128xf32, #tpu.memory_space<vmem>>, vector<16x1xf32>
    tpu.vector_store %arg6[%swap3A_1903, %swap3A_1904], %add3A_1902 {strides = array<i32>} : memref<16x128xf32, #tpu.memory_space<vmem>>, vector<16x1xf32>,
    %slice3A_1906 = vector.extract_strided_slice %get3A_1348 {offsets = [0, 111], sizes = [16, 1], strides = [1, 1]} : vector<16x128xf32> to vector<16x1xf32>
    %add3A_1907 = arith.addf %add3A_1902, %slice3A_1906 : vector<16x1xf32>
    %swap3A_1908 = arith.constant 0 : index
    %swap3A_1909 = arith.constant 111 : index
    %swap3A_1910 = vector.load %arg6[%swap3A_1908, %swap3A_1909] : memref<16x128xf32, #tpu.memory_space<vmem>>, vector<16x1xf32>
    tpu.vector_store %arg6[%swap3A_1908, %swap3A_1909], %add3A_1907 {strides = array<i32>} : memref<16x128xf32, #tpu.memory_space<vmem>>, vector<16x1xf32>,
    %slice3A_1911 = vector.extract_strided_slice %get3A_1348 {offsets = [0, 112], sizes = [16, 1], strides = [1, 1]} : vector<16x128xf32> to vector<16x1xf32>
    %add3A_1912 = arith.addf %add3A_1907, %slice3A_1911 : vector<16x1xf32>
    %swap3A_1913 = arith.constant 0 : index
    %swap3A_1914 = arith.constant 112 : index
    %swap3A_1915 = vector.load %arg6[%swap3A_1913, %swap3A_1914] : memref<16x128xf32, #tpu.memory_space<vmem>>, vector<16x1xf32>
    tpu.vector_store %arg6[%swap3A_1913, %swap3A_1914], %add3A_1912 {strides = array<i32>} : memref<16x128xf32, #tpu.memory_space<vmem>>, vector<16x1xf32>,
    %slice3A_1916 = vector.extract_strided_slice %get3A_1348 {offsets = [0, 113], sizes = [16, 1], strides = [1, 1]} : vector<16x128xf32> to vector<16x1xf32>
    %add3A_1917 = arith.addf %add3A_1912, %slice3A_1916 : vector<16x1xf32>
    %swap3A_1918 = arith.constant 0 : index
    %swap3A_1919 = arith.constant 113 : index
    %swap3A_1920 = vector.load %arg6[%swap3A_1918, %swap3A_1919] : memref<16x128xf32, #tpu.memory_space<vmem>>, vector<16x1xf32>
    tpu.vector_store %arg6[%swap3A_1918, %swap3A_1919], %add3A_1917 {strides = array<i32>} : memref<16x128xf32, #tpu.memory_space<vmem>>, vector<16x1xf32>,
    %slice3A_1921 = vector.extract_strided_slice %get3A_1348 {offsets = [0, 114], sizes = [16, 1], strides = [1, 1]} : vector<16x128xf32> to vector<16x1xf32>
    %add3A_1922 = arith.addf %add3A_1917, %slice3A_1921 : vector<16x1xf32>
    %swap3A_1923 = arith.constant 0 : index
    %swap3A_1924 = arith.constant 114 : index
    %swap3A_1925 = vector.load %arg6[%swap3A_1923, %swap3A_1924] : memref<16x128xf32, #tpu.memory_space<vmem>>, vector<16x1xf32>
    tpu.vector_store %arg6[%swap3A_1923, %swap3A_1924], %add3A_1922 {strides = array<i32>} : memref<16x128xf32, #tpu.memory_space<vmem>>, vector<16x1xf32>,
    %slice3A_1926 = vector.extract_strided_slice %get3A_1348 {offsets = [0, 115], sizes = [16, 1], strides = [1, 1]} : vector<16x128xf32> to vector<16x1xf32>
    %add3A_1927 = arith.addf %add3A_1922, %slice3A_1926 : vector<16x1xf32>
    %swap3A_1928 = arith.constant 0 : index
    %swap3A_1929 = arith.constant 115 : index
    %swap3A_1930 = vector.load %arg6[%swap3A_1928, %swap3A_1929] : memref<16x128xf32, #tpu.memory_space<vmem>>, vector<16x1xf32>
    tpu.vector_store %arg6[%swap3A_1928, %swap3A_1929], %add3A_1927 {strides = array<i32>} : memref<16x128xf32, #tpu.memory_space<vmem>>, vector<16x1xf32>,
    %slice3A_1931 = vector.extract_strided_slice %get3A_1348 {offsets = [0, 116], sizes = [16, 1], strides = [1, 1]} : vector<16x128xf32> to vector<16x1xf32>
    %add3A_1932 = arith.addf %add3A_1927, %slice3A_1931 : vector<16x1xf32>
    %swap3A_1933 = arith.constant 0 : index
    %swap3A_1934 = arith.constant 116 : index
    %swap3A_1935 = vector.load %arg6[%swap3A_1933, %swap3A_1934] : memref<16x128xf32, #tpu.memory_space<vmem>>, vector<16x1xf32>
    tpu.vector_store %arg6[%swap3A_1933, %swap3A_1934], %add3A_1932 {strides = array<i32>} : memref<16x128xf32, #tpu.memory_space<vmem>>, vector<16x1xf32>,
    %slice3A_1936 = vector.extract_strided_slice %get3A_1348 {offsets = [0, 117], sizes = [16, 1], strides = [1, 1]} : vector<16x128xf32> to vector<16x1xf32>
    %add3A_1937 = arith.addf %add3A_1932, %slice3A_1936 : vector<16x1xf32>
    %swap3A_1938 = arith.constant 0 : index
    %swap3A_1939 = arith.constant 117 : index
    %swap3A_1940 = vector.load %arg6[%swap3A_1938, %swap3A_1939] : memref<16x128xf32, #tpu.memory_space<vmem>>, vector<16x1xf32>
    tpu.vector_store %arg6[%swap3A_1938, %swap3A_1939], %add3A_1937 {strides = array<i32>} : memref<16x128xf32, #tpu.memory_space<vmem>>, vector<16x1xf32>,
    %slice3A_1941 = vector.extract_strided_slice %get3A_1348 {offsets = [0, 118], sizes = [16, 1], strides = [1, 1]} : vector<16x128xf32> to vector<16x1xf32>
    %add3A_1942 = arith.addf %add3A_1937, %slice3A_1941 : vector<16x1xf32>
    %swap3A_1943 = arith.constant 0 : index
    %swap3A_1944 = arith.constant 118 : index
    %swap3A_1945 = vector.load %arg6[%swap3A_1943, %swap3A_1944] : memref<16x128xf32, #tpu.memory_space<vmem>>, vector<16x1xf32>
    tpu.vector_store %arg6[%swap3A_1943, %swap3A_1944], %add3A_1942 {strides = array<i32>} : memref<16x128xf32, #tpu.memory_space<vmem>>, vector<16x1xf32>,
    %slice3A_1946 = vector.extract_strided_slice %get3A_1348 {offsets = [0, 119], sizes = [16, 1], strides = [1, 1]} : vector<16x128xf32> to vector<16x1xf32>
    %add3A_1947 = arith.addf %add3A_1942, %slice3A_1946 : vector<16x1xf32>
    %swap3A_1948 = arith.constant 0 : index
    %swap3A_1949 = arith.constant 119 : index
    %swap3A_1950 = vector.load %arg6[%swap3A_1948, %swap3A_1949] : memref<16x128xf32, #tpu.memory_space<vmem>>, vector<16x1xf32>
    tpu.vector_store %arg6[%swap3A_1948, %swap3A_1949], %add3A_1947 {strides = array<i32>} : memref<16x128xf32, #tpu.memory_space<vmem>>, vector<16x1xf32>,
    %slice3A_1951 = vector.extract_strided_slice %get3A_1348 {offsets = [0, 120], sizes = [16, 1], strides = [1, 1]} : vector<16x128xf32> to vector<16x1xf32>
    %add3A_1952 = arith.addf %add3A_1947, %slice3A_1951 : vector<16x1xf32>
    %swap3A_1953 = arith.constant 0 : index
    %swap3A_1954 = arith.constant 120 : index
    %swap3A_1955 = vector.load %arg6[%swap3A_1953, %swap3A_1954] : memref<16x128xf32, #tpu.memory_space<vmem>>, vector<16x1xf32>
    tpu.vector_store %arg6[%swap3A_1953, %swap3A_1954], %add3A_1952 {strides = array<i32>} : memref<16x128xf32, #tpu.memory_space<vmem>>, vector<16x1xf32>,
    %slice3A_1956 = vector.extract_strided_slice %get3A_1348 {offsets = [0, 121], sizes = [16, 1], strides = [1, 1]} : vector<16x128xf32> to vector<16x1xf32>
    %add3A_1957 = arith.addf %add3A_1952, %slice3A_1956 : vector<16x1xf32>
    %swap3A_1958 = arith.constant 0 : index
    %swap3A_1959 = arith.constant 121 : index
    %swap3A_1960 = vector.load %arg6[%swap3A_1958, %swap3A_1959] : memref<16x128xf32, #tpu.memory_space<vmem>>, vector<16x1xf32>
    tpu.vector_store %arg6[%swap3A_1958, %swap3A_1959], %add3A_1957 {strides = array<i32>} : memref<16x128xf32, #tpu.memory_space<vmem>>, vector<16x1xf32>,
    %slice3A_1961 = vector.extract_strided_slice %get3A_1348 {offsets = [0, 122], sizes = [16, 1], strides = [1, 1]} : vector<16x128xf32> to vector<16x1xf32>
    %add3A_1962 = arith.addf %add3A_1957, %slice3A_1961 : vector<16x1xf32>
    %swap3A_1963 = arith.constant 0 : index
    %swap3A_1964 = arith.constant 122 : index
    %swap3A_1965 = vector.load %arg6[%swap3A_1963, %swap3A_1964] : memref<16x128xf32, #tpu.memory_space<vmem>>, vector<16x1xf32>
    tpu.vector_store %arg6[%swap3A_1963, %swap3A_1964], %add3A_1962 {strides = array<i32>} : memref<16x128xf32, #tpu.memory_space<vmem>>, vector<16x1xf32>,
    %slice3A_1966 = vector.extract_strided_slice %get3A_1348 {offsets = [0, 123], sizes = [16, 1], strides = [1, 1]} : vector<16x128xf32> to vector<16x1xf32>
    %add3A_1967 = arith.addf %add3A_1962, %slice3A_1966 : vector<16x1xf32>
    %swap3A_1968 = arith.constant 0 : index
    %swap3A_1969 = arith.constant 123 : index
    %swap3A_1970 = vector.load %arg6[%swap3A_1968, %swap3A_1969] : memref<16x128xf32, #tpu.memory_space<vmem>>, vector<16x1xf32>
    tpu.vector_store %arg6[%swap3A_1968, %swap3A_1969], %add3A_1967 {strides = array<i32>} : memref<16x128xf32, #tpu.memory_space<vmem>>, vector<16x1xf32>,
    %slice3A_1971 = vector.extract_strided_slice %get3A_1348 {offsets = [0, 124], sizes = [16, 1], strides = [1, 1]} : vector<16x128xf32> to vector<16x1xf32>
    %add3A_1972 = arith.addf %add3A_1967, %slice3A_1971 : vector<16x1xf32>
    %swap3A_1973 = arith.constant 0 : index
    %swap3A_1974 = arith.constant 124 : index
    %swap3A_1975 = vector.load %arg6[%swap3A_1973, %swap3A_1974] : memref<16x128xf32, #tpu.memory_space<vmem>>, vector<16x1xf32>
    tpu.vector_store %arg6[%swap3A_1973, %swap3A_1974], %add3A_1972 {strides = array<i32>} : memref<16x128xf32, #tpu.memory_space<vmem>>, vector<16x1xf32>,
    %slice3A_1976 = vector.extract_strided_slice %get3A_1348 {offsets = [0, 125], sizes = [16, 1], strides = [1, 1]} : vector<16x128xf32> to vector<16x1xf32>
    %add3A_1977 = arith.addf %add3A_1972, %slice3A_1976 : vector<16x1xf32>
    %swap3A_1978 = arith.constant 0 : index
    %swap3A_1979 = arith.constant 125 : index
    %swap3A_1980 = vector.load %arg6[%swap3A_1978, %swap3A_1979] : memref<16x128xf32, #tpu.memory_space<vmem>>, vector<16x1xf32>
    tpu.vector_store %arg6[%swap3A_1978, %swap3A_1979], %add3A_1977 {strides = array<i32>} : memref<16x128xf32, #tpu.memory_space<vmem>>, vector<16x1xf32>,
    %slice3A_1981 = vector.extract_strided_slice %get3A_1348 {offsets = [0, 126], sizes = [16, 1], strides = [1, 1]} : vector<16x128xf32> to vector<16x1xf32>
    %add3A_1982 = arith.addf %add3A_1977, %slice3A_1981 : vector<16x1xf32>
    %swap3A_1983 = arith.constant 0 : index
    %swap3A_1984 = arith.constant 126 : index
    %swap3A_1985 = vector.load %arg6[%swap3A_1983, %swap3A_1984] : memref<16x128xf32, #tpu.memory_space<vmem>>, vector<16x1xf32>
    tpu.vector_store %arg6[%swap3A_1983, %swap3A_1984], %add3A_1982 {strides = array<i32>} : memref<16x128xf32, #tpu.memory_space<vmem>>, vector<16x1xf32>,
    %slice3A_1986 = vector.extract_strided_slice %get3A_1348 {offsets = [0, 127], sizes = [16, 1], strides = [1, 1]} : vector<16x128xf32> to vector<16x1xf32>
    %add3A_1987 = arith.addf %add3A_1982, %slice3A_1986 : vector<16x1xf32>
    %swap3A_1988 = arith.constant 0 : index
    %swap3A_1989 = arith.constant 127 : index
    %swap3A_1990 = vector.load %arg6[%swap3A_1988, %swap3A_1989] : memref<16x128xf32, #tpu.memory_space<vmem>>, vector<16x1xf32>
    tpu.vector_store %arg6[%swap3A_1988, %swap3A_1989], %add3A_1987 {strides = array<i32>} : memref<16x128xf32, #tpu.memory_space<vmem>>, vector<16x1xf32>,
    %get3A_1991 = arith.constant 0 : index
    %get3A_1992 = arith.constant 127 : index
    %get3A_1993 = vector.load %arg6[%get3A_1991, %get3A_1992] : memref<16x128xf32, #tpu.memory_space<vmem>>, vector<16x1xf32>
    %iota3A_1994 = tpu.iota {dimensions = array<i32: 0>} : vector<16x1xi32>
    %broadcast_in_dim3A_1995 = arith.constant 0.000000e+00 : f32
    %broadcast_in_dim3A_1996 = vector.broadcast %broadcast_in_dim3A_1995 : f32 to vector<16x1xf32>
    %eq3A_1997 = arith.constant 0 : i32
    %eq3A_1998 = vector.broadcast %eq3A_1997 : i32 to vector<16x1xi32>
    %eq3A_1999 = arith.cmpi eq, %iota3A_1994, %eq3A_1998 : vector<16x1xi32>
    %jit3A_2000 = arith.constant 0.000000e+00 : f32
    %broadcast_in_dim3A_2001 = vector.broadcast %jit3A_2000 : f32 to vector<16x1xf32>
    %select_n3A_2002 = arith.select %eq3A_1999, %get3A_1993, %broadcast_in_dim3A_2001 : vector<16x1xi1>, vector<16x1xf32>
    %reduce_sum3A_2003 = vector.shape_cast %select_n3A_2002 : vector<16x1xf32> to vector<1x16x1xf32>
    %reduce_sum3A_2004 = arith.constant dense<0.000000e+00> : vector<1xf32>
    %reduce_sum3A_2005 = vector.multi_reduction <add>, %reduce_sum3A_2003, %reduce_sum3A_2004 [1, 2] : vector<1x16x1xf32> to vector<1xf32>
    %reduce_sum3A_2006 = vector.shape_cast %reduce_sum3A_2005 : vector<1xf32> to vector<1x1x1xf32>
    %reduce_sum3A_2007 = vector.extract %reduce_sum3A_2006[0, 0, 0] : f32 from vector<1x1x1xf32>
    %add3A_2008 = arith.constant 0.000000e+00 : f32
    %add3A_2009 = arith.addf %add3A_2008, %reduce_sum3A_2007 : f32
    %eq3A_2010 = arith.constant 0 : i32
    %eq3A_2011 = vector.broadcast %eq3A_2010 : i32 to vector<16x1xi32>
    %eq3A_2012 = arith.cmpi eq, %iota3A_1994, %eq3A_2011 : vector<16x1xi32>
    %broadcast_in_dim3A_2013 = vector.broadcast %add3A_2009 : f32 to vector<16x1xf32>
    %select_n3A_2014 = arith.select %eq3A_2012, %broadcast_in_dim3A_2013, %broadcast_in_dim3A_1996 : vector<16x1xi1>, vector<16x1xf32>
    %eq3A_2015 = arith.constant 1 : i32
    %eq3A_2016 = vector.broadcast %eq3A_2015 : i32 to vector<16x1xi32>
    %eq3A_2017 = arith.cmpi eq, %iota3A_1994, %eq3A_2016 : vector<16x1xi32>
    %jit3A_2018 = arith.constant 0.000000e+00 : f32
    %broadcast_in_dim3A_2019 = vector.broadcast %jit3A_2018 : f32 to vector<16x1xf32>
    %select_n3A_2020 = arith.select %eq3A_2017, %get3A_1993, %broadcast_in_dim3A_2019 : vector<16x1xi1>, vector<16x1xf32>
    %reduce_sum3A_2021 = vector.shape_cast %select_n3A_2020 : vector<16x1xf32> to vector<1x16x1xf32>
    %reduce_sum3A_2022 = arith.constant dense<0.000000e+00> : vector<1xf32>
    %reduce_sum3A_2023 = vector.multi_reduction <add>, %reduce_sum3A_2021, %reduce_sum3A_2022 [1, 2] : vector<1x16x1xf32> to vector<1xf32>
    %reduce_sum3A_2024 = vector.shape_cast %reduce_sum3A_2023 : vector<1xf32> to vector<1x1x1xf32>
    %reduce_sum3A_2025 = vector.extract %reduce_sum3A_2024[0, 0, 0] : f32 from vector<1x1x1xf32>
    %add3A_2026 = arith.addf %add3A_2009, %reduce_sum3A_2025 : f32
    %eq3A_2027 = arith.constant 1 : i32
    %eq3A_2028 = vector.broadcast %eq3A_2027 : i32 to vector<16x1xi32>
    %eq3A_2029 = arith.cmpi eq, %iota3A_1994, %eq3A_2028 : vector<16x1xi32>
    %broadcast_in_dim3A_2030 = vector.broadcast %add3A_2026 : f32 to vector<16x1xf32>
    %select_n3A_2031 = arith.select %eq3A_2029, %broadcast_in_dim3A_2030, %select_n3A_2014 : vector<16x1xi1>, vector<16x1xf32>
    %eq3A_2032 = arith.constant 2 : i32
    %eq3A_2033 = vector.broadcast %eq3A_2032 : i32 to vector<16x1xi32>
    %eq3A_2034 = arith.cmpi eq, %iota3A_1994, %eq3A_2033 : vector<16x1xi32>
    %jit3A_2035 = arith.constant 0.000000e+00 : f32
    %broadcast_in_dim3A_2036 = vector.broadcast %jit3A_2035 : f32 to vector<16x1xf32>
    %select_n3A_2037 = arith.select %eq3A_2034, %get3A_1993, %broadcast_in_dim3A_2036 : vector<16x1xi1>, vector<16x1xf32>
    %reduce_sum3A_2038 = vector.shape_cast %select_n3A_2037 : vector<16x1xf32> to vector<1x16x1xf32>
    %reduce_sum3A_2039 = arith.constant dense<0.000000e+00> : vector<1xf32>
    %reduce_sum3A_2040 = vector.multi_reduction <add>, %reduce_sum3A_2038, %reduce_sum3A_2039 [1, 2] : vector<1x16x1xf32> to vector<1xf32>
    %reduce_sum3A_2041 = vector.shape_cast %reduce_sum3A_2040 : vector<1xf32> to vector<1x1x1xf32>
    %reduce_sum3A_2042 = vector.extract %reduce_sum3A_2041[0, 0, 0] : f32 from vector<1x1x1xf32>
    %add3A_2043 = arith.addf %add3A_2026, %reduce_sum3A_2042 : f32
    %eq3A_2044 = arith.constant 2 : i32
    %eq3A_2045 = vector.broadcast %eq3A_2044 : i32 to vector<16x1xi32>
    %eq3A_2046 = arith.cmpi eq, %iota3A_1994, %eq3A_2045 : vector<16x1xi32>
    %broadcast_in_dim3A_2047 = vector.broadcast %add3A_2043 : f32 to vector<16x1xf32>
    %select_n3A_2048 = arith.select %eq3A_2046, %broadcast_in_dim3A_2047, %select_n3A_2031 : vector<16x1xi1>, vector<16x1xf32>
    %eq3A_2049 = arith.constant 3 : i32
    %eq3A_2050 = vector.broadcast %eq3A_2049 : i32 to vector<16x1xi32>
    %eq3A_2051 = arith.cmpi eq, %iota3A_1994, %eq3A_2050 : vector<16x1xi32>
    %jit3A_2052 = arith.constant 0.000000e+00 : f32
    %broadcast_in_dim3A_2053 = vector.broadcast %jit3A_2052 : f32 to vector<16x1xf32>
    %select_n3A_2054 = arith.select %eq3A_2051, %get3A_1993, %broadcast_in_dim3A_2053 : vector<16x1xi1>, vector<16x1xf32>
    %reduce_sum3A_2055 = vector.shape_cast %select_n3A_2054 : vector<16x1xf32> to vector<1x16x1xf32>
    %reduce_sum3A_2056 = arith.constant dense<0.000000e+00> : vector<1xf32>
    %reduce_sum3A_2057 = vector.multi_reduction <add>, %reduce_sum3A_2055, %reduce_sum3A_2056 [1, 2] : vector<1x16x1xf32> to vector<1xf32>
    %reduce_sum3A_2058 = vector.shape_cast %reduce_sum3A_2057 : vector<1xf32> to vector<1x1x1xf32>
    %reduce_sum3A_2059 = vector.extract %reduce_sum3A_2058[0, 0, 0] : f32 from vector<1x1x1xf32>
    %add3A_2060 = arith.addf %add3A_2043, %reduce_sum3A_2059 : f32
    %eq3A_2061 = arith.constant 3 : i32
    %eq3A_2062 = vector.broadcast %eq3A_2061 : i32 to vector<16x1xi32>
    %eq3A_2063 = arith.cmpi eq, %iota3A_1994, %eq3A_2062 : vector<16x1xi32>
    %broadcast_in_dim3A_2064 = vector.broadcast %add3A_2060 : f32 to vector<16x1xf32>
    %select_n3A_2065 = arith.select %eq3A_2063, %broadcast_in_dim3A_2064, %select_n3A_2048 : vector<16x1xi1>, vector<16x1xf32>
    %eq3A_2066 = arith.constant 4 : i32
    %eq3A_2067 = vector.broadcast %eq3A_2066 : i32 to vector<16x1xi32>
    %eq3A_2068 = arith.cmpi eq, %iota3A_1994, %eq3A_2067 : vector<16x1xi32>
    %jit3A_2069 = arith.constant 0.000000e+00 : f32
    %broadcast_in_dim3A_2070 = vector.broadcast %jit3A_2069 : f32 to vector<16x1xf32>
    %select_n3A_2071 = arith.select %eq3A_2068, %get3A_1993, %broadcast_in_dim3A_2070 : vector<16x1xi1>, vector<16x1xf32>
    %reduce_sum3A_2072 = vector.shape_cast %select_n3A_2071 : vector<16x1xf32> to vector<1x16x1xf32>
    %reduce_sum3A_2073 = arith.constant dense<0.000000e+00> : vector<1xf32>
    %reduce_sum3A_2074 = vector.multi_reduction <add>, %reduce_sum3A_2072, %reduce_sum3A_2073 [1, 2] : vector<1x16x1xf32> to vector<1xf32>
    %reduce_sum3A_2075 = vector.shape_cast %reduce_sum3A_2074 : vector<1xf32> to vector<1x1x1xf32>
    %reduce_sum3A_2076 = vector.extract %reduce_sum3A_2075[0, 0, 0] : f32 from vector<1x1x1xf32>
    %add3A_2077 = arith.addf %add3A_2060, %reduce_sum3A_2076 : f32
    %eq3A_2078 = arith.constant 4 : i32
    %eq3A_2079 = vector.broadcast %eq3A_2078 : i32 to vector<16x1xi32>
    %eq3A_2080 = arith.cmpi eq, %iota3A_1994, %eq3A_2079 : vector<16x1xi32>
    %broadcast_in_dim3A_2081 = vector.broadcast %add3A_2077 : f32 to vector<16x1xf32>
    %select_n3A_2082 = arith.select %eq3A_2080, %broadcast_in_dim3A_2081, %select_n3A_2065 : vector<16x1xi1>, vector<16x1xf32>
    %eq3A_2083 = arith.constant 5 : i32
    %eq3A_2084 = vector.broadcast %eq3A_2083 : i32 to vector<16x1xi32>
    %eq3A_2085 = arith.cmpi eq, %iota3A_1994, %eq3A_2084 : vector<16x1xi32>
    %jit3A_2086 = arith.constant 0.000000e+00 : f32
    %broadcast_in_dim3A_2087 = vector.broadcast %jit3A_2086 : f32 to vector<16x1xf32>
    %select_n3A_2088 = arith.select %eq3A_2085, %get3A_1993, %broadcast_in_dim3A_2087 : vector<16x1xi1>, vector<16x1xf32>
    %reduce_sum3A_2089 = vector.shape_cast %select_n3A_2088 : vector<16x1xf32> to vector<1x16x1xf32>
    %reduce_sum3A_2090 = arith.constant dense<0.000000e+00> : vector<1xf32>
    %reduce_sum3A_2091 = vector.multi_reduction <add>, %reduce_sum3A_2089, %reduce_sum3A_2090 [1, 2] : vector<1x16x1xf32> to vector<1xf32>
    %reduce_sum3A_2092 = vector.shape_cast %reduce_sum3A_2091 : vector<1xf32> to vector<1x1x1xf32>
    %reduce_sum3A_2093 = vector.extract %reduce_sum3A_2092[0, 0, 0] : f32 from vector<1x1x1xf32>
    %add3A_2094 = arith.addf %add3A_2077, %reduce_sum3A_2093 : f32
    %eq3A_2095 = arith.constant 5 : i32
    %eq3A_2096 = vector.broadcast %eq3A_2095 : i32 to vector<16x1xi32>
    %eq3A_2097 = arith.cmpi eq, %iota3A_1994, %eq3A_2096 : vector<16x1xi32>
    %broadcast_in_dim3A_2098 = vector.broadcast %add3A_2094 : f32 to vector<16x1xf32>
    %select_n3A_2099 = arith.select %eq3A_2097, %broadcast_in_dim3A_2098, %select_n3A_2082 : vector<16x1xi1>, vector<16x1xf32>
    %eq3A_2100 = arith.constant 6 : i32
    %eq3A_2101 = vector.broadcast %eq3A_2100 : i32 to vector<16x1xi32>
    %eq3A_2102 = arith.cmpi eq, %iota3A_1994, %eq3A_2101 : vector<16x1xi32>
    %jit3A_2103 = arith.constant 0.000000e+00 : f32
    %broadcast_in_dim3A_2104 = vector.broadcast %jit3A_2103 : f32 to vector<16x1xf32>
    %select_n3A_2105 = arith.select %eq3A_2102, %get3A_1993, %broadcast_in_dim3A_2104 : vector<16x1xi1>, vector<16x1xf32>
    %reduce_sum3A_2106 = vector.shape_cast %select_n3A_2105 : vector<16x1xf32> to vector<1x16x1xf32>
    %reduce_sum3A_2107 = arith.constant dense<0.000000e+00> : vector<1xf32>
    %reduce_sum3A_2108 = vector.multi_reduction <add>, %reduce_sum3A_2106, %reduce_sum3A_2107 [1, 2] : vector<1x16x1xf32> to vector<1xf32>
    %reduce_sum3A_2109 = vector.shape_cast %reduce_sum3A_2108 : vector<1xf32> to vector<1x1x1xf32>
    %reduce_sum3A_2110 = vector.extract %reduce_sum3A_2109[0, 0, 0] : f32 from vector<1x1x1xf32>
    %add3A_2111 = arith.addf %add3A_2094, %reduce_sum3A_2110 : f32
    %eq3A_2112 = arith.constant 6 : i32
    %eq3A_2113 = vector.broadcast %eq3A_2112 : i32 to vector<16x1xi32>
    %eq3A_2114 = arith.cmpi eq, %iota3A_1994, %eq3A_2113 : vector<16x1xi32>
    %broadcast_in_dim3A_2115 = vector.broadcast %add3A_2111 : f32 to vector<16x1xf32>
    %select_n3A_2116 = arith.select %eq3A_2114, %broadcast_in_dim3A_2115, %select_n3A_2099 : vector<16x1xi1>, vector<16x1xf32>
    %eq3A_2117 = arith.constant 7 : i32
    %eq3A_2118 = vector.broadcast %eq3A_2117 : i32 to vector<16x1xi32>
    %eq3A_2119 = arith.cmpi eq, %iota3A_1994, %eq3A_2118 : vector<16x1xi32>
    %jit3A_2120 = arith.constant 0.000000e+00 : f32
    %broadcast_in_dim3A_2121 = vector.broadcast %jit3A_2120 : f32 to vector<16x1xf32>
    %select_n3A_2122 = arith.select %eq3A_2119, %get3A_1993, %broadcast_in_dim3A_2121 : vector<16x1xi1>, vector<16x1xf32>
    %reduce_sum3A_2123 = vector.shape_cast %select_n3A_2122 : vector<16x1xf32> to vector<1x16x1xf32>
    %reduce_sum3A_2124 = arith.constant dense<0.000000e+00> : vector<1xf32>
    %reduce_sum3A_2125 = vector.multi_reduction <add>, %reduce_sum3A_2123, %reduce_sum3A_2124 [1, 2] : vector<1x16x1xf32> to vector<1xf32>
    %reduce_sum3A_2126 = vector.shape_cast %reduce_sum3A_2125 : vector<1xf32> to vector<1x1x1xf32>
    %reduce_sum3A_2127 = vector.extract %reduce_sum3A_2126[0, 0, 0] : f32 from vector<1x1x1xf32>
    %add3A_2128 = arith.addf %add3A_2111, %reduce_sum3A_2127 : f32
    %eq3A_2129 = arith.constant 7 : i32
    %eq3A_2130 = vector.broadcast %eq3A_2129 : i32 to vector<16x1xi32>
    %eq3A_2131 = arith.cmpi eq, %iota3A_1994, %eq3A_2130 : vector<16x1xi32>
    %broadcast_in_dim3A_2132 = vector.broadcast %add3A_2128 : f32 to vector<16x1xf32>
    %select_n3A_2133 = arith.select %eq3A_2131, %broadcast_in_dim3A_2132, %select_n3A_2116 : vector<16x1xi1>, vector<16x1xf32>
    %eq3A_2134 = arith.constant 8 : i32
    %eq3A_2135 = vector.broadcast %eq3A_2134 : i32 to vector<16x1xi32>
    %eq3A_2136 = arith.cmpi eq, %iota3A_1994, %eq3A_2135 : vector<16x1xi32>
    %jit3A_2137 = arith.constant 0.000000e+00 : f32
    %broadcast_in_dim3A_2138 = vector.broadcast %jit3A_2137 : f32 to vector<16x1xf32>
    %select_n3A_2139 = arith.select %eq3A_2136, %get3A_1993, %broadcast_in_dim3A_2138 : vector<16x1xi1>, vector<16x1xf32>
    %reduce_sum3A_2140 = vector.shape_cast %select_n3A_2139 : vector<16x1xf32> to vector<1x16x1xf32>
    %reduce_sum3A_2141 = arith.constant dense<0.000000e+00> : vector<1xf32>
    %reduce_sum3A_2142 = vector.multi_reduction <add>, %reduce_sum3A_2140, %reduce_sum3A_2141 [1, 2] : vector<1x16x1xf32> to vector<1xf32>
    %reduce_sum3A_2143 = vector.shape_cast %reduce_sum3A_2142 : vector<1xf32> to vector<1x1x1xf32>
    %reduce_sum3A_2144 = vector.extract %reduce_sum3A_2143[0, 0, 0] : f32 from vector<1x1x1xf32>
    %add3A_2145 = arith.addf %add3A_2128, %reduce_sum3A_2144 : f32
    %eq3A_2146 = arith.constant 8 : i32
    %eq3A_2147 = vector.broadcast %eq3A_2146 : i32 to vector<16x1xi32>
    %eq3A_2148 = arith.cmpi eq, %iota3A_1994, %eq3A_2147 : vector<16x1xi32>
    %broadcast_in_dim3A_2149 = vector.broadcast %add3A_2145 : f32 to vector<16x1xf32>
    %select_n3A_2150 = arith.select %eq3A_2148, %broadcast_in_dim3A_2149, %select_n3A_2133 : vector<16x1xi1>, vector<16x1xf32>
    %eq3A_2151 = arith.constant 9 : i32
    %eq3A_2152 = vector.broadcast %eq3A_2151 : i32 to vector<16x1xi32>
    %eq3A_2153 = arith.cmpi eq, %iota3A_1994, %eq3A_2152 : vector<16x1xi32>
    %jit3A_2154 = arith.constant 0.000000e+00 : f32
    %broadcast_in_dim3A_2155 = vector.broadcast %jit3A_2154 : f32 to vector<16x1xf32>
    %select_n3A_2156 = arith.select %eq3A_2153, %get3A_1993, %broadcast_in_dim3A_2155 : vector<16x1xi1>, vector<16x1xf32>
    %reduce_sum3A_2157 = vector.shape_cast %select_n3A_2156 : vector<16x1xf32> to vector<1x16x1xf32>
    %reduce_sum3A_2158 = arith.constant dense<0.000000e+00> : vector<1xf32>
    %reduce_sum3A_2159 = vector.multi_reduction <add>, %reduce_sum3A_2157, %reduce_sum3A_2158 [1, 2] : vector<1x16x1xf32> to vector<1xf32>
    %reduce_sum3A_2160 = vector.shape_cast %reduce_sum3A_2159 : vector<1xf32> to vector<1x1x1xf32>
    %reduce_sum3A_2161 = vector.extract %reduce_sum3A_2160[0, 0, 0] : f32 from vector<1x1x1xf32>
    %add3A_2162 = arith.addf %add3A_2145, %reduce_sum3A_2161 : f32
    %eq3A_2163 = arith.constant 9 : i32
    %eq3A_2164 = vector.broadcast %eq3A_2163 : i32 to vector<16x1xi32>
    %eq3A_2165 = arith.cmpi eq, %iota3A_1994, %eq3A_2164 : vector<16x1xi32>
    %broadcast_in_dim3A_2166 = vector.broadcast %add3A_2162 : f32 to vector<16x1xf32>
    %select_n3A_2167 = arith.select %eq3A_2165, %broadcast_in_dim3A_2166, %select_n3A_2150 : vector<16x1xi1>, vector<16x1xf32>
    %eq3A_2168 = arith.constant 10 : i32
    %eq3A_2169 = vector.broadcast %eq3A_2168 : i32 to vector<16x1xi32>
    %eq3A_2170 = arith.cmpi eq, %iota3A_1994, %eq3A_2169 : vector<16x1xi32>
    %jit3A_2171 = arith.constant 0.000000e+00 : f32
    %broadcast_in_dim3A_2172 = vector.broadcast %jit3A_2171 : f32 to vector<16x1xf32>
    %select_n3A_2173 = arith.select %eq3A_2170, %get3A_1993, %broadcast_in_dim3A_2172 : vector<16x1xi1>, vector<16x1xf32>
    %reduce_sum3A_2174 = vector.shape_cast %select_n3A_2173 : vector<16x1xf32> to vector<1x16x1xf32>
    %reduce_sum3A_2175 = arith.constant dense<0.000000e+00> : vector<1xf32>
    %reduce_sum3A_2176 = vector.multi_reduction <add>, %reduce_sum3A_2174, %reduce_sum3A_2175 [1, 2] : vector<1x16x1xf32> to vector<1xf32>
    %reduce_sum3A_2177 = vector.shape_cast %reduce_sum3A_2176 : vector<1xf32> to vector<1x1x1xf32>
    %reduce_sum3A_2178 = vector.extract %reduce_sum3A_2177[0, 0, 0] : f32 from vector<1x1x1xf32>
    %add3A_2179 = arith.addf %add3A_2162, %reduce_sum3A_2178 : f32
    %eq3A_2180 = arith.constant 10 : i32
    %eq3A_2181 = vector.broadcast %eq3A_2180 : i32 to vector<16x1xi32>
    %eq3A_2182 = arith.cmpi eq, %iota3A_1994, %eq3A_2181 : vector<16x1xi32>
    %broadcast_in_dim3A_2183 = vector.broadcast %add3A_2179 : f32 to vector<16x1xf32>
    %select_n3A_2184 = arith.select %eq3A_2182, %broadcast_in_dim3A_2183, %select_n3A_2167 : vector<16x1xi1>, vector<16x1xf32>
    %eq3A_2185 = arith.constant 11 : i32
    %eq3A_2186 = vector.broadcast %eq3A_2185 : i32 to vector<16x1xi32>
    %eq3A_2187 = arith.cmpi eq, %iota3A_1994, %eq3A_2186 : vector<16x1xi32>
    %jit3A_2188 = arith.constant 0.000000e+00 : f32
    %broadcast_in_dim3A_2189 = vector.broadcast %jit3A_2188 : f32 to vector<16x1xf32>
    %select_n3A_2190 = arith.select %eq3A_2187, %get3A_1993, %broadcast_in_dim3A_2189 : vector<16x1xi1>, vector<16x1xf32>
    %reduce_sum3A_2191 = vector.shape_cast %select_n3A_2190 : vector<16x1xf32> to vector<1x16x1xf32>
    %reduce_sum3A_2192 = arith.constant dense<0.000000e+00> : vector<1xf32>
    %reduce_sum3A_2193 = vector.multi_reduction <add>, %reduce_sum3A_2191, %reduce_sum3A_2192 [1, 2] : vector<1x16x1xf32> to vector<1xf32>
    %reduce_sum3A_2194 = vector.shape_cast %reduce_sum3A_2193 : vector<1xf32> to vector<1x1x1xf32>
    %reduce_sum3A_2195 = vector.extract %reduce_sum3A_2194[0, 0, 0] : f32 from vector<1x1x1xf32>
    %add3A_2196 = arith.addf %add3A_2179, %reduce_sum3A_2195 : f32
    %eq3A_2197 = arith.constant 11 : i32
    %eq3A_2198 = vector.broadcast %eq3A_2197 : i32 to vector<16x1xi32>
    %eq3A_2199 = arith.cmpi eq, %iota3A_1994, %eq3A_2198 : vector<16x1xi32>
    %broadcast_in_dim3A_2200 = vector.broadcast %add3A_2196 : f32 to vector<16x1xf32>
    %select_n3A_2201 = arith.select %eq3A_2199, %broadcast_in_dim3A_2200, %select_n3A_2184 : vector<16x1xi1>, vector<16x1xf32>
    %eq3A_2202 = arith.constant 12 : i32
    %eq3A_2203 = vector.broadcast %eq3A_2202 : i32 to vector<16x1xi32>
    %eq3A_2204 = arith.cmpi eq, %iota3A_1994, %eq3A_2203 : vector<16x1xi32>
    %jit3A_2205 = arith.constant 0.000000e+00 : f32
    %broadcast_in_dim3A_2206 = vector.broadcast %jit3A_2205 : f32 to vector<16x1xf32>
    %select_n3A_2207 = arith.select %eq3A_2204, %get3A_1993, %broadcast_in_dim3A_2206 : vector<16x1xi1>, vector<16x1xf32>
    %reduce_sum3A_2208 = vector.shape_cast %select_n3A_2207 : vector<16x1xf32> to vector<1x16x1xf32>
    %reduce_sum3A_2209 = arith.constant dense<0.000000e+00> : vector<1xf32>
    %reduce_sum3A_2210 = vector.multi_reduction <add>, %reduce_sum3A_2208, %reduce_sum3A_2209 [1, 2] : vector<1x16x1xf32> to vector<1xf32>
    %reduce_sum3A_2211 = vector.shape_cast %reduce_sum3A_2210 : vector<1xf32> to vector<1x1x1xf32>
    %reduce_sum3A_2212 = vector.extract %reduce_sum3A_2211[0, 0, 0] : f32 from vector<1x1x1xf32>
    %add3A_2213 = arith.addf %add3A_2196, %reduce_sum3A_2212 : f32
    %eq3A_2214 = arith.constant 12 : i32
    %eq3A_2215 = vector.broadcast %eq3A_2214 : i32 to vector<16x1xi32>
    %eq3A_2216 = arith.cmpi eq, %iota3A_1994, %eq3A_2215 : vector<16x1xi32>
    %broadcast_in_dim3A_2217 = vector.broadcast %add3A_2213 : f32 to vector<16x1xf32>
    %select_n3A_2218 = arith.select %eq3A_2216, %broadcast_in_dim3A_2217, %select_n3A_2201 : vector<16x1xi1>, vector<16x1xf32>
    %eq3A_2219 = arith.constant 13 : i32
    %eq3A_2220 = vector.broadcast %eq3A_2219 : i32 to vector<16x1xi32>
    %eq3A_2221 = arith.cmpi eq, %iota3A_1994, %eq3A_2220 : vector<16x1xi32>
    %jit3A_2222 = arith.constant 0.000000e+00 : f32
    %broadcast_in_dim3A_2223 = vector.broadcast %jit3A_2222 : f32 to vector<16x1xf32>
    %select_n3A_2224 = arith.select %eq3A_2221, %get3A_1993, %broadcast_in_dim3A_2223 : vector<16x1xi1>, vector<16x1xf32>
    %reduce_sum3A_2225 = vector.shape_cast %select_n3A_2224 : vector<16x1xf32> to vector<1x16x1xf32>
    %reduce_sum3A_2226 = arith.constant dense<0.000000e+00> : vector<1xf32>
    %reduce_sum3A_2227 = vector.multi_reduction <add>, %reduce_sum3A_2225, %reduce_sum3A_2226 [1, 2] : vector<1x16x1xf32> to vector<1xf32>
    %reduce_sum3A_2228 = vector.shape_cast %reduce_sum3A_2227 : vector<1xf32> to vector<1x1x1xf32>
    %reduce_sum3A_2229 = vector.extract %reduce_sum3A_2228[0, 0, 0] : f32 from vector<1x1x1xf32>
    %add3A_2230 = arith.addf %add3A_2213, %reduce_sum3A_2229 : f32
    %eq3A_2231 = arith.constant 13 : i32
    %eq3A_2232 = vector.broadcast %eq3A_2231 : i32 to vector<16x1xi32>
    %eq3A_2233 = arith.cmpi eq, %iota3A_1994, %eq3A_2232 : vector<16x1xi32>
    %broadcast_in_dim3A_2234 = vector.broadcast %add3A_2230 : f32 to vector<16x1xf32>
    %select_n3A_2235 = arith.select %eq3A_2233, %broadcast_in_dim3A_2234, %select_n3A_2218 : vector<16x1xi1>, vector<16x1xf32>
    %eq3A_2236 = arith.constant 14 : i32
    %eq3A_2237 = vector.broadcast %eq3A_2236 : i32 to vector<16x1xi32>
    %eq3A_2238 = arith.cmpi eq, %iota3A_1994, %eq3A_2237 : vector<16x1xi32>
    %jit3A_2239 = arith.constant 0.000000e+00 : f32
    %broadcast_in_dim3A_2240 = vector.broadcast %jit3A_2239 : f32 to vector<16x1xf32>
    %select_n3A_2241 = arith.select %eq3A_2238, %get3A_1993, %broadcast_in_dim3A_2240 : vector<16x1xi1>, vector<16x1xf32>
    %reduce_sum3A_2242 = vector.shape_cast %select_n3A_2241 : vector<16x1xf32> to vector<1x16x1xf32>
    %reduce_sum3A_2243 = arith.constant dense<0.000000e+00> : vector<1xf32>
    %reduce_sum3A_2244 = vector.multi_reduction <add>, %reduce_sum3A_2242, %reduce_sum3A_2243 [1, 2] : vector<1x16x1xf32> to vector<1xf32>
    %reduce_sum3A_2245 = vector.shape_cast %reduce_sum3A_2244 : vector<1xf32> to vector<1x1x1xf32>
    %reduce_sum3A_2246 = vector.extract %reduce_sum3A_2245[0, 0, 0] : f32 from vector<1x1x1xf32>
    %add3A_2247 = arith.addf %add3A_2230, %reduce_sum3A_2246 : f32
    %eq3A_2248 = arith.constant 14 : i32
    %eq3A_2249 = vector.broadcast %eq3A_2248 : i32 to vector<16x1xi32>
    %eq3A_2250 = arith.cmpi eq, %iota3A_1994, %eq3A_2249 : vector<16x1xi32>
    %broadcast_in_dim3A_2251 = vector.broadcast %add3A_2247 : f32 to vector<16x1xf32>
    %select_n3A_2252 = arith.select %eq3A_2250, %broadcast_in_dim3A_2251, %select_n3A_2235 : vector<16x1xi1>, vector<16x1xf32>
    %eq3A_2253 = arith.constant 15 : i32
    %eq3A_2254 = vector.broadcast %eq3A_2253 : i32 to vector<16x1xi32>
    %eq3A_2255 = arith.cmpi eq, %iota3A_1994, %eq3A_2254 : vector<16x1xi32>
    %jit3A_2256 = arith.constant 0.000000e+00 : f32
    %broadcast_in_dim3A_2257 = vector.broadcast %jit3A_2256 : f32 to vector<16x1xf32>
    %select_n3A_2258 = arith.select %eq3A_2255, %get3A_1993, %broadcast_in_dim3A_2257 : vector<16x1xi1>, vector<16x1xf32>
    %reduce_sum3A_2259 = vector.shape_cast %select_n3A_2258 : vector<16x1xf32> to vector<1x16x1xf32>
    %reduce_sum3A_2260 = arith.constant dense<0.000000e+00> : vector<1xf32>
    %reduce_sum3A_2261 = vector.multi_reduction <add>, %reduce_sum3A_2259, %reduce_sum3A_2260 [1, 2] : vector<1x16x1xf32> to vector<1xf32>
    %reduce_sum3A_2262 = vector.shape_cast %reduce_sum3A_2261 : vector<1xf32> to vector<1x1x1xf32>
    %reduce_sum3A_2263 = vector.extract %reduce_sum3A_2262[0, 0, 0] : f32 from vector<1x1x1xf32>
    %add3A_2264 = arith.addf %add3A_2247, %reduce_sum3A_2263 : f32
    %eq3A_2265 = arith.constant 15 : i32
    %eq3A_2266 = vector.broadcast %eq3A_2265 : i32 to vector<16x1xi32>
    %eq3A_2267 = arith.cmpi eq, %iota3A_1994, %eq3A_2266 : vector<16x1xi32>
    %broadcast_in_dim3A_2268 = vector.broadcast %add3A_2264 : f32 to vector<16x1xf32>
    %select_n3A_2269 = arith.select %eq3A_2267, %broadcast_in_dim3A_2268, %select_n3A_2252 : vector<16x1xi1>, vector<16x1xf32>
    %broadcast_in_dim3A_2270 = arith.constant 0.000000e+00 : f32
    %broadcast_in_dim3A_2271 = vector.broadcast %broadcast_in_dim3A_2270 : f32 to vector<1x1xf32>
    %slice3A_2272 = vector.extract_strided_slice %select_n3A_2269 {offsets = [0, 0], sizes = [15, 1], strides = [1, 1]} : vector<16x1xf32> to vector<15x1xf32>
    %concatenate3A = tpu.concatenate %broadcast_in_dim3A_2271, %slice3A_2272 in 0 : vector<1x1xf32>, vector<15x1xf32> -> vector<16x1xf32>
    %get3A_2273 = arith.constant 0 : index
    %get3A_2274 = arith.constant 0 : index
    %get3A_2275 = vector.load %arg6[%get3A_2273, %get3A_2274] : memref<16x128xf32, #tpu.memory_space<vmem>>, vector<16x128xf32>
    %add3A_2276 = vector.broadcast %concatenate3A : vector<16x1xf32> to vector<16x128xf32>
    %add3A_2277 = arith.addf %get3A_2275, %add3A_2276 : vector<16x128xf32>
    %slice3A_2278 = vector.extract_strided_slice %add3A_2277 {offsets = [0, 127], sizes = [16, 1], strides = [1, 1]} : vector<16x128xf32> to vector<16x1xf32>
    %broadcast_in_dim3A_2279 = arith.constant 0.000000e+00 : f32
    %broadcast_in_dim3A_2280 = vector.broadcast %broadcast_in_dim3A_2279 : f32 to vector<1x1xf32>
    %slice3A_2281 = vector.extract_strided_slice %slice3A_2278 {offsets = [0, 0], sizes = [15, 1], strides = [1, 1]} : vector<16x1xf32> to vector<15x1xf32>
    %concatenate3A_2282 = tpu.concatenate %broadcast_in_dim3A_2280, %slice3A_2281 in 0 : vector<1x1xf32>, vector<15x1xf32> -> vector<16x1xf32>
    %slice3A_2283 = vector.extract_strided_slice %add3A_2277 {offsets = [0, 0], sizes = [16, 127], strides = [1, 1]} : vector<16x128xf32> to vector<16x127xf32>
    %concatenate3A_2284 = tpu.concatenate %concatenate3A_2282, %slice3A_2283 in 1 : vector<16x1xf32>, vector<16x127xf32> -> vector<16x128xf32>
    %get3A_2285 = arith.constant 0 : index
    %get3A_2286 = arith.constant 0 : index
    %get3A_2287 = arith.constant 0 : index
    %get3A_2288 = vector.load %arg5[%get3A_2285, %get3A_2286, %get3A_2287] : memref<128x16x128xf32, #tpu.memory_space<vmem>>, vector<128x16x128xf32>
    %broadcast_in_dim3A_2289 = vector.shape_cast %concatenate3A_2284 : vector<16x128xf32> to vector<1x16x128xf32>
    %add3A_2290 = vector.broadcast %broadcast_in_dim3A_2289 : vector<1x16x128xf32> to vector<128x16x128xf32>
    %add3A_2291 = arith.addf %get3A_2288, %add3A_2290 : vector<128x16x128xf32>
    %slice3A_2292 = vector.extract_strided_slice %add3A_2291 {offsets = [0, 0, 0], sizes = [128, 1, 128], strides = [1, 1, 1]} : vector<128x16x128xf32> to vector<128x1x128xf32>
    %squeeze3A_2293 = vector.shape_cast %slice3A_2292 : vector<128x1x128xf32> to vector<128x128xf32>
    %transpose3A_2294 = tpu.transpose %squeeze3A_2293, [1, 0] : vector<128x128xf32> -> vector<128x128xf32>
    %swap3A_2295 = arith.constant 0 : index
    %swap3A_2296 = arith.constant 0 : index
    %swap3A_2297 = vector.load %arg1[%swap3A_2295, %swap3A_2296] : memref<2048x128xf32, #tpu.memory_space<vmem>>, vector<128x128xf32>
    tpu.vector_store %arg1[%swap3A_2295, %swap3A_2296], %transpose3A_2294 {strides = array<i32>} : memref<2048x128xf32, #tpu.memory_space<vmem>>, vector<128x128xf32>,
    %slice3A_2298 = vector.extract_strided_slice %add3A_2291 {offsets = [0, 1, 0], sizes = [128, 1, 128], strides = [1, 1, 1]} : vector<128x16x128xf32> to vector<128x1x128xf32>
    %squeeze3A_2299 = vector.shape_cast %slice3A_2298 : vector<128x1x128xf32> to vector<128x128xf32>
    %transpose3A_2300 = tpu.transpose %squeeze3A_2299, [1, 0] : vector<128x128xf32> -> vector<128x128xf32>
    %swap3A_2301 = arith.constant 128 : index
    %swap3A_2302 = arith.constant 0 : index
    %swap3A_2303 = vector.load %arg1[%swap3A_2301, %swap3A_2302] : memref<2048x128xf32, #tpu.memory_space<vmem>>, vector<128x128xf32>
    tpu.vector_store %arg1[%swap3A_2301, %swap3A_2302], %transpose3A_2300 {strides = array<i32>} : memref<2048x128xf32, #tpu.memory_space<vmem>>, vector<128x128xf32>,
    %slice3A_2304 = vector.extract_strided_slice %add3A_2291 {offsets = [0, 2, 0], sizes = [128, 1, 128], strides = [1, 1, 1]} : vector<128x16x128xf32> to vector<128x1x128xf32>
    %squeeze3A_2305 = vector.shape_cast %slice3A_2304 : vector<128x1x128xf32> to vector<128x128xf32>
    %transpose3A_2306 = tpu.transpose %squeeze3A_2305, [1, 0] : vector<128x128xf32> -> vector<128x128xf32>
    %swap3A_2307 = arith.constant 256 : index
    %swap3A_2308 = arith.constant 0 : index
    %swap3A_2309 = vector.load %arg1[%swap3A_2307, %swap3A_2308] : memref<2048x128xf32, #tpu.memory_space<vmem>>, vector<128x128xf32>
    tpu.vector_store %arg1[%swap3A_2307, %swap3A_2308], %transpose3A_2306 {strides = array<i32>} : memref<2048x128xf32, #tpu.memory_space<vmem>>, vector<128x128xf32>,
    %slice3A_2310 = vector.extract_strided_slice %add3A_2291 {offsets = [0, 3, 0], sizes = [128, 1, 128], strides = [1, 1, 1]} : vector<128x16x128xf32> to vector<128x1x128xf32>
    %squeeze3A_2311 = vector.shape_cast %slice3A_2310 : vector<128x1x128xf32> to vector<128x128xf32>
    %transpose3A_2312 = tpu.transpose %squeeze3A_2311, [1, 0] : vector<128x128xf32> -> vector<128x128xf32>
    %swap3A_2313 = arith.constant 384 : index
    %swap3A_2314 = arith.constant 0 : index
    %swap3A_2315 = vector.load %arg1[%swap3A_2313, %swap3A_2314] : memref<2048x128xf32, #tpu.memory_space<vmem>>, vector<128x128xf32>
    tpu.vector_store %arg1[%swap3A_2313, %swap3A_2314], %transpose3A_2312 {strides = array<i32>} : memref<2048x128xf32, #tpu.memory_space<vmem>>, vector<128x128xf32>,
    %slice3A_2316 = vector.extract_strided_slice %add3A_2291 {offsets = [0, 4, 0], sizes = [128, 1, 128], strides = [1, 1, 1]} : vector<128x16x128xf32> to vector<128x1x128xf32>
    %squeeze3A_2317 = vector.shape_cast %slice3A_2316 : vector<128x1x128xf32> to vector<128x128xf32>
    %transpose3A_2318 = tpu.transpose %squeeze3A_2317, [1, 0] : vector<128x128xf32> -> vector<128x128xf32>
    %swap3A_2319 = arith.constant 512 : index
    %swap3A_2320 = arith.constant 0 : index
    %swap3A_2321 = vector.load %arg1[%swap3A_2319, %swap3A_2320] : memref<2048x128xf32, #tpu.memory_space<vmem>>, vector<128x128xf32>
    tpu.vector_store %arg1[%swap3A_2319, %swap3A_2320], %transpose3A_2318 {strides = array<i32>} : memref<2048x128xf32, #tpu.memory_space<vmem>>, vector<128x128xf32>,
    %slice3A_2322 = vector.extract_strided_slice %add3A_2291 {offsets = [0, 5, 0], sizes = [128, 1, 128], strides = [1, 1, 1]} : vector<128x16x128xf32> to vector<128x1x128xf32>
    %squeeze3A_2323 = vector.shape_cast %slice3A_2322 : vector<128x1x128xf32> to vector<128x128xf32>
    %transpose3A_2324 = tpu.transpose %squeeze3A_2323, [1, 0] : vector<128x128xf32> -> vector<128x128xf32>
    %swap3A_2325 = arith.constant 640 : index
    %swap3A_2326 = arith.constant 0 : index
    %swap3A_2327 = vector.load %arg1[%swap3A_2325, %swap3A_2326] : memref<2048x128xf32, #tpu.memory_space<vmem>>, vector<128x128xf32>
    tpu.vector_store %arg1[%swap3A_2325, %swap3A_2326], %transpose3A_2324 {strides = array<i32>} : memref<2048x128xf32, #tpu.memory_space<vmem>>, vector<128x128xf32>,
    %slice3A_2328 = vector.extract_strided_slice %add3A_2291 {offsets = [0, 6, 0], sizes = [128, 1, 128], strides = [1, 1, 1]} : vector<128x16x128xf32> to vector<128x1x128xf32>
    %squeeze3A_2329 = vector.shape_cast %slice3A_2328 : vector<128x1x128xf32> to vector<128x128xf32>
    %transpose3A_2330 = tpu.transpose %squeeze3A_2329, [1, 0] : vector<128x128xf32> -> vector<128x128xf32>
    %swap3A_2331 = arith.constant 768 : index
    %swap3A_2332 = arith.constant 0 : index
    %swap3A_2333 = vector.load %arg1[%swap3A_2331, %swap3A_2332] : memref<2048x128xf32, #tpu.memory_space<vmem>>, vector<128x128xf32>
    tpu.vector_store %arg1[%swap3A_2331, %swap3A_2332], %transpose3A_2330 {strides = array<i32>} : memref<2048x128xf32, #tpu.memory_space<vmem>>, vector<128x128xf32>,
    %slice3A_2334 = vector.extract_strided_slice %add3A_2291 {offsets = [0, 7, 0], sizes = [128, 1, 128], strides = [1, 1, 1]} : vector<128x16x128xf32> to vector<128x1x128xf32>
    %squeeze3A_2335 = vector.shape_cast %slice3A_2334 : vector<128x1x128xf32> to vector<128x128xf32>
    %transpose3A_2336 = tpu.transpose %squeeze3A_2335, [1, 0] : vector<128x128xf32> -> vector<128x128xf32>
    %swap3A_2337 = arith.constant 896 : index
    %swap3A_2338 = arith.constant 0 : index
    %swap3A_2339 = vector.load %arg1[%swap3A_2337, %swap3A_2338] : memref<2048x128xf32, #tpu.memory_space<vmem>>, vector<128x128xf32>
    tpu.vector_store %arg1[%swap3A_2337, %swap3A_2338], %transpose3A_2336 {strides = array<i32>} : memref<2048x128xf32, #tpu.memory_space<vmem>>, vector<128x128xf32>,
    %slice3A_2340 = vector.extract_strided_slice %add3A_2291 {offsets = [0, 8, 0], sizes = [128, 1, 128], strides = [1, 1, 1]} : vector<128x16x128xf32> to vector<128x1x128xf32>
    %squeeze3A_2341 = vector.shape_cast %slice3A_2340 : vector<128x1x128xf32> to vector<128x128xf32>
    %transpose3A_2342 = tpu.transpose %squeeze3A_2341, [1, 0] : vector<128x128xf32> -> vector<128x128xf32>
    %swap3A_2343 = arith.constant 1024 : index
    %swap3A_2344 = arith.constant 0 : index
    %swap3A_2345 = vector.load %arg1[%swap3A_2343, %swap3A_2344] : memref<2048x128xf32, #tpu.memory_space<vmem>>, vector<128x128xf32>
    tpu.vector_store %arg1[%swap3A_2343, %swap3A_2344], %transpose3A_2342 {strides = array<i32>} : memref<2048x128xf32, #tpu.memory_space<vmem>>, vector<128x128xf32>,
    %slice3A_2346 = vector.extract_strided_slice %add3A_2291 {offsets = [0, 9, 0], sizes = [128, 1, 128], strides = [1, 1, 1]} : vector<128x16x128xf32> to vector<128x1x128xf32>
    %squeeze3A_2347 = vector.shape_cast %slice3A_2346 : vector<128x1x128xf32> to vector<128x128xf32>
    %transpose3A_2348 = tpu.transpose %squeeze3A_2347, [1, 0] : vector<128x128xf32> -> vector<128x128xf32>
    %swap3A_2349 = arith.constant 1152 : index
    %swap3A_2350 = arith.constant 0 : index
    %swap3A_2351 = vector.load %arg1[%swap3A_2349, %swap3A_2350] : memref<2048x128xf32, #tpu.memory_space<vmem>>, vector<128x128xf32>
    tpu.vector_store %arg1[%swap3A_2349, %swap3A_2350], %transpose3A_2348 {strides = array<i32>} : memref<2048x128xf32, #tpu.memory_space<vmem>>, vector<128x128xf32>,
    %slice3A_2352 = vector.extract_strided_slice %add3A_2291 {offsets = [0, 10, 0], sizes = [128, 1, 128], strides = [1, 1, 1]} : vector<128x16x128xf32> to vector<128x1x128xf32>
    %squeeze3A_2353 = vector.shape_cast %slice3A_2352 : vector<128x1x128xf32> to vector<128x128xf32>
    %transpose3A_2354 = tpu.transpose %squeeze3A_2353, [1, 0] : vector<128x128xf32> -> vector<128x128xf32>
    %swap3A_2355 = arith.constant 1280 : index
    %swap3A_2356 = arith.constant 0 : index
    %swap3A_2357 = vector.load %arg1[%swap3A_2355, %swap3A_2356] : memref<2048x128xf32, #tpu.memory_space<vmem>>, vector<128x128xf32>
    tpu.vector_store %arg1[%swap3A_2355, %swap3A_2356], %transpose3A_2354 {strides = array<i32>} : memref<2048x128xf32, #tpu.memory_space<vmem>>, vector<128x128xf32>,
    %slice3A_2358 = vector.extract_strided_slice %add3A_2291 {offsets = [0, 11, 0], sizes = [128, 1, 128], strides = [1, 1, 1]} : vector<128x16x128xf32> to vector<128x1x128xf32>
    %squeeze3A_2359 = vector.shape_cast %slice3A_2358 : vector<128x1x128xf32> to vector<128x128xf32>
    %transpose3A_2360 = tpu.transpose %squeeze3A_2359, [1, 0] : vector<128x128xf32> -> vector<128x128xf32>
    %swap3A_2361 = arith.constant 1408 : index
    %swap3A_2362 = arith.constant 0 : index
    %swap3A_2363 = vector.load %arg1[%swap3A_2361, %swap3A_2362] : memref<2048x128xf32, #tpu.memory_space<vmem>>, vector<128x128xf32>
    tpu.vector_store %arg1[%swap3A_2361, %swap3A_2362], %transpose3A_2360 {strides = array<i32>} : memref<2048x128xf32, #tpu.memory_space<vmem>>, vector<128x128xf32>,
    %slice3A_2364 = vector.extract_strided_slice %add3A_2291 {offsets = [0, 12, 0], sizes = [128, 1, 128], strides = [1, 1, 1]} : vector<128x16x128xf32> to vector<128x1x128xf32>
    %squeeze3A_2365 = vector.shape_cast %slice3A_2364 : vector<128x1x128xf32> to vector<128x128xf32>
    %transpose3A_2366 = tpu.transpose %squeeze3A_2365, [1, 0] : vector<128x128xf32> -> vector<128x128xf32>
    %swap3A_2367 = arith.constant 1536 : index
    %swap3A_2368 = arith.constant 0 : index
    %swap3A_2369 = vector.load %arg1[%swap3A_2367, %swap3A_2368] : memref<2048x128xf32, #tpu.memory_space<vmem>>, vector<128x128xf32>
    tpu.vector_store %arg1[%swap3A_2367, %swap3A_2368], %transpose3A_2366 {strides = array<i32>} : memref<2048x128xf32, #tpu.memory_space<vmem>>, vector<128x128xf32>,
    %slice3A_2370 = vector.extract_strided_slice %add3A_2291 {offsets = [0, 13, 0], sizes = [128, 1, 128], strides = [1, 1, 1]} : vector<128x16x128xf32> to vector<128x1x128xf32>
    %squeeze3A_2371 = vector.shape_cast %slice3A_2370 : vector<128x1x128xf32> to vector<128x128xf32>
    %transpose3A_2372 = tpu.transpose %squeeze3A_2371, [1, 0] : vector<128x128xf32> -> vector<128x128xf32>
    %swap3A_2373 = arith.constant 1664 : index
    %swap3A_2374 = arith.constant 0 : index
    %swap3A_2375 = vector.load %arg1[%swap3A_2373, %swap3A_2374] : memref<2048x128xf32, #tpu.memory_space<vmem>>, vector<128x128xf32>
    tpu.vector_store %arg1[%swap3A_2373, %swap3A_2374], %transpose3A_2372 {strides = array<i32>} : memref<2048x128xf32, #tpu.memory_space<vmem>>, vector<128x128xf32>,
    %slice3A_2376 = vector.extract_strided_slice %add3A_2291 {offsets = [0, 14, 0], sizes = [128, 1, 128], strides = [1, 1, 1]} : vector<128x16x128xf32> to vector<128x1x128xf32>
    %squeeze3A_2377 = vector.shape_cast %slice3A_2376 : vector<128x1x128xf32> to vector<128x128xf32>
    %transpose3A_2378 = tpu.transpose %squeeze3A_2377, [1, 0] : vector<128x128xf32> -> vector<128x128xf32>
    %swap3A_2379 = arith.constant 1792 : index
    %swap3A_2380 = arith.constant 0 : index
    %swap3A_2381 = vector.load %arg1[%swap3A_2379, %swap3A_2380] : memref<2048x128xf32, #tpu.memory_space<vmem>>, vector<128x128xf32>
    tpu.vector_store %arg1[%swap3A_2379, %swap3A_2380], %transpose3A_2378 {strides = array<i32>} : memref<2048x128xf32, #tpu.memory_space<vmem>>, vector<128x128xf32>,
    %slice3A_2382 = vector.extract_strided_slice %add3A_2291 {offsets = [0, 15, 0], sizes = [128, 1, 128], strides = [1, 1, 1]} : vector<128x16x128xf32> to vector<128x1x128xf32>
    %squeeze3A_2383 = vector.shape_cast %slice3A_2382 : vector<128x1x128xf32> to vector<128x128xf32>
    %transpose3A_2384 = tpu.transpose %squeeze3A_2383, [1, 0] : vector<128x128xf32> -> vector<128x128xf32>
    %swap3A_2385 = arith.constant 1920 : index
    %swap3A_2386 = arith.constant 0 : index
    %swap3A_2387 = vector.load %arg1[%swap3A_2385, %swap3A_2386] : memref<2048x128xf32, #tpu.memory_space<vmem>>, vector<128x128xf32>
    tpu.vector_store %arg1[%swap3A_2385, %swap3A_2386], %transpose3A_2384 {strides = array<i32>} : memref<2048x128xf32, #tpu.memory_space<vmem>>, vector<128x128xf32>,
    %slice3A_2388 = vector.extract_strided_slice %add3A_2291 {offsets = [0, 0, 0], sizes = [1, 16, 128], strides = [1, 1, 1]} : vector<128x16x128xf32> to vector<1x16x128xf32>
    %squeeze3A_2389 = vector.shape_cast %slice3A_2388 : vector<1x16x128xf32> to vector<16x128xf32>
    %swap3A_2390 = arith.constant 0 : index
    %swap3A_2391 = arith.constant 0 : index
    %swap3A_2392 = vector.load %arg2[%swap3A_2390, %swap3A_2391] : memref<16x128xf32, #tpu.memory_space<vmem>>, vector<16x128xf32>
    tpu.vector_store %arg2[%swap3A_2390, %swap3A_2391], %squeeze3A_2389 {strides = array<i32>} : memref<16x128xf32, #tpu.memory_space<vmem>>, vector<16x128xf32>,
    %slice3A_2393 = vector.extract_strided_slice %add3A_2291 {offsets = [127, 15, 127], sizes = [1, 1, 1], strides = [1, 1, 1]} : vector<128x16x128xf32> to vector<1x1x1xf32>
    %squeeze3A_2394 = vector.shape_cast %slice3A_2393 : vector<1x1x1xf32> to vector<1x1xf32>
    %broadcast_in_dim3A_2395 = vector.shape_cast %squeeze3A_2394 : vector<1x1xf32> to vector<1x1xf32>
    %broadcast_in_dim3A_2396 = vector.broadcast %broadcast_in_dim3A_2395 : vector<1x1xf32> to vector<1x16xf32>
    %swap3A_2397 = arith.constant 0 : index
    %swap3A_2398 = arith.constant 0 : index
    %swap3A_2399 = vector.load %arg3[%swap3A_2397, %swap3A_2398] : memref<1x16xf32, #tpu.memory_space<vmem>>, vector<1x16xf32>
    tpu.vector_store %arg3[%swap3A_2397, %swap3A_2398], %broadcast_in_dim3A_2396 {strides = array<i32>} : memref<1x16xf32, #tpu.memory_space<vmem>>, vector<1x16xf32>,
    return
  }
}

</mosaic_0001>

<sc_bundles>
// kernel: kernel.5.cloned.1.call-start
scs
__scs_entry_jumppad:
0x0: {  	(pc) =	sbr.rel $0x88, $3  }
0x1: {  	(tag) =	ssettag $0x0;
	lr =	simm.s32 $0x1  }
0x2: {  	[smem:$0x3FA0] =	sst lr;
	_ =	strace $0xD0000000  }
0x3: {  	_ = 	snop  }
0x4: {  	_ = 	snop  }
0x5: {  	_ = 	snop  }
0x6: {  	_ = 	snop  }
0x7: {  	_ = 	snop  }
__scs_overlays_trampoline_lowered:
0x8: {  	[smem:$0x3FAF] =	sst s0  }
0x9: {  	[smem:$0x3FB0] =	sst s1  }
0xa: {  	[smem:$0x3FB1] =	sst s2  }
0xb: {  	[smem:$0x3FB2] =	sst s3  }
0xc: {  	[smem:$0x3FB3] =	sst s4  }
0xd: {  	[smem:$0x3FB4] =	sst s5  }
0xe: {  	[smem:$0x3FB5] =	sst s6  }
0xf: {  	[smem:$0x3FB6] =	sst s7  }
0x10: {  	[smem:$0x3FB7] =	sst s8  }
0x11: {  	[smem:$0x3FB8] =	sst s9;
	s0 =	simm.s32 @!p0 $0x0  }
0x12: {  	s1 =	sld [smem:$0x3F9E];
	s0 =	simm.s32 @p0 $0x1  }
0x13: {  	[smem:$0x3FB9] =	sst s0;
	s0 =	simm.s32 @!p1 $0x0  }
0x14: {  	s2 =	sld [smem:$0x3F9D];
	s0 =	simm.s32 @p1 $0x1  }
0x15: {  	[smem:$0x3FBA] =	sst s0;
	s0 =	simm.s32 @!p2 $0x0  }
0x16: {  	s3 =	sld [smem:$0x3FDB];
	s0 =	simm.s32 @p2 $0x1  }
0x17: {  	s4 =	simm.s32 $0x1BF5;
	[smem:$0x3FBC] =	sst s0  }
0x18: {  	s0 =	sld [smem:$0x3F9F];
	_ =	swait.ge [sflag:s4], $0x0  }
0x19: {  	s7 =	sld [smem:$0x3FA0]  }
0x1a: {  	s8 =	sadd.s32 $0xFFFFE003, lr  }
0x1b: {  	s9 =	sadd.s32 $0xFFFFFEF7, lr;
	s5 =	simm.s32 $0xFFFFFFFF;
	p2 =	slt.u32 s8, $0xFFFFF086  }
0x1c: {  	p1 =	slt.u32 s9, $0xF7A;
	s5 =	simm.s32 @!p2 $0x0  }
0x1d: {  	s5 =	simm.s32 @p1 $0x1;
	p0 =	seq.s32 s7, s2  }
0x1e: {  	s7 =	smul.u32 @!p0 $0xF7A, s2;
	p2 =	seq.s32 @!p0 s5, $0x0  }
0x1f: {  	s9 =	smul.u32 $0xF7A, s1;
	s8 =	simm.s32 @!p0 $0x1BF5;
	p2 =	por !p2, p0  }
0x20: {  	[sflag:s8] =	ssyncset.s32 @!p0 $0xFFFFF086;
	s6 =	sadd.s32 @!p0 s3, s7;
	s7 =	simm.s32 @!p0 $0x108  }
0x21: {  	s3 =	sadd.s32 s3, s9;
	s6 =	sadd.s32 @!p0 $0x88, s6;
	s7 =	simm.s32 @p2 $0x1082  }
0x22: {  	[simem:s7], [sflag:s8] =	dma.local @!p0 [hbm:s6], $0xF7A  }
0x23: {  	s9 =	sor.u32 $0xD0000000, s2;
	s6 =	simm.s32 $0x108;
	_ =	swait.ge @!p0 [sflag:s8], $0x0  }
0x24: {  	s3 =	sadd.s32 $0x88, s3;
	s6 =	simm.s32 @!p1 $0x1082;
	[sflag:s4] =	ssyncset.s32 $0xFFFFF086  }
0x25: {  	[simem:s6], [sflag:s4] =	dma.local [hbm:s3], $0xF7A  }
0x26: {  	[smem:$0x3FA0] =	sst s1;
	(tag) =	ssettag s2;
	_ =	strace s9  }
0x27: {  	s1 =	sld [smem:$0x3FB0]  }
0x28: {  	s2 =	sld [smem:$0x3FB1]  }
0x29: {  	s4 =	sld [smem:$0x3FB3]  }
0x2a: {  	p0 =	seq.s32 s5, $0x0;
	s5 =	sld [smem:$0x3FB4]  }
0x2b: {  	s6 =	sld [smem:$0x3FB5]  }
0x2c: {  	s7 =	sld [smem:$0x3FB6]  }
0x2d: {  	s3 =	simm.s32 $0x108;
	s8 =	sld [smem:$0x3FB7]  }
0x2e: {  	s3 =	simm.s32 @!p0 $0x1082;
	s9 =	sld [smem:$0x3FB8]  }
0x2f: {  	lr =	sadd.s32 s0, s3;
	s0 =	sld [smem:$0x3FAF]  }
0x30: {  	s3 =	sld [smem:$0x3FB2]  }
0x31: {  	[smem:$0x3FBB] =	sst s10  }
0x32: {  	s10 =	sld [smem:$0x3FB9];
	_ =	sdelay $0x3  }
0x33: {  	p0 =	seq.s32 s10, $0x1;
	s10 =	sld [smem:$0x3FBB];
	_ =	sdelay $0x3  }
0x34: {  	[smem:$0x3FBB] =	sst s10  }
0x35: {  	s10 =	sld [smem:$0x3FBA];
	_ =	sdelay $0x3  }
0x36: {  	p1 =	seq.s32 s10, $0x1;
	s10 =	sld [smem:$0x3FBB];
	_ =	sdelay $0x3  }
0x37: {  	[smem:$0x3FBB] =	sst s10  }
0x38: {  	s10 =	sld [smem:$0x3FBC]  }
0x39: {  	_ = 	snop;
	(pc) =	sbr.ind lr, $3  }
0x3a: {  	_ = 	snop  }
0x3b: {  	_ = 	snop  }
0x3c: {  	p2 =	seq.s32 s10, $0x1;
	s10 =	sld [smem:$0x3FBB]  }
0x3d: {  	_ =	shalt  }
0x3e: {  	_ =	shalt  }
0x3f: {  	_ =	shalt  }
0x40: {  	_ =	shalt  }
0x41: {  	_ =	shalt  }
0x42: {  	_ =	shalt  }
0x43: {  	_ =	shalt  }
0x44: {  	_ =	shalt  }
0x45: {  	_ =	shalt  }
0x46: {  	_ =	shalt  }
0x47: {  	_ =	shalt  }
0x48: {  	_ =	shalt  }
0x49: {  	_ =	shalt  }
0x4a: {  	_ =	shalt  }
0x4b: {  	_ =	shalt  }
0x4c: {  	_ =	shalt  }
0x4d: {  	_ =	shalt  }
0x4e: {  	_ =	shalt  }
0x4f: {  	_ =	shalt  }
0x50: {  	_ =	shalt  }
0x51: {  	_ =	shalt  }
0x52: {  	_ =	shalt  }
0x53: {  	_ =	shalt  }
0x54: {  	_ =	shalt  }
0x55: {  	_ =	shalt  }
0x56: {  	_ =	shalt  }
0x57: {  	_ =	shalt  }
0x58: {  	_ =	shalt  }
0x59: {  	_ =	shalt  }
0x5a: {  	_ =	shalt  }
0x5b: {  	_ =	shalt  }
0x5c: {  	_ =	shalt  }
0x5d: {  	_ =	shalt  }
0x5e: {  	_ =	shalt  }
0x5f: {  	_ =	shalt  }
0x60: {  	_ =	shalt  }
0x61: {  	_ =	shalt  }
0x62: {  	_ =	shalt  }
0x63: {  	_ =	shalt  }
0x64: {  	_ =	shalt  }
0x65: {  	_ =	shalt  }
0x66: {  	_ =	shalt  }
0x67: {  	_ =	shalt  }
0x68: {  	_ =	shalt  }
0x69: {  	_ =	shalt  }
0x6a: {  	_ =	shalt  }
0x6b: {  	_ =	shalt  }
0x6c: {  	_ =	shalt  }
0x6d: {  	_ =	shalt  }
0x6e: {  	_ =	shalt  }
0x6f: {  	_ =	shalt  }
0x70: {  	_ =	shalt  }
0x71: {  	_ =	shalt  }
0x72: {  	_ =	shalt  }
0x73: {  	_ =	shalt  }
0x74: {  	_ =	shalt  }
0x75: {  	_ =	shalt  }
0x76: {  	_ =	shalt  }
0x77: {  	_ =	shalt  }
0x78: {  	_ =	shalt  }
0x79: {  	_ =	shalt  }
0x7a: {  	_ =	shalt  }
0x7b: {  	_ =	shalt  }
0x7c: {  	_ =	shalt  }
0x7d: {  	_ =	shalt  }
0x7e: {  	_ =	shalt  }
0x7f: {  	_ =	shalt  }
0x80: {  	_ =	shalt  }
0x81: {  	_ =	shalt  }
0x82: {  	_ =	shalt  }
0x83: {  	_ =	shalt  }
0x84: {  	_ =	shalt  }
0x85: {  	_ =	shalt  }
0x86: {  	_ =	shalt  }
0x87: {  	_ =	shalt  }
.Lfunc_end0:
.L_simem_size_0:
called_computation_lowered:
.L_overlay_start_0:
0x88: {  	s2 =	sld [smem:$0x3FD9]  }
0x89: {  	s3 =	sld [smem:$0x3FFE];
	_ =	sdelay $0x1  }
0x8a: {  	s1 =	srdreg.scid  }
0x8b: {  	s0 =	sand.u32 $0x1, s1  }
0x8c: {  	s14 =	sshll.u32 s0, $0xA;
	s2 =	sadd.s32 s3, s2  }
0x8d: {  	s2 =	sadd.s32 s2, s14  }
0x8e: {  	[smem:$0x3FC7] =	sst s2  }
0x8f: {  	_ = 	snop  }
0x90: {  	s2 =	sld [smem:$0x3FD0];
	_ =	sdelay $0x2  }
0x91: {  	s4 =	simm.s32 $0xB  }
0x92: {  	s5 =	simm.s32 $0x10;
	s15 =	sld [smem:$0x3FC9];
	s2 =	sadd.s32 $0x1, s2  }
0x93: {  	[smem:s5], [sflag:s4] =	dma.local [hbm:s2], $0x1  }
0x94: {  	_ =	swait.eq [sflag:s4], $0x1  }
0x95: {  	[sflag:s4] =	ssyncset.done $0x0  }
0x96: {  	[sflag:s4] =	ssyncadd.s32 $0xFFFFFFFF  }
0x97: {  	s16 =	sld [smem:$0x10];
	(tm) =	ssettm $0x1  }
0x98: {  	s17 =	sld [smem:$0x3FFB];
	_ =	sdelay $0x3  }
0x99: {  	_ =	strace s17  }
0x9a: {  	s4 =	sld [smem:$0x3FFC];
	_ =	sdelay $0x3  }
0x9b: {  	_ =	strace s4  }
0x9c: {  	s4 =	sld [smem:$0x3FFD];
	_ =	sdelay $0x3  }
0x9d: {  	_ =	strace s4  }
0x9e: {  	_ =	strace $0x8FFFFFFF  }
0x9f: {  	s18 =	sld [smem:$0x3FDB];
	_ =	sdelay $0x1  }
0xa0: {  	s19 =	simm.s32 $_scs_section_size  }
0xa1: {  	s6 =	simm.s32 $_size__tile_overlayer_lowered;
	s7 =	simm.s32 $_tile_overlayer_lowered  }
0xa2: {  	s22 =	simm.s32 $0x1BFF;
	s21 =	sshll.u32 s7, $0x1;
	s4 =	sadd.s32 s19, s18  }
0xa3: {  	s8 =	simm.s32 $0x0;
	s20 =	sshll.u32 s6, $0x1;
	s6 =	sadd.s32 s21, s4  }
0xa4: {  	[timem:s8], [sflag:s22] =	dma.local [hbm:s6], s20  }
0xa5: {  	_ =	swait.ge [sflag:s22], s20  }
0xa6: {  	s5 =	ssub.s32 $0x0, s20;
	[sflag:s22] =	ssyncset.done $0x0  }
0xa7: {  	[sflag:s22] =	ssyncadd.s32 s5;
	_ =	sdelay $0x1  }
0xa8: {  	s23 =	simm.s32 $0x1B8B  }
0xa9: {  	_ =	swait.ge [sflag:s23], $0x1  }
0xaa: {  	[sflag:s23] =	ssyncset.done $0x0  }
0xab: {  	s25 =	simm.s32 $0x1B8E;
	s24 =	sld [smem:$0x3FFE];
	[sflag:s23] =	ssyncadd.s32 $0xFFFFFFFF  }
0xac: {  	s26 =	simm.s32 $execute0_lowered;
	[smem:$0x3FD2] =	sst s25  }
0xad: {  	s6 =	sshll.u32 s26, $0x1;
	_ =	strace $0x80000046;
	[dreg:$0x1] =	wrdreg $0xFFFFFFFF  }
0xae: {  	s28 =	simm.s32 $_size_execute0_lowered;
	s4 =	sadd.s32 s4, s6;
	[dreg:$0x0] =	wrdreg $0x0  }
0xaf: {  	s6 =	sshll.u32 s28, $0x1;
	[dreg:$0x2] =	wrdreg s4  }
0xb0: {  	[dreg:$0x3] =	wrdreg s6  }
0xb1: {  	[dreg:$0x4] =	wrdreg $0xC0  }
0xb2: {  	_ =	task [dreg:s8], $0x5FFFF  }
0xb3: {  	[dreg:$0x1] =	wrdreg $0xFFFFFFFF  }
0xb4: {  	[dreg:$0x0] =	wrdreg $0x60  }
0xb5: {  	[dreg:$0x2] =	wrdreg s16  }
0xb6: {  	[dreg:$0x3] =	wrdreg s15  }
0xb7: {  	[dreg:$0x4] =	wrdreg s24  }
0xb8: {  	[dreg:$0x5] =	wrdreg $0x9  }
0xb9: {  	_ =	task.clear_ibuf [dreg:s8], $0x6FFFF;
	_ =	strace $0x90000046  }
0xba: {  	s29 =	simm.s32 $0x9;
	_ =	strace $0x80000048  }
0xbb: {  	_ =	swait.ge [sflag:s29], $0x1  }
0xbc: {  	[sflag:s29] =	ssyncadd.s32 $0xFFFFFFFF  }
0xbd: {  	_ =	strace $0x90000048  }
0xbe: {  	_ =	sfence  }
0xbf: {  	s30 =	sld [smem:$0x0];
	_ =	sdelay $0x2  }
0xc0: {  	s31 =	sshll.u32 s1, $0xD;
	s1 =	sshrl.u32 s1, $0x2  }
0xc1: {  	s3 =	sand.u32 $0x4000, s31;
	s1 =	sadd.s32 s1, s30  }
0xc2: {  	s0 =	sor.u32 s3, s0;
	s1 =	sshll.u32 s1, $0x11  }
0xc3: {  	s0 =	sor.u32 s1, s0  }
0xc4: {  	s0 =	sadd.s32 $0x8F2B, s0  }
0xc5: {  	[sflag:s0] =	ssyncadd.remote.s32 $0x1  }
0xc6: {  	_ =	sfence.sel $0xFFFF  }
0xc7: {  	[dreg:$0x0] =	wrdreg $0xFFFFFFFF;
	(pc) =	sbr.abs _section_cstart, $3  }
0xc8: {  	[dreg:$0x1] =	wrdreg $0xFFFFFFFF  }
0xc9: {  	_ =	task.clear_ibuf [dreg:s8], $0x2FFFF;
	_ =	strace $0x9FFFFFFF  }
0xca: {  	(tm) =	ssettm $0x7FFFFFFF  }
0xcb: {  	_ =	shalt  }
tec
execute0_lowered:
.L_overlay_start_1:
0x0: {  	(tag) =	ssettag $0x1  }
0x1: {  	s4 =	rddreg [dreg:$0x0]  }
0x2: {  	s2 =	rddreg [dreg:$0x1]  }
0x3: {  	s1 =	srdreg.scid;
	s0 =	stileid.u32  }
0x4: {  	s15 =	rddreg [dreg:$0x2];
	s20 =	sand.u32 $0x1, s1;
	s5 =	sshll.u32 s0, $0x1  }
0x5: {  	s3 =	simm.s32 $0x0;
	s1 =	rddreg [dreg:$0x3];
	s16 =	sor.u32 s20, s5  }
0x6: {  	[smem:$0x7FF] =	sst s3;
	s5 =	sshll.u32 s16, $0x3  }
0x7: {  	v11 =	vlaneseq.u32;
	_ =	strace $0x80000047;
	s31 =	sshll.u32 s16, $0x9;
	s4 =	sadd.s32 s4, s5  }
0x8: {  	v1 =	vor.u32 $0x10, v11;
	v0 =	vor.u32 s31, v11;
	[tilespmem:s3], [sflag:$0x1] =	stream.linear.gather [hbm4b:s4+s3], $0x40, $0x38;
	[tilespmem:$0xBA0] =	vst v63  }
0x9: {  	s6 =	simm.s32 $0x480;
	v1 =	vor.u32 s31, v1;
	[tilespmem:$0x480] =	vst v0  }
0xa: {  	s7 =	simm.s32 $0x4A0;
	s8 =	simm.s32 $0x1;
	s5 =	simm.s32 $0x20;
	[tilespmem:$0x490] =	vst v1  }
0xb: {  	[tilespmem:s7], [sflag:$0x3] =	stream.indirect.gather [hbm4b:s2+s5], $0x10, s6, s5, $0xb8;
	[tilespmem:$0xBA0] =	vst v63  }
0xc: {  	_ =	swait.ge [sflag:s8], $0x40  }
0xd: {  	[sflag:s8] =	ssyncset.done $0x0  }
0xe: {  	[sflag:s8] =	ssyncadd.s32 $0xFFFFFFC0  }
0xf: {  	v2 =	vld [tilespmem:$0x0];
	_ =	sdelay $0x4  }
0x10: {  	v2 =	vsub.f32 $1.000000000e+00, v2;
	_ =	sdelay $0x1  }
0x11: {  	v3 =	vmul.f32 $1.310720000e+05, v2;
	_ =	sdelay $0x1  }
0x12: {  	v4 =	vtrunc.f32 v3  }
0x13: {  	v2 =	vimm.s32 $0x0;
	v5 =	vcvt.f32.s32 v4;
	vm0 =	vgt.f32 v3, v4  }
0x14: {  	v3 =	vsel vm0, $0x1, v2  }
0x15: {  	v3 =	vadd.s32 v3, v5  }
0x16: {  	v13 =	vadd.s32 $0xFFFFFFFF, v3  }
0x17: {  	v7 =	vshll.u32 v13, $0x1;
	v8 =	vand.u32 $0xFF, v13  }
0x18: {  	v4 =	vcvt.s32.f32 v8;
	v3 =	vshrl.u32 v7, $0x9  }
0x19: {  	v5 =	vcvt.s32.f32 v3  }
0x1a: {  	v3 =	vmul.u32 $0x8, v11;
	v6 =	vadd.f32 $5.000000000e-01, v4  }
0x1b: {  	v5 =	vadd.f32 $5.000000000e-01, v5  }
0x1c: {  	v4 =	vor.u32 $0x1, v3;
	v6 =	vmul.f32 $3.906250000e-03, v6  }
0x1d: {  	v5 =	vmul.f32 $3.906250000e-03, v5  }
0x1e: {  	v6 =	vadd.f32 $-1.000000000e+00, v6  }
0x1f: {  	s9 =	simm.s32 $0x6A0;
	v5 =	vadd.f32 $-1.000000000e+00, v5  }
0x20: {  	[tilespmem:v3+s9+$0x0] =	vst.idx.msk $0xffff, v6  }
0x21: {  	[tilespmem:v4+s9+$0x0] =	vst.idx.msk $0xffff, v5  }
0x22: {  	v5 =	vld [tilespmem:$0x10];
	_ =	sdelay $0x4  }
0x23: {  	v5 =	vsub.f32 $1.000000000e+00, v5;
	_ =	sdelay $0x1  }
0x24: {  	v5 =	vmul.f32 $1.310720000e+05, v5;
	_ =	sdelay $0x1  }
0x25: {  	v6 =	vtrunc.f32 v5  }
0x26: {  	v9 =	vcvt.f32.s32 v6;
	vm13 =	vgt.f32 v5, v6  }
0x27: {  	v5 =	vsel vm13, $0x1, v2  }
0x28: {  	v5 =	vadd.s32 v5, v9  }
0x29: {  	v14 =	vadd.s32 $0xFFFFFFFF, v5  }
0x2a: {  	v9 =	vshll.u32 v14, $0x1;
	v10 =	vand.u32 $0xFF, v14  }
0x2b: {  	v5 =	vcvt.s32.f32 v10;
	v6 =	vshrl.u32 v9, $0x9  }
0x2c: {  	v6 =	vcvt.s32.f32 v6  }
0x2d: {  	v12 =	vadd.f32 $5.000000000e-01, v5  }
0x2e: {  	v5 =	vor.u32 $0x80, v3;
	v15 =	vadd.f32 $5.000000000e-01, v6  }
0x2f: {  	v7 =	vand.u32 $0xFFFFFE00, v7;
	v6 =	vor.u32 $0x81, v3;
	v12 =	vmul.f32 $3.906250000e-03, v12  }
0x30: {  	v7 =	vor.u32 v8, v7;
	v8 =	vmul.f32 $3.906250000e-03, v15  }
0x31: {  	v7 =	vshrl.u32 v7, $0x4;
	v12 =	vadd.f32 $-1.000000000e+00, v12  }
0x32: {  	[tilespmem:$0x40] =	vst v7;
	v7 =	vadd.f32 $-1.000000000e+00, v8  }
0x33: {  	[tilespmem:v5+s9+$0x0] =	vst.idx.msk $0xffff, v12  }
0x34: {  	[tilespmem:v6+s9+$0x0] =	vst.idx.msk $0xffff, v7  }
0x35: {  	v7 =	vld [tilespmem:$0x20];
	_ =	sdelay $0x4  }
0x36: {  	v7 =	vsub.f32 $1.000000000e+00, v7;
	_ =	sdelay $0x1  }
0x37: {  	v7 =	vmul.f32 $1.310720000e+05, v7;
	_ =	sdelay $0x1  }
0x38: {  	v8 =	vtrunc.f32 v7  }
0x39: {  	v12 =	vcvt.f32.s32 v8;
	vm14 =	vgt.f32 v7, v8  }
0x3a: {  	v7 =	vsel vm14, $0x1, v2  }
0x3b: {  	v7 =	vadd.s32 v7, v12  }
0x3c: {  	v15 =	vadd.s32 $0xFFFFFFFF, v7  }
0x3d: {  	v12 =	vshll.u32 v15, $0x1;
	v16 =	vand.u32 $0xFF, v15  }
0x3e: {  	v7 =	vcvt.s32.f32 v16;
	v8 =	vshrl.u32 v12, $0x9  }
0x3f: {  	v8 =	vcvt.s32.f32 v8  }
0x40: {  	v17 =	vadd.f32 $5.000000000e-01, v7  }
0x41: {  	v7 =	vor.u32 $0x100, v3;
	v18 =	vadd.f32 $5.000000000e-01, v8  }
0x42: {  	v9 =	vand.u32 $0xFFFFFE00, v9;
	v8 =	vor.u32 $0x101, v3;
	v17 =	vmul.f32 $3.906250000e-03, v17  }
0x43: {  	v9 =	vor.u32 v10, v9;
	v10 =	vmul.f32 $3.906250000e-03, v18  }
0x44: {  	v9 =	vshrl.u32 v9, $0x4;
	v17 =	vadd.f32 $-1.000000000e+00, v17  }
0x45: {  	[tilespmem:$0x50] =	vst v9;
	v9 =	vadd.f32 $-1.000000000e+00, v10  }
0x46: {  	[tilespmem:v7+s9+$0x0] =	vst.idx.msk $0xffff, v17  }
0x47: {  	[tilespmem:v8+s9+$0x0] =	vst.idx.msk $0xffff, v9  }
0x48: {  	v9 =	vld [tilespmem:$0x30];
	_ =	sdelay $0x4  }
0x49: {  	v9 =	vsub.f32 $1.000000000e+00, v9;
	_ =	sdelay $0x1  }
0x4a: {  	v9 =	vmul.f32 $1.310720000e+05, v9;
	_ =	sdelay $0x1  }
0x4b: {  	v10 =	vtrunc.f32 v9  }
0x4c: {  	v59 =	vcvt.f32.s32 v10;
	vm15 =	vgt.f32 v9, v10  }
0x4d: {  	v9 =	vsel vm15, $0x1, v2  }
0x4e: {  	v9 =	vadd.s32 v9, v59  }
0x4f: {  	v17 =	vadd.s32 $0xFFFFFFFF, v9  }
0x50: {  	v60 =	vshll.u32 v17, $0x1;
	v19 =	vand.u32 $0xFF, v17  }
0x51: {  	v9 =	vcvt.s32.f32 v19;
	v10 =	vshrl.u32 v60, $0x9  }
0x52: {  	v10 =	vcvt.s32.f32 v10  }
0x53: {  	v20 =	vadd.f32 $5.000000000e-01, v9  }
0x54: {  	v9 =	vor.u32 $0x180, v3;
	v21 =	vadd.f32 $5.000000000e-01, v10  }
0x55: {  	v12 =	vand.u32 $0xFFFFFE00, v12;
	v10 =	vor.u32 $0x181, v3;
	v20 =	vmul.f32 $3.906250000e-03, v20  }
0x56: {  	v12 =	vor.u32 v16, v12;
	v61 =	vmul.f32 $3.906250000e-03, v21  }
0x57: {  	v12 =	vshrl.u32 v12, $0x4;
	v20 =	vadd.f32 $-1.000000000e+00, v20  }
0x58: {  	[tilespmem:$0x60] =	vst v12;
	v12 =	vand.u32 $0xFFFFFE00, v60;
	v16 =	vadd.f32 $-1.000000000e+00, v61  }
0x59: {  	v12 =	vor.u32 v19, v12;
	[tilespmem:v9+s9+$0x0] =	vst.idx.msk $0xffff, v20  }
0x5a: {  	s10 =	sshll.u32 s16, $0x6;
	v12 =	vshrl.u32 v12, $0x4;
	[tilespmem:v10+s9+$0x0] =	vst.idx.msk $0xffff, v16  }
0x5b: {  	s11 =	simm.s32 $0x80;
	s18 =	sadd.s32 s10, s15;
	s10 =	simm.s32 $0x40;
	[tilespmem:$0x70] =	vst v12  }
0x5c: {  	v11 =	vmul.u32 $0x10, v11;
	[tilespmem:s11], [sflag:$0x2] =	stream.indirect.gather [hbm4b:s2+s10], $0x10, s10, s10, $0xb8;
	[tilespmem:$0xBA0] =	vst v63  }
0x5d: {  	s13 =	simm.s32 $0x3;
	s12 =	sadd.s32 $0x2C00, s18  }
0x5e: {  	[hbm4b:s12+s3] =	stream.linear.scatter [tilespmem:s9], [sflag:$0x4], $0x200, $0x38;
	[tilespmem:$0xBA0] =	vst v63  }
0x5f: {  	_ =	swait.ge [sflag:s13], $0x200  }
0x60: {  	[sflag:s13] =	ssyncset.done $0x0  }
0x61: {  	[sflag:s13] =	ssyncadd.s32 $0xFFFFFE00  }
0x62: {  	v62 =	vld.idx.msk [tilespmem:v11+s7+$0x0], $0xffff  }
0x63: {  	v12 =	vor.u32 $0x100, v11;
	_ =	sdelay $0x2  }
0x64: {  	s14 =	simm.s32 $0xAA0  }
0x65: {  	[tilespmem:v3+s14+$0x0] =	vst.idx.msk $0xffff, v62  }
0x66: {  	v16 =	vld.idx.msk [tilespmem:v12+s7+$0x0], $0xffff;
	_ =	sdelay $0x2  }
0x67: {  	s16 =	sshll.u32 s16, $0x5  }
0x68: {  	s15 =	sadd.s32 s16, s15;
	v13 =	vand.u32 $0xF, v13  }
0x69: {  	s16 =	simm.s32 $0x2;
	s15 =	sadd.s32 $0x2800, s15;
	v13 =	vor.u32 v11, v13;
	[tilespmem:v5+s14+$0x0] =	vst.idx.msk $0xffff, v16  }
0x6a: {  	[hbm4b:s15+s3] =	stream.linear.scatter [tilespmem:s14], [sflag:$0x6], $0x100, $0x38;
	[tilespmem:$0xBA0] =	vst v63  }
0x6b: {  	_ =	swait.ge [sflag:s16], $0x400  }
0x6c: {  	[sflag:s16] =	ssyncset.done $0x0  }
0x6d: {  	[sflag:s16] =	ssyncadd.s32 $0xFFFFFC00  }
0x6e: {  	v14 =	vand.u32 $0xF, v14;
	v13 =	vld.idx.msk [tilespmem:v13+s11+$0x0], $0xffff  }
0x6f: {  	v14 =	vor.u32 v12, v14;
	_ =	sdelay $0x2  }
0x70: {  	s17 =	simm.s32 $0x8A0  }
0x71: {  	[tilespmem:v3+s17+$0x0] =	vst.idx.msk $0xffff, v13  }
0x72: {  	v15 =	vand.u32 $0xF, v15;
	v13 =	vor.u32 $0x200, v11;
	v14 =	vld.idx.msk [tilespmem:v14+s11+$0x0], $0xffff  }
0x73: {  	v15 =	vor.u32 v13, v15;
	_ =	sdelay $0x3  }
0x74: {  	[tilespmem:v5+s17+$0x0] =	vst.idx.msk $0xffff, v14  }
0x75: {  	v63 =	vand.u32 $0xF, v17;
	v14 =	vor.u32 $0x300, v11;
	v15 =	vld.idx.msk [tilespmem:v15+s11+$0x0], $0xffff  }
0x76: {  	v16 =	vor.u32 v14, v63;
	_ =	sdelay $0x3  }
0x77: {  	[tilespmem:v7+s17+$0x0] =	vst.idx.msk $0xffff, v15  }
0x78: {  	v15 =	vld.idx.msk [tilespmem:v16+s11+$0x0], $0xffff;
	_ =	sdelay $0x2  }
0x79: {  	s21 =	ssub.s32 $0x2, s20  }
0x7a: {  	s22 =	sshrl.u32 s21, $0x1  }
0x7b: {  	s19 =	simm.s32 $0x4;
	s21 =	ssub.s32 s21, s22;
	s18 =	sadd.s32 $0x3400, s18;
	[tilespmem:v9+s17+$0x0] =	vst.idx.msk $0xffff, v15  }
0x7c: {  	[hbm4b:s18+s3] =	stream.linear.scatter [tilespmem:s17], [sflag:$0x5], $0x200, $0x38;
	[tilespmem:$0xBA0] =	vst v63  }
0x7d: {  	s22 =	smax.u32 s21, $0x1;
	_ =	swait.ge [sflag:s19], $0x200  }
0x7e: {  	p0 =	sne.s32 s22, $0x1;
	[sflag:s19] =	ssyncset.done $0x0  }
.Ltmp0:
0x7f: {  	s20 =	simm.s32 $0x6;
	[sflag:s19] =	ssyncadd.s32 $0xFFFFFE00;
	(pc) =	sbr.rel @!p0 .LBB2_2-.Ltmp0, $4  }
0x80: {  	_ =	swait.ge [sflag:s20], $0x100  }
0x81: {  	[sflag:s20] =	ssyncset.done $0x0  }
0x82: {  	s21 =	simm.s32 $0x5;
	[sflag:s20] =	ssyncadd.s32 $0xFFFFFF00  }
0x83: {  	s22 =	sadd.s32 $0xFFFFFFFF, s22;
	_ =	swait.ge [sflag:s21], $0x200  }
.LBB2_1:
0x84: {  	p0 =	sne.s32 s22, $0x1;
	s22 =	sadd.s32 $0xFFFFFFFF, s22;
	[sflag:s21] =	ssyncset.done $0x0  }
0x85: {  	[sflag:s21] =	ssyncadd.s32 $0xFFFFFE00  }
0x86: {  	[tilespmem:s3], [sflag:$0x1] =	stream.linear.gather [hbm4b:s4+s3], $0x40, $0x38;
	[tilespmem:$0xBA0] =	vst v63  }
0x87: {  	[tilespmem:$0x480] =	vst v0  }
0x88: {  	[tilespmem:$0x490] =	vst v1  }
0x89: {  	[tilespmem:s7], [sflag:$0x3] =	stream.indirect.gather [hbm4b:s2+s5], $0x10, s6, s5, $0xb8;
	[tilespmem:$0xBA0] =	vst v63  }
0x8a: {  	_ =	swait.ge [sflag:s8], $0x40  }
0x8b: {  	[sflag:s8] =	ssyncset.done $0x0  }
0x8c: {  	[sflag:s8] =	ssyncadd.s32 $0xFFFFFFC0  }
0x8d: {  	v15 =	vld [tilespmem:$0x0];
	_ =	sdelay $0x4  }
0x8e: {  	v15 =	vsub.f32 $1.000000000e+00, v15;
	_ =	sdelay $0x1  }
0x8f: {  	v15 =	vmul.f32 $1.310720000e+05, v15;
	_ =	sdelay $0x1  }
0x90: {  	v16 =	vtrunc.f32 v15  }
0x91: {  	v17 =	vcvt.f32.s32 v16;
	vm0 =	vgt.f32 v15, v16  }
0x92: {  	v15 =	vsel vm0, $0x1, v2  }
0x93: {  	v15 =	vadd.s32 v15, v17  }
0x94: {  	v15 =	vadd.s32 $0xFFFFFFFF, v15  }
0x95: {  	v16 =	vshll.u32 v15, $0x1;
	v17 =	vand.u32 $0xFF, v15;
	v15 =	vand.u32 $0xF, v15  }
0x96: {  	v18 =	vand.u32 $0xFFFFFE00, v16;
	v19 =	vcvt.s32.f32 v17;
	v16 =	vshrl.u32 v16, $0x9  }
0x97: {  	v17 =	vor.u32 v17, v18;
	v16 =	vcvt.s32.f32 v16  }
0x98: {  	v18 =	vadd.f32 $5.000000000e-01, v19  }
0x99: {  	v16 =	vadd.f32 $5.000000000e-01, v16  }
0x9a: {  	v18 =	vmul.f32 $3.906250000e-03, v18  }
0x9b: {  	v16 =	vmul.f32 $3.906250000e-03, v16  }
0x9c: {  	v18 =	vadd.f32 $-1.000000000e+00, v18  }
0x9d: {  	v16 =	vadd.f32 $-1.000000000e+00, v16  }
0x9e: {  	[tilespmem:v3+s9+$0x0] =	vst.idx.msk $0xffff, v18  }
0x9f: {  	[tilespmem:v4+s9+$0x0] =	vst.idx.msk $0xffff, v16  }
0xa0: {  	v16 =	vld [tilespmem:$0x10];
	_ =	sdelay $0x4  }
0xa1: {  	v16 =	vsub.f32 $1.000000000e+00, v16;
	_ =	sdelay $0x1  }
0xa2: {  	v16 =	vmul.f32 $1.310720000e+05, v16;
	_ =	sdelay $0x1  }
0xa3: {  	v18 =	vtrunc.f32 v16  }
0xa4: {  	v19 =	vcvt.f32.s32 v18;
	vm0 =	vgt.f32 v16, v18  }
0xa5: {  	v16 =	vsel vm0, $0x1, v2  }
0xa6: {  	v16 =	vadd.s32 v16, v19  }
0xa7: {  	v16 =	vadd.s32 $0xFFFFFFFF, v16  }
0xa8: {  	v18 =	vshll.u32 v16, $0x1;
	v19 =	vand.u32 $0xFF, v16;
	v16 =	vand.u32 $0xF, v16  }
0xa9: {  	v20 =	vand.u32 $0xFFFFFE00, v18;
	v21 =	vcvt.s32.f32 v19;
	v18 =	vshrl.u32 v18, $0x9  }
0xaa: {  	v19 =	vor.u32 v19, v20;
	v18 =	vcvt.s32.f32 v18  }
0xab: {  	v20 =	vadd.f32 $5.000000000e-01, v21  }
0xac: {  	v18 =	vadd.f32 $5.000000000e-01, v18  }
0xad: {  	v20 =	vmul.f32 $3.906250000e-03, v20  }
0xae: {  	v17 =	vshrl.u32 v17, $0x4;
	v18 =	vmul.f32 $3.906250000e-03, v18  }
0xaf: {  	[tilespmem:$0x40] =	vst v17;
	v17 =	vadd.f32 $-1.000000000e+00, v20  }
0xb0: {  	v18 =	vadd.f32 $-1.000000000e+00, v18  }
0xb1: {  	[tilespmem:v5+s9+$0x0] =	vst.idx.msk $0xffff, v17  }
0xb2: {  	v17 =	vshrl.u32 v19, $0x4;
	[tilespmem:v6+s9+$0x0] =	vst.idx.msk $0xffff, v18  }
0xb3: {  	[tilespmem:$0x50] =	vst v17;
	v17 =	vld [tilespmem:$0x20];
	_ =	sdelay $0x4  }
0xb4: {  	v17 =	vsub.f32 $1.000000000e+00, v17;
	_ =	sdelay $0x1  }
0xb5: {  	v17 =	vmul.f32 $1.310720000e+05, v17;
	_ =	sdelay $0x1  }
0xb6: {  	v18 =	vtrunc.f32 v17  }
0xb7: {  	v19 =	vcvt.f32.s32 v18;
	vm0 =	vgt.f32 v17, v18  }
0xb8: {  	v17 =	vsel vm0, $0x1, v2  }
0xb9: {  	v17 =	vadd.s32 v17, v19  }
0xba: {  	v17 =	vadd.s32 $0xFFFFFFFF, v17  }
0xbb: {  	v18 =	vshll.u32 v17, $0x1;
	v19 =	vand.u32 $0xFF, v17;
	v17 =	vand.u32 $0xF, v17  }
0xbc: {  	v20 =	vand.u32 $0xFFFFFE00, v18;
	v21 =	vcvt.s32.f32 v19;
	v18 =	vshrl.u32 v18, $0x9  }
0xbd: {  	v19 =	vor.u32 v19, v20;
	v18 =	vcvt.s32.f32 v18  }
0xbe: {  	v20 =	vadd.f32 $5.000000000e-01, v21  }
0xbf: {  	v18 =	vadd.f32 $5.000000000e-01, v18  }
0xc0: {  	v20 =	vmul.f32 $3.906250000e-03, v20  }
0xc1: {  	v18 =	vmul.f32 $3.906250000e-03, v18  }
0xc2: {  	v20 =	vadd.f32 $-1.000000000e+00, v20  }
0xc3: {  	v18 =	vadd.f32 $-1.000000000e+00, v18  }
0xc4: {  	[tilespmem:v7+s9+$0x0] =	vst.idx.msk $0xffff, v20  }
0xc5: {  	[tilespmem:v8+s9+$0x0] =	vst.idx.msk $0xffff, v18;
	v18 =	vshrl.u32 v19, $0x4  }
0xc6: {  	[tilespmem:$0x60] =	vst v18;
	v18 =	vld [tilespmem:$0x30];
	_ =	sdelay $0x4  }
0xc7: {  	v18 =	vsub.f32 $1.000000000e+00, v18;
	_ =	sdelay $0x1  }
0xc8: {  	v18 =	vmul.f32 $1.310720000e+05, v18;
	_ =	sdelay $0x1  }
0xc9: {  	v19 =	vtrunc.f32 v18  }
0xca: {  	v20 =	vcvt.f32.s32 v19;
	vm0 =	vgt.f32 v18, v19  }
0xcb: {  	v18 =	vsel vm0, $0x1, v2  }
0xcc: {  	v18 =	vadd.s32 v18, v20  }
0xcd: {  	v18 =	vadd.s32 $0xFFFFFFFF, v18  }
0xce: {  	v19 =	vshll.u32 v18, $0x1;
	v20 =	vand.u32 $0xFF, v18;
	v18 =	vand.u32 $0xF, v18  }
0xcf: {  	v21 =	vand.u32 $0xFFFFFE00, v19;
	v22 =	vcvt.s32.f32 v20;
	v19 =	vshrl.u32 v19, $0x9  }
0xd0: {  	v20 =	vor.u32 v20, v21;
	v19 =	vcvt.s32.f32 v19  }
0xd1: {  	v21 =	vadd.f32 $5.000000000e-01, v22  }
0xd2: {  	v19 =	vadd.f32 $5.000000000e-01, v19  }
0xd3: {  	v21 =	vmul.f32 $3.906250000e-03, v21  }
0xd4: {  	v19 =	vmul.f32 $3.906250000e-03, v19  }
0xd5: {  	v21 =	vadd.f32 $-1.000000000e+00, v21  }
0xd6: {  	v19 =	vadd.f32 $-1.000000000e+00, v19  }
0xd7: {  	v20 =	vshrl.u32 v20, $0x4;
	[tilespmem:v9+s9+$0x0] =	vst.idx.msk $0xffff, v21  }
0xd8: {  	[tilespmem:v10+s9+$0x0] =	vst.idx.msk $0xffff, v19  }
0xd9: {  	[tilespmem:$0x70] =	vst v20  }
0xda: {  	[tilespmem:s11], [sflag:$0x2] =	stream.indirect.gather [hbm4b:s2+s10], $0x10, s10, s10, $0xb8;
	[tilespmem:$0xBA0] =	vst v63  }
0xdb: {  	_ = 	snop  }
0xdc: {  	[hbm4b:s12+s3] =	stream.linear.scatter [tilespmem:s9], [sflag:$0x4], $0x200, $0x38;
	[tilespmem:$0xBA0] =	vst v63  }
0xdd: {  	_ =	swait.ge [sflag:s13], $0x200  }
0xde: {  	[sflag:s13] =	ssyncset.done $0x0  }
0xdf: {  	[sflag:s13] =	ssyncadd.s32 $0xFFFFFE00  }
0xe0: {  	v19 =	vld.idx.msk [tilespmem:v11+s7+$0x0], $0xffff;
	_ =	sdelay $0x5  }
0xe1: {  	[tilespmem:v3+s14+$0x0] =	vst.idx.msk $0xffff, v19  }
0xe2: {  	v19 =	vld.idx.msk [tilespmem:v12+s7+$0x0], $0xffff;
	_ =	sdelay $0x4  }
0xe3: {  	v15 =	vor.u32 v11, v15  }
0xe4: {  	[tilespmem:v5+s14+$0x0] =	vst.idx.msk $0xffff, v19  }
0xe5: {  	[hbm4b:s15+s3] =	stream.linear.scatter [tilespmem:s14], [sflag:$0x6], $0x100, $0x38;
	[tilespmem:$0xBA0] =	vst v63  }
0xe6: {  	_ =	swait.ge [sflag:s16], $0x400  }
0xe7: {  	[sflag:s16] =	ssyncset.done $0x0  }
0xe8: {  	[sflag:s16] =	ssyncadd.s32 $0xFFFFFC00  }
0xe9: {  	v15 =	vld.idx.msk [tilespmem:v15+s11+$0x0], $0xffff  }
0xea: {  	v16 =	vor.u32 v12, v16;
	_ =	sdelay $0x4  }
0xeb: {  	[tilespmem:v3+s17+$0x0] =	vst.idx.msk $0xffff, v15  }
0xec: {  	v15 =	vld.idx.msk [tilespmem:v16+s11+$0x0], $0xffff  }
0xed: {  	v16 =	vor.u32 v13, v17;
	_ =	sdelay $0x4  }
0xee: {  	[tilespmem:v5+s17+$0x0] =	vst.idx.msk $0xffff, v15  }
0xef: {  	v15 =	vld.idx.msk [tilespmem:v16+s11+$0x0], $0xffff  }
0xf0: {  	v16 =	vor.u32 v14, v18;
	_ =	sdelay $0x4  }
0xf1: {  	[tilespmem:v7+s17+$0x0] =	vst.idx.msk $0xffff, v15  }
0xf2: {  	v15 =	vld.idx.msk [tilespmem:v16+s11+$0x0], $0xffff;
	_ =	sdelay $0x5  }
0xf3: {  	[tilespmem:v9+s17+$0x0] =	vst.idx.msk $0xffff, v15  }
0xf4: {  	[hbm4b:s18+s3] =	stream.linear.scatter [tilespmem:s17], [sflag:$0x5], $0x200, $0x38;
	[tilespmem:$0xBA0] =	vst v63  }
0xf5: {  	_ =	swait.ge [sflag:s19], $0x200  }
0xf6: {  	[sflag:s19] =	ssyncset.done $0x0  }
.Ltmp1:
0xf7: {  	[sflag:s19] =	ssyncadd.s32 $0xFFFFFE00;
	(pc) =	sbr.rel @p0 .LBB2_1-.Ltmp1, $4  }
0xf8: {  	_ =	swait.ge [sflag:s20], $0x100  }
0xf9: {  	[sflag:s20] =	ssyncset.done $0x0  }
0xfa: {  	[sflag:s20] =	ssyncadd.s32 $0xFFFFFF00  }
0xfb: {  	_ =	swait.ge [sflag:s21], $0x200  }
.LBB2_2:
0xfc: {  	[sflag:s21] =	ssyncset.done $0x0  }
0xfd: {  	[sflag:s21] =	ssyncadd.s32 $0xFFFFFE00  }
0xfe: {  	_ =	sfence.sel $0x180000  }
0xff: {  	[bflag:$0x0] =	sbarrier.arrive $0xFFFF  }
0x100: {  	p0 =	sne.s32 s0, $0x0;
	_ =	strace $0x90000047  }
0x101: {  	s0 =	sadd.s32 @!p0 $0x100000, s1;
	[bflag:$0x2] =	sbarrier.arrive $0xFFFF  }
0x102: {  	[sflag:s0] =	ssyncadd.tile.s32 @!p0 $0x1;
	_ =	shalt  }
.Lfunc_end2:
_tile_overlayer_lowered:
.L_overlay_start_2:
0x103: {  	(tag) =	ssettag $0x2  }
0x104: {  	s0 =	rddreg [dreg:$0x0];
	s2 =	stileid.u32  }
0x105: {  	s1 =	rddreg [dreg:$0x1];
	p0 =	sne.s32 s2, $0x0  }
0x106: {  	s3 =	rddreg [dreg:$0x2];
	[bflag:$0x3] =	sbarrier.arrive $0xFFFF;
	s2 =	simm.s32 @!p0 $0x1C07  }
0x107: {  	[timem:s3], [sflag:s2] =	dma.local @!p0 [hbm:s0], s1  }
0x108: {  	s0 =	simm.s32 @!p0 $0x7  }
0x109: {  	_ =	swait.ge @!p0 [sflag:s0], s1  }
0x10a: {  	s1 =	ssub.s32 @!p0 $0x0, s1;
	[sflag:s0] =	ssyncset.done @!p0 $0x0  }
0x10b: {  	[sflag:s0] =	ssyncadd.s32 @!p0 s1  }
0x10c: {  	[bflag:$0x3] =	sbarrier.arrive $0xFFFF  }
0x10d: {  	_ =	shalt  }

// kernel: kernel.8.cloned.1.call-start
scs
__scs_entry_jumppad:
0x0: {  	(pc) =	sbr.rel $0x88, $3  }
0x1: {  	(tag) =	ssettag $0x0;
	lr =	simm.s32 $0x1  }
0x2: {  	[smem:$0x3FA0] =	sst lr;
	_ =	strace $0xD0000000  }
0x3: {  	_ = 	snop  }
0x4: {  	_ = 	snop  }
0x5: {  	_ = 	snop  }
0x6: {  	_ = 	snop  }
0x7: {  	_ = 	snop  }
__scs_overlays_trampoline_lowered:
0x8: {  	[smem:$0x3FAF] =	sst s0  }
0x9: {  	[smem:$0x3FB0] =	sst s1  }
0xa: {  	[smem:$0x3FB1] =	sst s2  }
0xb: {  	[smem:$0x3FB2] =	sst s3  }
0xc: {  	[smem:$0x3FB3] =	sst s4  }
0xd: {  	[smem:$0x3FB4] =	sst s5  }
0xe: {  	[smem:$0x3FB5] =	sst s6  }
0xf: {  	[smem:$0x3FB6] =	sst s7  }
0x10: {  	[smem:$0x3FB7] =	sst s8  }
0x11: {  	[smem:$0x3FB8] =	sst s9;
	s0 =	simm.s32 @!p0 $0x0  }
0x12: {  	s1 =	sld [smem:$0x3F9E];
	s0 =	simm.s32 @p0 $0x1  }
0x13: {  	[smem:$0x3FB9] =	sst s0;
	s0 =	simm.s32 @!p1 $0x0  }
0x14: {  	s2 =	sld [smem:$0x3F9D];
	s0 =	simm.s32 @p1 $0x1  }
0x15: {  	[smem:$0x3FBA] =	sst s0;
	s0 =	simm.s32 @!p2 $0x0  }
0x16: {  	s3 =	sld [smem:$0x3FDB];
	s0 =	simm.s32 @p2 $0x1  }
0x17: {  	s4 =	simm.s32 $0x1BF5;
	[smem:$0x3FBC] =	sst s0  }
0x18: {  	s0 =	sld [smem:$0x3F9F];
	_ =	swait.ge [sflag:s4], $0x0  }
0x19: {  	s7 =	sld [smem:$0x3FA0]  }
0x1a: {  	s8 =	sadd.s32 $0xFFFFE003, lr  }
0x1b: {  	s9 =	sadd.s32 $0xFFFFFEF7, lr;
	s5 =	simm.s32 $0xFFFFFFFF;
	p2 =	slt.u32 s8, $0xFFFFF086  }
0x1c: {  	p1 =	slt.u32 s9, $0xF7A;
	s5 =	simm.s32 @!p2 $0x0  }
0x1d: {  	s5 =	simm.s32 @p1 $0x1;
	p0 =	seq.s32 s7, s2  }
0x1e: {  	s7 =	smul.u32 @!p0 $0xF7A, s2;
	p2 =	seq.s32 @!p0 s5, $0x0  }
0x1f: {  	s9 =	smul.u32 $0xF7A, s1;
	s8 =	simm.s32 @!p0 $0x1BF5;
	p2 =	por !p2, p0  }
0x20: {  	[sflag:s8] =	ssyncset.s32 @!p0 $0xFFFFF086;
	s6 =	sadd.s32 @!p0 s3, s7;
	s7 =	simm.s32 @!p0 $0x108  }
0x21: {  	s3 =	sadd.s32 s3, s9;
	s6 =	sadd.s32 @!p0 $0x88, s6;
	s7 =	simm.s32 @p2 $0x1082  }
0x22: {  	[simem:s7], [sflag:s8] =	dma.local @!p0 [hbm:s6], $0xF7A  }
0x23: {  	s9 =	sor.u32 $0xD0000000, s2;
	s6 =	simm.s32 $0x108;
	_ =	swait.ge @!p0 [sflag:s8], $0x0  }
0x24: {  	s3 =	sadd.s32 $0x88, s3;
	s6 =	simm.s32 @!p1 $0x1082;
	[sflag:s4] =	ssyncset.s32 $0xFFFFF086  }
0x25: {  	[simem:s6], [sflag:s4] =	dma.local [hbm:s3], $0xF7A  }
0x26: {  	[smem:$0x3FA0] =	sst s1;
	(tag) =	ssettag s2;
	_ =	strace s9  }
0x27: {  	s1 =	sld [smem:$0x3FB0]  }
0x28: {  	s2 =	sld [smem:$0x3FB1]  }
0x29: {  	s4 =	sld [smem:$0x3FB3]  }
0x2a: {  	p0 =	seq.s32 s5, $0x0;
	s5 =	sld [smem:$0x3FB4]  }
0x2b: {  	s6 =	sld [smem:$0x3FB5]  }
0x2c: {  	s7 =	sld [smem:$0x3FB6]  }
0x2d: {  	s3 =	simm.s32 $0x108;
	s8 =	sld [smem:$0x3FB7]  }
0x2e: {  	s3 =	simm.s32 @!p0 $0x1082;
	s9 =	sld [smem:$0x3FB8]  }
0x2f: {  	lr =	sadd.s32 s0, s3;
	s0 =	sld [smem:$0x3FAF]  }
0x30: {  	s3 =	sld [smem:$0x3FB2]  }
0x31: {  	[smem:$0x3FBB] =	sst s10  }
0x32: {  	s10 =	sld [smem:$0x3FB9];
	_ =	sdelay $0x3  }
0x33: {  	p0 =	seq.s32 s10, $0x1;
	s10 =	sld [smem:$0x3FBB];
	_ =	sdelay $0x3  }
0x34: {  	[smem:$0x3FBB] =	sst s10  }
0x35: {  	s10 =	sld [smem:$0x3FBA];
	_ =	sdelay $0x3  }
0x36: {  	p1 =	seq.s32 s10, $0x1;
	s10 =	sld [smem:$0x3FBB];
	_ =	sdelay $0x3  }
0x37: {  	[smem:$0x3FBB] =	sst s10  }
0x38: {  	s10 =	sld [smem:$0x3FBC]  }
0x39: {  	_ = 	snop;
	(pc) =	sbr.ind lr, $3  }
0x3a: {  	_ = 	snop  }
0x3b: {  	_ = 	snop  }
0x3c: {  	p2 =	seq.s32 s10, $0x1;
	s10 =	sld [smem:$0x3FBB]  }
0x3d: {  	_ =	shalt  }
0x3e: {  	_ =	shalt  }
0x3f: {  	_ =	shalt  }
0x40: {  	_ =	shalt  }
0x41: {  	_ =	shalt  }
0x42: {  	_ =	shalt  }
0x43: {  	_ =	shalt  }
0x44: {  	_ =	shalt  }
0x45: {  	_ =	shalt  }
0x46: {  	_ =	shalt  }
0x47: {  	_ =	shalt  }
0x48: {  	_ =	shalt  }
0x49: {  	_ =	shalt  }
0x4a: {  	_ =	shalt  }
0x4b: {  	_ =	shalt  }
0x4c: {  	_ =	shalt  }
0x4d: {  	_ =	shalt  }
0x4e: {  	_ =	shalt  }
0x4f: {  	_ =	shalt  }
0x50: {  	_ =	shalt  }
0x51: {  	_ =	shalt  }
0x52: {  	_ =	shalt  }
0x53: {  	_ =	shalt  }
0x54: {  	_ =	shalt  }
0x55: {  	_ =	shalt  }
0x56: {  	_ =	shalt  }
0x57: {  	_ =	shalt  }
0x58: {  	_ =	shalt  }
0x59: {  	_ =	shalt  }
0x5a: {  	_ =	shalt  }
0x5b: {  	_ =	shalt  }
0x5c: {  	_ =	shalt  }
0x5d: {  	_ =	shalt  }
0x5e: {  	_ =	shalt  }
0x5f: {  	_ =	shalt  }
0x60: {  	_ =	shalt  }
0x61: {  	_ =	shalt  }
0x62: {  	_ =	shalt  }
0x63: {  	_ =	shalt  }
0x64: {  	_ =	shalt  }
0x65: {  	_ =	shalt  }
0x66: {  	_ =	shalt  }
0x67: {  	_ =	shalt  }
0x68: {  	_ =	shalt  }
0x69: {  	_ =	shalt  }
0x6a: {  	_ =	shalt  }
0x6b: {  	_ =	shalt  }
0x6c: {  	_ =	shalt  }
0x6d: {  	_ =	shalt  }
0x6e: {  	_ =	shalt  }
0x6f: {  	_ =	shalt  }
0x70: {  	_ =	shalt  }
0x71: {  	_ =	shalt  }
0x72: {  	_ =	shalt  }
0x73: {  	_ =	shalt  }
0x74: {  	_ =	shalt  }
0x75: {  	_ =	shalt  }
0x76: {  	_ =	shalt  }
0x77: {  	_ =	shalt  }
0x78: {  	_ =	shalt  }
0x79: {  	_ =	shalt  }
0x7a: {  	_ =	shalt  }
0x7b: {  	_ =	shalt  }
0x7c: {  	_ =	shalt  }
0x7d: {  	_ =	shalt  }
0x7e: {  	_ =	shalt  }
0x7f: {  	_ =	shalt  }
0x80: {  	_ =	shalt  }
0x81: {  	_ =	shalt  }
0x82: {  	_ =	shalt  }
0x83: {  	_ =	shalt  }
0x84: {  	_ =	shalt  }
0x85: {  	_ =	shalt  }
0x86: {  	_ =	shalt  }
0x87: {  	_ =	shalt  }
.Lfunc_end0:
.L_simem_size_0:
called_computation.1_lowered:
.L_overlay_start_0:
0x88: {  	s2 =	sld [smem:$0x3FD9]  }
0x89: {  	s3 =	sld [smem:$0x3FFE];
	_ =	sdelay $0x1  }
0x8a: {  	s1 =	srdreg.scid  }
0x8b: {  	s0 =	sand.u32 $0x1, s1  }
0x8c: {  	s16 =	sshll.u32 s0, $0xA;
	s2 =	sadd.s32 s3, s2  }
0x8d: {  	s2 =	sadd.s32 s2, s16  }
0x8e: {  	[smem:$0x3FC7] =	sst s2  }
0x8f: {  	_ = 	snop  }
0x90: {  	s17 =	sld [smem:$0x3FD0];
	_ =	sdelay $0x2  }
0x91: {  	s5 =	simm.s32 $0xB;
	s4 =	simm.s32 $0x10;
	s2 =	sld [smem:$0x3FC9]  }
0x92: {  	[smem:s4], [sflag:s5] =	dma.local [hbm:s17], $0x1  }
0x93: {  	_ =	swait.eq [sflag:s5], $0x1  }
0x94: {  	s18 =	sld [smem:$0x10]  }
0x95: {  	s19 =	sld [smem:$0x11]  }
0x96: {  	s7 =	sld [smem:$0x12]  }
0x97: {  	s6 =	sld [smem:$0x13];
	[sflag:s5] =	ssyncset.done $0x0  }
0x98: {  	s8 =	sld [smem:$0x14];
	[sflag:s5] =	ssyncadd.s32 $0xFFFFFFFF  }
0x99: {  	s9 =	sld [smem:$0x15];
	(tm) =	ssettm $0x1  }
0x9a: {  	s20 =	sld [smem:$0x3FFB];
	_ =	sdelay $0x3  }
0x9b: {  	_ =	strace s20  }
0x9c: {  	s5 =	sld [smem:$0x3FFC];
	_ =	sdelay $0x3  }
0x9d: {  	_ =	strace s5  }
0x9e: {  	s5 =	sld [smem:$0x3FFD];
	_ =	sdelay $0x3  }
0x9f: {  	_ =	strace s5  }
0xa0: {  	_ =	strace $0x8FFFFFFF  }
0xa1: {  	s21 =	sld [smem:$0x3FDB];
	_ =	sdelay $0x1  }
0xa2: {  	s10 =	simm.s32 $_scs_section_size  }
0xa3: {  	s11 =	simm.s32 $_size__tile_overlayer_lowered;
	s12 =	simm.s32 $_tile_overlayer_lowered  }
0xa4: {  	s13 =	simm.s32 $0x1BFF;
	s22 =	sshll.u32 s12, $0x1;
	s10 =	sadd.s32 s10, s21  }
0xa5: {  	s23 =	simm.s32 $0x0;
	s11 =	sshll.u32 s11, $0x1;
	s12 =	sadd.s32 s22, s10  }
0xa6: {  	[timem:s23], [sflag:s13] =	dma.local [hbm:s12], s11  }
0xa7: {  	_ =	swait.ge [sflag:s13], s11  }
0xa8: {  	s11 =	ssub.s32 $0x0, s11;
	[sflag:s13] =	ssyncset.done $0x0  }
0xa9: {  	[sflag:s13] =	ssyncadd.s32 s11;
	_ =	sdelay $0x1  }
0xaa: {  	s24 =	simm.s32 $0x1B8B  }
0xab: {  	_ =	swait.ge [sflag:s24], $0x1  }
0xac: {  	[sflag:s24] =	ssyncset.done $0x0  }
0xad: {  	[sflag:s24] =	ssyncadd.s32 $0xFFFFFFFF  }
0xae: {  	s11 =	sld [smem:$0x0]  }
0xaf: {  	s12 =	sand.u32 $0xFFFFFFFE, s1  }
0xb0: {  	p0 =	sne.s32 s1, s12  }
0xb1: {  	s12 =	sshll.u32 @p0 s12, $0xE  }
0xb2: {  	s12 =	sadd.s32 @p0 $0x11B8D, s12;
	s13 =	sshll.u32 @p0 s11, $0x11  }
0xb3: {  	s12 =	sor.u32 @p0 s13, s12  }
0xb4: {  	[sflag:s12] =	ssyncadd.remote.s32 @p0 $0x1;
	_ =	sdelay $0x1  }
0xb5: {  	s12 =	simm.s32 @p0 $0x1B8D  }
0xb6: {  	_ =	swait.eq @p0 [sflag:s12], $0x1  }
0xb7: {  	[sflag:s12] =	ssyncadd.s32 @p0 $0xFFFFFFFF  }
0xb8: {  	s13 =	sshll.u32 @!p0 s1, $0xE  }
0xb9: {  	s13 =	sor.u32 @!p0 $0x4000, s13;
	s12 =	simm.s32 @!p0 $0x1B8D  }
0xba: {  	s11 =	sshll.u32 @!p0 s11, $0x11;
	s13 =	sadd.s32 @!p0 $0x11B8D, s13;
	_ =	swait.eq @!p0 [sflag:s12], $0x1  }
0xbb: {  	s11 =	sor.u32 @!p0 s11, s13;
	[sflag:s12] =	ssyncadd.s32 @!p0 $0xFFFFFFFF  }
0xbc: {  	s25 =	simm.s32 $0x1B8E;
	[sflag:s11] =	ssyncadd.remote.s32 @!p0 $0x1  }
0xbd: {  	s26 =	simm.s32 $execute0_lowered;
	[smem:$0x3FD2] =	sst s25  }
0xbe: {  	s11 =	sshll.u32 s26, $0x1;
	_ =	strace $0x80000049;
	[dreg:$0x1] =	wrdreg $0xFFFFFFFF  }
0xbf: {  	s28 =	simm.s32 $_size_execute0_lowered;
	s10 =	sadd.s32 s10, s11;
	[dreg:$0x0] =	wrdreg $0x0  }
0xc0: {  	s11 =	sshll.u32 s28, $0x1;
	[dreg:$0x2] =	wrdreg s10  }
0xc1: {  	[dreg:$0x3] =	wrdreg s11  }
0xc2: {  	[dreg:$0x4] =	wrdreg $0xC0  }
0xc3: {  	_ =	task [dreg:s23], $0x5FFFF  }
0xc4: {  	[dreg:$0x1] =	wrdreg $0xFFFFFFFF  }
0xc5: {  	[dreg:$0x0] =	wrdreg $0x60  }
0xc6: {  	[dreg:$0x2] =	wrdreg s7  }
0xc7: {  	[dreg:$0x3] =	wrdreg s9  }
0xc8: {  	[dreg:$0x4] =	wrdreg s6  }
0xc9: {  	[dreg:$0x5] =	wrdreg s8  }
0xca: {  	[dreg:$0x6] =	wrdreg s2  }
0xcb: {  	[dreg:$0x7] =	wrdreg s18  }
0xcc: {  	[dreg:$0x8] =	wrdreg s19  }
0xcd: {  	[dreg:$0x9] =	wrdreg $0xA  }
0xce: {  	_ =	task.clear_ibuf [dreg:s23], $0xAFFFF;
	_ =	strace $0x90000049  }
0xcf: {  	s29 =	simm.s32 $0xA;
	_ =	strace $0x8000004B  }
0xd0: {  	_ =	swait.ge [sflag:s29], $0x1  }
0xd1: {  	[sflag:s29] =	ssyncadd.s32 $0xFFFFFFFF  }
0xd2: {  	_ =	strace $0x9000004B  }
0xd3: {  	_ =	sfence  }
0xd4: {  	s30 =	sld [smem:$0x0];
	_ =	sdelay $0x2  }
0xd5: {  	s31 =	sshll.u32 s1, $0xD;
	s1 =	sshrl.u32 s1, $0x2  }
0xd6: {  	s3 =	sand.u32 $0x4000, s31;
	s1 =	sadd.s32 s1, s30  }
0xd7: {  	s0 =	sor.u32 s3, s0;
	s1 =	sshll.u32 s1, $0x11  }
0xd8: {  	s0 =	sor.u32 s1, s0  }
0xd9: {  	s0 =	sadd.s32 $0x8F2B, s0  }
0xda: {  	[sflag:s0] =	ssyncadd.remote.s32 $0x1  }
0xdb: {  	_ =	sfence.sel $0xFFFF  }
0xdc: {  	[dreg:$0x0] =	wrdreg $0xFFFFFFFF;
	(pc) =	sbr.abs _section_cstart, $3  }
0xdd: {  	[dreg:$0x1] =	wrdreg $0xFFFFFFFF  }
0xde: {  	_ =	task.clear_ibuf [dreg:s23], $0x2FFFF;
	_ =	strace $0x9FFFFFFF  }
0xdf: {  	(tm) =	ssettm $0x7FFFFFFF  }
tec
execute0_lowered:
.L_overlay_start_1:
0x0: {  	(tag) =	ssettag $0x1  }
0x1: {  	s0 =	rddreg [dreg:$0x0]  }
0x2: {  	s1 =	rddreg [dreg:$0x1]  }
0x3: {  	s3 =	rddreg [dreg:$0x2]  }
0x4: {  	s7 =	rddreg [dreg:$0x3]  }
0x5: {  	s4 =	rddreg [dreg:$0x4]  }
0x6: {  	s8 =	rddreg [dreg:$0x5]  }
0x7: {  	s9 =	rddreg [dreg:$0x6];
	s6 =	srdreg.scid  }
0x8: {  	s2 =	rddreg [dreg:$0x7];
	s5 =	stileid.u32;
	s14 =	simm.s32 $0x2  }
0x9: {  	s15 =	simm.s32 $0x3;
	s16 =	simm.s32 $0x40;
	s17 =	simm.s32 $0x850  }
0xa: {  	s18 =	simm.s32 $0x890;
	s19 =	simm.s32 $0x4;
	s20 =	simm.s32 $0x2CD0  }
0xb: {  	v12 =	vlaneseq.u32;
	s21 =	simm.s32 $0x2890;
	s22 =	simm.s32 $0x28D0;
	s23 =	simm.s32 $0x5  }
0xc: {  	s24 =	simm.s32 $0x2ED0;
	s25 =	simm.s32 $0x6;
	s26 =	simm.s32 $0x7;
	v1 =	vmul.u32 $0x8, v12  }
0xd: {  	v2 =	vimm.s32 $0x400;
	v3 =	vimm.s32 $0x20000;
	s10 =	sand.u32 $0x1, s6;
	s6 =	simm.s32 $0x0;
	s11 =	sshll.u32 s5, $0x7;
	v0 =	vmul.u32 $0x80, v12  }
0xe: {  	v4 =	vimm.s32 $0x40000;
	v12 =	vmul.u32 $0x10, v12;
	s12 =	sshll.u32 s10, $0x6;
	[smem:$0x7FF] =	sst s6;
	s10 =	ssub.s32 $0x2, s10;
	v5 =	vor.u32 $0x1, v1  }
0xf: {  	s11 =	sor.u32 s12, s11;
	_ =	strace $0x8000004A;
	s31 =	sshrl.u32 s10, $0x1;
	v6 =	vor.u32 $0x800, v0;
	v7 =	vor.u32 $0x80, v1;
	v8 =	vor.u32 $0x81, v1  }
0x10: {  	s12 =	simm.s32 $0x810;
	v9 =	vor.u32 $0x1000, v0;
	v10 =	vor.u32 $0x100, v1;
	v11 =	vor.u32 $0x101, v1;
	s13 =	sshrl.u32 s11, $0x3;
	s10 =	ssub.s32 s10, s31  }
0x11: {  	v13 =	vor.u32 $0x1800, v0;
	v14 =	vor.u32 $0x180, v1;
	v15 =	vor.u32 $0x181, v1;
	s8 =	sadd.s32 s8, s11;
	s9 =	sadd.s32 s9, s11;
	s11 =	simm.s32 $0x800  }
0x12: {  	v16 =	vor.u32 $0x100, v12;
	v17 =	vor.u32 $0x200, v12;
	v18 =	vor.u32 $0x300, v12;
	s7 =	sadd.s32 s7, s13;
	s10 =	smax.u32 s10, $0x1;
	s13 =	simm.s32 $0x1  }
.LBB2_1:
0x13: {  	[tilespmem:s6], [sflag:$0x1] =	stream.linear.gather [hbm4b:s1+s6], $0x800, $0x38;
	[tilespmem:$0x30D0] =	vst v63  }
0x14: {  	_ = 	snop  }
0x15: {  	[tilespmem:s11], [sflag:$0x2] =	stream.linear.gather [hbm4b:s3+s6], $0x10, $0x38;
	[tilespmem:$0x30D0] =	vst v63  }
0x16: {  	_ = 	snop  }
0x17: {  	[tilespmem:s12], [sflag:$0x3] =	stream.linear.gather [hbm4b:s7+s6], $0x40, $0x38;
	[tilespmem:$0x30D0] =	vst v63  }
0x18: {  	_ =	swait.ge [sflag:s13], $0x800  }
0x19: {  	[sflag:s13] =	ssyncset.done $0x0  }
0x1a: {  	[sflag:s13] =	ssyncadd.s32 $0xFFFFF800  }
0x1b: {  	_ =	swait.ge [sflag:s14], $0x10  }
0x1c: {  	[sflag:s14] =	ssyncset.done $0x0  }
0x1d: {  	[sflag:s14] =	ssyncadd.s32 $0xFFFFFFF0  }
0x1e: {  	_ =	swait.ge [sflag:s15], $0x40  }
0x1f: {  	[sflag:s15] =	ssyncset.done $0x0  }
0x20: {  	[sflag:s15] =	ssyncadd.s32 $0xFFFFFFC0  }
0x21: {  	v19 =	vld [tilespmem:$0x810];
	_ =	sdelay $0x1  }
0x22: {  	v22 =	vld [tilespmem:$0x800];
	_ =	sdelay $0x1  }
0x23: {  	v20 =	vld.idx.msk [tilespmem:v2+s6+$0x0], $0xffff  }
0x24: {  	v19 =	vsub.f32 $1.000000000e+00, v19;
	_ =	sdelay $0x1  }
0x25: {  	v19 =	vmul.f32 v19, v22;
	_ =	sdelay $0x1  }
0x26: {  	vm0 =	vle.f32 v19, v20  }
0x27: {  	v20 =	vsel vm0, $0x0, v3  }
0x28: {  	v21 =	vor.u32 $0x10000, v20  }
0x29: {  	v23 =	vshrl.u32 v21, $0x7;
	_ =	sdelay $0x4  }
0x2a: {  	v23 =	vld.idx.msk [tilespmem:v23+s6+$0x0], $0xffff;
	_ =	sdelay $0x4  }
0x2b: {  	v24 =	vsel vm0, $0x20000, v4;
	vm6 =	vle.f32 v19, v23  }
0x2c: {  	v20 =	vsel vm6, v20, v21;
	v21 =	vsel vm6, v21, v24  }
0x2d: {  	v33 =	vsub.s32 v21, v20  }
0x2e: {  	v23 =	vshrl.u32 v33, $0x1  }
0x2f: {  	v23 =	vadd.s32 v20, v23  }
0x30: {  	v34 =	vshrl.u32 v23, $0x7;
	_ =	sdelay $0x4  }
0x31: {  	v24 =	vld.idx.msk [tilespmem:v34+s6+$0x0], $0xffff;
	_ =	sdelay $0x4  }
0x32: {  	vm7 =	vle.f32 v19, v24  }
0x33: {  	v20 =	vsel vm7, v20, v23;
	v21 =	vsel vm7, v23, v21  }
0x34: {  	v23 =	vsub.s32 v21, v20  }
0x35: {  	v23 =	vshrl.u32 v23, $0x1  }
0x36: {  	v23 =	vadd.s32 v20, v23  }
0x37: {  	v35 =	vshrl.u32 v23, $0x7;
	_ =	sdelay $0x4  }
0x38: {  	v24 =	vld.idx.msk [tilespmem:v35+s6+$0x0], $0xffff;
	_ =	sdelay $0x4  }
0x39: {  	vm8 =	vle.f32 v19, v24  }
0x3a: {  	v20 =	vsel vm8, v20, v23;
	v21 =	vsel vm8, v23, v21  }
0x3b: {  	v23 =	vsub.s32 v21, v20  }
0x3c: {  	v23 =	vshrl.u32 v23, $0x1  }
0x3d: {  	v23 =	vadd.s32 v20, v23  }
0x3e: {  	v36 =	vshrl.u32 v23, $0x7;
	_ =	sdelay $0x4  }
0x3f: {  	v24 =	vld.idx.msk [tilespmem:v36+s6+$0x0], $0xffff;
	_ =	sdelay $0x4  }
0x40: {  	vm9 =	vle.f32 v19, v24  }
0x41: {  	v20 =	vsel vm9, v20, v23;
	v21 =	vsel vm9, v23, v21  }
0x42: {  	v23 =	vsub.s32 v21, v20  }
0x43: {  	v23 =	vshrl.u32 v23, $0x1  }
0x44: {  	v23 =	vadd.s32 v20, v23  }
0x45: {  	v37 =	vshrl.u32 v23, $0x7;
	_ =	sdelay $0x4  }
0x46: {  	v24 =	vld.idx.msk [tilespmem:v37+s6+$0x0], $0xffff;
	_ =	sdelay $0x4  }
0x47: {  	vm10 =	vle.f32 v19, v24  }
0x48: {  	v20 =	vsel vm10, v20, v23;
	v21 =	vsel vm10, v23, v21  }
0x49: {  	v23 =	vsub.s32 v21, v20  }
0x4a: {  	v23 =	vshrl.u32 v23, $0x1  }
0x4b: {  	v23 =	vadd.s32 v20, v23  }
0x4c: {  	v38 =	vshrl.u32 v23, $0x7;
	_ =	sdelay $0x4  }
0x4d: {  	v24 =	vld.idx.msk [tilespmem:v38+s6+$0x0], $0xffff;
	_ =	sdelay $0x4  }
0x4e: {  	vm11 =	vle.f32 v19, v24  }
0x4f: {  	v20 =	vsel vm11, v20, v23;
	v21 =	vsel vm11, v23, v21  }
0x50: {  	v23 =	vsub.s32 v21, v20  }
0x51: {  	v23 =	vshrl.u32 v23, $0x1  }
0x52: {  	v23 =	vadd.s32 v20, v23  }
0x53: {  	v39 =	vshrl.u32 v23, $0x7;
	_ =	sdelay $0x4  }
0x54: {  	v24 =	vld.idx.msk [tilespmem:v39+s6+$0x0], $0xffff;
	_ =	sdelay $0x4  }
0x55: {  	vm12 =	vle.f32 v19, v24  }
0x56: {  	v20 =	vsel vm12, v20, v23;
	v21 =	vsel vm12, v23, v21  }
0x57: {  	v23 =	vsub.s32 v21, v20  }
0x58: {  	v23 =	vshrl.u32 v23, $0x1  }
0x59: {  	v23 =	vadd.s32 v20, v23  }
0x5a: {  	v40 =	vshrl.u32 v23, $0x7;
	_ =	sdelay $0x4  }
0x5b: {  	v24 =	vld.idx.msk [tilespmem:v40+s6+$0x0], $0xffff;
	_ =	sdelay $0x4  }
0x5c: {  	vm13 =	vle.f32 v19, v24  }
0x5d: {  	v20 =	vsel vm13, v20, v23;
	v21 =	vsel vm13, v23, v21  }
0x5e: {  	v23 =	vsub.s32 v21, v20  }
0x5f: {  	v23 =	vshrl.u32 v23, $0x1  }
0x60: {  	v23 =	vadd.s32 v20, v23  }
0x61: {  	v41 =	vshrl.u32 v23, $0x7;
	_ =	sdelay $0x4  }
0x62: {  	v24 =	vld.idx.msk [tilespmem:v41+s6+$0x0], $0xffff;
	_ =	sdelay $0x4  }
0x63: {  	vm14 =	vle.f32 v19, v24  }
0x64: {  	v20 =	vsel vm14, v20, v23;
	v26 =	vsel vm14, v23, v21  }
0x65: {  	v21 =	vsub.s32 v26, v20  }
0x66: {  	v21 =	vshrl.u32 v21, $0x1  }
0x67: {  	v28 =	vadd.s32 v20, v21  }
0x68: {  	v21 =	vshrl.u32 v28, $0x7;
	_ =	sdelay $0x4  }
0x69: {  	v21 =	vld.idx.msk [tilespmem:v21+s6+$0x0], $0xffff;
	_ =	sdelay $0x4  }
0x6a: {  	v42 =	vld [tilespmem:$0x820];
	vm0 =	vle.f32 v19, v21  }
0x6b: {  	v23 =	vsel vm0, v20, v28  }
0x6c: {  	v20 =	vshrl.u32 v23, $0x7  }
0x6d: {  	[tilespmem:$0x850] =	vst v20  }
0x6e: {  	v43 =	vld.idx.msk [tilespmem:v2+s6+$0x0], $0xffff  }
0x6f: {  	v20 =	vsub.f32 $1.000000000e+00, v42;
	_ =	sdelay $0x1  }
0x70: {  	v20 =	vmul.f32 v20, v22;
	_ =	sdelay $0x1  }
0x71: {  	vm1 =	vle.f32 v20, v43  }
0x72: {  	v44 =	vsel vm1, $0x0, v3  }
0x73: {  	v45 =	vor.u32 $0x10000, v44  }
0x74: {  	v25 =	vshrl.u32 v45, $0x7;
	_ =	sdelay $0x4  }
0x75: {  	v25 =	vld.idx.msk [tilespmem:v25+s6+$0x0], $0xffff;
	_ =	sdelay $0x4  }
0x76: {  	v27 =	vsel vm1, $0x20000, v4;
	vm15 =	vle.f32 v20, v25  }
0x77: {  	v21 =	vsel vm15, v44, v45;
	v24 =	vsel vm15, v45, v27  }
0x78: {  	v46 =	vsub.s32 v24, v21  }
0x79: {  	v25 =	vshrl.u32 v46, $0x1  }
0x7a: {  	v25 =	vadd.s32 v21, v25  }
0x7b: {  	v47 =	vshrl.u32 v25, $0x7;
	_ =	sdelay $0x4  }
0x7c: {  	v27 =	vld.idx.msk [tilespmem:v47+s6+$0x0], $0xffff;
	_ =	sdelay $0x4  }
0x7d: {  	vm4 =	vle.f32 v20, v27  }
0x7e: {  	v21 =	vsel vm4, v21, v25;
	v24 =	vsel vm4, v25, v24  }
0x7f: {  	v25 =	vsub.s32 v24, v21  }
0x80: {  	v25 =	vshrl.u32 v25, $0x1  }
0x81: {  	v25 =	vadd.s32 v21, v25  }
0x82: {  	v48 =	vshrl.u32 v25, $0x7;
	_ =	sdelay $0x4  }
0x83: {  	v27 =	vld.idx.msk [tilespmem:v48+s6+$0x0], $0xffff;
	_ =	sdelay $0x4  }
0x84: {  	vm5 =	vle.f32 v20, v27  }
0x85: {  	v21 =	vsel vm5, v21, v25;
	v24 =	vsel vm5, v25, v24  }
0x86: {  	v25 =	vsub.s32 v24, v21  }
0x87: {  	v25 =	vshrl.u32 v25, $0x1  }
0x88: {  	v25 =	vadd.s32 v21, v25  }
0x89: {  	v49 =	vshrl.u32 v25, $0x7;
	_ =	sdelay $0x4  }
0x8a: {  	v27 =	vld.idx.msk [tilespmem:v49+s6+$0x0], $0xffff;
	_ =	sdelay $0x4  }
0x8b: {  	vm6 =	vle.f32 v20, v27  }
0x8c: {  	v21 =	vsel vm6, v21, v25;
	v24 =	vsel vm6, v25, v24  }
0x8d: {  	v25 =	vsub.s32 v24, v21  }
0x8e: {  	v25 =	vshrl.u32 v25, $0x1  }
0x8f: {  	v25 =	vadd.s32 v21, v25  }
0x90: {  	v50 =	vshrl.u32 v25, $0x7;
	_ =	sdelay $0x4  }
0x91: {  	v27 =	vld.idx.msk [tilespmem:v50+s6+$0x0], $0xffff;
	_ =	sdelay $0x4  }
0x92: {  	vm7 =	vle.f32 v20, v27  }
0x93: {  	v21 =	vsel vm7, v21, v25;
	v24 =	vsel vm7, v25, v24  }
0x94: {  	v25 =	vsub.s32 v24, v21  }
0x95: {  	v25 =	vshrl.u32 v25, $0x1  }
0x96: {  	v25 =	vadd.s32 v21, v25  }
0x97: {  	v51 =	vshrl.u32 v25, $0x7;
	_ =	sdelay $0x4  }
0x98: {  	v27 =	vld.idx.msk [tilespmem:v51+s6+$0x0], $0xffff;
	_ =	sdelay $0x4  }
0x99: {  	vm8 =	vle.f32 v20, v27  }
0x9a: {  	v21 =	vsel vm8, v21, v25;
	v24 =	vsel vm8, v25, v24  }
0x9b: {  	v25 =	vsub.s32 v24, v21  }
0x9c: {  	v25 =	vshrl.u32 v25, $0x1  }
0x9d: {  	v25 =	vadd.s32 v21, v25  }
0x9e: {  	v52 =	vshrl.u32 v25, $0x7;
	_ =	sdelay $0x4  }
0x9f: {  	v27 =	vld.idx.msk [tilespmem:v52+s6+$0x0], $0xffff;
	_ =	sdelay $0x4  }
0xa0: {  	vm9 =	vle.f32 v20, v27  }
0xa1: {  	v21 =	vsel vm9, v21, v25;
	v24 =	vsel vm9, v25, v24  }
0xa2: {  	v25 =	vsub.s32 v24, v21  }
0xa3: {  	v25 =	vshrl.u32 v25, $0x1  }
0xa4: {  	v25 =	vadd.s32 v21, v25  }
0xa5: {  	v53 =	vshrl.u32 v25, $0x7;
	_ =	sdelay $0x4  }
0xa6: {  	v27 =	vld.idx.msk [tilespmem:v53+s6+$0x0], $0xffff;
	_ =	sdelay $0x4  }
0xa7: {  	vm10 =	vle.f32 v20, v27  }
0xa8: {  	v21 =	vsel vm10, v21, v25;
	v24 =	vsel vm10, v25, v24  }
0xa9: {  	v25 =	vsub.s32 v24, v21  }
0xaa: {  	v25 =	vshrl.u32 v25, $0x1  }
0xab: {  	v25 =	vadd.s32 v21, v25  }
0xac: {  	v54 =	vshrl.u32 v25, $0x7;
	_ =	sdelay $0x4  }
0xad: {  	v27 =	vld.idx.msk [tilespmem:v54+s6+$0x0], $0xffff;
	_ =	sdelay $0x4  }
0xae: {  	vm11 =	vle.f32 v20, v27  }
0xaf: {  	v21 =	vsel vm11, v21, v25;
	v27 =	vsel vm11, v25, v24  }
0xb0: {  	v24 =	vsub.s32 v27, v21  }
0xb1: {  	v24 =	vshrl.u32 v24, $0x1  }
0xb2: {  	v31 =	vadd.s32 v21, v24  }
0xb3: {  	v24 =	vshrl.u32 v31, $0x7;
	_ =	sdelay $0x4  }
0xb4: {  	v24 =	vld.idx.msk [tilespmem:v24+s6+$0x0], $0xffff;
	_ =	sdelay $0x4  }
0xb5: {  	v55 =	vld [tilespmem:$0x830];
	vm1 =	vle.f32 v20, v24  }
0xb6: {  	v24 =	vsel vm1, v21, v31  }
0xb7: {  	v21 =	vshrl.u32 v24, $0x7  }
0xb8: {  	[tilespmem:$0x860] =	vst v21  }
0xb9: {  	v29 =	vld.idx.msk [tilespmem:v2+s6+$0x0], $0xffff  }
0xba: {  	v56 =	vsub.f32 $1.000000000e+00, v55;
	_ =	sdelay $0x1  }
0xbb: {  	v21 =	vmul.f32 v56, v22;
	_ =	sdelay $0x1  }
0xbc: {  	vm2 =	vle.f32 v21, v29  }
0xbd: {  	v57 =	vsel vm2, $0x0, v3  }
0xbe: {  	v58 =	vor.u32 $0x10000, v57  }
0xbf: {  	v30 =	vshrl.u32 v58, $0x7;
	_ =	sdelay $0x4  }
0xc0: {  	v30 =	vld.idx.msk [tilespmem:v30+s6+$0x0], $0xffff;
	_ =	sdelay $0x4  }
0xc1: {  	v32 =	vsel vm2, $0x20000, v4;
	vm12 =	vle.f32 v21, v30  }
0xc2: {  	v25 =	vsel vm12, v57, v58;
	v29 =	vsel vm12, v58, v32  }
0xc3: {  	v59 =	vsub.s32 v29, v25  }
0xc4: {  	v30 =	vshrl.u32 v59, $0x1  }
0xc5: {  	v30 =	vadd.s32 v25, v30  }
0xc6: {  	v60 =	vshrl.u32 v30, $0x7;
	_ =	sdelay $0x4  }
0xc7: {  	v32 =	vld.idx.msk [tilespmem:v60+s6+$0x0], $0xffff;
	_ =	sdelay $0x4  }
0xc8: {  	vm13 =	vle.f32 v21, v32  }
0xc9: {  	v25 =	vsel vm13, v25, v30;
	v29 =	vsel vm13, v30, v29  }
0xca: {  	v30 =	vsub.s32 v29, v25  }
0xcb: {  	v30 =	vshrl.u32 v30, $0x1  }
0xcc: {  	v30 =	vadd.s32 v25, v30  }
0xcd: {  	v61 =	vshrl.u32 v30, $0x7;
	_ =	sdelay $0x4  }
0xce: {  	v32 =	vld.idx.msk [tilespmem:v61+s6+$0x0], $0xffff;
	_ =	sdelay $0x4  }
0xcf: {  	vm14 =	vle.f32 v21, v32  }
0xd0: {  	v25 =	vsel vm14, v25, v30;
	v29 =	vsel vm14, v30, v29  }
0xd1: {  	v30 =	vsub.s32 v29, v25  }
0xd2: {  	v30 =	vshrl.u32 v30, $0x1  }
0xd3: {  	v30 =	vadd.s32 v25, v30  }
0xd4: {  	v62 =	vshrl.u32 v30, $0x7;
	_ =	sdelay $0x4  }
0xd5: {  	v32 =	vld.idx.msk [tilespmem:v62+s6+$0x0], $0xffff;
	_ =	sdelay $0x4  }
0xd6: {  	vm15 =	vle.f32 v21, v32  }
0xd7: {  	v25 =	vsel vm15, v25, v30;
	v29 =	vsel vm15, v30, v29  }
0xd8: {  	v30 =	vsub.s32 v29, v25  }
0xd9: {  	v30 =	vshrl.u32 v30, $0x1  }
0xda: {  	v30 =	vadd.s32 v25, v30  }
0xdb: {  	v63 =	vshrl.u32 v30, $0x7;
	_ =	sdelay $0x4  }
0xdc: {  	v32 =	vld.idx.msk [tilespmem:v63+s6+$0x0], $0xffff;
	_ =	sdelay $0x4  }
0xdd: {  	vm4 =	vle.f32 v21, v32  }
0xde: {  	v25 =	vsel vm4, v25, v30;
	v29 =	vsel vm4, v30, v29  }
0xdf: {  	v30 =	vsub.s32 v29, v25  }
0xe0: {  	v30 =	vshrl.u32 v30, $0x1  }
0xe1: {  	v30 =	vadd.s32 v25, v30  }
0xe2: {  	v36 =	vshrl.u32 v30, $0x7;
	_ =	sdelay $0x4  }
0xe3: {  	v32 =	vld.idx.msk [tilespmem:v36+s6+$0x0], $0xffff;
	_ =	sdelay $0x4  }
0xe4: {  	vm5 =	vle.f32 v21, v32  }
0xe5: {  	v25 =	vsel vm5, v25, v30;
	v29 =	vsel vm5, v30, v29  }
0xe6: {  	v30 =	vsub.s32 v29, v25  }
0xe7: {  	v30 =	vshrl.u32 v30, $0x1  }
0xe8: {  	v30 =	vadd.s32 v25, v30  }
0xe9: {  	v37 =	vshrl.u32 v30, $0x7;
	_ =	sdelay $0x4  }
0xea: {  	v32 =	vld.idx.msk [tilespmem:v37+s6+$0x0], $0xffff;
	_ =	sdelay $0x4  }
0xeb: {  	vm6 =	vle.f32 v21, v32  }
0xec: {  	v25 =	vsel vm6, v25, v30;
	v29 =	vsel vm6, v30, v29  }
0xed: {  	v30 =	vsub.s32 v29, v25  }
0xee: {  	v30 =	vshrl.u32 v30, $0x1  }
0xef: {  	v30 =	vadd.s32 v25, v30  }
0xf0: {  	v38 =	vshrl.u32 v30, $0x7;
	_ =	sdelay $0x4  }
0xf1: {  	v32 =	vld.idx.msk [tilespmem:v38+s6+$0x0], $0xffff;
	_ =	sdelay $0x4  }
0xf2: {  	vm7 =	vle.f32 v21, v32  }
0xf3: {  	v25 =	vsel vm7, v25, v30;
	v29 =	vsel vm7, v30, v29  }
0xf4: {  	v30 =	vsub.s32 v29, v25  }
0xf5: {  	v30 =	vshrl.u32 v30, $0x1  }
0xf6: {  	v30 =	vadd.s32 v25, v30  }
0xf7: {  	v39 =	vshrl.u32 v30, $0x7;
	_ =	sdelay $0x4  }
0xf8: {  	v32 =	vld.idx.msk [tilespmem:v39+s6+$0x0], $0xffff;
	_ =	sdelay $0x4  }
0xf9: {  	vm8 =	vle.f32 v21, v32  }
0xfa: {  	v25 =	vsel vm8, v25, v30;
	v29 =	vsel vm8, v30, v29  }
0xfb: {  	v30 =	vsub.s32 v29, v25  }
0xfc: {  	v30 =	vshrl.u32 v30, $0x1  }
0xfd: {  	v32 =	vadd.s32 v25, v30  }
0xfe: {  	v30 =	vshrl.u32 v32, $0x7;
	_ =	sdelay $0x4  }
0xff: {  	v30 =	vld.idx.msk [tilespmem:v30+s6+$0x0], $0xffff;
	_ =	sdelay $0x4  }
0x100: {  	v40 =	vld [tilespmem:$0x840];
	vm2 =	vle.f32 v21, v30  }
0x101: {  	v25 =	vsel vm2, v25, v32  }
0x102: {  	v33 =	vshrl.u32 v25, $0x7  }
0x103: {  	[tilespmem:$0x870] =	vst v33  }
0x104: {  	v33 =	vld.idx.msk [tilespmem:v2+s6+$0x0], $0xffff  }
0x105: {  	v30 =	vsub.f32 $1.000000000e+00, v40;
	_ =	sdelay $0x1  }
0x106: {  	v22 =	vmul.f32 v30, v22;
	_ =	sdelay $0x1  }
0x107: {  	vm3 =	vle.f32 v22, v33  }
0x108: {  	v41 =	vsel vm3, $0x0, v3  }
0x109: {  	v42 =	vor.u32 $0x10000, v41  }
0x10a: {  	v34 =	vshrl.u32 v42, $0x7;
	_ =	sdelay $0x4  }
0x10b: {  	v34 =	vld.idx.msk [tilespmem:v34+s6+$0x0], $0xffff;
	_ =	sdelay $0x4  }
0x10c: {  	v35 =	vsel vm3, $0x20000, v4;
	vm9 =	vle.f32 v22, v34  }
0x10d: {  	v30 =	vsel vm9, v41, v42;
	v33 =	vsel vm9, v42, v35  }
0x10e: {  	v43 =	vsub.s32 v33, v30  }
0x10f: {  	v34 =	vshrl.u32 v43, $0x1  }
0x110: {  	v34 =	vadd.s32 v30, v34  }
0x111: {  	v44 =	vshrl.u32 v34, $0x7;
	_ =	sdelay $0x4  }
0x112: {  	v35 =	vld.idx.msk [tilespmem:v44+s6+$0x0], $0xffff;
	_ =	sdelay $0x4  }
0x113: {  	vm10 =	vle.f32 v22, v35  }
0x114: {  	v30 =	vsel vm10, v30, v34;
	v33 =	vsel vm10, v34, v33  }
0x115: {  	v34 =	vsub.s32 v33, v30  }
0x116: {  	v34 =	vshrl.u32 v34, $0x1  }
0x117: {  	v34 =	vadd.s32 v30, v34  }
0x118: {  	v45 =	vshrl.u32 v34, $0x7;
	_ =	sdelay $0x4  }
0x119: {  	v35 =	vld.idx.msk [tilespmem:v45+s6+$0x0], $0xffff;
	_ =	sdelay $0x4  }
0x11a: {  	vm11 =	vle.f32 v22, v35  }
0x11b: {  	v30 =	vsel vm11, v30, v34;
	v33 =	vsel vm11, v34, v33  }
0x11c: {  	v34 =	vsub.s32 v33, v30  }
0x11d: {  	v34 =	vshrl.u32 v34, $0x1  }
0x11e: {  	v34 =	vadd.s32 v30, v34  }
0x11f: {  	v46 =	vshrl.u32 v34, $0x7;
	_ =	sdelay $0x4  }
0x120: {  	v35 =	vld.idx.msk [tilespmem:v46+s6+$0x0], $0xffff;
	_ =	sdelay $0x4  }
0x121: {  	vm12 =	vle.f32 v22, v35  }
0x122: {  	v30 =	vsel vm12, v30, v34;
	v33 =	vsel vm12, v34, v33  }
0x123: {  	v34 =	vsub.s32 v33, v30  }
0x124: {  	v34 =	vshrl.u32 v34, $0x1  }
0x125: {  	v34 =	vadd.s32 v30, v34  }
0x126: {  	v47 =	vshrl.u32 v34, $0x7;
	_ =	sdelay $0x4  }
0x127: {  	v35 =	vld.idx.msk [tilespmem:v47+s6+$0x0], $0xffff;
	_ =	sdelay $0x4  }
0x128: {  	vm13 =	vle.f32 v22, v35  }
0x129: {  	v30 =	vsel vm13, v30, v34;
	v33 =	vsel vm13, v34, v33  }
0x12a: {  	v34 =	vsub.s32 v33, v30  }
0x12b: {  	v34 =	vshrl.u32 v34, $0x1  }
0x12c: {  	v34 =	vadd.s32 v30, v34  }
0x12d: {  	v48 =	vshrl.u32 v34, $0x7;
	_ =	sdelay $0x4  }
0x12e: {  	v35 =	vld.idx.msk [tilespmem:v48+s6+$0x0], $0xffff;
	_ =	sdelay $0x4  }
0x12f: {  	vm14 =	vle.f32 v22, v35  }
0x130: {  	v30 =	vsel vm14, v30, v34;
	v33 =	vsel vm14, v34, v33  }
0x131: {  	v34 =	vsub.s32 v33, v30  }
0x132: {  	v34 =	vshrl.u32 v34, $0x1  }
0x133: {  	v34 =	vadd.s32 v30, v34  }
0x134: {  	v49 =	vshrl.u32 v34, $0x7;
	_ =	sdelay $0x4  }
0x135: {  	v35 =	vld.idx.msk [tilespmem:v49+s6+$0x0], $0xffff;
	_ =	sdelay $0x4  }
0x136: {  	vm15 =	vle.f32 v22, v35  }
0x137: {  	v30 =	vsel vm15, v30, v34;
	v33 =	vsel vm15, v34, v33  }
0x138: {  	v34 =	vsub.s32 v33, v30  }
0x139: {  	v34 =	vshrl.u32 v34, $0x1  }
0x13a: {  	v34 =	vadd.s32 v30, v34  }
0x13b: {  	v50 =	vshrl.u32 v34, $0x7;
	_ =	sdelay $0x4  }
0x13c: {  	v35 =	vld.idx.msk [tilespmem:v50+s6+$0x0], $0xffff;
	_ =	sdelay $0x4  }
0x13d: {  	vm6 =	vle.f32 v22, v35  }
0x13e: {  	v30 =	vsel vm6, v30, v34;
	v33 =	vsel vm6, v34, v33  }
0x13f: {  	v34 =	vsub.s32 v33, v30  }
0x140: {  	v34 =	vshrl.u32 v34, $0x1  }
0x141: {  	v34 =	vadd.s32 v30, v34  }
0x142: {  	v51 =	vshrl.u32 v34, $0x7;
	_ =	sdelay $0x4  }
0x143: {  	v35 =	vld.idx.msk [tilespmem:v51+s6+$0x0], $0xffff;
	_ =	sdelay $0x4  }
0x144: {  	vm7 =	vle.f32 v22, v35  }
0x145: {  	v35 =	vsel vm7, v30, v34;
	v30 =	vsel vm7, v34, v33  }
0x146: {  	v33 =	vsub.s32 v30, v35  }
0x147: {  	v33 =	vshrl.u32 v33, $0x1  }
0x148: {  	v33 =	vadd.s32 v35, v33  }
0x149: {  	v52 =	vshrl.u32 v33, $0x7;
	_ =	sdelay $0x4  }
0x14a: {  	v34 =	vld.idx.msk [tilespmem:v52+s6+$0x0], $0xffff;
	_ =	sdelay $0x4  }
0x14b: {  	v28 =	vsel vm0, v28, v26;
	vm0 =	vle.f32 v22, v34  }
0x14c: {  	v53 =	vsub.s32 v28, v23;
	v26 =	vsel vm0, v35, v33  }
0x14d: {  	v34 =	vshrl.u32 v53, $0x1;
	v35 =	vshrl.u32 v26, $0x7  }
0x14e: {  	v54 =	vadd.s32 v0, v34;
	[tilespmem:$0x880] =	vst v35  }
0x14f: {  	[tilespmem:s18], [sflag:$0x4] =	stream.indirect.gather [hbm4b:s0+s16], $0x80, s17, s16, $0xb8;
	[tilespmem:$0x30D0] =	vst v63  }
0x150: {  	_ =	swait.ge [sflag:s19], $0x2000  }
0x151: {  	[sflag:s19] =	ssyncset.done $0x0  }
0x152: {  	[sflag:s19] =	ssyncadd.s32 $0xFFFFE000  }
0x153: {  	v35 =	vld.idx.msk [tilespmem:v54+s18+$0x0], $0xffff;
	_ =	sdelay $0x4  }
0x154: {  	v34 =	vadd.s32 v23, v34;
	vm8 =	vle.f32 v19, v35  }
0x155: {  	v35 =	vsel vm8, v23, v34;
	v28 =	vsel vm8, v34, v28  }
0x156: {  	v34 =	vsub.s32 v28, v35  }
0x157: {  	v34 =	vshrl.u32 v34, $0x1  }
0x158: {  	v34 =	vadd.s32 v35, v34  }
0x159: {  	v36 =	vsub.s32 v34, v23  }
0x15a: {  	v36 =	vadd.s32 v0, v36;
	_ =	sdelay $0x4  }
0x15b: {  	v36 =	vld.idx.msk [tilespmem:v36+s18+$0x0], $0xffff;
	_ =	sdelay $0x4  }
0x15c: {  	vm9 =	vle.f32 v19, v36  }
0x15d: {  	v35 =	vsel vm9, v35, v34;
	v28 =	vsel vm9, v34, v28  }
0x15e: {  	v34 =	vsub.s32 v28, v35  }
0x15f: {  	v34 =	vshrl.u32 v34, $0x1  }
0x160: {  	v34 =	vadd.s32 v35, v34  }
0x161: {  	v55 =	vsub.s32 v34, v23  }
0x162: {  	v36 =	vadd.s32 v0, v55;
	_ =	sdelay $0x4  }
0x163: {  	v36 =	vld.idx.msk [tilespmem:v36+s18+$0x0], $0xffff;
	_ =	sdelay $0x4  }
0x164: {  	vm10 =	vle.f32 v19, v36  }
0x165: {  	v35 =	vsel vm10, v35, v34;
	v28 =	vsel vm10, v34, v28  }
0x166: {  	v34 =	vsub.s32 v28, v35  }
0x167: {  	v34 =	vshrl.u32 v34, $0x1  }
0x168: {  	v34 =	vadd.s32 v35, v34  }
0x169: {  	v56 =	vsub.s32 v34, v23  }
0x16a: {  	v36 =	vadd.s32 v0, v56;
	_ =	sdelay $0x4  }
0x16b: {  	v36 =	vld.idx.msk [tilespmem:v36+s18+$0x0], $0xffff;
	_ =	sdelay $0x4  }
0x16c: {  	vm11 =	vle.f32 v19, v36  }
0x16d: {  	v35 =	vsel vm11, v35, v34;
	v28 =	vsel vm11, v34, v28  }
0x16e: {  	v34 =	vsub.s32 v28, v35  }
0x16f: {  	v34 =	vshrl.u32 v34, $0x1  }
0x170: {  	v34 =	vadd.s32 v35, v34  }
0x171: {  	v57 =	vsub.s32 v34, v23  }
0x172: {  	v36 =	vadd.s32 v0, v57;
	_ =	sdelay $0x4  }
0x173: {  	v36 =	vld.idx.msk [tilespmem:v36+s18+$0x0], $0xffff;
	_ =	sdelay $0x4  }
0x174: {  	vm12 =	vle.f32 v19, v36  }
0x175: {  	v35 =	vsel vm12, v35, v34;
	v28 =	vsel vm12, v34, v28  }
0x176: {  	v34 =	vsub.s32 v28, v35  }
0x177: {  	v34 =	vshrl.u32 v34, $0x1  }
0x178: {  	v34 =	vadd.s32 v35, v34  }
0x179: {  	v58 =	vsub.s32 v34, v23  }
0x17a: {  	v36 =	vadd.s32 v0, v58;
	_ =	sdelay $0x4  }
0x17b: {  	v36 =	vld.idx.msk [tilespmem:v36+s18+$0x0], $0xffff;
	_ =	sdelay $0x4  }
0x17c: {  	vm13 =	vle.f32 v19, v36  }
0x17d: {  	v35 =	vsel vm13, v35, v34;
	v28 =	vsel vm13, v34, v28  }
0x17e: {  	v34 =	vsub.s32 v28, v35  }
0x17f: {  	v34 =	vshrl.u32 v34, $0x1  }
0x180: {  	v34 =	vadd.s32 v35, v34  }
0x181: {  	v59 =	vsub.s32 v34, v23  }
0x182: {  	v36 =	vadd.s32 v0, v59;
	_ =	sdelay $0x4  }
0x183: {  	v36 =	vld.idx.msk [tilespmem:v36+s18+$0x0], $0xffff;
	_ =	sdelay $0x4  }
0x184: {  	vm14 =	vle.f32 v19, v36  }
0x185: {  	v35 =	vsel vm14, v35, v34;
	v28 =	vsel vm14, v34, v28  }
0x186: {  	v34 =	vsub.s32 v28, v35  }
0x187: {  	v34 =	vshrl.u32 v34, $0x1  }
0x188: {  	v34 =	vadd.s32 v35, v34  }
0x189: {  	v23 =	vsub.s32 v34, v23  }
0x18a: {  	v23 =	vadd.s32 v0, v23;
	_ =	sdelay $0x4  }
0x18b: {  	v23 =	vld.idx.msk [tilespmem:v23+s18+$0x0], $0xffff;
	_ =	sdelay $0x4  }
0x18c: {  	vm15 =	vle.f32 v19, v23  }
0x18d: {  	v19 =	vsel vm15, v34, v28  }
0x18e: {  	v60 =	vand.u32 $0x1FF, v19  }
0x18f: {  	v28 =	vshrl.u32 v19, $0x9;
	v23 =	vcvt.s32.f32 v60  }
0x190: {  	v28 =	vcvt.s32.f32 v28  }
0x191: {  	v23 =	vadd.f32 $5.000000000e-01, v23  }
0x192: {  	v27 =	vsel vm1, v31, v27;
	v28 =	vadd.f32 $5.000000000e-01, v28  }
0x193: {  	v31 =	vsub.s32 v27, v24;
	v23 =	vmul.f32 $3.906250000e-03, v23  }
0x194: {  	v31 =	vshrl.u32 v31, $0x1;
	v28 =	vmul.f32 $3.906250000e-03, v28  }
0x195: {  	v61 =	vadd.s32 v6, v31;
	v23 =	vadd.f32 $-1.000000000e+00, v23  }
0x196: {  	v28 =	vadd.f32 $-1.000000000e+00, v28  }
0x197: {  	[tilespmem:v1+s20+$0x0] =	vst.idx.msk $0xffff, v23  }
0x198: {  	v62 =	vshrl.u32 v19, $0x4;
	[tilespmem:v5+s20+$0x0] =	vst.idx.msk $0xffff, v28  }
0x199: {  	[tilespmem:$0x2890] =	vst v62  }
0x19a: {  	v23 =	vld.idx.msk [tilespmem:v61+s18+$0x0], $0xffff;
	_ =	sdelay $0x4  }
0x19b: {  	v63 =	vadd.s32 v24, v31;
	vm4 =	vle.f32 v20, v23  }
0x19c: {  	v23 =	vsel vm4, v24, v63;
	v27 =	vsel vm4, v63, v27  }
0x19d: {  	v28 =	vsub.s32 v27, v23  }
0x19e: {  	v28 =	vshrl.u32 v28, $0x1  }
0x19f: {  	v28 =	vadd.s32 v23, v28  }
0x1a0: {  	v34 =	vsub.s32 v28, v24  }
0x1a1: {  	v31 =	vadd.s32 v6, v34;
	_ =	sdelay $0x4  }
0x1a2: {  	v31 =	vld.idx.msk [tilespmem:v31+s18+$0x0], $0xffff;
	_ =	sdelay $0x4  }
0x1a3: {  	vm5 =	vle.f32 v20, v31  }
0x1a4: {  	v23 =	vsel vm5, v23, v28;
	v27 =	vsel vm5, v28, v27  }
0x1a5: {  	v28 =	vsub.s32 v27, v23  }
0x1a6: {  	v28 =	vshrl.u32 v28, $0x1  }
0x1a7: {  	v28 =	vadd.s32 v23, v28  }
0x1a8: {  	v35 =	vsub.s32 v28, v24  }
0x1a9: {  	v31 =	vadd.s32 v6, v35;
	_ =	sdelay $0x4  }
0x1aa: {  	v31 =	vld.idx.msk [tilespmem:v31+s18+$0x0], $0xffff;
	_ =	sdelay $0x4  }
0x1ab: {  	vm6 =	vle.f32 v20, v31  }
0x1ac: {  	v23 =	vsel vm6, v23, v28;
	v27 =	vsel vm6, v28, v27  }
0x1ad: {  	v28 =	vsub.s32 v27, v23  }
0x1ae: {  	v28 =	vshrl.u32 v28, $0x1  }
0x1af: {  	v28 =	vadd.s32 v23, v28  }
0x1b0: {  	v36 =	vsub.s32 v28, v24  }
0x1b1: {  	v31 =	vadd.s32 v6, v36;
	_ =	sdelay $0x4  }
0x1b2: {  	v31 =	vld.idx.msk [tilespmem:v31+s18+$0x0], $0xffff;
	_ =	sdelay $0x4  }
0x1b3: {  	vm7 =	vle.f32 v20, v31  }
0x1b4: {  	v23 =	vsel vm7, v23, v28;
	v27 =	vsel vm7, v28, v27  }
0x1b5: {  	v28 =	vsub.s32 v27, v23  }
0x1b6: {  	v28 =	vshrl.u32 v28, $0x1  }
0x1b7: {  	v28 =	vadd.s32 v23, v28  }
0x1b8: {  	v37 =	vsub.s32 v28, v24  }
0x1b9: {  	v31 =	vadd.s32 v6, v37;
	_ =	sdelay $0x4  }
0x1ba: {  	v31 =	vld.idx.msk [tilespmem:v31+s18+$0x0], $0xffff;
	_ =	sdelay $0x4  }
0x1bb: {  	vm8 =	vle.f32 v20, v31  }
0x1bc: {  	v23 =	vsel vm8, v23, v28;
	v27 =	vsel vm8, v28, v27  }
0x1bd: {  	v28 =	vsub.s32 v27, v23  }
0x1be: {  	v28 =	vshrl.u32 v28, $0x1  }
0x1bf: {  	v28 =	vadd.s32 v23, v28  }
0x1c0: {  	v38 =	vsub.s32 v28, v24  }
0x1c1: {  	v31 =	vadd.s32 v6, v38;
	_ =	sdelay $0x4  }
0x1c2: {  	v31 =	vld.idx.msk [tilespmem:v31+s18+$0x0], $0xffff;
	_ =	sdelay $0x4  }
0x1c3: {  	vm9 =	vle.f32 v20, v31  }
0x1c4: {  	v23 =	vsel vm9, v23, v28;
	v27 =	vsel vm9, v28, v27  }
0x1c5: {  	v28 =	vsub.s32 v27, v23  }
0x1c6: {  	v28 =	vshrl.u32 v28, $0x1  }
0x1c7: {  	v28 =	vadd.s32 v23, v28  }
0x1c8: {  	v39 =	vsub.s32 v28, v24  }
0x1c9: {  	v31 =	vadd.s32 v6, v39;
	_ =	sdelay $0x4  }
0x1ca: {  	v31 =	vld.idx.msk [tilespmem:v31+s18+$0x0], $0xffff;
	_ =	sdelay $0x4  }
0x1cb: {  	vm10 =	vle.f32 v20, v31  }
0x1cc: {  	v23 =	vsel vm10, v23, v28;
	v27 =	vsel vm10, v28, v27  }
0x1cd: {  	v28 =	vsub.s32 v27, v23  }
0x1ce: {  	v28 =	vshrl.u32 v28, $0x1  }
0x1cf: {  	v23 =	vadd.s32 v23, v28  }
0x1d0: {  	v24 =	vsub.s32 v23, v24  }
0x1d1: {  	v24 =	vadd.s32 v6, v24;
	_ =	sdelay $0x4  }
0x1d2: {  	v24 =	vld.idx.msk [tilespmem:v24+s18+$0x0], $0xffff;
	_ =	sdelay $0x4  }
0x1d3: {  	vm11 =	vle.f32 v20, v24  }
0x1d4: {  	v20 =	vsel vm11, v23, v27  }
0x1d5: {  	v23 =	vand.u32 $0x1FF, v20  }
0x1d6: {  	v40 =	vshrl.u32 v20, $0x9;
	v23 =	vcvt.s32.f32 v23  }
0x1d7: {  	v24 =	vcvt.s32.f32 v40  }
0x1d8: {  	v23 =	vadd.f32 $5.000000000e-01, v23  }
0x1d9: {  	v41 =	vsel vm2, v32, v29;
	v24 =	vadd.f32 $5.000000000e-01, v24  }
0x1da: {  	v42 =	vsub.s32 v41, v25;
	v23 =	vmul.f32 $3.906250000e-03, v23  }
0x1db: {  	v28 =	vshrl.u32 v42, $0x1;
	v24 =	vmul.f32 $3.906250000e-03, v24  }
0x1dc: {  	v43 =	vadd.s32 v9, v28;
	v23 =	vadd.f32 $-1.000000000e+00, v23  }
0x1dd: {  	v24 =	vadd.f32 $-1.000000000e+00, v24  }
0x1de: {  	[tilespmem:v7+s20+$0x0] =	vst.idx.msk $0xffff, v23  }
0x1df: {  	v44 =	vshrl.u32 v20, $0x4;
	[tilespmem:v8+s20+$0x0] =	vst.idx.msk $0xffff, v24  }
0x1e0: {  	[tilespmem:$0x28A0] =	vst v44  }
0x1e1: {  	v23 =	vld.idx.msk [tilespmem:v43+s18+$0x0], $0xffff;
	_ =	sdelay $0x4  }
0x1e2: {  	v45 =	vadd.s32 v25, v28;
	vm12 =	vle.f32 v21, v23  }
0x1e3: {  	v23 =	vsel vm12, v25, v45;
	v24 =	vsel vm12, v45, v41  }
0x1e4: {  	v27 =	vsub.s32 v24, v23  }
0x1e5: {  	v27 =	vshrl.u32 v27, $0x1  }
0x1e6: {  	v27 =	vadd.s32 v23, v27  }
0x1e7: {  	v46 =	vsub.s32 v27, v25  }
0x1e8: {  	v28 =	vadd.s32 v9, v46;
	_ =	sdelay $0x4  }
0x1e9: {  	v28 =	vld.idx.msk [tilespmem:v28+s18+$0x0], $0xffff;
	_ =	sdelay $0x4  }
0x1ea: {  	vm13 =	vle.f32 v21, v28  }
0x1eb: {  	v23 =	vsel vm13, v23, v27;
	v24 =	vsel vm13, v27, v24  }
0x1ec: {  	v27 =	vsub.s32 v24, v23  }
0x1ed: {  	v27 =	vshrl.u32 v27, $0x1  }
0x1ee: {  	v27 =	vadd.s32 v23, v27  }
0x1ef: {  	v47 =	vsub.s32 v27, v25  }
0x1f0: {  	v28 =	vadd.s32 v9, v47;
	_ =	sdelay $0x4  }
0x1f1: {  	v28 =	vld.idx.msk [tilespmem:v28+s18+$0x0], $0xffff;
	_ =	sdelay $0x4  }
0x1f2: {  	vm14 =	vle.f32 v21, v28  }
0x1f3: {  	v23 =	vsel vm14, v23, v27;
	v24 =	vsel vm14, v27, v24  }
0x1f4: {  	v27 =	vsub.s32 v24, v23  }
0x1f5: {  	v27 =	vshrl.u32 v27, $0x1  }
0x1f6: {  	v27 =	vadd.s32 v23, v27  }
0x1f7: {  	v48 =	vsub.s32 v27, v25  }
0x1f8: {  	v28 =	vadd.s32 v9, v48;
	_ =	sdelay $0x4  }
0x1f9: {  	v28 =	vld.idx.msk [tilespmem:v28+s18+$0x0], $0xffff;
	_ =	sdelay $0x4  }
0x1fa: {  	vm15 =	vle.f32 v21, v28  }
0x1fb: {  	v23 =	vsel vm15, v23, v27;
	v24 =	vsel vm15, v27, v24  }
0x1fc: {  	v27 =	vsub.s32 v24, v23  }
0x1fd: {  	v27 =	vshrl.u32 v27, $0x1  }
0x1fe: {  	v27 =	vadd.s32 v23, v27  }
0x1ff: {  	v49 =	vsub.s32 v27, v25  }
0x200: {  	v28 =	vadd.s32 v9, v49;
	_ =	sdelay $0x4  }
0x201: {  	v28 =	vld.idx.msk [tilespmem:v28+s18+$0x0], $0xffff;
	_ =	sdelay $0x4  }
0x202: {  	vm4 =	vle.f32 v21, v28  }
0x203: {  	v23 =	vsel vm4, v23, v27;
	v24 =	vsel vm4, v27, v24  }
0x204: {  	v27 =	vsub.s32 v24, v23  }
0x205: {  	v27 =	vshrl.u32 v27, $0x1  }
0x206: {  	v27 =	vadd.s32 v23, v27  }
0x207: {  	v50 =	vsub.s32 v27, v25  }
0x208: {  	v28 =	vadd.s32 v9, v50;
	_ =	sdelay $0x4  }
0x209: {  	v28 =	vld.idx.msk [tilespmem:v28+s18+$0x0], $0xffff;
	_ =	sdelay $0x4  }
0x20a: {  	vm5 =	vle.f32 v21, v28  }
0x20b: {  	v23 =	vsel vm5, v23, v27;
	v24 =	vsel vm5, v27, v24  }
0x20c: {  	v27 =	vsub.s32 v24, v23  }
0x20d: {  	v27 =	vshrl.u32 v27, $0x1  }
0x20e: {  	v27 =	vadd.s32 v23, v27  }
0x20f: {  	v51 =	vsub.s32 v27, v25  }
0x210: {  	v28 =	vadd.s32 v9, v51;
	_ =	sdelay $0x4  }
0x211: {  	v28 =	vld.idx.msk [tilespmem:v28+s18+$0x0], $0xffff;
	_ =	sdelay $0x4  }
0x212: {  	vm6 =	vle.f32 v21, v28  }
0x213: {  	v23 =	vsel vm6, v23, v27;
	v24 =	vsel vm6, v27, v24  }
0x214: {  	v27 =	vsub.s32 v24, v23  }
0x215: {  	v27 =	vshrl.u32 v27, $0x1  }
0x216: {  	v23 =	vadd.s32 v23, v27  }
0x217: {  	v25 =	vsub.s32 v23, v25  }
0x218: {  	v25 =	vadd.s32 v9, v25;
	_ =	sdelay $0x4  }
0x219: {  	v25 =	vld.idx.msk [tilespmem:v25+s18+$0x0], $0xffff;
	_ =	sdelay $0x4  }
0x21a: {  	vm7 =	vle.f32 v21, v25  }
0x21b: {  	v21 =	vsel vm7, v23, v24  }
0x21c: {  	v23 =	vand.u32 $0x1FF, v21  }
0x21d: {  	v24 =	vshrl.u32 v21, $0x9;
	v23 =	vcvt.s32.f32 v23  }
0x21e: {  	v24 =	vcvt.s32.f32 v24  }
0x21f: {  	v23 =	vadd.f32 $5.000000000e-01, v23  }
0x220: {  	v52 =	vsel vm0, v33, v30;
	v24 =	vadd.f32 $5.000000000e-01, v24  }
0x221: {  	v53 =	vsub.s32 v52, v26;
	v23 =	vmul.f32 $3.906250000e-03, v23  }
0x222: {  	v27 =	vshrl.u32 v53, $0x1;
	v24 =	vmul.f32 $3.906250000e-03, v24  }
0x223: {  	v54 =	vadd.s32 v13, v27;
	v23 =	vadd.f32 $-1.000000000e+00, v23  }
0x224: {  	v24 =	vadd.f32 $-1.000000000e+00, v24  }
0x225: {  	[tilespmem:v10+s20+$0x0] =	vst.idx.msk $0xffff, v23  }
0x226: {  	v55 =	vshrl.u32 v21, $0x4;
	[tilespmem:v11+s20+$0x0] =	vst.idx.msk $0xffff, v24  }
0x227: {  	[tilespmem:$0x28B0] =	vst v55  }
0x228: {  	v23 =	vld.idx.msk [tilespmem:v54+s18+$0x0], $0xffff;
	_ =	sdelay $0x4  }
0x229: {  	v56 =	vadd.s32 v26, v27;
	vm8 =	vle.f32 v22, v23  }
0x22a: {  	v23 =	vsel vm8, v26, v56;
	v24 =	vsel vm8, v56, v52  }
0x22b: {  	v25 =	vsub.s32 v24, v23  }
0x22c: {  	v25 =	vshrl.u32 v25, $0x1  }
0x22d: {  	v25 =	vadd.s32 v23, v25  }
0x22e: {  	v57 =	vsub.s32 v25, v26  }
0x22f: {  	v27 =	vadd.s32 v13, v57;
	_ =	sdelay $0x4  }
0x230: {  	v27 =	vld.idx.msk [tilespmem:v27+s18+$0x0], $0xffff;
	_ =	sdelay $0x4  }
0x231: {  	vm9 =	vle.f32 v22, v27  }
0x232: {  	v23 =	vsel vm9, v23, v25;
	v24 =	vsel vm9, v25, v24  }
0x233: {  	v25 =	vsub.s32 v24, v23  }
0x234: {  	v25 =	vshrl.u32 v25, $0x1  }
0x235: {  	v25 =	vadd.s32 v23, v25  }
0x236: {  	v58 =	vsub.s32 v25, v26  }
0x237: {  	v27 =	vadd.s32 v13, v58;
	_ =	sdelay $0x4  }
0x238: {  	v27 =	vld.idx.msk [tilespmem:v27+s18+$0x0], $0xffff;
	_ =	sdelay $0x4  }
0x239: {  	vm10 =	vle.f32 v22, v27  }
0x23a: {  	v23 =	vsel vm10, v23, v25;
	v24 =	vsel vm10, v25, v24  }
0x23b: {  	v25 =	vsub.s32 v24, v23  }
0x23c: {  	v25 =	vshrl.u32 v25, $0x1  }
0x23d: {  	v25 =	vadd.s32 v23, v25  }
0x23e: {  	v59 =	vsub.s32 v25, v26  }
0x23f: {  	v27 =	vadd.s32 v13, v59;
	_ =	sdelay $0x4  }
0x240: {  	v27 =	vld.idx.msk [tilespmem:v27+s18+$0x0], $0xffff;
	_ =	sdelay $0x4  }
0x241: {  	vm11 =	vle.f32 v22, v27  }
0x242: {  	v23 =	vsel vm11, v23, v25;
	v24 =	vsel vm11, v25, v24  }
0x243: {  	v25 =	vsub.s32 v24, v23  }
0x244: {  	v25 =	vshrl.u32 v25, $0x1  }
0x245: {  	v25 =	vadd.s32 v23, v25  }
0x246: {  	v60 =	vsub.s32 v25, v26  }
0x247: {  	v27 =	vadd.s32 v13, v60;
	_ =	sdelay $0x4  }
0x248: {  	v27 =	vld.idx.msk [tilespmem:v27+s18+$0x0], $0xffff;
	_ =	sdelay $0x4  }
0x249: {  	vm12 =	vle.f32 v22, v27  }
0x24a: {  	v23 =	vsel vm12, v23, v25;
	v24 =	vsel vm12, v25, v24  }
0x24b: {  	v25 =	vsub.s32 v24, v23  }
0x24c: {  	v25 =	vshrl.u32 v25, $0x1  }
0x24d: {  	v25 =	vadd.s32 v23, v25  }
0x24e: {  	v61 =	vsub.s32 v25, v26  }
0x24f: {  	v27 =	vadd.s32 v13, v61;
	_ =	sdelay $0x4  }
0x250: {  	v27 =	vld.idx.msk [tilespmem:v27+s18+$0x0], $0xffff;
	_ =	sdelay $0x4  }
0x251: {  	vm13 =	vle.f32 v22, v27  }
0x252: {  	v23 =	vsel vm13, v23, v25;
	v24 =	vsel vm13, v25, v24  }
0x253: {  	v25 =	vsub.s32 v24, v23  }
0x254: {  	v25 =	vshrl.u32 v25, $0x1  }
0x255: {  	v25 =	vadd.s32 v23, v25  }
0x256: {  	v62 =	vsub.s32 v25, v26  }
0x257: {  	v27 =	vadd.s32 v13, v62;
	_ =	sdelay $0x4  }
0x258: {  	v27 =	vld.idx.msk [tilespmem:v27+s18+$0x0], $0xffff;
	_ =	sdelay $0x4  }
0x259: {  	vm14 =	vle.f32 v22, v27  }
0x25a: {  	v23 =	vsel vm14, v23, v25;
	v24 =	vsel vm14, v25, v24  }
0x25b: {  	v25 =	vsub.s32 v24, v23  }
0x25c: {  	v25 =	vshrl.u32 v25, $0x1  }
0x25d: {  	v23 =	vadd.s32 v23, v25  }
0x25e: {  	v25 =	vsub.s32 v23, v26  }
0x25f: {  	v25 =	vadd.s32 v13, v25;
	_ =	sdelay $0x4  }
0x260: {  	v25 =	vld.idx.msk [tilespmem:v25+s18+$0x0], $0xffff;
	_ =	sdelay $0x4  }
0x261: {  	vm15 =	vle.f32 v22, v25  }
0x262: {  	v22 =	vsel vm15, v23, v24  }
0x263: {  	v23 =	vand.u32 $0x1FF, v22  }
0x264: {  	v24 =	vshrl.u32 v22, $0x9;
	v23 =	vcvt.s32.f32 v23  }
0x265: {  	v24 =	vcvt.s32.f32 v24  }
0x266: {  	v23 =	vadd.f32 $5.000000000e-01, v23  }
0x267: {  	v24 =	vadd.f32 $5.000000000e-01, v24  }
0x268: {  	v23 =	vmul.f32 $3.906250000e-03, v23  }
0x269: {  	v24 =	vmul.f32 $3.906250000e-03, v24  }
0x26a: {  	v23 =	vadd.f32 $-1.000000000e+00, v23  }
0x26b: {  	v24 =	vadd.f32 $-1.000000000e+00, v24  }
0x26c: {  	[tilespmem:v14+s20+$0x0] =	vst.idx.msk $0xffff, v23  }
0x26d: {  	v63 =	vshrl.u32 v22, $0x4;
	[tilespmem:v15+s20+$0x0] =	vst.idx.msk $0xffff, v24  }
0x26e: {  	[tilespmem:$0x28C0] =	vst v63  }
0x26f: {  	v19 =	vand.u32 $0xF, v19;
	[tilespmem:s22], [sflag:$0x5] =	stream.indirect.gather [hbm4b:s4+s16], $0x10, s21, s16, $0xb8;
	[tilespmem:$0x30D0] =	vst v63  }
0x270: {  	v19 =	vor.u32 v12, v19  }
0x271: {  	[hbm4b:s8+s6] =	stream.linear.scatter [tilespmem:s20], [sflag:$0x6], $0x200, $0x38;
	[tilespmem:$0x30D0] =	vst v63  }
0x272: {  	_ =	swait.ge [sflag:s23], $0x400  }
0x273: {  	[sflag:s23] =	ssyncset.done $0x0  }
0x274: {  	[sflag:s23] =	ssyncadd.s32 $0xFFFFFC00  }
0x275: {  	v20 =	vand.u32 $0xF, v20;
	v19 =	vld.idx.msk [tilespmem:v19+s22+$0x0], $0xffff  }
0x276: {  	v20 =	vor.u32 v16, v20;
	_ =	sdelay $0x3  }
0x277: {  	[tilespmem:v1+s24+$0x0] =	vst.idx.msk $0xffff, v19  }
0x278: {  	v19 =	vld.idx.msk [tilespmem:v20+s22+$0x0], $0xffff;
	v20 =	vand.u32 $0xF, v21  }
0x279: {  	v20 =	vor.u32 v17, v20;
	_ =	sdelay $0x3  }
0x27a: {  	[tilespmem:v7+s24+$0x0] =	vst.idx.msk $0xffff, v19  }
0x27b: {  	v19 =	vld.idx.msk [tilespmem:v20+s22+$0x0], $0xffff;
	v20 =	vand.u32 $0xF, v22  }
0x27c: {  	v20 =	vor.u32 v18, v20;
	_ =	sdelay $0x3  }
0x27d: {  	[tilespmem:v10+s24+$0x0] =	vst.idx.msk $0xffff, v19  }
0x27e: {  	v19 =	vld.idx.msk [tilespmem:v20+s22+$0x0], $0xffff;
	_ =	sdelay $0x4  }
0x27f: {  	[tilespmem:v14+s24+$0x0] =	vst.idx.msk $0xffff, v19  }
0x280: {  	[hbm4b:s9+s6] =	stream.linear.scatter [tilespmem:s24], [sflag:$0x7], $0x200, $0x38;
	[tilespmem:$0x30D0] =	vst v63  }
0x281: {  	p0 =	sne.s32 s10, $0x1;
	_ =	swait.ge [sflag:s25], $0x200  }
.Ltmp0:
0x282: {  	[sflag:s25] =	ssyncset.done $0x0;
	(pc) =	sbr.rel @p0 .LBB2_1-.Ltmp0, $4  }
0x283: {  	[sflag:s25] =	ssyncadd.s32 $0xFFFFFE00  }
0x284: {  	_ =	swait.ge [sflag:s26], $0x200  }
0x285: {  	[sflag:s26] =	ssyncset.done $0x0  }
0x286: {  	s10 =	sadd.s32 $0xFFFFFFFF, s10;
	[sflag:s26] =	ssyncadd.s32 $0xFFFFFE00  }
0x287: {  	_ =	sfence.sel $0x180000  }
0x288: {  	[bflag:$0x0] =	sbarrier.arrive $0xFFFF  }
0x289: {  	p0 =	sne.s32 s5, $0x0;
	_ =	strace $0x9000004A  }
0x28a: {  	s0 =	sadd.s32 @!p0 $0x100000, s2;
	[bflag:$0x2] =	sbarrier.arrive $0xFFFF  }
0x28b: {  	[sflag:s0] =	ssyncadd.tile.s32 @!p0 $0x1;
	_ =	shalt  }
.Lfunc_end2:
_tile_overlayer_lowered:
.L_overlay_start_2:
0x28c: {  	(tag) =	ssettag $0x2  }
0x28d: {  	s0 =	rddreg [dreg:$0x0];
	s2 =	stileid.u32  }
0x28e: {  	s1 =	rddreg [dreg:$0x1];
	p0 =	sne.s32 s2, $0x0  }
0x28f: {  	s3 =	rddreg [dreg:$0x2];
	[bflag:$0x3] =	sbarrier.arrive $0xFFFF;
	s2 =	simm.s32 @!p0 $0x1C08  }
0x290: {  	[timem:s3], [sflag:s2] =	dma.local @!p0 [hbm:s0], s1  }
0x291: {  	s0 =	simm.s32 @!p0 $0x8  }
0x292: {  	_ =	swait.ge @!p0 [sflag:s0], s1  }
0x293: {  	s1 =	ssub.s32 @!p0 $0x0, s1;
	[sflag:s0] =	ssyncset.done @!p0 $0x0  }
0x294: {  	[sflag:s0] =	ssyncadd.s32 @!p0 s1  }
0x295: {  	[bflag:$0x3] =	sbarrier.arrive $0xFFFF  }
0x296: {  	_ =	shalt  }

</sc_bundles>
